<compile_context>
chip_gen: v7x
topology: tpu7x:2x2x1
jax: 0.10.2.dev20260603
libtpu: 0.0.44.dev20260713+nightly
codegen_flags: <defaults>
</compile_context>

<pallas_src>
import functools

import jax
import jax.numpy as jnp
from jax import lax
from jax.experimental import pallas as pl
from jax.experimental.pallas import tpu as pltpu
from jax.experimental.pallas import tpu_sc as plsc

B = 4096
S = 8192
LANES = 16
NUM_CORES = 2
NUM_SUBCORES = 16
NUM_WORKERS = NUM_CORES * NUM_SUBCORES
ROWS_PER_WORKER = B // NUM_WORKERS
CHUNK = 2
NBUF = 4
NUM_CHUNKS = ROWS_PER_WORKER // CHUNK
GROUPS = NUM_CHUNKS // NBUF
UNROLL = 16
VREGS_PER_ROW = S // LANES

_mesh = plsc.VectorSubcoreMesh(core_axis_name="c", subcore_axis_name="s")


def _prefix_tree(sums):
    n = len(sums)
    if n == 1:
        return [None], sums[0]
    half = n // 2
    lp, lt = _prefix_tree(sums[:half])
    rp, rt = _prefix_tree(sums[half:])
    prefixes = lp + [lt if p is None else lt + p for p in rp]
    return prefixes, lt + rt


def _scan_chunk(buf):

    def scan_row(r):
        @plsc.parallel_loop(0, VREGS_PER_ROW // UNROLL,
                            carry=jnp.float32(0.0))
        def body(jj, carry):
            base = pl.multiple_of(jj * (LANES * UNROLL), LANES * UNROLL)
            offs = [pl.ds(base + u * LANES, LANES) for u in range(UNROLL)]
            vs = [buf[r, off] for off in offs]
            scans = [jnp.cumsum(v) for v in vs]
            prefixes, total = _prefix_tree(scans)
            for u in range(UNROLL):
                s = scans[u] if prefixes[u] is None else scans[u] + prefixes[u][15]
                buf[r, offs[u]] = s + carry
            return carry + total[15]

    for r in range(CHUNK):
        scan_row(r)


@functools.partial(
    pl.kernel,
    mesh=_mesh,
    out_type=jax.ShapeDtypeStruct((B, S), jnp.float32),
    scratch_types=(
        [pltpu.VMEM((CHUNK, S), jnp.float32)] * NBUF
        + [pltpu.SemaphoreType.DMA] * (2 * NBUF)
    ),
    compiler_params=pltpu.CompilerParams(needs_layout_passes=False),
)
def _cumsum_sc(x_hbm, out_hbm, *scratch):
    bufs = scratch[:NBUF]
    lsems = scratch[NBUF:2 * NBUF]
    ssems = scratch[2 * NBUF:]

    wid = lax.axis_index("s") * NUM_CORES + lax.axis_index("c")
    base_row = wid * ROWS_PER_WORKER

    def start_load(c, b):
        row0 = base_row + c * CHUNK
        pltpu.make_async_copy(
            x_hbm.at[pl.ds(row0, CHUNK)], bufs[b], lsems[b]).start()

    def wait_load(b):
        pltpu.make_async_copy(
            x_hbm.at[pl.ds(base_row, CHUNK)], bufs[b], lsems[b]).wait()

    def start_store(c, b):
        row0 = base_row + c * CHUNK
        pltpu.make_async_copy(
            bufs[b], out_hbm.at[pl.ds(row0, CHUNK)], ssems[b]).start()

    def wait_store(b):
        pltpu.make_async_copy(
            bufs[b], out_hbm.at[pl.ds(base_row, CHUNK)], ssems[b]).wait()

    start_load(0, 0)

    def group_body(g, _):
        for u in range(NBUF):
            c = g * NBUF + u
            bn = (u + 1) % NBUF
            nc = c + 1

            @pl.when(nc < NUM_CHUNKS)
            def _prefetch():
                @pl.when(nc >= NBUF)
                def _drain():
                    wait_store(bn)
                start_load(nc, bn)

            wait_load(u)
            _scan_chunk(bufs[u])
            start_store(c, u)
        return 0

    lax.fori_loop(0, GROUPS, group_body, 0)

    for b in range(NBUF):
        wait_store(b)


def kernel(x):
    return _cumsum_sc(x)

# --- scband reference (transcript-rebuilt; emitter-appended) ---
"""Pipeline reference for scband-model-new-63582695850255 (READ-ONLY COPY).

The authoritative reference and input builder live on the scoring server;
editing this copy changes nothing except your own understanding.
"""

import jax, jax.numpy as jnp
import numpy as np

def setup_inputs(seed: int = 0) -> dict:
    key = jax.random.key(seed)
    x = jax.random.normal(key, (4096, 8192), dtype=jnp.float32)
    return {"x": x}

def reference(x):
    # The CUDA kernel computes, for each (batch, seq) position, the inclusive
    # prefix sum over the sequence dimension: output[b, s] = sum_{i<=s} input[b, i].
    return jnp.cumsum(x, axis=1)

if __name__ == "__main__":
    import jax
    _d = setup_inputs()
    print(jax.jit(kernel)(*tuple(_d.values())))

</pallas_src>

<mosaic_0001>
#map = affine_map<(d0, d1) -> (0, 0)>
module attributes {stable_mosaic.version = 14 : i64} {
  func.func @_cumsum_sc(%arg0: i32, %arg1: i32, %arg2: memref<4096x8192xf32, #tpu.memory_space<hbm>>, %arg3: memref<4096x8192xf32, #tpu.memory_space<hbm>>, %arg4: memref<2x8192xf32, #tpu.memory_space<vmem>>, %arg5: memref<2x8192xf32, #tpu.memory_space<vmem>>, %arg6: memref<2x8192xf32, #tpu.memory_space<vmem>>, %arg7: memref<2x8192xf32, #tpu.memory_space<vmem>>, %arg8: memref<!tpu.dma_semaphore, #tpu.memory_space<semaphore_mem>>, %arg9: memref<!tpu.dma_semaphore, #tpu.memory_space<semaphore_mem>>, %arg10: memref<!tpu.dma_semaphore, #tpu.memory_space<semaphore_mem>>, %arg11: memref<!tpu.dma_semaphore, #tpu.memory_space<semaphore_mem>>, %arg12: memref<!tpu.dma_semaphore, #tpu.memory_space<semaphore_mem>>, %arg13: memref<!tpu.dma_semaphore, #tpu.memory_space<semaphore_mem>>, %arg14: memref<!tpu.dma_semaphore, #tpu.memory_space<semaphore_mem>>, %arg15: memref<!tpu.dma_semaphore, #tpu.memory_space<semaphore_mem>>) attributes {dimension_semantics = [#tpu.dimension_semantics<core_parallel>, #tpu.dimension_semantics<subcore_parallel>], iteration_bounds = array<i64: 2, 16>, scalar_prefetch = 0 : i64, scratch_operands = 12 : i64, tpu.core_type = #tpu.core_type<sc_vector_subcore>, window_params = [{transform_indices = #map}, {transform_indices = #map}]} {
    %mul3A = arith.constant 2 : i32
    %mul3A_0 = arith.muli %arg1, %mul3A : i32
    %add3A = arith.addi %mul3A_0, %arg0 : i32
    %mul3A_1 = arith.constant 128 : i32
    %mul3A_2 = arith.muli %add3A, %mul3A_1 : i32
    %add3A_3 = arith.constant 0 : i32
    %add3A_4 = arith.addi %mul3A_2, %add3A_3 : i32
    %dma_start3A = arith.constant 0 : i32
    %dma_start3A_5 = tpu.memref_slice %arg2[%add3A_4, %dma_start3A] : memref<4096x8192xf32, #tpu.memory_space<hbm>> -> memref<2x8192xf32, #tpu.memory_space<hbm>>
    %dma_start3A_6 = arith.constant 0 : i32
    %dma_start3A_7 = tpu.memref_slice %arg2[%add3A_4, %dma_start3A_6] : memref<4096x8192xf32, #tpu.memory_space<hbm>> -> memref<2x8192xf32, #tpu.memory_space<hbm>>
    tpu.enqueue_dma source(%dma_start3A_7 : memref<2x8192xf32, #tpu.memory_space<hbm>>) target(%arg4 : memref<2x8192xf32, #tpu.memory_space<vmem>>) target_semaphore(%arg8 : memref<!tpu.dma_semaphore, #tpu.memory_space<semaphore_mem>>)
    %scan3A = arith.constant 0 : i32
    %scan3A_8 = arith.constant 0 : i32
    %scan3A_9 = arith.constant 16 : i32
    %scan3A_10 = arith.addi %scan3A_8, %scan3A_9 : i32
    %scan3A_11 = arith.constant 1 : i32
    %scan3A_12 = scf.for %scan3A_29 = %scan3A_8 to %scan3A_10 step %scan3A_11 iter_args(%scan3A_30 = %scan3A) -> (i32)  : i32 {
      %mul3A_31 = arith.constant 4 : i32
      %mul3A_32 = arith.muli %scan3A_29, %mul3A_31 : i32
      %add3A_33 = arith.constant 0 : i32
      %add3A_34 = arith.addi %mul3A_32, %add3A_33 : i32
      %add3A_35 = arith.constant 1 : i32
      %add3A_36 = arith.addi %add3A_34, %add3A_35 : i32
      %lt3A = arith.constant 64 : i32
      %lt3A_37 = arith.cmpi slt, %add3A_36, %lt3A : i32
      %convert_element_type3A = arith.extui %lt3A_37 : i1 to i32
      %cond3A = arith.constant 0 : i32
      %cond3A_38 = arith.cmpi ne, %convert_element_type3A, %cond3A : i32
      scf.if %cond3A_38 {
        %ge3A = arith.constant 4 : i32
        %ge3A_156 = arith.cmpi sge, %add3A_36, %ge3A : i32
        %convert_element_type3A_157 = arith.extui %ge3A_156 : i1 to i32
        %cond3A_158 = arith.constant 0 : i32
        %cond3A_159 = arith.cmpi ne, %convert_element_type3A_157, %cond3A_158 : i32
        scf.if %cond3A_159 {
          %dma_wait3A_167 = arith.constant 0 : i32
          %dma_wait3A_168 = tpu.memref_slice %arg3[%mul3A_2, %dma_wait3A_167] : memref<4096x8192xf32, #tpu.memory_space<hbm>> -> memref<2x8192xf32, #tpu.memory_space<hbm>>
          %dma_wait3A_169 = arith.constant 0 : i32
          %dma_wait3A_170 = tpu.memref_slice %arg3[%mul3A_2, %dma_wait3A_169] : memref<4096x8192xf32, #tpu.memory_space<hbm>> -> memref<2x8192xf32, #tpu.memory_space<hbm>>
          tpu.wait_dma2 semaphore(%arg13 : memref<!tpu.dma_semaphore, #tpu.memory_space<semaphore_mem>>) src(%arg5 : memref<2x8192xf32, #tpu.memory_space<vmem>>) dst(%dma_wait3A_170 : memref<2x8192xf32, #tpu.memory_space<hbm>>)
        } else {
        }
        %mul3A_160 = arith.constant 2 : i32
        %mul3A_161 = arith.muli %add3A_36, %mul3A_160 : i32
        %add3A_162 = arith.addi %mul3A_2, %mul3A_161 : i32
        %dma_start3A_163 = arith.constant 0 : i32
        %dma_start3A_164 = tpu.memref_slice %arg2[%add3A_162, %dma_start3A_163] : memref<4096x8192xf32, #tpu.memory_space<hbm>> -> memref<2x8192xf32, #tpu.memory_space<hbm>>
        %dma_start3A_165 = arith.constant 0 : i32
        %dma_start3A_166 = tpu.memref_slice %arg2[%add3A_162, %dma_start3A_165] : memref<4096x8192xf32, #tpu.memory_space<hbm>> -> memref<2x8192xf32, #tpu.memory_space<hbm>>
        tpu.enqueue_dma source(%dma_start3A_166 : memref<2x8192xf32, #tpu.memory_space<hbm>>) target(%arg5 : memref<2x8192xf32, #tpu.memory_space<vmem>>) target_semaphore(%arg9 : memref<!tpu.dma_semaphore, #tpu.memory_space<semaphore_mem>>)
      } else {
      }
      %dma_wait3A_39 = arith.constant 0 : i32
      %dma_wait3A_40 = tpu.memref_slice %arg2[%mul3A_2, %dma_wait3A_39] : memref<4096x8192xf32, #tpu.memory_space<hbm>> -> memref<2x8192xf32, #tpu.memory_space<hbm>>
      %dma_wait3A_41 = arith.constant 0 : i32
      %dma_wait3A_42 = tpu.memref_slice %arg2[%mul3A_2, %dma_wait3A_41] : memref<4096x8192xf32, #tpu.memory_space<hbm>> -> memref<2x8192xf32, #tpu.memory_space<hbm>>
      tpu.wait_dma2 semaphore(%arg8 : memref<!tpu.dma_semaphore, #tpu.memory_space<semaphore_mem>>) src(%dma_wait3A_42 : memref<2x8192xf32, #tpu.memory_space<hbm>>) dst(%arg4 : memref<2x8192xf32, #tpu.memory_space<vmem>>)
      %parallel_loop3A = arith.constant 0 : i32
      %parallel_loop3A_43 = arith.constant 32 : i32
      %parallel_loop3A_44 = arith.constant 1 : i32
      %parallel_loop3A_45 = arith.constant 0.000000e+00 : f32
      %parallel_loop3A_46 = scf.for %parallel_loop3A_156 = %parallel_loop3A to %parallel_loop3A_43 step %parallel_loop3A_44 iter_args(%parallel_loop3A_157 = %parallel_loop3A_45) -> (f32)  : i32 {
        %parallel_loop3A_158 = arith.constant 256 : i32
        %parallel_loop3A_159 = arith.muli %parallel_loop3A_156, %parallel_loop3A_158 : i32
        %parallel_loop3A_160 = tpu.assume_multiple %parallel_loop3A_159, 256 : i32
        %parallel_loop3A_161 = arith.constant 0 : i32
        %parallel_loop3A_162 = arith.addi %parallel_loop3A_160, %parallel_loop3A_161 : i32
        %parallel_loop3A_163 = arith.constant 16 : i32
        %parallel_loop3A_164 = arith.addi %parallel_loop3A_160, %parallel_loop3A_163 : i32
        %parallel_loop3A_165 = arith.constant 32 : i32
        %parallel_loop3A_166 = arith.addi %parallel_loop3A_160, %parallel_loop3A_165 : i32
        %parallel_loop3A_167 = arith.constant 48 : i32
        %parallel_loop3A_168 = arith.addi %parallel_loop3A_160, %parallel_loop3A_167 : i32
        %parallel_loop3A_169 = arith.constant 64 : i32
        %parallel_loop3A_170 = arith.addi %parallel_loop3A_160, %parallel_loop3A_169 : i32
        %parallel_loop3A_171 = arith.constant 80 : i32
        %parallel_loop3A_172 = arith.addi %parallel_loop3A_160, %parallel_loop3A_171 : i32
        %parallel_loop3A_173 = arith.constant 96 : i32
        %parallel_loop3A_174 = arith.addi %parallel_loop3A_160, %parallel_loop3A_173 : i32
        %parallel_loop3A_175 = arith.constant 112 : i32
        %parallel_loop3A_176 = arith.addi %parallel_loop3A_160, %parallel_loop3A_175 : i32
        %parallel_loop3A_177 = arith.constant 128 : i32
        %parallel_loop3A_178 = arith.addi %parallel_loop3A_160, %parallel_loop3A_177 : i32
        %parallel_loop3A_179 = arith.constant 144 : i32
        %parallel_loop3A_180 = arith.addi %parallel_loop3A_160, %parallel_loop3A_179 : i32
        %parallel_loop3A_181 = arith.constant 160 : i32
        %parallel_loop3A_182 = arith.addi %parallel_loop3A_160, %parallel_loop3A_181 : i32
        %parallel_loop3A_183 = arith.constant 176 : i32
        %parallel_loop3A_184 = arith.addi %parallel_loop3A_160, %parallel_loop3A_183 : i32
        %parallel_loop3A_185 = arith.constant 192 : i32
        %parallel_loop3A_186 = arith.addi %parallel_loop3A_160, %parallel_loop3A_185 : i32
        %parallel_loop3A_187 = arith.constant 208 : i32
        %parallel_loop3A_188 = arith.addi %parallel_loop3A_160, %parallel_loop3A_187 : i32
        %parallel_loop3A_189 = arith.constant 224 : i32
        %parallel_loop3A_190 = arith.addi %parallel_loop3A_160, %parallel_loop3A_189 : i32
        %parallel_loop3A_191 = arith.constant 240 : i32
        %parallel_loop3A_192 = arith.addi %parallel_loop3A_160, %parallel_loop3A_191 : i32
        %parallel_loop3A_193 = arith.constant 0 : i32
        %parallel_loop3A_194 = arith.index_cast %parallel_loop3A_193 : i32 to index
        %parallel_loop3A_195 = arith.index_cast %parallel_loop3A_162 : i32 to index
        %parallel_loop3A_196 = tpu.vector_load %arg4[%parallel_loop3A_194, %parallel_loop3A_195] {strides = array<i32>} : memref<2x8192xf32, #tpu.memory_space<vmem>>, vector<16xf32>,
        %parallel_loop3A_197 = arith.constant 0 : i32
        %parallel_loop3A_198 = arith.index_cast %parallel_loop3A_197 : i32 to index
        %parallel_loop3A_199 = arith.index_cast %parallel_loop3A_164 : i32 to index
        %parallel_loop3A_200 = tpu.vector_load %arg4[%parallel_loop3A_198, %parallel_loop3A_199] {strides = array<i32>} : memref<2x8192xf32, #tpu.memory_space<vmem>>, vector<16xf32>,
        %parallel_loop3A_201 = arith.constant 0 : i32
        %parallel_loop3A_202 = arith.index_cast %parallel_loop3A_201 : i32 to index
        %parallel_loop3A_203 = arith.index_cast %parallel_loop3A_166 : i32 to index
        %parallel_loop3A_204 = tpu.vector_load %arg4[%parallel_loop3A_202, %parallel_loop3A_203] {strides = array<i32>} : memref<2x8192xf32, #tpu.memory_space<vmem>>, vector<16xf32>,
        %parallel_loop3A_205 = arith.constant 0 : i32
        %parallel_loop3A_206 = arith.index_cast %parallel_loop3A_205 : i32 to index
        %parallel_loop3A_207 = arith.index_cast %parallel_loop3A_168 : i32 to index
        %parallel_loop3A_208 = tpu.vector_load %arg4[%parallel_loop3A_206, %parallel_loop3A_207] {strides = array<i32>} : memref<2x8192xf32, #tpu.memory_space<vmem>>, vector<16xf32>,
        %parallel_loop3A_209 = arith.constant 0 : i32
        %parallel_loop3A_210 = arith.index_cast %parallel_loop3A_209 : i32 to index
        %parallel_loop3A_211 = arith.index_cast %parallel_loop3A_170 : i32 to index
        %parallel_loop3A_212 = tpu.vector_load %arg4[%parallel_loop3A_210, %parallel_loop3A_211] {strides = array<i32>} : memref<2x8192xf32, #tpu.memory_space<vmem>>, vector<16xf32>,
        %parallel_loop3A_213 = arith.constant 0 : i32
        %parallel_loop3A_214 = arith.index_cast %parallel_loop3A_213 : i32 to index
        %parallel_loop3A_215 = arith.index_cast %parallel_loop3A_172 : i32 to index
        %parallel_loop3A_216 = tpu.vector_load %arg4[%parallel_loop3A_214, %parallel_loop3A_215] {strides = array<i32>} : memref<2x8192xf32, #tpu.memory_space<vmem>>, vector<16xf32>,
        %parallel_loop3A_217 = arith.constant 0 : i32
        %parallel_loop3A_218 = arith.index_cast %parallel_loop3A_217 : i32 to index
        %parallel_loop3A_219 = arith.index_cast %parallel_loop3A_174 : i32 to index
        %parallel_loop3A_220 = tpu.vector_load %arg4[%parallel_loop3A_218, %parallel_loop3A_219] {strides = array<i32>} : memref<2x8192xf32, #tpu.memory_space<vmem>>, vector<16xf32>,
        %parallel_loop3A_221 = arith.constant 0 : i32
        %parallel_loop3A_222 = arith.index_cast %parallel_loop3A_221 : i32 to index
        %parallel_loop3A_223 = arith.index_cast %parallel_loop3A_176 : i32 to index
        %parallel_loop3A_224 = tpu.vector_load %arg4[%parallel_loop3A_222, %parallel_loop3A_223] {strides = array<i32>} : memref<2x8192xf32, #tpu.memory_space<vmem>>, vector<16xf32>,
        %parallel_loop3A_225 = arith.constant 0 : i32
        %parallel_loop3A_226 = arith.index_cast %parallel_loop3A_225 : i32 to index
        %parallel_loop3A_227 = arith.index_cast %parallel_loop3A_178 : i32 to index
        %parallel_loop3A_228 = tpu.vector_load %arg4[%parallel_loop3A_226, %parallel_loop3A_227] {strides = array<i32>} : memref<2x8192xf32, #tpu.memory_space<vmem>>, vector<16xf32>,
        %parallel_loop3A_229 = arith.constant 0 : i32
        %parallel_loop3A_230 = arith.index_cast %parallel_loop3A_229 : i32 to index
        %parallel_loop3A_231 = arith.index_cast %parallel_loop3A_180 : i32 to index
        %parallel_loop3A_232 = tpu.vector_load %arg4[%parallel_loop3A_230, %parallel_loop3A_231] {strides = array<i32>} : memref<2x8192xf32, #tpu.memory_space<vmem>>, vector<16xf32>,
        %parallel_loop3A_233 = arith.constant 0 : i32
        %parallel_loop3A_234 = arith.index_cast %parallel_loop3A_233 : i32 to index
        %parallel_loop3A_235 = arith.index_cast %parallel_loop3A_182 : i32 to index
        %parallel_loop3A_236 = tpu.vector_load %arg4[%parallel_loop3A_234, %parallel_loop3A_235] {strides = array<i32>} : memref<2x8192xf32, #tpu.memory_space<vmem>>, vector<16xf32>,
        %parallel_loop3A_237 = arith.constant 0 : i32
        %parallel_loop3A_238 = arith.index_cast %parallel_loop3A_237 : i32 to index
        %parallel_loop3A_239 = arith.index_cast %parallel_loop3A_184 : i32 to index
        %parallel_loop3A_240 = tpu.vector_load %arg4[%parallel_loop3A_238, %parallel_loop3A_239] {strides = array<i32>} : memref<2x8192xf32, #tpu.memory_space<vmem>>, vector<16xf32>,
        %parallel_loop3A_241 = arith.constant 0 : i32
        %parallel_loop3A_242 = arith.index_cast %parallel_loop3A_241 : i32 to index
        %parallel_loop3A_243 = arith.index_cast %parallel_loop3A_186 : i32 to index
        %parallel_loop3A_244 = tpu.vector_load %arg4[%parallel_loop3A_242, %parallel_loop3A_243] {strides = array<i32>} : memref<2x8192xf32, #tpu.memory_space<vmem>>, vector<16xf32>,
        %parallel_loop3A_245 = arith.constant 0 : i32
        %parallel_loop3A_246 = arith.index_cast %parallel_loop3A_245 : i32 to index
        %parallel_loop3A_247 = arith.index_cast %parallel_loop3A_188 : i32 to index
        %parallel_loop3A_248 = tpu.vector_load %arg4[%parallel_loop3A_246, %parallel_loop3A_247] {strides = array<i32>} : memref<2x8192xf32, #tpu.memory_space<vmem>>, vector<16xf32>,
        %parallel_loop3A_249 = arith.constant 0 : i32
        %parallel_loop3A_250 = arith.index_cast %parallel_loop3A_249 : i32 to index
        %parallel_loop3A_251 = arith.index_cast %parallel_loop3A_190 : i32 to index
        %parallel_loop3A_252 = tpu.vector_load %arg4[%parallel_loop3A_250, %parallel_loop3A_251] {strides = array<i32>} : memref<2x8192xf32, #tpu.memory_space<vmem>>, vector<16xf32>,
        %parallel_loop3A_253 = arith.constant 0 : i32
        %parallel_loop3A_254 = arith.index_cast %parallel_loop3A_253 : i32 to index
        %parallel_loop3A_255 = arith.index_cast %parallel_loop3A_192 : i32 to index
        %parallel_loop3A_256 = tpu.vector_load %arg4[%parallel_loop3A_254, %parallel_loop3A_255] {strides = array<i32>} : memref<2x8192xf32, #tpu.memory_space<vmem>>, vector<16xf32>,
        %parallel_loop3A_257 = arith.constant true
        %parallel_loop3A_258 = vector.broadcast %parallel_loop3A_257 : i1 to vector<16xi1>
        %parallel_loop3A_259 = tpu.scan <sum>, %parallel_loop3A_196 masked %parallel_loop3A_258 : vector<16xf32>, vector<16xi1> -> vector<16xf32>
        %parallel_loop3A_260 = arith.constant true
        %parallel_loop3A_261 = vector.broadcast %parallel_loop3A_260 : i1 to vector<16xi1>
        %parallel_loop3A_262 = tpu.scan <sum>, %parallel_loop3A_200 masked %parallel_loop3A_261 : vector<16xf32>, vector<16xi1> -> vector<16xf32>
        %parallel_loop3A_263 = arith.constant true
        %parallel_loop3A_264 = vector.broadcast %parallel_loop3A_263 : i1 to vector<16xi1>
        %parallel_loop3A_265 = tpu.scan <sum>, %parallel_loop3A_204 masked %parallel_loop3A_264 : vector<16xf32>, vector<16xi1> -> vector<16xf32>
        %parallel_loop3A_266 = arith.constant true
        %parallel_loop3A_267 = vector.broadcast %parallel_loop3A_266 : i1 to vector<16xi1>
        %parallel_loop3A_268 = tpu.scan <sum>, %parallel_loop3A_208 masked %parallel_loop3A_267 : vector<16xf32>, vector<16xi1> -> vector<16xf32>
        %parallel_loop3A_269 = arith.constant true
        %parallel_loop3A_270 = vector.broadcast %parallel_loop3A_269 : i1 to vector<16xi1>
        %parallel_loop3A_271 = tpu.scan <sum>, %parallel_loop3A_212 masked %parallel_loop3A_270 : vector<16xf32>, vector<16xi1> -> vector<16xf32>
        %parallel_loop3A_272 = arith.constant true
        %parallel_loop3A_273 = vector.broadcast %parallel_loop3A_272 : i1 to vector<16xi1>
        %parallel_loop3A_274 = tpu.scan <sum>, %parallel_loop3A_216 masked %parallel_loop3A_273 : vector<16xf32>, vector<16xi1> -> vector<16xf32>
        %parallel_loop3A_275 = arith.constant true
        %parallel_loop3A_276 = vector.broadcast %parallel_loop3A_275 : i1 to vector<16xi1>
        %parallel_loop3A_277 = tpu.scan <sum>, %parallel_loop3A_220 masked %parallel_loop3A_276 : vector<16xf32>, vector<16xi1> -> vector<16xf32>
        %parallel_loop3A_278 = arith.constant true
        %parallel_loop3A_279 = vector.broadcast %parallel_loop3A_278 : i1 to vector<16xi1>
        %parallel_loop3A_280 = tpu.scan <sum>, %parallel_loop3A_224 masked %parallel_loop3A_279 : vector<16xf32>, vector<16xi1> -> vector<16xf32>
        %parallel_loop3A_281 = arith.constant true
        %parallel_loop3A_282 = vector.broadcast %parallel_loop3A_281 : i1 to vector<16xi1>
        %parallel_loop3A_283 = tpu.scan <sum>, %parallel_loop3A_228 masked %parallel_loop3A_282 : vector<16xf32>, vector<16xi1> -> vector<16xf32>
        %parallel_loop3A_284 = arith.constant true
        %parallel_loop3A_285 = vector.broadcast %parallel_loop3A_284 : i1 to vector<16xi1>
        %parallel_loop3A_286 = tpu.scan <sum>, %parallel_loop3A_232 masked %parallel_loop3A_285 : vector<16xf32>, vector<16xi1> -> vector<16xf32>
        %parallel_loop3A_287 = arith.constant true
        %parallel_loop3A_288 = vector.broadcast %parallel_loop3A_287 : i1 to vector<16xi1>
        %parallel_loop3A_289 = tpu.scan <sum>, %parallel_loop3A_236 masked %parallel_loop3A_288 : vector<16xf32>, vector<16xi1> -> vector<16xf32>
        %parallel_loop3A_290 = arith.constant true
        %parallel_loop3A_291 = vector.broadcast %parallel_loop3A_290 : i1 to vector<16xi1>
        %parallel_loop3A_292 = tpu.scan <sum>, %parallel_loop3A_240 masked %parallel_loop3A_291 : vector<16xf32>, vector<16xi1> -> vector<16xf32>
        %parallel_loop3A_293 = arith.constant true
        %parallel_loop3A_294 = vector.broadcast %parallel_loop3A_293 : i1 to vector<16xi1>
        %parallel_loop3A_295 = tpu.scan <sum>, %parallel_loop3A_244 masked %parallel_loop3A_294 : vector<16xf32>, vector<16xi1> -> vector<16xf32>
        %parallel_loop3A_296 = arith.constant true
        %parallel_loop3A_297 = vector.broadcast %parallel_loop3A_296 : i1 to vector<16xi1>
        %parallel_loop3A_298 = tpu.scan <sum>, %parallel_loop3A_248 masked %parallel_loop3A_297 : vector<16xf32>, vector<16xi1> -> vector<16xf32>
        %parallel_loop3A_299 = arith.constant true
        %parallel_loop3A_300 = vector.broadcast %parallel_loop3A_299 : i1 to vector<16xi1>
        %parallel_loop3A_301 = tpu.scan <sum>, %parallel_loop3A_252 masked %parallel_loop3A_300 : vector<16xf32>, vector<16xi1> -> vector<16xf32>
        %parallel_loop3A_302 = arith.constant true
        %parallel_loop3A_303 = vector.broadcast %parallel_loop3A_302 : i1 to vector<16xi1>
        %parallel_loop3A_304 = tpu.scan <sum>, %parallel_loop3A_256 masked %parallel_loop3A_303 : vector<16xf32>, vector<16xi1> -> vector<16xf32>
        %parallel_loop3A_305 = arith.addf %parallel_loop3A_259, %parallel_loop3A_262 : vector<16xf32>
        %parallel_loop3A_306 = arith.addf %parallel_loop3A_265, %parallel_loop3A_268 : vector<16xf32>
        %parallel_loop3A_307 = arith.addf %parallel_loop3A_305, %parallel_loop3A_265 : vector<16xf32>
        %parallel_loop3A_308 = arith.addf %parallel_loop3A_305, %parallel_loop3A_306 : vector<16xf32>
        %parallel_loop3A_309 = arith.addf %parallel_loop3A_271, %parallel_loop3A_274 : vector<16xf32>
        %parallel_loop3A_310 = arith.addf %parallel_loop3A_277, %parallel_loop3A_280 : vector<16xf32>
        %parallel_loop3A_311 = arith.addf %parallel_loop3A_309, %parallel_loop3A_277 : vector<16xf32>
        %parallel_loop3A_312 = arith.addf %parallel_loop3A_309, %parallel_loop3A_310 : vector<16xf32>
        %parallel_loop3A_313 = arith.addf %parallel_loop3A_308, %parallel_loop3A_271 : vector<16xf32>
        %parallel_loop3A_314 = arith.addf %parallel_loop3A_308, %parallel_loop3A_309 : vector<16xf32>
        %parallel_loop3A_315 = arith.addf %parallel_loop3A_308, %parallel_loop3A_311 : vector<16xf32>
        %parallel_loop3A_316 = arith.addf %parallel_loop3A_308, %parallel_loop3A_312 : vector<16xf32>
        %parallel_loop3A_317 = arith.addf %parallel_loop3A_283, %parallel_loop3A_286 : vector<16xf32>
        %parallel_loop3A_318 = arith.addf %parallel_loop3A_289, %parallel_loop3A_292 : vector<16xf32>
        %parallel_loop3A_319 = arith.addf %parallel_loop3A_317, %parallel_loop3A_289 : vector<16xf32>
        %parallel_loop3A_320 = arith.addf %parallel_loop3A_317, %parallel_loop3A_318 : vector<16xf32>
        %parallel_loop3A_321 = arith.addf %parallel_loop3A_295, %parallel_loop3A_298 : vector<16xf32>
        %parallel_loop3A_322 = arith.addf %parallel_loop3A_301, %parallel_loop3A_304 : vector<16xf32>
        %parallel_loop3A_323 = arith.addf %parallel_loop3A_321, %parallel_loop3A_301 : vector<16xf32>
        %parallel_loop3A_324 = arith.addf %parallel_loop3A_321, %parallel_loop3A_322 : vector<16xf32>
        %parallel_loop3A_325 = arith.addf %parallel_loop3A_320, %parallel_loop3A_295 : vector<16xf32>
        %parallel_loop3A_326 = arith.addf %parallel_loop3A_320, %parallel_loop3A_321 : vector<16xf32>
        %parallel_loop3A_327 = arith.addf %parallel_loop3A_320, %parallel_loop3A_323 : vector<16xf32>
        %parallel_loop3A_328 = arith.addf %parallel_loop3A_320, %parallel_loop3A_324 : vector<16xf32>
        %parallel_loop3A_329 = arith.addf %parallel_loop3A_316, %parallel_loop3A_283 : vector<16xf32>
        %parallel_loop3A_330 = arith.addf %parallel_loop3A_316, %parallel_loop3A_317 : vector<16xf32>
        %parallel_loop3A_331 = arith.addf %parallel_loop3A_316, %parallel_loop3A_319 : vector<16xf32>
        %parallel_loop3A_332 = arith.addf %parallel_loop3A_316, %parallel_loop3A_320 : vector<16xf32>
        %parallel_loop3A_333 = arith.addf %parallel_loop3A_316, %parallel_loop3A_325 : vector<16xf32>
        %parallel_loop3A_334 = arith.addf %parallel_loop3A_316, %parallel_loop3A_326 : vector<16xf32>
        %parallel_loop3A_335 = arith.addf %parallel_loop3A_316, %parallel_loop3A_327 : vector<16xf32>
        %parallel_loop3A_336 = arith.addf %parallel_loop3A_316, %parallel_loop3A_328 : vector<16xf32>
        %parallel_loop3A_337 = vector.broadcast %parallel_loop3A_157 : f32 to vector<16xf32>
        %parallel_loop3A_338 = arith.addf %parallel_loop3A_259, %parallel_loop3A_337 : vector<16xf32>
        %parallel_loop3A_339 = arith.constant 0 : i32
        %parallel_loop3A_340 = arith.index_cast %parallel_loop3A_339 : i32 to index
        %parallel_loop3A_341 = arith.index_cast %parallel_loop3A_162 : i32 to index
        %parallel_loop3A_342 = tpu.vector_load %arg4[%parallel_loop3A_340, %parallel_loop3A_341] {strides = array<i32>} : memref<2x8192xf32, #tpu.memory_space<vmem>>, vector<16xf32>,
        tpu.vector_store %arg4[%parallel_loop3A_340, %parallel_loop3A_341], %parallel_loop3A_338 {strides = array<i32>} : memref<2x8192xf32, #tpu.memory_space<vmem>>, vector<16xf32>,
        %parallel_loop3A_343 = vector.extract_strided_slice %parallel_loop3A_259 {offsets = [15], sizes = [1], strides = [1]} : vector<16xf32> to vector<1xf32>
        %parallel_loop3A_344 = vector.extract %parallel_loop3A_343[0] : f32 from vector<1xf32>
        %parallel_loop3A_345 = vector.broadcast %parallel_loop3A_344 : f32 to vector<16xf32>
        %parallel_loop3A_346 = arith.addf %parallel_loop3A_262, %parallel_loop3A_345 : vector<16xf32>
        %parallel_loop3A_347 = vector.broadcast %parallel_loop3A_157 : f32 to vector<16xf32>
        %parallel_loop3A_348 = arith.addf %parallel_loop3A_346, %parallel_loop3A_347 : vector<16xf32>
        %parallel_loop3A_349 = arith.constant 0 : i32
        %parallel_loop3A_350 = arith.index_cast %parallel_loop3A_349 : i32 to index
        %parallel_loop3A_351 = arith.index_cast %parallel_loop3A_164 : i32 to index
        %parallel_loop3A_352 = tpu.vector_load %arg4[%parallel_loop3A_350, %parallel_loop3A_351] {strides = array<i32>} : memref<2x8192xf32, #tpu.memory_space<vmem>>, vector<16xf32>,
        tpu.vector_store %arg4[%parallel_loop3A_350, %parallel_loop3A_351], %parallel_loop3A_348 {strides = array<i32>} : memref<2x8192xf32, #tpu.memory_space<vmem>>, vector<16xf32>,
        %parallel_loop3A_353 = vector.extract_strided_slice %parallel_loop3A_305 {offsets = [15], sizes = [1], strides = [1]} : vector<16xf32> to vector<1xf32>
        %parallel_loop3A_354 = vector.extract %parallel_loop3A_353[0] : f32 from vector<1xf32>
        %parallel_loop3A_355 = vector.broadcast %parallel_loop3A_354 : f32 to vector<16xf32>
        %parallel_loop3A_356 = arith.addf %parallel_loop3A_265, %parallel_loop3A_355 : vector<16xf32>
        %parallel_loop3A_357 = vector.broadcast %parallel_loop3A_157 : f32 to vector<16xf32>
        %parallel_loop3A_358 = arith.addf %parallel_loop3A_356, %parallel_loop3A_357 : vector<16xf32>
        %parallel_loop3A_359 = arith.constant 0 : i32
        %parallel_loop3A_360 = arith.index_cast %parallel_loop3A_359 : i32 to index
        %parallel_loop3A_361 = arith.index_cast %parallel_loop3A_166 : i32 to index
        %parallel_loop3A_362 = tpu.vector_load %arg4[%parallel_loop3A_360, %parallel_loop3A_361] {strides = array<i32>} : memref<2x8192xf32, #tpu.memory_space<vmem>>, vector<16xf32>,
        tpu.vector_store %arg4[%parallel_loop3A_360, %parallel_loop3A_361], %parallel_loop3A_358 {strides = array<i32>} : memref<2x8192xf32, #tpu.memory_space<vmem>>, vector<16xf32>,
        %parallel_loop3A_363 = vector.extract_strided_slice %parallel_loop3A_307 {offsets = [15], sizes = [1], strides = [1]} : vector<16xf32> to vector<1xf32>
        %parallel_loop3A_364 = vector.extract %parallel_loop3A_363[0] : f32 from vector<1xf32>
        %parallel_loop3A_365 = vector.broadcast %parallel_loop3A_364 : f32 to vector<16xf32>
        %parallel_loop3A_366 = arith.addf %parallel_loop3A_268, %parallel_loop3A_365 : vector<16xf32>
        %parallel_loop3A_367 = vector.broadcast %parallel_loop3A_157 : f32 to vector<16xf32>
        %parallel_loop3A_368 = arith.addf %parallel_loop3A_366, %parallel_loop3A_367 : vector<16xf32>
        %parallel_loop3A_369 = arith.constant 0 : i32
        %parallel_loop3A_370 = arith.index_cast %parallel_loop3A_369 : i32 to index
        %parallel_loop3A_371 = arith.index_cast %parallel_loop3A_168 : i32 to index
        %parallel_loop3A_372 = tpu.vector_load %arg4[%parallel_loop3A_370, %parallel_loop3A_371] {strides = array<i32>} : memref<2x8192xf32, #tpu.memory_space<vmem>>, vector<16xf32>,
        tpu.vector_store %arg4[%parallel_loop3A_370, %parallel_loop3A_371], %parallel_loop3A_368 {strides = array<i32>} : memref<2x8192xf32, #tpu.memory_space<vmem>>, vector<16xf32>,
        %parallel_loop3A_373 = vector.extract_strided_slice %parallel_loop3A_308 {offsets = [15], sizes = [1], strides = [1]} : vector<16xf32> to vector<1xf32>
        %parallel_loop3A_374 = vector.extract %parallel_loop3A_373[0] : f32 from vector<1xf32>
        %parallel_loop3A_375 = vector.broadcast %parallel_loop3A_374 : f32 to vector<16xf32>
        %parallel_loop3A_376 = arith.addf %parallel_loop3A_271, %parallel_loop3A_375 : vector<16xf32>
        %parallel_loop3A_377 = vector.broadcast %parallel_loop3A_157 : f32 to vector<16xf32>
        %parallel_loop3A_378 = arith.addf %parallel_loop3A_376, %parallel_loop3A_377 : vector<16xf32>
        %parallel_loop3A_379 = arith.constant 0 : i32
        %parallel_loop3A_380 = arith.index_cast %parallel_loop3A_379 : i32 to index
        %parallel_loop3A_381 = arith.index_cast %parallel_loop3A_170 : i32 to index
        %parallel_loop3A_382 = tpu.vector_load %arg4[%parallel_loop3A_380, %parallel_loop3A_381] {strides = array<i32>} : memref<2x8192xf32, #tpu.memory_space<vmem>>, vector<16xf32>,
        tpu.vector_store %arg4[%parallel_loop3A_380, %parallel_loop3A_381], %parallel_loop3A_378 {strides = array<i32>} : memref<2x8192xf32, #tpu.memory_space<vmem>>, vector<16xf32>,
        %parallel_loop3A_383 = vector.extract_strided_slice %parallel_loop3A_313 {offsets = [15], sizes = [1], strides = [1]} : vector<16xf32> to vector<1xf32>
        %parallel_loop3A_384 = vector.extract %parallel_loop3A_383[0] : f32 from vector<1xf32>
        %parallel_loop3A_385 = vector.broadcast %parallel_loop3A_384 : f32 to vector<16xf32>
        %parallel_loop3A_386 = arith.addf %parallel_loop3A_274, %parallel_loop3A_385 : vector<16xf32>
        %parallel_loop3A_387 = vector.broadcast %parallel_loop3A_157 : f32 to vector<16xf32>
        %parallel_loop3A_388 = arith.addf %parallel_loop3A_386, %parallel_loop3A_387 : vector<16xf32>
        %parallel_loop3A_389 = arith.constant 0 : i32
        %parallel_loop3A_390 = arith.index_cast %parallel_loop3A_389 : i32 to index
        %parallel_loop3A_391 = arith.index_cast %parallel_loop3A_172 : i32 to index
        %parallel_loop3A_392 = tpu.vector_load %arg4[%parallel_loop3A_390, %parallel_loop3A_391] {strides = array<i32>} : memref<2x8192xf32, #tpu.memory_space<vmem>>, vector<16xf32>,
        tpu.vector_store %arg4[%parallel_loop3A_390, %parallel_loop3A_391], %parallel_loop3A_388 {strides = array<i32>} : memref<2x8192xf32, #tpu.memory_space<vmem>>, vector<16xf32>,
        %parallel_loop3A_393 = vector.extract_strided_slice %parallel_loop3A_314 {offsets = [15], sizes = [1], strides = [1]} : vector<16xf32> to vector<1xf32>
        %parallel_loop3A_394 = vector.extract %parallel_loop3A_393[0] : f32 from vector<1xf32>
        %parallel_loop3A_395 = vector.broadcast %parallel_loop3A_394 : f32 to vector<16xf32>
        %parallel_loop3A_396 = arith.addf %parallel_loop3A_277, %parallel_loop3A_395 : vector<16xf32>
        %parallel_loop3A_397 = vector.broadcast %parallel_loop3A_157 : f32 to vector<16xf32>
        %parallel_loop3A_398 = arith.addf %parallel_loop3A_396, %parallel_loop3A_397 : vector<16xf32>
        %parallel_loop3A_399 = arith.constant 0 : i32
        %parallel_loop3A_400 = arith.index_cast %parallel_loop3A_399 : i32 to index
        %parallel_loop3A_401 = arith.index_cast %parallel_loop3A_174 : i32 to index
        %parallel_loop3A_402 = tpu.vector_load %arg4[%parallel_loop3A_400, %parallel_loop3A_401] {strides = array<i32>} : memref<2x8192xf32, #tpu.memory_space<vmem>>, vector<16xf32>,
        tpu.vector_store %arg4[%parallel_loop3A_400, %parallel_loop3A_401], %parallel_loop3A_398 {strides = array<i32>} : memref<2x8192xf32, #tpu.memory_space<vmem>>, vector<16xf32>,
        %parallel_loop3A_403 = vector.extract_strided_slice %parallel_loop3A_315 {offsets = [15], sizes = [1], strides = [1]} : vector<16xf32> to vector<1xf32>
        %parallel_loop3A_404 = vector.extract %parallel_loop3A_403[0] : f32 from vector<1xf32>
        %parallel_loop3A_405 = vector.broadcast %parallel_loop3A_404 : f32 to vector<16xf32>
        %parallel_loop3A_406 = arith.addf %parallel_loop3A_280, %parallel_loop3A_405 : vector<16xf32>
        %parallel_loop3A_407 = vector.broadcast %parallel_loop3A_157 : f32 to vector<16xf32>
        %parallel_loop3A_408 = arith.addf %parallel_loop3A_406, %parallel_loop3A_407 : vector<16xf32>
        %parallel_loop3A_409 = arith.constant 0 : i32
        %parallel_loop3A_410 = arith.index_cast %parallel_loop3A_409 : i32 to index
        %parallel_loop3A_411 = arith.index_cast %parallel_loop3A_176 : i32 to index
        %parallel_loop3A_412 = tpu.vector_load %arg4[%parallel_loop3A_410, %parallel_loop3A_411] {strides = array<i32>} : memref<2x8192xf32, #tpu.memory_space<vmem>>, vector<16xf32>,
        tpu.vector_store %arg4[%parallel_loop3A_410, %parallel_loop3A_411], %parallel_loop3A_408 {strides = array<i32>} : memref<2x8192xf32, #tpu.memory_space<vmem>>, vector<16xf32>,
        %parallel_loop3A_413 = vector.extract_strided_slice %parallel_loop3A_316 {offsets = [15], sizes = [1], strides = [1]} : vector<16xf32> to vector<1xf32>
        %parallel_loop3A_414 = vector.extract %parallel_loop3A_413[0] : f32 from vector<1xf32>
        %parallel_loop3A_415 = vector.broadcast %parallel_loop3A_414 : f32 to vector<16xf32>
        %parallel_loop3A_416 = arith.addf %parallel_loop3A_283, %parallel_loop3A_415 : vector<16xf32>
        %parallel_loop3A_417 = vector.broadcast %parallel_loop3A_157 : f32 to vector<16xf32>
        %parallel_loop3A_418 = arith.addf %parallel_loop3A_416, %parallel_loop3A_417 : vector<16xf32>
        %parallel_loop3A_419 = arith.constant 0 : i32
        %parallel_loop3A_420 = arith.index_cast %parallel_loop3A_419 : i32 to index
        %parallel_loop3A_421 = arith.index_cast %parallel_loop3A_178 : i32 to index
        %parallel_loop3A_422 = tpu.vector_load %arg4[%parallel_loop3A_420, %parallel_loop3A_421] {strides = array<i32>} : memref<2x8192xf32, #tpu.memory_space<vmem>>, vector<16xf32>,
        tpu.vector_store %arg4[%parallel_loop3A_420, %parallel_loop3A_421], %parallel_loop3A_418 {strides = array<i32>} : memref<2x8192xf32, #tpu.memory_space<vmem>>, vector<16xf32>,
        %parallel_loop3A_423 = vector.extract_strided_slice %parallel_loop3A_329 {offsets = [15], sizes = [1], strides = [1]} : vector<16xf32> to vector<1xf32>
        %parallel_loop3A_424 = vector.extract %parallel_loop3A_423[0] : f32 from vector<1xf32>
        %parallel_loop3A_425 = vector.broadcast %parallel_loop3A_424 : f32 to vector<16xf32>
        %parallel_loop3A_426 = arith.addf %parallel_loop3A_286, %parallel_loop3A_425 : vector<16xf32>
        %parallel_loop3A_427 = vector.broadcast %parallel_loop3A_157 : f32 to vector<16xf32>
        %parallel_loop3A_428 = arith.addf %parallel_loop3A_426, %parallel_loop3A_427 : vector<16xf32>
        %parallel_loop3A_429 = arith.constant 0 : i32
        %parallel_loop3A_430 = arith.index_cast %parallel_loop3A_429 : i32 to index
        %parallel_loop3A_431 = arith.index_cast %parallel_loop3A_180 : i32 to index
        %parallel_loop3A_432 = tpu.vector_load %arg4[%parallel_loop3A_430, %parallel_loop3A_431] {strides = array<i32>} : memref<2x8192xf32, #tpu.memory_space<vmem>>, vector<16xf32>,
        tpu.vector_store %arg4[%parallel_loop3A_430, %parallel_loop3A_431], %parallel_loop3A_428 {strides = array<i32>} : memref<2x8192xf32, #tpu.memory_space<vmem>>, vector<16xf32>,
        %parallel_loop3A_433 = vector.extract_strided_slice %parallel_loop3A_330 {offsets = [15], sizes = [1], strides = [1]} : vector<16xf32> to vector<1xf32>
        %parallel_loop3A_434 = vector.extract %parallel_loop3A_433[0] : f32 from vector<1xf32>
        %parallel_loop3A_435 = vector.broadcast %parallel_loop3A_434 : f32 to vector<16xf32>
        %parallel_loop3A_436 = arith.addf %parallel_loop3A_289, %parallel_loop3A_435 : vector<16xf32>
        %parallel_loop3A_437 = vector.broadcast %parallel_loop3A_157 : f32 to vector<16xf32>
        %parallel_loop3A_438 = arith.addf %parallel_loop3A_436, %parallel_loop3A_437 : vector<16xf32>
        %parallel_loop3A_439 = arith.constant 0 : i32
        %parallel_loop3A_440 = arith.index_cast %parallel_loop3A_439 : i32 to index
        %parallel_loop3A_441 = arith.index_cast %parallel_loop3A_182 : i32 to index
        %parallel_loop3A_442 = tpu.vector_load %arg4[%parallel_loop3A_440, %parallel_loop3A_441] {strides = array<i32>} : memref<2x8192xf32, #tpu.memory_space<vmem>>, vector<16xf32>,
        tpu.vector_store %arg4[%parallel_loop3A_440, %parallel_loop3A_441], %parallel_loop3A_438 {strides = array<i32>} : memref<2x8192xf32, #tpu.memory_space<vmem>>, vector<16xf32>,
        %parallel_loop3A_443 = vector.extract_strided_slice %parallel_loop3A_331 {offsets = [15], sizes = [1], strides = [1]} : vector<16xf32> to vector<1xf32>
        %parallel_loop3A_444 = vector.extract %parallel_loop3A_443[0] : f32 from vector<1xf32>
        %parallel_loop3A_445 = vector.broadcast %parallel_loop3A_444 : f32 to vector<16xf32>
        %parallel_loop3A_446 = arith.addf %parallel_loop3A_292, %parallel_loop3A_445 : vector<16xf32>
        %parallel_loop3A_447 = vector.broadcast %parallel_loop3A_157 : f32 to vector<16xf32>
        %parallel_loop3A_448 = arith.addf %parallel_loop3A_446, %parallel_loop3A_447 : vector<16xf32>
        %parallel_loop3A_449 = arith.constant 0 : i32
        %parallel_loop3A_450 = arith.index_cast %parallel_loop3A_449 : i32 to index
        %parallel_loop3A_451 = arith.index_cast %parallel_loop3A_184 : i32 to index
        %parallel_loop3A_452 = tpu.vector_load %arg4[%parallel_loop3A_450, %parallel_loop3A_451] {strides = array<i32>} : memref<2x8192xf32, #tpu.memory_space<vmem>>, vector<16xf32>,
        tpu.vector_store %arg4[%parallel_loop3A_450, %parallel_loop3A_451], %parallel_loop3A_448 {strides = array<i32>} : memref<2x8192xf32, #tpu.memory_space<vmem>>, vector<16xf32>,
        %parallel_loop3A_453 = vector.extract_strided_slice %parallel_loop3A_332 {offsets = [15], sizes = [1], strides = [1]} : vector<16xf32> to vector<1xf32>
        %parallel_loop3A_454 = vector.extract %parallel_loop3A_453[0] : f32 from vector<1xf32>
        %parallel_loop3A_455 = vector.broadcast %parallel_loop3A_454 : f32 to vector<16xf32>
        %parallel_loop3A_456 = arith.addf %parallel_loop3A_295, %parallel_loop3A_455 : vector<16xf32>
        %parallel_loop3A_457 = vector.broadcast %parallel_loop3A_157 : f32 to vector<16xf32>
        %parallel_loop3A_458 = arith.addf %parallel_loop3A_456, %parallel_loop3A_457 : vector<16xf32>
        %parallel_loop3A_459 = arith.constant 0 : i32
        %parallel_loop3A_460 = arith.index_cast %parallel_loop3A_459 : i32 to index
        %parallel_loop3A_461 = arith.index_cast %parallel_loop3A_186 : i32 to index
        %parallel_loop3A_462 = tpu.vector_load %arg4[%parallel_loop3A_460, %parallel_loop3A_461] {strides = array<i32>} : memref<2x8192xf32, #tpu.memory_space<vmem>>, vector<16xf32>,
        tpu.vector_store %arg4[%parallel_loop3A_460, %parallel_loop3A_461], %parallel_loop3A_458 {strides = array<i32>} : memref<2x8192xf32, #tpu.memory_space<vmem>>, vector<16xf32>,
        %parallel_loop3A_463 = vector.extract_strided_slice %parallel_loop3A_333 {offsets = [15], sizes = [1], strides = [1]} : vector<16xf32> to vector<1xf32>
        %parallel_loop3A_464 = vector.extract %parallel_loop3A_463[0] : f32 from vector<1xf32>
        %parallel_loop3A_465 = vector.broadcast %parallel_loop3A_464 : f32 to vector<16xf32>
        %parallel_loop3A_466 = arith.addf %parallel_loop3A_298, %parallel_loop3A_465 : vector<16xf32>
        %parallel_loop3A_467 = vector.broadcast %parallel_loop3A_157 : f32 to vector<16xf32>
        %parallel_loop3A_468 = arith.addf %parallel_loop3A_466, %parallel_loop3A_467 : vector<16xf32>
        %parallel_loop3A_469 = arith.constant 0 : i32
        %parallel_loop3A_470 = arith.index_cast %parallel_loop3A_469 : i32 to index
        %parallel_loop3A_471 = arith.index_cast %parallel_loop3A_188 : i32 to index
        %parallel_loop3A_472 = tpu.vector_load %arg4[%parallel_loop3A_470, %parallel_loop3A_471] {strides = array<i32>} : memref<2x8192xf32, #tpu.memory_space<vmem>>, vector<16xf32>,
        tpu.vector_store %arg4[%parallel_loop3A_470, %parallel_loop3A_471], %parallel_loop3A_468 {strides = array<i32>} : memref<2x8192xf32, #tpu.memory_space<vmem>>, vector<16xf32>,
        %parallel_loop3A_473 = vector.extract_strided_slice %parallel_loop3A_334 {offsets = [15], sizes = [1], strides = [1]} : vector<16xf32> to vector<1xf32>
        %parallel_loop3A_474 = vector.extract %parallel_loop3A_473[0] : f32 from vector<1xf32>
        %parallel_loop3A_475 = vector.broadcast %parallel_loop3A_474 : f32 to vector<16xf32>
        %parallel_loop3A_476 = arith.addf %parallel_loop3A_301, %parallel_loop3A_475 : vector<16xf32>
        %parallel_loop3A_477 = vector.broadcast %parallel_loop3A_157 : f32 to vector<16xf32>
        %parallel_loop3A_478 = arith.addf %parallel_loop3A_476, %parallel_loop3A_477 : vector<16xf32>
        %parallel_loop3A_479 = arith.constant 0 : i32
        %parallel_loop3A_480 = arith.index_cast %parallel_loop3A_479 : i32 to index
        %parallel_loop3A_481 = arith.index_cast %parallel_loop3A_190 : i32 to index
        %parallel_loop3A_482 = tpu.vector_load %arg4[%parallel_loop3A_480, %parallel_loop3A_481] {strides = array<i32>} : memref<2x8192xf32, #tpu.memory_space<vmem>>, vector<16xf32>,
        tpu.vector_store %arg4[%parallel_loop3A_480, %parallel_loop3A_481], %parallel_loop3A_478 {strides = array<i32>} : memref<2x8192xf32, #tpu.memory_space<vmem>>, vector<16xf32>,
        %parallel_loop3A_483 = vector.extract_strided_slice %parallel_loop3A_335 {offsets = [15], sizes = [1], strides = [1]} : vector<16xf32> to vector<1xf32>
        %parallel_loop3A_484 = vector.extract %parallel_loop3A_483[0] : f32 from vector<1xf32>
        %parallel_loop3A_485 = vector.broadcast %parallel_loop3A_484 : f32 to vector<16xf32>
        %parallel_loop3A_486 = arith.addf %parallel_loop3A_304, %parallel_loop3A_485 : vector<16xf32>
        %parallel_loop3A_487 = vector.broadcast %parallel_loop3A_157 : f32 to vector<16xf32>
        %parallel_loop3A_488 = arith.addf %parallel_loop3A_486, %parallel_loop3A_487 : vector<16xf32>
        %parallel_loop3A_489 = arith.constant 0 : i32
        %parallel_loop3A_490 = arith.index_cast %parallel_loop3A_489 : i32 to index
        %parallel_loop3A_491 = arith.index_cast %parallel_loop3A_192 : i32 to index
        %parallel_loop3A_492 = tpu.vector_load %arg4[%parallel_loop3A_490, %parallel_loop3A_491] {strides = array<i32>} : memref<2x8192xf32, #tpu.memory_space<vmem>>, vector<16xf32>,
        tpu.vector_store %arg4[%parallel_loop3A_490, %parallel_loop3A_491], %parallel_loop3A_488 {strides = array<i32>} : memref<2x8192xf32, #tpu.memory_space<vmem>>, vector<16xf32>,
        %parallel_loop3A_493 = vector.extract_strided_slice %parallel_loop3A_336 {offsets = [15], sizes = [1], strides = [1]} : vector<16xf32> to vector<1xf32>
        %parallel_loop3A_494 = vector.extract %parallel_loop3A_493[0] : f32 from vector<1xf32>
        %parallel_loop3A_495 = arith.addf %parallel_loop3A_157, %parallel_loop3A_494 : f32
        scf.yield %parallel_loop3A_495 : f32
      } {sc.loop_unroll_factor = 1 : i64, sc.parallel_access}
      %parallel_loop3A_47 = arith.constant 0 : i32
      %parallel_loop3A_48 = arith.constant 32 : i32
      %parallel_loop3A_49 = arith.constant 1 : i32
      %parallel_loop3A_50 = arith.constant 0.000000e+00 : f32
      %parallel_loop3A_51 = scf.for %parallel_loop3A_156 = %parallel_loop3A_47 to %parallel_loop3A_48 step %parallel_loop3A_49 iter_args(%parallel_loop3A_157 = %parallel_loop3A_50) -> (f32)  : i32 {
        %parallel_loop3A_158 = arith.constant 256 : i32
        %parallel_loop3A_159 = arith.muli %parallel_loop3A_156, %parallel_loop3A_158 : i32
        %parallel_loop3A_160 = tpu.assume_multiple %parallel_loop3A_159, 256 : i32
        %parallel_loop3A_161 = arith.constant 0 : i32
        %parallel_loop3A_162 = arith.addi %parallel_loop3A_160, %parallel_loop3A_161 : i32
        %parallel_loop3A_163 = arith.constant 16 : i32
        %parallel_loop3A_164 = arith.addi %parallel_loop3A_160, %parallel_loop3A_163 : i32
        %parallel_loop3A_165 = arith.constant 32 : i32
        %parallel_loop3A_166 = arith.addi %parallel_loop3A_160, %parallel_loop3A_165 : i32
        %parallel_loop3A_167 = arith.constant 48 : i32
        %parallel_loop3A_168 = arith.addi %parallel_loop3A_160, %parallel_loop3A_167 : i32
        %parallel_loop3A_169 = arith.constant 64 : i32
        %parallel_loop3A_170 = arith.addi %parallel_loop3A_160, %parallel_loop3A_169 : i32
        %parallel_loop3A_171 = arith.constant 80 : i32
        %parallel_loop3A_172 = arith.addi %parallel_loop3A_160, %parallel_loop3A_171 : i32
        %parallel_loop3A_173 = arith.constant 96 : i32
        %parallel_loop3A_174 = arith.addi %parallel_loop3A_160, %parallel_loop3A_173 : i32
        %parallel_loop3A_175 = arith.constant 112 : i32
        %parallel_loop3A_176 = arith.addi %parallel_loop3A_160, %parallel_loop3A_175 : i32
        %parallel_loop3A_177 = arith.constant 128 : i32
        %parallel_loop3A_178 = arith.addi %parallel_loop3A_160, %parallel_loop3A_177 : i32
        %parallel_loop3A_179 = arith.constant 144 : i32
        %parallel_loop3A_180 = arith.addi %parallel_loop3A_160, %parallel_loop3A_179 : i32
        %parallel_loop3A_181 = arith.constant 160 : i32
        %parallel_loop3A_182 = arith.addi %parallel_loop3A_160, %parallel_loop3A_181 : i32
        %parallel_loop3A_183 = arith.constant 176 : i32
        %parallel_loop3A_184 = arith.addi %parallel_loop3A_160, %parallel_loop3A_183 : i32
        %parallel_loop3A_185 = arith.constant 192 : i32
        %parallel_loop3A_186 = arith.addi %parallel_loop3A_160, %parallel_loop3A_185 : i32
        %parallel_loop3A_187 = arith.constant 208 : i32
        %parallel_loop3A_188 = arith.addi %parallel_loop3A_160, %parallel_loop3A_187 : i32
        %parallel_loop3A_189 = arith.constant 224 : i32
        %parallel_loop3A_190 = arith.addi %parallel_loop3A_160, %parallel_loop3A_189 : i32
        %parallel_loop3A_191 = arith.constant 240 : i32
        %parallel_loop3A_192 = arith.addi %parallel_loop3A_160, %parallel_loop3A_191 : i32
        %parallel_loop3A_193 = arith.constant 1 : i32
        %parallel_loop3A_194 = arith.index_cast %parallel_loop3A_193 : i32 to index
        %parallel_loop3A_195 = arith.index_cast %parallel_loop3A_162 : i32 to index
        %parallel_loop3A_196 = tpu.vector_load %arg4[%parallel_loop3A_194, %parallel_loop3A_195] {strides = array<i32>} : memref<2x8192xf32, #tpu.memory_space<vmem>>, vector<16xf32>,
        %parallel_loop3A_197 = arith.constant 1 : i32
        %parallel_loop3A_198 = arith.index_cast %parallel_loop3A_197 : i32 to index
        %parallel_loop3A_199 = arith.index_cast %parallel_loop3A_164 : i32 to index
        %parallel_loop3A_200 = tpu.vector_load %arg4[%parallel_loop3A_198, %parallel_loop3A_199] {strides = array<i32>} : memref<2x8192xf32, #tpu.memory_space<vmem>>, vector<16xf32>,
        %parallel_loop3A_201 = arith.constant 1 : i32
        %parallel_loop3A_202 = arith.index_cast %parallel_loop3A_201 : i32 to index
        %parallel_loop3A_203 = arith.index_cast %parallel_loop3A_166 : i32 to index
        %parallel_loop3A_204 = tpu.vector_load %arg4[%parallel_loop3A_202, %parallel_loop3A_203] {strides = array<i32>} : memref<2x8192xf32, #tpu.memory_space<vmem>>, vector<16xf32>,
        %parallel_loop3A_205 = arith.constant 1 : i32
        %parallel_loop3A_206 = arith.index_cast %parallel_loop3A_205 : i32 to index
        %parallel_loop3A_207 = arith.index_cast %parallel_loop3A_168 : i32 to index
        %parallel_loop3A_208 = tpu.vector_load %arg4[%parallel_loop3A_206, %parallel_loop3A_207] {strides = array<i32>} : memref<2x8192xf32, #tpu.memory_space<vmem>>, vector<16xf32>,
        %parallel_loop3A_209 = arith.constant 1 : i32
        %parallel_loop3A_210 = arith.index_cast %parallel_loop3A_209 : i32 to index
        %parallel_loop3A_211 = arith.index_cast %parallel_loop3A_170 : i32 to index
        %parallel_loop3A_212 = tpu.vector_load %arg4[%parallel_loop3A_210, %parallel_loop3A_211] {strides = array<i32>} : memref<2x8192xf32, #tpu.memory_space<vmem>>, vector<16xf32>,
        %parallel_loop3A_213 = arith.constant 1 : i32
        %parallel_loop3A_214 = arith.index_cast %parallel_loop3A_213 : i32 to index
        %parallel_loop3A_215 = arith.index_cast %parallel_loop3A_172 : i32 to index
        %parallel_loop3A_216 = tpu.vector_load %arg4[%parallel_loop3A_214, %parallel_loop3A_215] {strides = array<i32>} : memref<2x8192xf32, #tpu.memory_space<vmem>>, vector<16xf32>,
        %parallel_loop3A_217 = arith.constant 1 : i32
        %parallel_loop3A_218 = arith.index_cast %parallel_loop3A_217 : i32 to index
        %parallel_loop3A_219 = arith.index_cast %parallel_loop3A_174 : i32 to index
        %parallel_loop3A_220 = tpu.vector_load %arg4[%parallel_loop3A_218, %parallel_loop3A_219] {strides = array<i32>} : memref<2x8192xf32, #tpu.memory_space<vmem>>, vector<16xf32>,
        %parallel_loop3A_221 = arith.constant 1 : i32
        %parallel_loop3A_222 = arith.index_cast %parallel_loop3A_221 : i32 to index
        %parallel_loop3A_223 = arith.index_cast %parallel_loop3A_176 : i32 to index
        %parallel_loop3A_224 = tpu.vector_load %arg4[%parallel_loop3A_222, %parallel_loop3A_223] {strides = array<i32>} : memref<2x8192xf32, #tpu.memory_space<vmem>>, vector<16xf32>,
        %parallel_loop3A_225 = arith.constant 1 : i32
        %parallel_loop3A_226 = arith.index_cast %parallel_loop3A_225 : i32 to index
        %parallel_loop3A_227 = arith.index_cast %parallel_loop3A_178 : i32 to index
        %parallel_loop3A_228 = tpu.vector_load %arg4[%parallel_loop3A_226, %parallel_loop3A_227] {strides = array<i32>} : memref<2x8192xf32, #tpu.memory_space<vmem>>, vector<16xf32>,
        %parallel_loop3A_229 = arith.constant 1 : i32
        %parallel_loop3A_230 = arith.index_cast %parallel_loop3A_229 : i32 to index
        %parallel_loop3A_231 = arith.index_cast %parallel_loop3A_180 : i32 to index
        %parallel_loop3A_232 = tpu.vector_load %arg4[%parallel_loop3A_230, %parallel_loop3A_231] {strides = array<i32>} : memref<2x8192xf32, #tpu.memory_space<vmem>>, vector<16xf32>,
        %parallel_loop3A_233 = arith.constant 1 : i32
        %parallel_loop3A_234 = arith.index_cast %parallel_loop3A_233 : i32 to index
        %parallel_loop3A_235 = arith.index_cast %parallel_loop3A_182 : i32 to index
        %parallel_loop3A_236 = tpu.vector_load %arg4[%parallel_loop3A_234, %parallel_loop3A_235] {strides = array<i32>} : memref<2x8192xf32, #tpu.memory_space<vmem>>, vector<16xf32>,
        %parallel_loop3A_237 = arith.constant 1 : i32
        %parallel_loop3A_238 = arith.index_cast %parallel_loop3A_237 : i32 to index
        %parallel_loop3A_239 = arith.index_cast %parallel_loop3A_184 : i32 to index
        %parallel_loop3A_240 = tpu.vector_load %arg4[%parallel_loop3A_238, %parallel_loop3A_239] {strides = array<i32>} : memref<2x8192xf32, #tpu.memory_space<vmem>>, vector<16xf32>,
        %parallel_loop3A_241 = arith.constant 1 : i32
        %parallel_loop3A_242 = arith.index_cast %parallel_loop3A_241 : i32 to index
        %parallel_loop3A_243 = arith.index_cast %parallel_loop3A_186 : i32 to index
        %parallel_loop3A_244 = tpu.vector_load %arg4[%parallel_loop3A_242, %parallel_loop3A_243] {strides = array<i32>} : memref<2x8192xf32, #tpu.memory_space<vmem>>, vector<16xf32>,
        %parallel_loop3A_245 = arith.constant 1 : i32
        %parallel_loop3A_246 = arith.index_cast %parallel_loop3A_245 : i32 to index
        %parallel_loop3A_247 = arith.index_cast %parallel_loop3A_188 : i32 to index
        %parallel_loop3A_248 = tpu.vector_load %arg4[%parallel_loop3A_246, %parallel_loop3A_247] {strides = array<i32>} : memref<2x8192xf32, #tpu.memory_space<vmem>>, vector<16xf32>,
        %parallel_loop3A_249 = arith.constant 1 : i32
        %parallel_loop3A_250 = arith.index_cast %parallel_loop3A_249 : i32 to index
        %parallel_loop3A_251 = arith.index_cast %parallel_loop3A_190 : i32 to index
        %parallel_loop3A_252 = tpu.vector_load %arg4[%parallel_loop3A_250, %parallel_loop3A_251] {strides = array<i32>} : memref<2x8192xf32, #tpu.memory_space<vmem>>, vector<16xf32>,
        %parallel_loop3A_253 = arith.constant 1 : i32
        %parallel_loop3A_254 = arith.index_cast %parallel_loop3A_253 : i32 to index
        %parallel_loop3A_255 = arith.index_cast %parallel_loop3A_192 : i32 to index
        %parallel_loop3A_256 = tpu.vector_load %arg4[%parallel_loop3A_254, %parallel_loop3A_255] {strides = array<i32>} : memref<2x8192xf32, #tpu.memory_space<vmem>>, vector<16xf32>,
        %parallel_loop3A_257 = arith.constant true
        %parallel_loop3A_258 = vector.broadcast %parallel_loop3A_257 : i1 to vector<16xi1>
        %parallel_loop3A_259 = tpu.scan <sum>, %parallel_loop3A_196 masked %parallel_loop3A_258 : vector<16xf32>, vector<16xi1> -> vector<16xf32>
        %parallel_loop3A_260 = arith.constant true
        %parallel_loop3A_261 = vector.broadcast %parallel_loop3A_260 : i1 to vector<16xi1>
        %parallel_loop3A_262 = tpu.scan <sum>, %parallel_loop3A_200 masked %parallel_loop3A_261 : vector<16xf32>, vector<16xi1> -> vector<16xf32>
        %parallel_loop3A_263 = arith.constant true
        %parallel_loop3A_264 = vector.broadcast %parallel_loop3A_263 : i1 to vector<16xi1>
        %parallel_loop3A_265 = tpu.scan <sum>, %parallel_loop3A_204 masked %parallel_loop3A_264 : vector<16xf32>, vector<16xi1> -> vector<16xf32>
        %parallel_loop3A_266 = arith.constant true
        %parallel_loop3A_267 = vector.broadcast %parallel_loop3A_266 : i1 to vector<16xi1>
        %parallel_loop3A_268 = tpu.scan <sum>, %parallel_loop3A_208 masked %parallel_loop3A_267 : vector<16xf32>, vector<16xi1> -> vector<16xf32>
        %parallel_loop3A_269 = arith.constant true
        %parallel_loop3A_270 = vector.broadcast %parallel_loop3A_269 : i1 to vector<16xi1>
        %parallel_loop3A_271 = tpu.scan <sum>, %parallel_loop3A_212 masked %parallel_loop3A_270 : vector<16xf32>, vector<16xi1> -> vector<16xf32>
        %parallel_loop3A_272 = arith.constant true
        %parallel_loop3A_273 = vector.broadcast %parallel_loop3A_272 : i1 to vector<16xi1>
        %parallel_loop3A_274 = tpu.scan <sum>, %parallel_loop3A_216 masked %parallel_loop3A_273 : vector<16xf32>, vector<16xi1> -> vector<16xf32>
        %parallel_loop3A_275 = arith.constant true
        %parallel_loop3A_276 = vector.broadcast %parallel_loop3A_275 : i1 to vector<16xi1>
        %parallel_loop3A_277 = tpu.scan <sum>, %parallel_loop3A_220 masked %parallel_loop3A_276 : vector<16xf32>, vector<16xi1> -> vector<16xf32>
        %parallel_loop3A_278 = arith.constant true
        %parallel_loop3A_279 = vector.broadcast %parallel_loop3A_278 : i1 to vector<16xi1>
        %parallel_loop3A_280 = tpu.scan <sum>, %parallel_loop3A_224 masked %parallel_loop3A_279 : vector<16xf32>, vector<16xi1> -> vector<16xf32>
        %parallel_loop3A_281 = arith.constant true
        %parallel_loop3A_282 = vector.broadcast %parallel_loop3A_281 : i1 to vector<16xi1>
        %parallel_loop3A_283 = tpu.scan <sum>, %parallel_loop3A_228 masked %parallel_loop3A_282 : vector<16xf32>, vector<16xi1> -> vector<16xf32>
        %parallel_loop3A_284 = arith.constant true
        %parallel_loop3A_285 = vector.broadcast %parallel_loop3A_284 : i1 to vector<16xi1>
        %parallel_loop3A_286 = tpu.scan <sum>, %parallel_loop3A_232 masked %parallel_loop3A_285 : vector<16xf32>, vector<16xi1> -> vector<16xf32>
        %parallel_loop3A_287 = arith.constant true
        %parallel_loop3A_288 = vector.broadcast %parallel_loop3A_287 : i1 to vector<16xi1>
        %parallel_loop3A_289 = tpu.scan <sum>, %parallel_loop3A_236 masked %parallel_loop3A_288 : vector<16xf32>, vector<16xi1> -> vector<16xf32>
        %parallel_loop3A_290 = arith.constant true
        %parallel_loop3A_291 = vector.broadcast %parallel_loop3A_290 : i1 to vector<16xi1>
        %parallel_loop3A_292 = tpu.scan <sum>, %parallel_loop3A_240 masked %parallel_loop3A_291 : vector<16xf32>, vector<16xi1> -> vector<16xf32>
        %parallel_loop3A_293 = arith.constant true
        %parallel_loop3A_294 = vector.broadcast %parallel_loop3A_293 : i1 to vector<16xi1>
        %parallel_loop3A_295 = tpu.scan <sum>, %parallel_loop3A_244 masked %parallel_loop3A_294 : vector<16xf32>, vector<16xi1> -> vector<16xf32>
        %parallel_loop3A_296 = arith.constant true
        %parallel_loop3A_297 = vector.broadcast %parallel_loop3A_296 : i1 to vector<16xi1>
        %parallel_loop3A_298 = tpu.scan <sum>, %parallel_loop3A_248 masked %parallel_loop3A_297 : vector<16xf32>, vector<16xi1> -> vector<16xf32>
        %parallel_loop3A_299 = arith.constant true
        %parallel_loop3A_300 = vector.broadcast %parallel_loop3A_299 : i1 to vector<16xi1>
        %parallel_loop3A_301 = tpu.scan <sum>, %parallel_loop3A_252 masked %parallel_loop3A_300 : vector<16xf32>, vector<16xi1> -> vector<16xf32>
        %parallel_loop3A_302 = arith.constant true
        %parallel_loop3A_303 = vector.broadcast %parallel_loop3A_302 : i1 to vector<16xi1>
        %parallel_loop3A_304 = tpu.scan <sum>, %parallel_loop3A_256 masked %parallel_loop3A_303 : vector<16xf32>, vector<16xi1> -> vector<16xf32>
        %parallel_loop3A_305 = arith.addf %parallel_loop3A_259, %parallel_loop3A_262 : vector<16xf32>
        %parallel_loop3A_306 = arith.addf %parallel_loop3A_265, %parallel_loop3A_268 : vector<16xf32>
        %parallel_loop3A_307 = arith.addf %parallel_loop3A_305, %parallel_loop3A_265 : vector<16xf32>
        %parallel_loop3A_308 = arith.addf %parallel_loop3A_305, %parallel_loop3A_306 : vector<16xf32>
        %parallel_loop3A_309 = arith.addf %parallel_loop3A_271, %parallel_loop3A_274 : vector<16xf32>
        %parallel_loop3A_310 = arith.addf %parallel_loop3A_277, %parallel_loop3A_280 : vector<16xf32>
        %parallel_loop3A_311 = arith.addf %parallel_loop3A_309, %parallel_loop3A_277 : vector<16xf32>
        %parallel_loop3A_312 = arith.addf %parallel_loop3A_309, %parallel_loop3A_310 : vector<16xf32>
        %parallel_loop3A_313 = arith.addf %parallel_loop3A_308, %parallel_loop3A_271 : vector<16xf32>
        %parallel_loop3A_314 = arith.addf %parallel_loop3A_308, %parallel_loop3A_309 : vector<16xf32>
        %parallel_loop3A_315 = arith.addf %parallel_loop3A_308, %parallel_loop3A_311 : vector<16xf32>
        %parallel_loop3A_316 = arith.addf %parallel_loop3A_308, %parallel_loop3A_312 : vector<16xf32>
        %parallel_loop3A_317 = arith.addf %parallel_loop3A_283, %parallel_loop3A_286 : vector<16xf32>
        %parallel_loop3A_318 = arith.addf %parallel_loop3A_289, %parallel_loop3A_292 : vector<16xf32>
        %parallel_loop3A_319 = arith.addf %parallel_loop3A_317, %parallel_loop3A_289 : vector<16xf32>
        %parallel_loop3A_320 = arith.addf %parallel_loop3A_317, %parallel_loop3A_318 : vector<16xf32>
        %parallel_loop3A_321 = arith.addf %parallel_loop3A_295, %parallel_loop3A_298 : vector<16xf32>
        %parallel_loop3A_322 = arith.addf %parallel_loop3A_301, %parallel_loop3A_304 : vector<16xf32>
        %parallel_loop3A_323 = arith.addf %parallel_loop3A_321, %parallel_loop3A_301 : vector<16xf32>
        %parallel_loop3A_324 = arith.addf %parallel_loop3A_321, %parallel_loop3A_322 : vector<16xf32>
        %parallel_loop3A_325 = arith.addf %parallel_loop3A_320, %parallel_loop3A_295 : vector<16xf32>
        %parallel_loop3A_326 = arith.addf %parallel_loop3A_320, %parallel_loop3A_321 : vector<16xf32>
        %parallel_loop3A_327 = arith.addf %parallel_loop3A_320, %parallel_loop3A_323 : vector<16xf32>
        %parallel_loop3A_328 = arith.addf %parallel_loop3A_320, %parallel_loop3A_324 : vector<16xf32>
        %parallel_loop3A_329 = arith.addf %parallel_loop3A_316, %parallel_loop3A_283 : vector<16xf32>
        %parallel_loop3A_330 = arith.addf %parallel_loop3A_316, %parallel_loop3A_317 : vector<16xf32>
        %parallel_loop3A_331 = arith.addf %parallel_loop3A_316, %parallel_loop3A_319 : vector<16xf32>
        %parallel_loop3A_332 = arith.addf %parallel_loop3A_316, %parallel_loop3A_320 : vector<16xf32>
        %parallel_loop3A_333 = arith.addf %parallel_loop3A_316, %parallel_loop3A_325 : vector<16xf32>
        %parallel_loop3A_334 = arith.addf %parallel_loop3A_316, %parallel_loop3A_326 : vector<16xf32>
        %parallel_loop3A_335 = arith.addf %parallel_loop3A_316, %parallel_loop3A_327 : vector<16xf32>
        %parallel_loop3A_336 = arith.addf %parallel_loop3A_316, %parallel_loop3A_328 : vector<16xf32>
        %parallel_loop3A_337 = vector.broadcast %parallel_loop3A_157 : f32 to vector<16xf32>
        %parallel_loop3A_338 = arith.addf %parallel_loop3A_259, %parallel_loop3A_337 : vector<16xf32>
        %parallel_loop3A_339 = arith.constant 1 : i32
        %parallel_loop3A_340 = arith.index_cast %parallel_loop3A_339 : i32 to index
        %parallel_loop3A_341 = arith.index_cast %parallel_loop3A_162 : i32 to index
        %parallel_loop3A_342 = tpu.vector_load %arg4[%parallel_loop3A_340, %parallel_loop3A_341] {strides = array<i32>} : memref<2x8192xf32, #tpu.memory_space<vmem>>, vector<16xf32>,
        tpu.vector_store %arg4[%parallel_loop3A_340, %parallel_loop3A_341], %parallel_loop3A_338 {strides = array<i32>} : memref<2x8192xf32, #tpu.memory_space<vmem>>, vector<16xf32>,
        %parallel_loop3A_343 = vector.extract_strided_slice %parallel_loop3A_259 {offsets = [15], sizes = [1], strides = [1]} : vector<16xf32> to vector<1xf32>
        %parallel_loop3A_344 = vector.extract %parallel_loop3A_343[0] : f32 from vector<1xf32>
        %parallel_loop3A_345 = vector.broadcast %parallel_loop3A_344 : f32 to vector<16xf32>
        %parallel_loop3A_346 = arith.addf %parallel_loop3A_262, %parallel_loop3A_345 : vector<16xf32>
        %parallel_loop3A_347 = vector.broadcast %parallel_loop3A_157 : f32 to vector<16xf32>
        %parallel_loop3A_348 = arith.addf %parallel_loop3A_346, %parallel_loop3A_347 : vector<16xf32>
        %parallel_loop3A_349 = arith.constant 1 : i32
        %parallel_loop3A_350 = arith.index_cast %parallel_loop3A_349 : i32 to index
        %parallel_loop3A_351 = arith.index_cast %parallel_loop3A_164 : i32 to index
        %parallel_loop3A_352 = tpu.vector_load %arg4[%parallel_loop3A_350, %parallel_loop3A_351] {strides = array<i32>} : memref<2x8192xf32, #tpu.memory_space<vmem>>, vector<16xf32>,
        tpu.vector_store %arg4[%parallel_loop3A_350, %parallel_loop3A_351], %parallel_loop3A_348 {strides = array<i32>} : memref<2x8192xf32, #tpu.memory_space<vmem>>, vector<16xf32>,
        %parallel_loop3A_353 = vector.extract_strided_slice %parallel_loop3A_305 {offsets = [15], sizes = [1], strides = [1]} : vector<16xf32> to vector<1xf32>
        %parallel_loop3A_354 = vector.extract %parallel_loop3A_353[0] : f32 from vector<1xf32>
        %parallel_loop3A_355 = vector.broadcast %parallel_loop3A_354 : f32 to vector<16xf32>
        %parallel_loop3A_356 = arith.addf %parallel_loop3A_265, %parallel_loop3A_355 : vector<16xf32>
        %parallel_loop3A_357 = vector.broadcast %parallel_loop3A_157 : f32 to vector<16xf32>
        %parallel_loop3A_358 = arith.addf %parallel_loop3A_356, %parallel_loop3A_357 : vector<16xf32>
        %parallel_loop3A_359 = arith.constant 1 : i32
        %parallel_loop3A_360 = arith.index_cast %parallel_loop3A_359 : i32 to index
        %parallel_loop3A_361 = arith.index_cast %parallel_loop3A_166 : i32 to index
        %parallel_loop3A_362 = tpu.vector_load %arg4[%parallel_loop3A_360, %parallel_loop3A_361] {strides = array<i32>} : memref<2x8192xf32, #tpu.memory_space<vmem>>, vector<16xf32>,
        tpu.vector_store %arg4[%parallel_loop3A_360, %parallel_loop3A_361], %parallel_loop3A_358 {strides = array<i32>} : memref<2x8192xf32, #tpu.memory_space<vmem>>, vector<16xf32>,
        %parallel_loop3A_363 = vector.extract_strided_slice %parallel_loop3A_307 {offsets = [15], sizes = [1], strides = [1]} : vector<16xf32> to vector<1xf32>
        %parallel_loop3A_364 = vector.extract %parallel_loop3A_363[0] : f32 from vector<1xf32>
        %parallel_loop3A_365 = vector.broadcast %parallel_loop3A_364 : f32 to vector<16xf32>
        %parallel_loop3A_366 = arith.addf %parallel_loop3A_268, %parallel_loop3A_365 : vector<16xf32>
        %parallel_loop3A_367 = vector.broadcast %parallel_loop3A_157 : f32 to vector<16xf32>
        %parallel_loop3A_368 = arith.addf %parallel_loop3A_366, %parallel_loop3A_367 : vector<16xf32>
        %parallel_loop3A_369 = arith.constant 1 : i32
        %parallel_loop3A_370 = arith.index_cast %parallel_loop3A_369 : i32 to index
        %parallel_loop3A_371 = arith.index_cast %parallel_loop3A_168 : i32 to index
        %parallel_loop3A_372 = tpu.vector_load %arg4[%parallel_loop3A_370, %parallel_loop3A_371] {strides = array<i32>} : memref<2x8192xf32, #tpu.memory_space<vmem>>, vector<16xf32>,
        tpu.vector_store %arg4[%parallel_loop3A_370, %parallel_loop3A_371], %parallel_loop3A_368 {strides = array<i32>} : memref<2x8192xf32, #tpu.memory_space<vmem>>, vector<16xf32>,
        %parallel_loop3A_373 = vector.extract_strided_slice %parallel_loop3A_308 {offsets = [15], sizes = [1], strides = [1]} : vector<16xf32> to vector<1xf32>
        %parallel_loop3A_374 = vector.extract %parallel_loop3A_373[0] : f32 from vector<1xf32>
        %parallel_loop3A_375 = vector.broadcast %parallel_loop3A_374 : f32 to vector<16xf32>
        %parallel_loop3A_376 = arith.addf %parallel_loop3A_271, %parallel_loop3A_375 : vector<16xf32>
        %parallel_loop3A_377 = vector.broadcast %parallel_loop3A_157 : f32 to vector<16xf32>
        %parallel_loop3A_378 = arith.addf %parallel_loop3A_376, %parallel_loop3A_377 : vector<16xf32>
        %parallel_loop3A_379 = arith.constant 1 : i32
        %parallel_loop3A_380 = arith.index_cast %parallel_loop3A_379 : i32 to index
        %parallel_loop3A_381 = arith.index_cast %parallel_loop3A_170 : i32 to index
        %parallel_loop3A_382 = tpu.vector_load %arg4[%parallel_loop3A_380, %parallel_loop3A_381] {strides = array<i32>} : memref<2x8192xf32, #tpu.memory_space<vmem>>, vector<16xf32>,
        tpu.vector_store %arg4[%parallel_loop3A_380, %parallel_loop3A_381], %parallel_loop3A_378 {strides = array<i32>} : memref<2x8192xf32, #tpu.memory_space<vmem>>, vector<16xf32>,
        %parallel_loop3A_383 = vector.extract_strided_slice %parallel_loop3A_313 {offsets = [15], sizes = [1], strides = [1]} : vector<16xf32> to vector<1xf32>
        %parallel_loop3A_384 = vector.extract %parallel_loop3A_383[0] : f32 from vector<1xf32>
        %parallel_loop3A_385 = vector.broadcast %parallel_loop3A_384 : f32 to vector<16xf32>
        %parallel_loop3A_386 = arith.addf %parallel_loop3A_274, %parallel_loop3A_385 : vector<16xf32>
        %parallel_loop3A_387 = vector.broadcast %parallel_loop3A_157 : f32 to vector<16xf32>
        %parallel_loop3A_388 = arith.addf %parallel_loop3A_386, %parallel_loop3A_387 : vector<16xf32>
        %parallel_loop3A_389 = arith.constant 1 : i32
        %parallel_loop3A_390 = arith.index_cast %parallel_loop3A_389 : i32 to index
        %parallel_loop3A_391 = arith.index_cast %parallel_loop3A_172 : i32 to index
        %parallel_loop3A_392 = tpu.vector_load %arg4[%parallel_loop3A_390, %parallel_loop3A_391] {strides = array<i32>} : memref<2x8192xf32, #tpu.memory_space<vmem>>, vector<16xf32>,
        tpu.vector_store %arg4[%parallel_loop3A_390, %parallel_loop3A_391], %parallel_loop3A_388 {strides = array<i32>} : memref<2x8192xf32, #tpu.memory_space<vmem>>, vector<16xf32>,
        %parallel_loop3A_393 = vector.extract_strided_slice %parallel_loop3A_314 {offsets = [15], sizes = [1], strides = [1]} : vector<16xf32> to vector<1xf32>
        %parallel_loop3A_394 = vector.extract %parallel_loop3A_393[0] : f32 from vector<1xf32>
        %parallel_loop3A_395 = vector.broadcast %parallel_loop3A_394 : f32 to vector<16xf32>
        %parallel_loop3A_396 = arith.addf %parallel_loop3A_277, %parallel_loop3A_395 : vector<16xf32>
        %parallel_loop3A_397 = vector.broadcast %parallel_loop3A_157 : f32 to vector<16xf32>
        %parallel_loop3A_398 = arith.addf %parallel_loop3A_396, %parallel_loop3A_397 : vector<16xf32>
        %parallel_loop3A_399 = arith.constant 1 : i32
        %parallel_loop3A_400 = arith.index_cast %parallel_loop3A_399 : i32 to index
        %parallel_loop3A_401 = arith.index_cast %parallel_loop3A_174 : i32 to index
        %parallel_loop3A_402 = tpu.vector_load %arg4[%parallel_loop3A_400, %parallel_loop3A_401] {strides = array<i32>} : memref<2x8192xf32, #tpu.memory_space<vmem>>, vector<16xf32>,
        tpu.vector_store %arg4[%parallel_loop3A_400, %parallel_loop3A_401], %parallel_loop3A_398 {strides = array<i32>} : memref<2x8192xf32, #tpu.memory_space<vmem>>, vector<16xf32>,
        %parallel_loop3A_403 = vector.extract_strided_slice %parallel_loop3A_315 {offsets = [15], sizes = [1], strides = [1]} : vector<16xf32> to vector<1xf32>
        %parallel_loop3A_404 = vector.extract %parallel_loop3A_403[0] : f32 from vector<1xf32>
        %parallel_loop3A_405 = vector.broadcast %parallel_loop3A_404 : f32 to vector<16xf32>
        %parallel_loop3A_406 = arith.addf %parallel_loop3A_280, %parallel_loop3A_405 : vector<16xf32>
        %parallel_loop3A_407 = vector.broadcast %parallel_loop3A_157 : f32 to vector<16xf32>
        %parallel_loop3A_408 = arith.addf %parallel_loop3A_406, %parallel_loop3A_407 : vector<16xf32>
        %parallel_loop3A_409 = arith.constant 1 : i32
        %parallel_loop3A_410 = arith.index_cast %parallel_loop3A_409 : i32 to index
        %parallel_loop3A_411 = arith.index_cast %parallel_loop3A_176 : i32 to index
        %parallel_loop3A_412 = tpu.vector_load %arg4[%parallel_loop3A_410, %parallel_loop3A_411] {strides = array<i32>} : memref<2x8192xf32, #tpu.memory_space<vmem>>, vector<16xf32>,
        tpu.vector_store %arg4[%parallel_loop3A_410, %parallel_loop3A_411], %parallel_loop3A_408 {strides = array<i32>} : memref<2x8192xf32, #tpu.memory_space<vmem>>, vector<16xf32>,
        %parallel_loop3A_413 = vector.extract_strided_slice %parallel_loop3A_316 {offsets = [15], sizes = [1], strides = [1]} : vector<16xf32> to vector<1xf32>
        %parallel_loop3A_414 = vector.extract %parallel_loop3A_413[0] : f32 from vector<1xf32>
        %parallel_loop3A_415 = vector.broadcast %parallel_loop3A_414 : f32 to vector<16xf32>
        %parallel_loop3A_416 = arith.addf %parallel_loop3A_283, %parallel_loop3A_415 : vector<16xf32>
        %parallel_loop3A_417 = vector.broadcast %parallel_loop3A_157 : f32 to vector<16xf32>
        %parallel_loop3A_418 = arith.addf %parallel_loop3A_416, %parallel_loop3A_417 : vector<16xf32>
        %parallel_loop3A_419 = arith.constant 1 : i32
        %parallel_loop3A_420 = arith.index_cast %parallel_loop3A_419 : i32 to index
        %parallel_loop3A_421 = arith.index_cast %parallel_loop3A_178 : i32 to index
        %parallel_loop3A_422 = tpu.vector_load %arg4[%parallel_loop3A_420, %parallel_loop3A_421] {strides = array<i32>} : memref<2x8192xf32, #tpu.memory_space<vmem>>, vector<16xf32>,
        tpu.vector_store %arg4[%parallel_loop3A_420, %parallel_loop3A_421], %parallel_loop3A_418 {strides = array<i32>} : memref<2x8192xf32, #tpu.memory_space<vmem>>, vector<16xf32>,
        %parallel_loop3A_423 = vector.extract_strided_slice %parallel_loop3A_329 {offsets = [15], sizes = [1], strides = [1]} : vector<16xf32> to vector<1xf32>
        %parallel_loop3A_424 = vector.extract %parallel_loop3A_423[0] : f32 from vector<1xf32>
        %parallel_loop3A_425 = vector.broadcast %parallel_loop3A_424 : f32 to vector<16xf32>
        %parallel_loop3A_426 = arith.addf %parallel_loop3A_286, %parallel_loop3A_425 : vector<16xf32>
        %parallel_loop3A_427 = vector.broadcast %parallel_loop3A_157 : f32 to vector<16xf32>
        %parallel_loop3A_428 = arith.addf %parallel_loop3A_426, %parallel_loop3A_427 : vector<16xf32>
        %parallel_loop3A_429 = arith.constant 1 : i32
        %parallel_loop3A_430 = arith.index_cast %parallel_loop3A_429 : i32 to index
        %parallel_loop3A_431 = arith.index_cast %parallel_loop3A_180 : i32 to index
        %parallel_loop3A_432 = tpu.vector_load %arg4[%parallel_loop3A_430, %parallel_loop3A_431] {strides = array<i32>} : memref<2x8192xf32, #tpu.memory_space<vmem>>, vector<16xf32>,
        tpu.vector_store %arg4[%parallel_loop3A_430, %parallel_loop3A_431], %parallel_loop3A_428 {strides = array<i32>} : memref<2x8192xf32, #tpu.memory_space<vmem>>, vector<16xf32>,
        %parallel_loop3A_433 = vector.extract_strided_slice %parallel_loop3A_330 {offsets = [15], sizes = [1], strides = [1]} : vector<16xf32> to vector<1xf32>
        %parallel_loop3A_434 = vector.extract %parallel_loop3A_433[0] : f32 from vector<1xf32>
        %parallel_loop3A_435 = vector.broadcast %parallel_loop3A_434 : f32 to vector<16xf32>
        %parallel_loop3A_436 = arith.addf %parallel_loop3A_289, %parallel_loop3A_435 : vector<16xf32>
        %parallel_loop3A_437 = vector.broadcast %parallel_loop3A_157 : f32 to vector<16xf32>
        %parallel_loop3A_438 = arith.addf %parallel_loop3A_436, %parallel_loop3A_437 : vector<16xf32>
        %parallel_loop3A_439 = arith.constant 1 : i32
        %parallel_loop3A_440 = arith.index_cast %parallel_loop3A_439 : i32 to index
        %parallel_loop3A_441 = arith.index_cast %parallel_loop3A_182 : i32 to index
        %parallel_loop3A_442 = tpu.vector_load %arg4[%parallel_loop3A_440, %parallel_loop3A_441] {strides = array<i32>} : memref<2x8192xf32, #tpu.memory_space<vmem>>, vector<16xf32>,
        tpu.vector_store %arg4[%parallel_loop3A_440, %parallel_loop3A_441], %parallel_loop3A_438 {strides = array<i32>} : memref<2x8192xf32, #tpu.memory_space<vmem>>, vector<16xf32>,
        %parallel_loop3A_443 = vector.extract_strided_slice %parallel_loop3A_331 {offsets = [15], sizes = [1], strides = [1]} : vector<16xf32> to vector<1xf32>
        %parallel_loop3A_444 = vector.extract %parallel_loop3A_443[0] : f32 from vector<1xf32>
        %parallel_loop3A_445 = vector.broadcast %parallel_loop3A_444 : f32 to vector<16xf32>
        %parallel_loop3A_446 = arith.addf %parallel_loop3A_292, %parallel_loop3A_445 : vector<16xf32>
        %parallel_loop3A_447 = vector.broadcast %parallel_loop3A_157 : f32 to vector<16xf32>
        %parallel_loop3A_448 = arith.addf %parallel_loop3A_446, %parallel_loop3A_447 : vector<16xf32>
        %parallel_loop3A_449 = arith.constant 1 : i32
        %parallel_loop3A_450 = arith.index_cast %parallel_loop3A_449 : i32 to index
        %parallel_loop3A_451 = arith.index_cast %parallel_loop3A_184 : i32 to index
        %parallel_loop3A_452 = tpu.vector_load %arg4[%parallel_loop3A_450, %parallel_loop3A_451] {strides = array<i32>} : memref<2x8192xf32, #tpu.memory_space<vmem>>, vector<16xf32>,
        tpu.vector_store %arg4[%parallel_loop3A_450, %parallel_loop3A_451], %parallel_loop3A_448 {strides = array<i32>} : memref<2x8192xf32, #tpu.memory_space<vmem>>, vector<16xf32>,
        %parallel_loop3A_453 = vector.extract_strided_slice %parallel_loop3A_332 {offsets = [15], sizes = [1], strides = [1]} : vector<16xf32> to vector<1xf32>
        %parallel_loop3A_454 = vector.extract %parallel_loop3A_453[0] : f32 from vector<1xf32>
        %parallel_loop3A_455 = vector.broadcast %parallel_loop3A_454 : f32 to vector<16xf32>
        %parallel_loop3A_456 = arith.addf %parallel_loop3A_295, %parallel_loop3A_455 : vector<16xf32>
        %parallel_loop3A_457 = vector.broadcast %parallel_loop3A_157 : f32 to vector<16xf32>
        %parallel_loop3A_458 = arith.addf %parallel_loop3A_456, %parallel_loop3A_457 : vector<16xf32>
        %parallel_loop3A_459 = arith.constant 1 : i32
        %parallel_loop3A_460 = arith.index_cast %parallel_loop3A_459 : i32 to index
        %parallel_loop3A_461 = arith.index_cast %parallel_loop3A_186 : i32 to index
        %parallel_loop3A_462 = tpu.vector_load %arg4[%parallel_loop3A_460, %parallel_loop3A_461] {strides = array<i32>} : memref<2x8192xf32, #tpu.memory_space<vmem>>, vector<16xf32>,
        tpu.vector_store %arg4[%parallel_loop3A_460, %parallel_loop3A_461], %parallel_loop3A_458 {strides = array<i32>} : memref<2x8192xf32, #tpu.memory_space<vmem>>, vector<16xf32>,
        %parallel_loop3A_463 = vector.extract_strided_slice %parallel_loop3A_333 {offsets = [15], sizes = [1], strides = [1]} : vector<16xf32> to vector<1xf32>
        %parallel_loop3A_464 = vector.extract %parallel_loop3A_463[0] : f32 from vector<1xf32>
        %parallel_loop3A_465 = vector.broadcast %parallel_loop3A_464 : f32 to vector<16xf32>
        %parallel_loop3A_466 = arith.addf %parallel_loop3A_298, %parallel_loop3A_465 : vector<16xf32>
        %parallel_loop3A_467 = vector.broadcast %parallel_loop3A_157 : f32 to vector<16xf32>
        %parallel_loop3A_468 = arith.addf %parallel_loop3A_466, %parallel_loop3A_467 : vector<16xf32>
        %parallel_loop3A_469 = arith.constant 1 : i32
        %parallel_loop3A_470 = arith.index_cast %parallel_loop3A_469 : i32 to index
        %parallel_loop3A_471 = arith.index_cast %parallel_loop3A_188 : i32 to index
        %parallel_loop3A_472 = tpu.vector_load %arg4[%parallel_loop3A_470, %parallel_loop3A_471] {strides = array<i32>} : memref<2x8192xf32, #tpu.memory_space<vmem>>, vector<16xf32>,
        tpu.vector_store %arg4[%parallel_loop3A_470, %parallel_loop3A_471], %parallel_loop3A_468 {strides = array<i32>} : memref<2x8192xf32, #tpu.memory_space<vmem>>, vector<16xf32>,
        %parallel_loop3A_473 = vector.extract_strided_slice %parallel_loop3A_334 {offsets = [15], sizes = [1], strides = [1]} : vector<16xf32> to vector<1xf32>
        %parallel_loop3A_474 = vector.extract %parallel_loop3A_473[0] : f32 from vector<1xf32>
        %parallel_loop3A_475 = vector.broadcast %parallel_loop3A_474 : f32 to vector<16xf32>
        %parallel_loop3A_476 = arith.addf %parallel_loop3A_301, %parallel_loop3A_475 : vector<16xf32>
        %parallel_loop3A_477 = vector.broadcast %parallel_loop3A_157 : f32 to vector<16xf32>
        %parallel_loop3A_478 = arith.addf %parallel_loop3A_476, %parallel_loop3A_477 : vector<16xf32>
        %parallel_loop3A_479 = arith.constant 1 : i32
        %parallel_loop3A_480 = arith.index_cast %parallel_loop3A_479 : i32 to index
        %parallel_loop3A_481 = arith.index_cast %parallel_loop3A_190 : i32 to index
        %parallel_loop3A_482 = tpu.vector_load %arg4[%parallel_loop3A_480, %parallel_loop3A_481] {strides = array<i32>} : memref<2x8192xf32, #tpu.memory_space<vmem>>, vector<16xf32>,
        tpu.vector_store %arg4[%parallel_loop3A_480, %parallel_loop3A_481], %parallel_loop3A_478 {strides = array<i32>} : memref<2x8192xf32, #tpu.memory_space<vmem>>, vector<16xf32>,
        %parallel_loop3A_483 = vector.extract_strided_slice %parallel_loop3A_335 {offsets = [15], sizes = [1], strides = [1]} : vector<16xf32> to vector<1xf32>
        %parallel_loop3A_484 = vector.extract %parallel_loop3A_483[0] : f32 from vector<1xf32>
        %parallel_loop3A_485 = vector.broadcast %parallel_loop3A_484 : f32 to vector<16xf32>
        %parallel_loop3A_486 = arith.addf %parallel_loop3A_304, %parallel_loop3A_485 : vector<16xf32>
        %parallel_loop3A_487 = vector.broadcast %parallel_loop3A_157 : f32 to vector<16xf32>
        %parallel_loop3A_488 = arith.addf %parallel_loop3A_486, %parallel_loop3A_487 : vector<16xf32>
        %parallel_loop3A_489 = arith.constant 1 : i32
        %parallel_loop3A_490 = arith.index_cast %parallel_loop3A_489 : i32 to index
        %parallel_loop3A_491 = arith.index_cast %parallel_loop3A_192 : i32 to index
        %parallel_loop3A_492 = tpu.vector_load %arg4[%parallel_loop3A_490, %parallel_loop3A_491] {strides = array<i32>} : memref<2x8192xf32, #tpu.memory_space<vmem>>, vector<16xf32>,
        tpu.vector_store %arg4[%parallel_loop3A_490, %parallel_loop3A_491], %parallel_loop3A_488 {strides = array<i32>} : memref<2x8192xf32, #tpu.memory_space<vmem>>, vector<16xf32>,
        %parallel_loop3A_493 = vector.extract_strided_slice %parallel_loop3A_336 {offsets = [15], sizes = [1], strides = [1]} : vector<16xf32> to vector<1xf32>
        %parallel_loop3A_494 = vector.extract %parallel_loop3A_493[0] : f32 from vector<1xf32>
        %parallel_loop3A_495 = arith.addf %parallel_loop3A_157, %parallel_loop3A_494 : f32
        scf.yield %parallel_loop3A_495 : f32
      } {sc.loop_unroll_factor = 1 : i64, sc.parallel_access}
      %mul3A_52 = arith.constant 2 : i32
      %mul3A_53 = arith.muli %add3A_34, %mul3A_52 : i32
      %add3A_54 = arith.addi %mul3A_2, %mul3A_53 : i32
      %dma_start3A_55 = arith.constant 0 : i32
      %dma_start3A_56 = tpu.memref_slice %arg3[%add3A_54, %dma_start3A_55] : memref<4096x8192xf32, #tpu.memory_space<hbm>> -> memref<2x8192xf32, #tpu.memory_space<hbm>>
      %dma_start3A_57 = arith.constant 0 : i32
      %dma_start3A_58 = tpu.memref_slice %arg3[%add3A_54, %dma_start3A_57] : memref<4096x8192xf32, #tpu.memory_space<hbm>> -> memref<2x8192xf32, #tpu.memory_space<hbm>>
      tpu.enqueue_dma source(%arg4 : memref<2x8192xf32, #tpu.memory_space<vmem>>) target(%dma_start3A_58 : memref<2x8192xf32, #tpu.memory_space<hbm>>) target_semaphore(%arg12 : memref<!tpu.dma_semaphore, #tpu.memory_space<semaphore_mem>>)
      %mul3A_59 = arith.constant 4 : i32
      %mul3A_60 = arith.muli %scan3A_29, %mul3A_59 : i32
      %add3A_61 = arith.constant 1 : i32
      %add3A_62 = arith.addi %mul3A_60, %add3A_61 : i32
      %add3A_63 = arith.constant 1 : i32
      %add3A_64 = arith.addi %add3A_62, %add3A_63 : i32
      %lt3A_65 = arith.constant 64 : i32
      %lt3A_66 = arith.cmpi slt, %add3A_64, %lt3A_65 : i32
      %convert_element_type3A_67 = arith.extui %lt3A_66 : i1 to i32
      %cond3A_68 = arith.constant 0 : i32
      %cond3A_69 = arith.cmpi ne, %convert_element_type3A_67, %cond3A_68 : i32
      scf.if %cond3A_69 {
        %ge3A = arith.constant 4 : i32
        %ge3A_156 = arith.cmpi sge, %add3A_64, %ge3A : i32
        %convert_element_type3A_157 = arith.extui %ge3A_156 : i1 to i32
        %cond3A_158 = arith.constant 0 : i32
        %cond3A_159 = arith.cmpi ne, %convert_element_type3A_157, %cond3A_158 : i32
        scf.if %cond3A_159 {
          %dma_wait3A_167 = arith.constant 0 : i32
          %dma_wait3A_168 = tpu.memref_slice %arg3[%mul3A_2, %dma_wait3A_167] : memref<4096x8192xf32, #tpu.memory_space<hbm>> -> memref<2x8192xf32, #tpu.memory_space<hbm>>
          %dma_wait3A_169 = arith.constant 0 : i32
          %dma_wait3A_170 = tpu.memref_slice %arg3[%mul3A_2, %dma_wait3A_169] : memref<4096x8192xf32, #tpu.memory_space<hbm>> -> memref<2x8192xf32, #tpu.memory_space<hbm>>
          tpu.wait_dma2 semaphore(%arg14 : memref<!tpu.dma_semaphore, #tpu.memory_space<semaphore_mem>>) src(%arg6 : memref<2x8192xf32, #tpu.memory_space<vmem>>) dst(%dma_wait3A_170 : memref<2x8192xf32, #tpu.memory_space<hbm>>)
        } else {
        }
        %mul3A_160 = arith.constant 2 : i32
        %mul3A_161 = arith.muli %add3A_64, %mul3A_160 : i32
        %add3A_162 = arith.addi %mul3A_2, %mul3A_161 : i32
        %dma_start3A_163 = arith.constant 0 : i32
        %dma_start3A_164 = tpu.memref_slice %arg2[%add3A_162, %dma_start3A_163] : memref<4096x8192xf32, #tpu.memory_space<hbm>> -> memref<2x8192xf32, #tpu.memory_space<hbm>>
        %dma_start3A_165 = arith.constant 0 : i32
        %dma_start3A_166 = tpu.memref_slice %arg2[%add3A_162, %dma_start3A_165] : memref<4096x8192xf32, #tpu.memory_space<hbm>> -> memref<2x8192xf32, #tpu.memory_space<hbm>>
        tpu.enqueue_dma source(%dma_start3A_166 : memref<2x8192xf32, #tpu.memory_space<hbm>>) target(%arg6 : memref<2x8192xf32, #tpu.memory_space<vmem>>) target_semaphore(%arg10 : memref<!tpu.dma_semaphore, #tpu.memory_space<semaphore_mem>>)
      } else {
      }
      %dma_wait3A_70 = arith.constant 0 : i32
      %dma_wait3A_71 = tpu.memref_slice %arg2[%mul3A_2, %dma_wait3A_70] : memref<4096x8192xf32, #tpu.memory_space<hbm>> -> memref<2x8192xf32, #tpu.memory_space<hbm>>
      %dma_wait3A_72 = arith.constant 0 : i32
      %dma_wait3A_73 = tpu.memref_slice %arg2[%mul3A_2, %dma_wait3A_72] : memref<4096x8192xf32, #tpu.memory_space<hbm>> -> memref<2x8192xf32, #tpu.memory_space<hbm>>
      tpu.wait_dma2 semaphore(%arg9 : memref<!tpu.dma_semaphore, #tpu.memory_space<semaphore_mem>>) src(%dma_wait3A_73 : memref<2x8192xf32, #tpu.memory_space<hbm>>) dst(%arg5 : memref<2x8192xf32, #tpu.memory_space<vmem>>)
      %parallel_loop3A_74 = arith.constant 0 : i32
      %parallel_loop3A_75 = arith.constant 32 : i32
      %parallel_loop3A_76 = arith.constant 1 : i32
      %parallel_loop3A_77 = arith.constant 0.000000e+00 : f32
      %parallel_loop3A_78 = scf.for %parallel_loop3A_156 = %parallel_loop3A_74 to %parallel_loop3A_75 step %parallel_loop3A_76 iter_args(%parallel_loop3A_157 = %parallel_loop3A_77) -> (f32)  : i32 {
        %parallel_loop3A_158 = arith.constant 256 : i32
        %parallel_loop3A_159 = arith.muli %parallel_loop3A_156, %parallel_loop3A_158 : i32
        %parallel_loop3A_160 = tpu.assume_multiple %parallel_loop3A_159, 256 : i32
        %parallel_loop3A_161 = arith.constant 0 : i32
        %parallel_loop3A_162 = arith.addi %parallel_loop3A_160, %parallel_loop3A_161 : i32
        %parallel_loop3A_163 = arith.constant 16 : i32
        %parallel_loop3A_164 = arith.addi %parallel_loop3A_160, %parallel_loop3A_163 : i32
        %parallel_loop3A_165 = arith.constant 32 : i32
        %parallel_loop3A_166 = arith.addi %parallel_loop3A_160, %parallel_loop3A_165 : i32
        %parallel_loop3A_167 = arith.constant 48 : i32
        %parallel_loop3A_168 = arith.addi %parallel_loop3A_160, %parallel_loop3A_167 : i32
        %parallel_loop3A_169 = arith.constant 64 : i32
        %parallel_loop3A_170 = arith.addi %parallel_loop3A_160, %parallel_loop3A_169 : i32
        %parallel_loop3A_171 = arith.constant 80 : i32
        %parallel_loop3A_172 = arith.addi %parallel_loop3A_160, %parallel_loop3A_171 : i32
        %parallel_loop3A_173 = arith.constant 96 : i32
        %parallel_loop3A_174 = arith.addi %parallel_loop3A_160, %parallel_loop3A_173 : i32
        %parallel_loop3A_175 = arith.constant 112 : i32
        %parallel_loop3A_176 = arith.addi %parallel_loop3A_160, %parallel_loop3A_175 : i32
        %parallel_loop3A_177 = arith.constant 128 : i32
        %parallel_loop3A_178 = arith.addi %parallel_loop3A_160, %parallel_loop3A_177 : i32
        %parallel_loop3A_179 = arith.constant 144 : i32
        %parallel_loop3A_180 = arith.addi %parallel_loop3A_160, %parallel_loop3A_179 : i32
        %parallel_loop3A_181 = arith.constant 160 : i32
        %parallel_loop3A_182 = arith.addi %parallel_loop3A_160, %parallel_loop3A_181 : i32
        %parallel_loop3A_183 = arith.constant 176 : i32
        %parallel_loop3A_184 = arith.addi %parallel_loop3A_160, %parallel_loop3A_183 : i32
        %parallel_loop3A_185 = arith.constant 192 : i32
        %parallel_loop3A_186 = arith.addi %parallel_loop3A_160, %parallel_loop3A_185 : i32
        %parallel_loop3A_187 = arith.constant 208 : i32
        %parallel_loop3A_188 = arith.addi %parallel_loop3A_160, %parallel_loop3A_187 : i32
        %parallel_loop3A_189 = arith.constant 224 : i32
        %parallel_loop3A_190 = arith.addi %parallel_loop3A_160, %parallel_loop3A_189 : i32
        %parallel_loop3A_191 = arith.constant 240 : i32
        %parallel_loop3A_192 = arith.addi %parallel_loop3A_160, %parallel_loop3A_191 : i32
        %parallel_loop3A_193 = arith.constant 0 : i32
        %parallel_loop3A_194 = arith.index_cast %parallel_loop3A_193 : i32 to index
        %parallel_loop3A_195 = arith.index_cast %parallel_loop3A_162 : i32 to index
        %parallel_loop3A_196 = tpu.vector_load %arg5[%parallel_loop3A_194, %parallel_loop3A_195] {strides = array<i32>} : memref<2x8192xf32, #tpu.memory_space<vmem>>, vector<16xf32>,
        %parallel_loop3A_197 = arith.constant 0 : i32
        %parallel_loop3A_198 = arith.index_cast %parallel_loop3A_197 : i32 to index
        %parallel_loop3A_199 = arith.index_cast %parallel_loop3A_164 : i32 to index
        %parallel_loop3A_200 = tpu.vector_load %arg5[%parallel_loop3A_198, %parallel_loop3A_199] {strides = array<i32>} : memref<2x8192xf32, #tpu.memory_space<vmem>>, vector<16xf32>,
        %parallel_loop3A_201 = arith.constant 0 : i32
        %parallel_loop3A_202 = arith.index_cast %parallel_loop3A_201 : i32 to index
        %parallel_loop3A_203 = arith.index_cast %parallel_loop3A_166 : i32 to index
        %parallel_loop3A_204 = tpu.vector_load %arg5[%parallel_loop3A_202, %parallel_loop3A_203] {strides = array<i32>} : memref<2x8192xf32, #tpu.memory_space<vmem>>, vector<16xf32>,
        %parallel_loop3A_205 = arith.constant 0 : i32
        %parallel_loop3A_206 = arith.index_cast %parallel_loop3A_205 : i32 to index
        %parallel_loop3A_207 = arith.index_cast %parallel_loop3A_168 : i32 to index
        %parallel_loop3A_208 = tpu.vector_load %arg5[%parallel_loop3A_206, %parallel_loop3A_207] {strides = array<i32>} : memref<2x8192xf32, #tpu.memory_space<vmem>>, vector<16xf32>,
        %parallel_loop3A_209 = arith.constant 0 : i32
        %parallel_loop3A_210 = arith.index_cast %parallel_loop3A_209 : i32 to index
        %parallel_loop3A_211 = arith.index_cast %parallel_loop3A_170 : i32 to index
        %parallel_loop3A_212 = tpu.vector_load %arg5[%parallel_loop3A_210, %parallel_loop3A_211] {strides = array<i32>} : memref<2x8192xf32, #tpu.memory_space<vmem>>, vector<16xf32>,
        %parallel_loop3A_213 = arith.constant 0 : i32
        %parallel_loop3A_214 = arith.index_cast %parallel_loop3A_213 : i32 to index
        %parallel_loop3A_215 = arith.index_cast %parallel_loop3A_172 : i32 to index
        %parallel_loop3A_216 = tpu.vector_load %arg5[%parallel_loop3A_214, %parallel_loop3A_215] {strides = array<i32>} : memref<2x8192xf32, #tpu.memory_space<vmem>>, vector<16xf32>,
        %parallel_loop3A_217 = arith.constant 0 : i32
        %parallel_loop3A_218 = arith.index_cast %parallel_loop3A_217 : i32 to index
        %parallel_loop3A_219 = arith.index_cast %parallel_loop3A_174 : i32 to index
        %parallel_loop3A_220 = tpu.vector_load %arg5[%parallel_loop3A_218, %parallel_loop3A_219] {strides = array<i32>} : memref<2x8192xf32, #tpu.memory_space<vmem>>, vector<16xf32>,
        %parallel_loop3A_221 = arith.constant 0 : i32
        %parallel_loop3A_222 = arith.index_cast %parallel_loop3A_221 : i32 to index
        %parallel_loop3A_223 = arith.index_cast %parallel_loop3A_176 : i32 to index
        %parallel_loop3A_224 = tpu.vector_load %arg5[%parallel_loop3A_222, %parallel_loop3A_223] {strides = array<i32>} : memref<2x8192xf32, #tpu.memory_space<vmem>>, vector<16xf32>,
        %parallel_loop3A_225 = arith.constant 0 : i32
        %parallel_loop3A_226 = arith.index_cast %parallel_loop3A_225 : i32 to index
        %parallel_loop3A_227 = arith.index_cast %parallel_loop3A_178 : i32 to index
        %parallel_loop3A_228 = tpu.vector_load %arg5[%parallel_loop3A_226, %parallel_loop3A_227] {strides = array<i32>} : memref<2x8192xf32, #tpu.memory_space<vmem>>, vector<16xf32>,
        %parallel_loop3A_229 = arith.constant 0 : i32
        %parallel_loop3A_230 = arith.index_cast %parallel_loop3A_229 : i32 to index
        %parallel_loop3A_231 = arith.index_cast %parallel_loop3A_180 : i32 to index
        %parallel_loop3A_232 = tpu.vector_load %arg5[%parallel_loop3A_230, %parallel_loop3A_231] {strides = array<i32>} : memref<2x8192xf32, #tpu.memory_space<vmem>>, vector<16xf32>,
        %parallel_loop3A_233 = arith.constant 0 : i32
        %parallel_loop3A_234 = arith.index_cast %parallel_loop3A_233 : i32 to index
        %parallel_loop3A_235 = arith.index_cast %parallel_loop3A_182 : i32 to index
        %parallel_loop3A_236 = tpu.vector_load %arg5[%parallel_loop3A_234, %parallel_loop3A_235] {strides = array<i32>} : memref<2x8192xf32, #tpu.memory_space<vmem>>, vector<16xf32>,
        %parallel_loop3A_237 = arith.constant 0 : i32
        %parallel_loop3A_238 = arith.index_cast %parallel_loop3A_237 : i32 to index
        %parallel_loop3A_239 = arith.index_cast %parallel_loop3A_184 : i32 to index
        %parallel_loop3A_240 = tpu.vector_load %arg5[%parallel_loop3A_238, %parallel_loop3A_239] {strides = array<i32>} : memref<2x8192xf32, #tpu.memory_space<vmem>>, vector<16xf32>,
        %parallel_loop3A_241 = arith.constant 0 : i32
        %parallel_loop3A_242 = arith.index_cast %parallel_loop3A_241 : i32 to index
        %parallel_loop3A_243 = arith.index_cast %parallel_loop3A_186 : i32 to index
        %parallel_loop3A_244 = tpu.vector_load %arg5[%parallel_loop3A_242, %parallel_loop3A_243] {strides = array<i32>} : memref<2x8192xf32, #tpu.memory_space<vmem>>, vector<16xf32>,
        %parallel_loop3A_245 = arith.constant 0 : i32
        %parallel_loop3A_246 = arith.index_cast %parallel_loop3A_245 : i32 to index
        %parallel_loop3A_247 = arith.index_cast %parallel_loop3A_188 : i32 to index
        %parallel_loop3A_248 = tpu.vector_load %arg5[%parallel_loop3A_246, %parallel_loop3A_247] {strides = array<i32>} : memref<2x8192xf32, #tpu.memory_space<vmem>>, vector<16xf32>,
        %parallel_loop3A_249 = arith.constant 0 : i32
        %parallel_loop3A_250 = arith.index_cast %parallel_loop3A_249 : i32 to index
        %parallel_loop3A_251 = arith.index_cast %parallel_loop3A_190 : i32 to index
        %parallel_loop3A_252 = tpu.vector_load %arg5[%parallel_loop3A_250, %parallel_loop3A_251] {strides = array<i32>} : memref<2x8192xf32, #tpu.memory_space<vmem>>, vector<16xf32>,
        %parallel_loop3A_253 = arith.constant 0 : i32
        %parallel_loop3A_254 = arith.index_cast %parallel_loop3A_253 : i32 to index
        %parallel_loop3A_255 = arith.index_cast %parallel_loop3A_192 : i32 to index
        %parallel_loop3A_256 = tpu.vector_load %arg5[%parallel_loop3A_254, %parallel_loop3A_255] {strides = array<i32>} : memref<2x8192xf32, #tpu.memory_space<vmem>>, vector<16xf32>,
        %parallel_loop3A_257 = arith.constant true
        %parallel_loop3A_258 = vector.broadcast %parallel_loop3A_257 : i1 to vector<16xi1>
        %parallel_loop3A_259 = tpu.scan <sum>, %parallel_loop3A_196 masked %parallel_loop3A_258 : vector<16xf32>, vector<16xi1> -> vector<16xf32>
        %parallel_loop3A_260 = arith.constant true
        %parallel_loop3A_261 = vector.broadcast %parallel_loop3A_260 : i1 to vector<16xi1>
        %parallel_loop3A_262 = tpu.scan <sum>, %parallel_loop3A_200 masked %parallel_loop3A_261 : vector<16xf32>, vector<16xi1> -> vector<16xf32>
        %parallel_loop3A_263 = arith.constant true
        %parallel_loop3A_264 = vector.broadcast %parallel_loop3A_263 : i1 to vector<16xi1>
        %parallel_loop3A_265 = tpu.scan <sum>, %parallel_loop3A_204 masked %parallel_loop3A_264 : vector<16xf32>, vector<16xi1> -> vector<16xf32>
        %parallel_loop3A_266 = arith.constant true
        %parallel_loop3A_267 = vector.broadcast %parallel_loop3A_266 : i1 to vector<16xi1>
        %parallel_loop3A_268 = tpu.scan <sum>, %parallel_loop3A_208 masked %parallel_loop3A_267 : vector<16xf32>, vector<16xi1> -> vector<16xf32>
        %parallel_loop3A_269 = arith.constant true
        %parallel_loop3A_270 = vector.broadcast %parallel_loop3A_269 : i1 to vector<16xi1>
        %parallel_loop3A_271 = tpu.scan <sum>, %parallel_loop3A_212 masked %parallel_loop3A_270 : vector<16xf32>, vector<16xi1> -> vector<16xf32>
        %parallel_loop3A_272 = arith.constant true
        %parallel_loop3A_273 = vector.broadcast %parallel_loop3A_272 : i1 to vector<16xi1>
        %parallel_loop3A_274 = tpu.scan <sum>, %parallel_loop3A_216 masked %parallel_loop3A_273 : vector<16xf32>, vector<16xi1> -> vector<16xf32>
        %parallel_loop3A_275 = arith.constant true
        %parallel_loop3A_276 = vector.broadcast %parallel_loop3A_275 : i1 to vector<16xi1>
        %parallel_loop3A_277 = tpu.scan <sum>, %parallel_loop3A_220 masked %parallel_loop3A_276 : vector<16xf32>, vector<16xi1> -> vector<16xf32>
        %parallel_loop3A_278 = arith.constant true
        %parallel_loop3A_279 = vector.broadcast %parallel_loop3A_278 : i1 to vector<16xi1>
        %parallel_loop3A_280 = tpu.scan <sum>, %parallel_loop3A_224 masked %parallel_loop3A_279 : vector<16xf32>, vector<16xi1> -> vector<16xf32>
        %parallel_loop3A_281 = arith.constant true
        %parallel_loop3A_282 = vector.broadcast %parallel_loop3A_281 : i1 to vector<16xi1>
        %parallel_loop3A_283 = tpu.scan <sum>, %parallel_loop3A_228 masked %parallel_loop3A_282 : vector<16xf32>, vector<16xi1> -> vector<16xf32>
        %parallel_loop3A_284 = arith.constant true
        %parallel_loop3A_285 = vector.broadcast %parallel_loop3A_284 : i1 to vector<16xi1>
        %parallel_loop3A_286 = tpu.scan <sum>, %parallel_loop3A_232 masked %parallel_loop3A_285 : vector<16xf32>, vector<16xi1> -> vector<16xf32>
        %parallel_loop3A_287 = arith.constant true
        %parallel_loop3A_288 = vector.broadcast %parallel_loop3A_287 : i1 to vector<16xi1>
        %parallel_loop3A_289 = tpu.scan <sum>, %parallel_loop3A_236 masked %parallel_loop3A_288 : vector<16xf32>, vector<16xi1> -> vector<16xf32>
        %parallel_loop3A_290 = arith.constant true
        %parallel_loop3A_291 = vector.broadcast %parallel_loop3A_290 : i1 to vector<16xi1>
        %parallel_loop3A_292 = tpu.scan <sum>, %parallel_loop3A_240 masked %parallel_loop3A_291 : vector<16xf32>, vector<16xi1> -> vector<16xf32>
        %parallel_loop3A_293 = arith.constant true
        %parallel_loop3A_294 = vector.broadcast %parallel_loop3A_293 : i1 to vector<16xi1>
        %parallel_loop3A_295 = tpu.scan <sum>, %parallel_loop3A_244 masked %parallel_loop3A_294 : vector<16xf32>, vector<16xi1> -> vector<16xf32>
        %parallel_loop3A_296 = arith.constant true
        %parallel_loop3A_297 = vector.broadcast %parallel_loop3A_296 : i1 to vector<16xi1>
        %parallel_loop3A_298 = tpu.scan <sum>, %parallel_loop3A_248 masked %parallel_loop3A_297 : vector<16xf32>, vector<16xi1> -> vector<16xf32>
        %parallel_loop3A_299 = arith.constant true
        %parallel_loop3A_300 = vector.broadcast %parallel_loop3A_299 : i1 to vector<16xi1>
        %parallel_loop3A_301 = tpu.scan <sum>, %parallel_loop3A_252 masked %parallel_loop3A_300 : vector<16xf32>, vector<16xi1> -> vector<16xf32>
        %parallel_loop3A_302 = arith.constant true
        %parallel_loop3A_303 = vector.broadcast %parallel_loop3A_302 : i1 to vector<16xi1>
        %parallel_loop3A_304 = tpu.scan <sum>, %parallel_loop3A_256 masked %parallel_loop3A_303 : vector<16xf32>, vector<16xi1> -> vector<16xf32>
        %parallel_loop3A_305 = arith.addf %parallel_loop3A_259, %parallel_loop3A_262 : vector<16xf32>
        %parallel_loop3A_306 = arith.addf %parallel_loop3A_265, %parallel_loop3A_268 : vector<16xf32>
        %parallel_loop3A_307 = arith.addf %parallel_loop3A_305, %parallel_loop3A_265 : vector<16xf32>
        %parallel_loop3A_308 = arith.addf %parallel_loop3A_305, %parallel_loop3A_306 : vector<16xf32>
        %parallel_loop3A_309 = arith.addf %parallel_loop3A_271, %parallel_loop3A_274 : vector<16xf32>
        %parallel_loop3A_310 = arith.addf %parallel_loop3A_277, %parallel_loop3A_280 : vector<16xf32>
        %parallel_loop3A_311 = arith.addf %parallel_loop3A_309, %parallel_loop3A_277 : vector<16xf32>
        %parallel_loop3A_312 = arith.addf %parallel_loop3A_309, %parallel_loop3A_310 : vector<16xf32>
        %parallel_loop3A_313 = arith.addf %parallel_loop3A_308, %parallel_loop3A_271 : vector<16xf32>
        %parallel_loop3A_314 = arith.addf %parallel_loop3A_308, %parallel_loop3A_309 : vector<16xf32>
        %parallel_loop3A_315 = arith.addf %parallel_loop3A_308, %parallel_loop3A_311 : vector<16xf32>
        %parallel_loop3A_316 = arith.addf %parallel_loop3A_308, %parallel_loop3A_312 : vector<16xf32>
        %parallel_loop3A_317 = arith.addf %parallel_loop3A_283, %parallel_loop3A_286 : vector<16xf32>
        %parallel_loop3A_318 = arith.addf %parallel_loop3A_289, %parallel_loop3A_292 : vector<16xf32>
        %parallel_loop3A_319 = arith.addf %parallel_loop3A_317, %parallel_loop3A_289 : vector<16xf32>
        %parallel_loop3A_320 = arith.addf %parallel_loop3A_317, %parallel_loop3A_318 : vector<16xf32>
        %parallel_loop3A_321 = arith.addf %parallel_loop3A_295, %parallel_loop3A_298 : vector<16xf32>
        %parallel_loop3A_322 = arith.addf %parallel_loop3A_301, %parallel_loop3A_304 : vector<16xf32>
        %parallel_loop3A_323 = arith.addf %parallel_loop3A_321, %parallel_loop3A_301 : vector<16xf32>
        %parallel_loop3A_324 = arith.addf %parallel_loop3A_321, %parallel_loop3A_322 : vector<16xf32>
        %parallel_loop3A_325 = arith.addf %parallel_loop3A_320, %parallel_loop3A_295 : vector<16xf32>
        %parallel_loop3A_326 = arith.addf %parallel_loop3A_320, %parallel_loop3A_321 : vector<16xf32>
        %parallel_loop3A_327 = arith.addf %parallel_loop3A_320, %parallel_loop3A_323 : vector<16xf32>
        %parallel_loop3A_328 = arith.addf %parallel_loop3A_320, %parallel_loop3A_324 : vector<16xf32>
        %parallel_loop3A_329 = arith.addf %parallel_loop3A_316, %parallel_loop3A_283 : vector<16xf32>
        %parallel_loop3A_330 = arith.addf %parallel_loop3A_316, %parallel_loop3A_317 : vector<16xf32>
        %parallel_loop3A_331 = arith.addf %parallel_loop3A_316, %parallel_loop3A_319 : vector<16xf32>
        %parallel_loop3A_332 = arith.addf %parallel_loop3A_316, %parallel_loop3A_320 : vector<16xf32>
        %parallel_loop3A_333 = arith.addf %parallel_loop3A_316, %parallel_loop3A_325 : vector<16xf32>
        %parallel_loop3A_334 = arith.addf %parallel_loop3A_316, %parallel_loop3A_326 : vector<16xf32>
        %parallel_loop3A_335 = arith.addf %parallel_loop3A_316, %parallel_loop3A_327 : vector<16xf32>
        %parallel_loop3A_336 = arith.addf %parallel_loop3A_316, %parallel_loop3A_328 : vector<16xf32>
        %parallel_loop3A_337 = vector.broadcast %parallel_loop3A_157 : f32 to vector<16xf32>
        %parallel_loop3A_338 = arith.addf %parallel_loop3A_259, %parallel_loop3A_337 : vector<16xf32>
        %parallel_loop3A_339 = arith.constant 0 : i32
        %parallel_loop3A_340 = arith.index_cast %parallel_loop3A_339 : i32 to index
        %parallel_loop3A_341 = arith.index_cast %parallel_loop3A_162 : i32 to index
        %parallel_loop3A_342 = tpu.vector_load %arg5[%parallel_loop3A_340, %parallel_loop3A_341] {strides = array<i32>} : memref<2x8192xf32, #tpu.memory_space<vmem>>, vector<16xf32>,
        tpu.vector_store %arg5[%parallel_loop3A_340, %parallel_loop3A_341], %parallel_loop3A_338 {strides = array<i32>} : memref<2x8192xf32, #tpu.memory_space<vmem>>, vector<16xf32>,
        %parallel_loop3A_343 = vector.extract_strided_slice %parallel_loop3A_259 {offsets = [15], sizes = [1], strides = [1]} : vector<16xf32> to vector<1xf32>
        %parallel_loop3A_344 = vector.extract %parallel_loop3A_343[0] : f32 from vector<1xf32>
        %parallel_loop3A_345 = vector.broadcast %parallel_loop3A_344 : f32 to vector<16xf32>
        %parallel_loop3A_346 = arith.addf %parallel_loop3A_262, %parallel_loop3A_345 : vector<16xf32>
        %parallel_loop3A_347 = vector.broadcast %parallel_loop3A_157 : f32 to vector<16xf32>
        %parallel_loop3A_348 = arith.addf %parallel_loop3A_346, %parallel_loop3A_347 : vector<16xf32>
        %parallel_loop3A_349 = arith.constant 0 : i32
        %parallel_loop3A_350 = arith.index_cast %parallel_loop3A_349 : i32 to index
        %parallel_loop3A_351 = arith.index_cast %parallel_loop3A_164 : i32 to index
        %parallel_loop3A_352 = tpu.vector_load %arg5[%parallel_loop3A_350, %parallel_loop3A_351] {strides = array<i32>} : memref<2x8192xf32, #tpu.memory_space<vmem>>, vector<16xf32>,
        tpu.vector_store %arg5[%parallel_loop3A_350, %parallel_loop3A_351], %parallel_loop3A_348 {strides = array<i32>} : memref<2x8192xf32, #tpu.memory_space<vmem>>, vector<16xf32>,
        %parallel_loop3A_353 = vector.extract_strided_slice %parallel_loop3A_305 {offsets = [15], sizes = [1], strides = [1]} : vector<16xf32> to vector<1xf32>
        %parallel_loop3A_354 = vector.extract %parallel_loop3A_353[0] : f32 from vector<1xf32>
        %parallel_loop3A_355 = vector.broadcast %parallel_loop3A_354 : f32 to vector<16xf32>
        %parallel_loop3A_356 = arith.addf %parallel_loop3A_265, %parallel_loop3A_355 : vector<16xf32>
        %parallel_loop3A_357 = vector.broadcast %parallel_loop3A_157 : f32 to vector<16xf32>
        %parallel_loop3A_358 = arith.addf %parallel_loop3A_356, %parallel_loop3A_357 : vector<16xf32>
        %parallel_loop3A_359 = arith.constant 0 : i32
        %parallel_loop3A_360 = arith.index_cast %parallel_loop3A_359 : i32 to index
        %parallel_loop3A_361 = arith.index_cast %parallel_loop3A_166 : i32 to index
        %parallel_loop3A_362 = tpu.vector_load %arg5[%parallel_loop3A_360, %parallel_loop3A_361] {strides = array<i32>} : memref<2x8192xf32, #tpu.memory_space<vmem>>, vector<16xf32>,
        tpu.vector_store %arg5[%parallel_loop3A_360, %parallel_loop3A_361], %parallel_loop3A_358 {strides = array<i32>} : memref<2x8192xf32, #tpu.memory_space<vmem>>, vector<16xf32>,
        %parallel_loop3A_363 = vector.extract_strided_slice %parallel_loop3A_307 {offsets = [15], sizes = [1], strides = [1]} : vector<16xf32> to vector<1xf32>
        %parallel_loop3A_364 = vector.extract %parallel_loop3A_363[0] : f32 from vector<1xf32>
        %parallel_loop3A_365 = vector.broadcast %parallel_loop3A_364 : f32 to vector<16xf32>
        %parallel_loop3A_366 = arith.addf %parallel_loop3A_268, %parallel_loop3A_365 : vector<16xf32>
        %parallel_loop3A_367 = vector.broadcast %parallel_loop3A_157 : f32 to vector<16xf32>
        %parallel_loop3A_368 = arith.addf %parallel_loop3A_366, %parallel_loop3A_367 : vector<16xf32>
        %parallel_loop3A_369 = arith.constant 0 : i32
        %parallel_loop3A_370 = arith.index_cast %parallel_loop3A_369 : i32 to index
        %parallel_loop3A_371 = arith.index_cast %parallel_loop3A_168 : i32 to index
        %parallel_loop3A_372 = tpu.vector_load %arg5[%parallel_loop3A_370, %parallel_loop3A_371] {strides = array<i32>} : memref<2x8192xf32, #tpu.memory_space<vmem>>, vector<16xf32>,
        tpu.vector_store %arg5[%parallel_loop3A_370, %parallel_loop3A_371], %parallel_loop3A_368 {strides = array<i32>} : memref<2x8192xf32, #tpu.memory_space<vmem>>, vector<16xf32>,
        %parallel_loop3A_373 = vector.extract_strided_slice %parallel_loop3A_308 {offsets = [15], sizes = [1], strides = [1]} : vector<16xf32> to vector<1xf32>
        %parallel_loop3A_374 = vector.extract %parallel_loop3A_373[0] : f32 from vector<1xf32>
        %parallel_loop3A_375 = vector.broadcast %parallel_loop3A_374 : f32 to vector<16xf32>
        %parallel_loop3A_376 = arith.addf %parallel_loop3A_271, %parallel_loop3A_375 : vector<16xf32>
        %parallel_loop3A_377 = vector.broadcast %parallel_loop3A_157 : f32 to vector<16xf32>
        %parallel_loop3A_378 = arith.addf %parallel_loop3A_376, %parallel_loop3A_377 : vector<16xf32>
        %parallel_loop3A_379 = arith.constant 0 : i32
        %parallel_loop3A_380 = arith.index_cast %parallel_loop3A_379 : i32 to index
        %parallel_loop3A_381 = arith.index_cast %parallel_loop3A_170 : i32 to index
        %parallel_loop3A_382 = tpu.vector_load %arg5[%parallel_loop3A_380, %parallel_loop3A_381] {strides = array<i32>} : memref<2x8192xf32, #tpu.memory_space<vmem>>, vector<16xf32>,
        tpu.vector_store %arg5[%parallel_loop3A_380, %parallel_loop3A_381], %parallel_loop3A_378 {strides = array<i32>} : memref<2x8192xf32, #tpu.memory_space<vmem>>, vector<16xf32>,
        %parallel_loop3A_383 = vector.extract_strided_slice %parallel_loop3A_313 {offsets = [15], sizes = [1], strides = [1]} : vector<16xf32> to vector<1xf32>
        %parallel_loop3A_384 = vector.extract %parallel_loop3A_383[0] : f32 from vector<1xf32>
        %parallel_loop3A_385 = vector.broadcast %parallel_loop3A_384 : f32 to vector<16xf32>
        %parallel_loop3A_386 = arith.addf %parallel_loop3A_274, %parallel_loop3A_385 : vector<16xf32>
        %parallel_loop3A_387 = vector.broadcast %parallel_loop3A_157 : f32 to vector<16xf32>
        %parallel_loop3A_388 = arith.addf %parallel_loop3A_386, %parallel_loop3A_387 : vector<16xf32>
        %parallel_loop3A_389 = arith.constant 0 : i32
        %parallel_loop3A_390 = arith.index_cast %parallel_loop3A_389 : i32 to index
        %parallel_loop3A_391 = arith.index_cast %parallel_loop3A_172 : i32 to index
        %parallel_loop3A_392 = tpu.vector_load %arg5[%parallel_loop3A_390, %parallel_loop3A_391] {strides = array<i32>} : memref<2x8192xf32, #tpu.memory_space<vmem>>, vector<16xf32>,
        tpu.vector_store %arg5[%parallel_loop3A_390, %parallel_loop3A_391], %parallel_loop3A_388 {strides = array<i32>} : memref<2x8192xf32, #tpu.memory_space<vmem>>, vector<16xf32>,
        %parallel_loop3A_393 = vector.extract_strided_slice %parallel_loop3A_314 {offsets = [15], sizes = [1], strides = [1]} : vector<16xf32> to vector<1xf32>
        %parallel_loop3A_394 = vector.extract %parallel_loop3A_393[0] : f32 from vector<1xf32>
        %parallel_loop3A_395 = vector.broadcast %parallel_loop3A_394 : f32 to vector<16xf32>
        %parallel_loop3A_396 = arith.addf %parallel_loop3A_277, %parallel_loop3A_395 : vector<16xf32>
        %parallel_loop3A_397 = vector.broadcast %parallel_loop3A_157 : f32 to vector<16xf32>
        %parallel_loop3A_398 = arith.addf %parallel_loop3A_396, %parallel_loop3A_397 : vector<16xf32>
        %parallel_loop3A_399 = arith.constant 0 : i32
        %parallel_loop3A_400 = arith.index_cast %parallel_loop3A_399 : i32 to index
        %parallel_loop3A_401 = arith.index_cast %parallel_loop3A_174 : i32 to index
        %parallel_loop3A_402 = tpu.vector_load %arg5[%parallel_loop3A_400, %parallel_loop3A_401] {strides = array<i32>} : memref<2x8192xf32, #tpu.memory_space<vmem>>, vector<16xf32>,
        tpu.vector_store %arg5[%parallel_loop3A_400, %parallel_loop3A_401], %parallel_loop3A_398 {strides = array<i32>} : memref<2x8192xf32, #tpu.memory_space<vmem>>, vector<16xf32>,
        %parallel_loop3A_403 = vector.extract_strided_slice %parallel_loop3A_315 {offsets = [15], sizes = [1], strides = [1]} : vector<16xf32> to vector<1xf32>
        %parallel_loop3A_404 = vector.extract %parallel_loop3A_403[0] : f32 from vector<1xf32>
        %parallel_loop3A_405 = vector.broadcast %parallel_loop3A_404 : f32 to vector<16xf32>
        %parallel_loop3A_406 = arith.addf %parallel_loop3A_280, %parallel_loop3A_405 : vector<16xf32>
        %parallel_loop3A_407 = vector.broadcast %parallel_loop3A_157 : f32 to vector<16xf32>
        %parallel_loop3A_408 = arith.addf %parallel_loop3A_406, %parallel_loop3A_407 : vector<16xf32>
        %parallel_loop3A_409 = arith.constant 0 : i32
        %parallel_loop3A_410 = arith.index_cast %parallel_loop3A_409 : i32 to index
        %parallel_loop3A_411 = arith.index_cast %parallel_loop3A_176 : i32 to index
        %parallel_loop3A_412 = tpu.vector_load %arg5[%parallel_loop3A_410, %parallel_loop3A_411] {strides = array<i32>} : memref<2x8192xf32, #tpu.memory_space<vmem>>, vector<16xf32>,
        tpu.vector_store %arg5[%parallel_loop3A_410, %parallel_loop3A_411], %parallel_loop3A_408 {strides = array<i32>} : memref<2x8192xf32, #tpu.memory_space<vmem>>, vector<16xf32>,
        %parallel_loop3A_413 = vector.extract_strided_slice %parallel_loop3A_316 {offsets = [15], sizes = [1], strides = [1]} : vector<16xf32> to vector<1xf32>
        %parallel_loop3A_414 = vector.extract %parallel_loop3A_413[0] : f32 from vector<1xf32>
        %parallel_loop3A_415 = vector.broadcast %parallel_loop3A_414 : f32 to vector<16xf32>
        %parallel_loop3A_416 = arith.addf %parallel_loop3A_283, %parallel_loop3A_415 : vector<16xf32>
        %parallel_loop3A_417 = vector.broadcast %parallel_loop3A_157 : f32 to vector<16xf32>
        %parallel_loop3A_418 = arith.addf %parallel_loop3A_416, %parallel_loop3A_417 : vector<16xf32>
        %parallel_loop3A_419 = arith.constant 0 : i32
        %parallel_loop3A_420 = arith.index_cast %parallel_loop3A_419 : i32 to index
        %parallel_loop3A_421 = arith.index_cast %parallel_loop3A_178 : i32 to index
        %parallel_loop3A_422 = tpu.vector_load %arg5[%parallel_loop3A_420, %parallel_loop3A_421] {strides = array<i32>} : memref<2x8192xf32, #tpu.memory_space<vmem>>, vector<16xf32>,
        tpu.vector_store %arg5[%parallel_loop3A_420, %parallel_loop3A_421], %parallel_loop3A_418 {strides = array<i32>} : memref<2x8192xf32, #tpu.memory_space<vmem>>, vector<16xf32>,
        %parallel_loop3A_423 = vector.extract_strided_slice %parallel_loop3A_329 {offsets = [15], sizes = [1], strides = [1]} : vector<16xf32> to vector<1xf32>
        %parallel_loop3A_424 = vector.extract %parallel_loop3A_423[0] : f32 from vector<1xf32>
        %parallel_loop3A_425 = vector.broadcast %parallel_loop3A_424 : f32 to vector<16xf32>
        %parallel_loop3A_426 = arith.addf %parallel_loop3A_286, %parallel_loop3A_425 : vector<16xf32>
        %parallel_loop3A_427 = vector.broadcast %parallel_loop3A_157 : f32 to vector<16xf32>
        %parallel_loop3A_428 = arith.addf %parallel_loop3A_426, %parallel_loop3A_427 : vector<16xf32>
        %parallel_loop3A_429 = arith.constant 0 : i32
        %parallel_loop3A_430 = arith.index_cast %parallel_loop3A_429 : i32 to index
        %parallel_loop3A_431 = arith.index_cast %parallel_loop3A_180 : i32 to index
        %parallel_loop3A_432 = tpu.vector_load %arg5[%parallel_loop3A_430, %parallel_loop3A_431] {strides = array<i32>} : memref<2x8192xf32, #tpu.memory_space<vmem>>, vector<16xf32>,
        tpu.vector_store %arg5[%parallel_loop3A_430, %parallel_loop3A_431], %parallel_loop3A_428 {strides = array<i32>} : memref<2x8192xf32, #tpu.memory_space<vmem>>, vector<16xf32>,
        %parallel_loop3A_433 = vector.extract_strided_slice %parallel_loop3A_330 {offsets = [15], sizes = [1], strides = [1]} : vector<16xf32> to vector<1xf32>
        %parallel_loop3A_434 = vector.extract %parallel_loop3A_433[0] : f32 from vector<1xf32>
        %parallel_loop3A_435 = vector.broadcast %parallel_loop3A_434 : f32 to vector<16xf32>
        %parallel_loop3A_436 = arith.addf %parallel_loop3A_289, %parallel_loop3A_435 : vector<16xf32>
        %parallel_loop3A_437 = vector.broadcast %parallel_loop3A_157 : f32 to vector<16xf32>
        %parallel_loop3A_438 = arith.addf %parallel_loop3A_436, %parallel_loop3A_437 : vector<16xf32>
        %parallel_loop3A_439 = arith.constant 0 : i32
        %parallel_loop3A_440 = arith.index_cast %parallel_loop3A_439 : i32 to index
        %parallel_loop3A_441 = arith.index_cast %parallel_loop3A_182 : i32 to index
        %parallel_loop3A_442 = tpu.vector_load %arg5[%parallel_loop3A_440, %parallel_loop3A_441] {strides = array<i32>} : memref<2x8192xf32, #tpu.memory_space<vmem>>, vector<16xf32>,
        tpu.vector_store %arg5[%parallel_loop3A_440, %parallel_loop3A_441], %parallel_loop3A_438 {strides = array<i32>} : memref<2x8192xf32, #tpu.memory_space<vmem>>, vector<16xf32>,
        %parallel_loop3A_443 = vector.extract_strided_slice %parallel_loop3A_331 {offsets = [15], sizes = [1], strides = [1]} : vector<16xf32> to vector<1xf32>
        %parallel_loop3A_444 = vector.extract %parallel_loop3A_443[0] : f32 from vector<1xf32>
        %parallel_loop3A_445 = vector.broadcast %parallel_loop3A_444 : f32 to vector<16xf32>
        %parallel_loop3A_446 = arith.addf %parallel_loop3A_292, %parallel_loop3A_445 : vector<16xf32>
        %parallel_loop3A_447 = vector.broadcast %parallel_loop3A_157 : f32 to vector<16xf32>
        %parallel_loop3A_448 = arith.addf %parallel_loop3A_446, %parallel_loop3A_447 : vector<16xf32>
        %parallel_loop3A_449 = arith.constant 0 : i32
        %parallel_loop3A_450 = arith.index_cast %parallel_loop3A_449 : i32 to index
        %parallel_loop3A_451 = arith.index_cast %parallel_loop3A_184 : i32 to index
        %parallel_loop3A_452 = tpu.vector_load %arg5[%parallel_loop3A_450, %parallel_loop3A_451] {strides = array<i32>} : memref<2x8192xf32, #tpu.memory_space<vmem>>, vector<16xf32>,
        tpu.vector_store %arg5[%parallel_loop3A_450, %parallel_loop3A_451], %parallel_loop3A_448 {strides = array<i32>} : memref<2x8192xf32, #tpu.memory_space<vmem>>, vector<16xf32>,
        %parallel_loop3A_453 = vector.extract_strided_slice %parallel_loop3A_332 {offsets = [15], sizes = [1], strides = [1]} : vector<16xf32> to vector<1xf32>
        %parallel_loop3A_454 = vector.extract %parallel_loop3A_453[0] : f32 from vector<1xf32>
        %parallel_loop3A_455 = vector.broadcast %parallel_loop3A_454 : f32 to vector<16xf32>
        %parallel_loop3A_456 = arith.addf %parallel_loop3A_295, %parallel_loop3A_455 : vector<16xf32>
        %parallel_loop3A_457 = vector.broadcast %parallel_loop3A_157 : f32 to vector<16xf32>
        %parallel_loop3A_458 = arith.addf %parallel_loop3A_456, %parallel_loop3A_457 : vector<16xf32>
        %parallel_loop3A_459 = arith.constant 0 : i32
        %parallel_loop3A_460 = arith.index_cast %parallel_loop3A_459 : i32 to index
        %parallel_loop3A_461 = arith.index_cast %parallel_loop3A_186 : i32 to index
        %parallel_loop3A_462 = tpu.vector_load %arg5[%parallel_loop3A_460, %parallel_loop3A_461] {strides = array<i32>} : memref<2x8192xf32, #tpu.memory_space<vmem>>, vector<16xf32>,
        tpu.vector_store %arg5[%parallel_loop3A_460, %parallel_loop3A_461], %parallel_loop3A_458 {strides = array<i32>} : memref<2x8192xf32, #tpu.memory_space<vmem>>, vector<16xf32>,
        %parallel_loop3A_463 = vector.extract_strided_slice %parallel_loop3A_333 {offsets = [15], sizes = [1], strides = [1]} : vector<16xf32> to vector<1xf32>
        %parallel_loop3A_464 = vector.extract %parallel_loop3A_463[0] : f32 from vector<1xf32>
        %parallel_loop3A_465 = vector.broadcast %parallel_loop3A_464 : f32 to vector<16xf32>
        %parallel_loop3A_466 = arith.addf %parallel_loop3A_298, %parallel_loop3A_465 : vector<16xf32>
        %parallel_loop3A_467 = vector.broadcast %parallel_loop3A_157 : f32 to vector<16xf32>
        %parallel_loop3A_468 = arith.addf %parallel_loop3A_466, %parallel_loop3A_467 : vector<16xf32>
        %parallel_loop3A_469 = arith.constant 0 : i32
        %parallel_loop3A_470 = arith.index_cast %parallel_loop3A_469 : i32 to index
        %parallel_loop3A_471 = arith.index_cast %parallel_loop3A_188 : i32 to index
        %parallel_loop3A_472 = tpu.vector_load %arg5[%parallel_loop3A_470, %parallel_loop3A_471] {strides = array<i32>} : memref<2x8192xf32, #tpu.memory_space<vmem>>, vector<16xf32>,
        tpu.vector_store %arg5[%parallel_loop3A_470, %parallel_loop3A_471], %parallel_loop3A_468 {strides = array<i32>} : memref<2x8192xf32, #tpu.memory_space<vmem>>, vector<16xf32>,
        %parallel_loop3A_473 = vector.extract_strided_slice %parallel_loop3A_334 {offsets = [15], sizes = [1], strides = [1]} : vector<16xf32> to vector<1xf32>
        %parallel_loop3A_474 = vector.extract %parallel_loop3A_473[0] : f32 from vector<1xf32>
        %parallel_loop3A_475 = vector.broadcast %parallel_loop3A_474 : f32 to vector<16xf32>
        %parallel_loop3A_476 = arith.addf %parallel_loop3A_301, %parallel_loop3A_475 : vector<16xf32>
        %parallel_loop3A_477 = vector.broadcast %parallel_loop3A_157 : f32 to vector<16xf32>
        %parallel_loop3A_478 = arith.addf %parallel_loop3A_476, %parallel_loop3A_477 : vector<16xf32>
        %parallel_loop3A_479 = arith.constant 0 : i32
        %parallel_loop3A_480 = arith.index_cast %parallel_loop3A_479 : i32 to index
        %parallel_loop3A_481 = arith.index_cast %parallel_loop3A_190 : i32 to index
        %parallel_loop3A_482 = tpu.vector_load %arg5[%parallel_loop3A_480, %parallel_loop3A_481] {strides = array<i32>} : memref<2x8192xf32, #tpu.memory_space<vmem>>, vector<16xf32>,
        tpu.vector_store %arg5[%parallel_loop3A_480, %parallel_loop3A_481], %parallel_loop3A_478 {strides = array<i32>} : memref<2x8192xf32, #tpu.memory_space<vmem>>, vector<16xf32>,
        %parallel_loop3A_483 = vector.extract_strided_slice %parallel_loop3A_335 {offsets = [15], sizes = [1], strides = [1]} : vector<16xf32> to vector<1xf32>
        %parallel_loop3A_484 = vector.extract %parallel_loop3A_483[0] : f32 from vector<1xf32>
        %parallel_loop3A_485 = vector.broadcast %parallel_loop3A_484 : f32 to vector<16xf32>
        %parallel_loop3A_486 = arith.addf %parallel_loop3A_304, %parallel_loop3A_485 : vector<16xf32>
        %parallel_loop3A_487 = vector.broadcast %parallel_loop3A_157 : f32 to vector<16xf32>
        %parallel_loop3A_488 = arith.addf %parallel_loop3A_486, %parallel_loop3A_487 : vector<16xf32>
        %parallel_loop3A_489 = arith.constant 0 : i32
        %parallel_loop3A_490 = arith.index_cast %parallel_loop3A_489 : i32 to index
        %parallel_loop3A_491 = arith.index_cast %parallel_loop3A_192 : i32 to index
        %parallel_loop3A_492 = tpu.vector_load %arg5[%parallel_loop3A_490, %parallel_loop3A_491] {strides = array<i32>} : memref<2x8192xf32, #tpu.memory_space<vmem>>, vector<16xf32>,
        tpu.vector_store %arg5[%parallel_loop3A_490, %parallel_loop3A_491], %parallel_loop3A_488 {strides = array<i32>} : memref<2x8192xf32, #tpu.memory_space<vmem>>, vector<16xf32>,
        %parallel_loop3A_493 = vector.extract_strided_slice %parallel_loop3A_336 {offsets = [15], sizes = [1], strides = [1]} : vector<16xf32> to vector<1xf32>
        %parallel_loop3A_494 = vector.extract %parallel_loop3A_493[0] : f32 from vector<1xf32>
        %parallel_loop3A_495 = arith.addf %parallel_loop3A_157, %parallel_loop3A_494 : f32
        scf.yield %parallel_loop3A_495 : f32
      } {sc.loop_unroll_factor = 1 : i64, sc.parallel_access}
      %parallel_loop3A_79 = arith.constant 0 : i32
      %parallel_loop3A_80 = arith.constant 32 : i32
      %parallel_loop3A_81 = arith.constant 1 : i32
      %parallel_loop3A_82 = arith.constant 0.000000e+00 : f32
      %parallel_loop3A_83 = scf.for %parallel_loop3A_156 = %parallel_loop3A_79 to %parallel_loop3A_80 step %parallel_loop3A_81 iter_args(%parallel_loop3A_157 = %parallel_loop3A_82) -> (f32)  : i32 {
        %parallel_loop3A_158 = arith.constant 256 : i32
        %parallel_loop3A_159 = arith.muli %parallel_loop3A_156, %parallel_loop3A_158 : i32
        %parallel_loop3A_160 = tpu.assume_multiple %parallel_loop3A_159, 256 : i32
        %parallel_loop3A_161 = arith.constant 0 : i32
        %parallel_loop3A_162 = arith.addi %parallel_loop3A_160, %parallel_loop3A_161 : i32
        %parallel_loop3A_163 = arith.constant 16 : i32
        %parallel_loop3A_164 = arith.addi %parallel_loop3A_160, %parallel_loop3A_163 : i32
        %parallel_loop3A_165 = arith.constant 32 : i32
        %parallel_loop3A_166 = arith.addi %parallel_loop3A_160, %parallel_loop3A_165 : i32
        %parallel_loop3A_167 = arith.constant 48 : i32
        %parallel_loop3A_168 = arith.addi %parallel_loop3A_160, %parallel_loop3A_167 : i32
        %parallel_loop3A_169 = arith.constant 64 : i32
        %parallel_loop3A_170 = arith.addi %parallel_loop3A_160, %parallel_loop3A_169 : i32
        %parallel_loop3A_171 = arith.constant 80 : i32
        %parallel_loop3A_172 = arith.addi %parallel_loop3A_160, %parallel_loop3A_171 : i32
        %parallel_loop3A_173 = arith.constant 96 : i32
        %parallel_loop3A_174 = arith.addi %parallel_loop3A_160, %parallel_loop3A_173 : i32
        %parallel_loop3A_175 = arith.constant 112 : i32
        %parallel_loop3A_176 = arith.addi %parallel_loop3A_160, %parallel_loop3A_175 : i32
        %parallel_loop3A_177 = arith.constant 128 : i32
        %parallel_loop3A_178 = arith.addi %parallel_loop3A_160, %parallel_loop3A_177 : i32
        %parallel_loop3A_179 = arith.constant 144 : i32
        %parallel_loop3A_180 = arith.addi %parallel_loop3A_160, %parallel_loop3A_179 : i32
        %parallel_loop3A_181 = arith.constant 160 : i32
        %parallel_loop3A_182 = arith.addi %parallel_loop3A_160, %parallel_loop3A_181 : i32
        %parallel_loop3A_183 = arith.constant 176 : i32
        %parallel_loop3A_184 = arith.addi %parallel_loop3A_160, %parallel_loop3A_183 : i32
        %parallel_loop3A_185 = arith.constant 192 : i32
        %parallel_loop3A_186 = arith.addi %parallel_loop3A_160, %parallel_loop3A_185 : i32
        %parallel_loop3A_187 = arith.constant 208 : i32
        %parallel_loop3A_188 = arith.addi %parallel_loop3A_160, %parallel_loop3A_187 : i32
        %parallel_loop3A_189 = arith.constant 224 : i32
        %parallel_loop3A_190 = arith.addi %parallel_loop3A_160, %parallel_loop3A_189 : i32
        %parallel_loop3A_191 = arith.constant 240 : i32
        %parallel_loop3A_192 = arith.addi %parallel_loop3A_160, %parallel_loop3A_191 : i32
        %parallel_loop3A_193 = arith.constant 1 : i32
        %parallel_loop3A_194 = arith.index_cast %parallel_loop3A_193 : i32 to index
        %parallel_loop3A_195 = arith.index_cast %parallel_loop3A_162 : i32 to index
        %parallel_loop3A_196 = tpu.vector_load %arg5[%parallel_loop3A_194, %parallel_loop3A_195] {strides = array<i32>} : memref<2x8192xf32, #tpu.memory_space<vmem>>, vector<16xf32>,
        %parallel_loop3A_197 = arith.constant 1 : i32
        %parallel_loop3A_198 = arith.index_cast %parallel_loop3A_197 : i32 to index
        %parallel_loop3A_199 = arith.index_cast %parallel_loop3A_164 : i32 to index
        %parallel_loop3A_200 = tpu.vector_load %arg5[%parallel_loop3A_198, %parallel_loop3A_199] {strides = array<i32>} : memref<2x8192xf32, #tpu.memory_space<vmem>>, vector<16xf32>,
        %parallel_loop3A_201 = arith.constant 1 : i32
        %parallel_loop3A_202 = arith.index_cast %parallel_loop3A_201 : i32 to index
        %parallel_loop3A_203 = arith.index_cast %parallel_loop3A_166 : i32 to index
        %parallel_loop3A_204 = tpu.vector_load %arg5[%parallel_loop3A_202, %parallel_loop3A_203] {strides = array<i32>} : memref<2x8192xf32, #tpu.memory_space<vmem>>, vector<16xf32>,
        %parallel_loop3A_205 = arith.constant 1 : i32
        %parallel_loop3A_206 = arith.index_cast %parallel_loop3A_205 : i32 to index
        %parallel_loop3A_207 = arith.index_cast %parallel_loop3A_168 : i32 to index
        %parallel_loop3A_208 = tpu.vector_load %arg5[%parallel_loop3A_206, %parallel_loop3A_207] {strides = array<i32>} : memref<2x8192xf32, #tpu.memory_space<vmem>>, vector<16xf32>,
        %parallel_loop3A_209 = arith.constant 1 : i32
        %parallel_loop3A_210 = arith.index_cast %parallel_loop3A_209 : i32 to index
        %parallel_loop3A_211 = arith.index_cast %parallel_loop3A_170 : i32 to index
        %parallel_loop3A_212 = tpu.vector_load %arg5[%parallel_loop3A_210, %parallel_loop3A_211] {strides = array<i32>} : memref<2x8192xf32, #tpu.memory_space<vmem>>, vector<16xf32>,
        %parallel_loop3A_213 = arith.constant 1 : i32
        %parallel_loop3A_214 = arith.index_cast %parallel_loop3A_213 : i32 to index
        %parallel_loop3A_215 = arith.index_cast %parallel_loop3A_172 : i32 to index
        %parallel_loop3A_216 = tpu.vector_load %arg5[%parallel_loop3A_214, %parallel_loop3A_215] {strides = array<i32>} : memref<2x8192xf32, #tpu.memory_space<vmem>>, vector<16xf32>,
        %parallel_loop3A_217 = arith.constant 1 : i32
        %parallel_loop3A_218 = arith.index_cast %parallel_loop3A_217 : i32 to index
        %parallel_loop3A_219 = arith.index_cast %parallel_loop3A_174 : i32 to index
        %parallel_loop3A_220 = tpu.vector_load %arg5[%parallel_loop3A_218, %parallel_loop3A_219] {strides = array<i32>} : memref<2x8192xf32, #tpu.memory_space<vmem>>, vector<16xf32>,
        %parallel_loop3A_221 = arith.constant 1 : i32
        %parallel_loop3A_222 = arith.index_cast %parallel_loop3A_221 : i32 to index
        %parallel_loop3A_223 = arith.index_cast %parallel_loop3A_176 : i32 to index
        %parallel_loop3A_224 = tpu.vector_load %arg5[%parallel_loop3A_222, %parallel_loop3A_223] {strides = array<i32>} : memref<2x8192xf32, #tpu.memory_space<vmem>>, vector<16xf32>,
        %parallel_loop3A_225 = arith.constant 1 : i32
        %parallel_loop3A_226 = arith.index_cast %parallel_loop3A_225 : i32 to index
        %parallel_loop3A_227 = arith.index_cast %parallel_loop3A_178 : i32 to index
        %parallel_loop3A_228 = tpu.vector_load %arg5[%parallel_loop3A_226, %parallel_loop3A_227] {strides = array<i32>} : memref<2x8192xf32, #tpu.memory_space<vmem>>, vector<16xf32>,
        %parallel_loop3A_229 = arith.constant 1 : i32
        %parallel_loop3A_230 = arith.index_cast %parallel_loop3A_229 : i32 to index
        %parallel_loop3A_231 = arith.index_cast %parallel_loop3A_180 : i32 to index
        %parallel_loop3A_232 = tpu.vector_load %arg5[%parallel_loop3A_230, %parallel_loop3A_231] {strides = array<i32>} : memref<2x8192xf32, #tpu.memory_space<vmem>>, vector<16xf32>,
        %parallel_loop3A_233 = arith.constant 1 : i32
        %parallel_loop3A_234 = arith.index_cast %parallel_loop3A_233 : i32 to index
        %parallel_loop3A_235 = arith.index_cast %parallel_loop3A_182 : i32 to index
        %parallel_loop3A_236 = tpu.vector_load %arg5[%parallel_loop3A_234, %parallel_loop3A_235] {strides = array<i32>} : memref<2x8192xf32, #tpu.memory_space<vmem>>, vector<16xf32>,
        %parallel_loop3A_237 = arith.constant 1 : i32
        %parallel_loop3A_238 = arith.index_cast %parallel_loop3A_237 : i32 to index
        %parallel_loop3A_239 = arith.index_cast %parallel_loop3A_184 : i32 to index
        %parallel_loop3A_240 = tpu.vector_load %arg5[%parallel_loop3A_238, %parallel_loop3A_239] {strides = array<i32>} : memref<2x8192xf32, #tpu.memory_space<vmem>>, vector<16xf32>,
        %parallel_loop3A_241 = arith.constant 1 : i32
        %parallel_loop3A_242 = arith.index_cast %parallel_loop3A_241 : i32 to index
        %parallel_loop3A_243 = arith.index_cast %parallel_loop3A_186 : i32 to index
        %parallel_loop3A_244 = tpu.vector_load %arg5[%parallel_loop3A_242, %parallel_loop3A_243] {strides = array<i32>} : memref<2x8192xf32, #tpu.memory_space<vmem>>, vector<16xf32>,
        %parallel_loop3A_245 = arith.constant 1 : i32
        %parallel_loop3A_246 = arith.index_cast %parallel_loop3A_245 : i32 to index
        %parallel_loop3A_247 = arith.index_cast %parallel_loop3A_188 : i32 to index
        %parallel_loop3A_248 = tpu.vector_load %arg5[%parallel_loop3A_246, %parallel_loop3A_247] {strides = array<i32>} : memref<2x8192xf32, #tpu.memory_space<vmem>>, vector<16xf32>,
        %parallel_loop3A_249 = arith.constant 1 : i32
        %parallel_loop3A_250 = arith.index_cast %parallel_loop3A_249 : i32 to index
        %parallel_loop3A_251 = arith.index_cast %parallel_loop3A_190 : i32 to index
        %parallel_loop3A_252 = tpu.vector_load %arg5[%parallel_loop3A_250, %parallel_loop3A_251] {strides = array<i32>} : memref<2x8192xf32, #tpu.memory_space<vmem>>, vector<16xf32>,
        %parallel_loop3A_253 = arith.constant 1 : i32
        %parallel_loop3A_254 = arith.index_cast %parallel_loop3A_253 : i32 to index
        %parallel_loop3A_255 = arith.index_cast %parallel_loop3A_192 : i32 to index
        %parallel_loop3A_256 = tpu.vector_load %arg5[%parallel_loop3A_254, %parallel_loop3A_255] {strides = array<i32>} : memref<2x8192xf32, #tpu.memory_space<vmem>>, vector<16xf32>,
        %parallel_loop3A_257 = arith.constant true
        %parallel_loop3A_258 = vector.broadcast %parallel_loop3A_257 : i1 to vector<16xi1>
        %parallel_loop3A_259 = tpu.scan <sum>, %parallel_loop3A_196 masked %parallel_loop3A_258 : vector<16xf32>, vector<16xi1> -> vector<16xf32>
        %parallel_loop3A_260 = arith.constant true
        %parallel_loop3A_261 = vector.broadcast %parallel_loop3A_260 : i1 to vector<16xi1>
        %parallel_loop3A_262 = tpu.scan <sum>, %parallel_loop3A_200 masked %parallel_loop3A_261 : vector<16xf32>, vector<16xi1> -> vector<16xf32>
        %parallel_loop3A_263 = arith.constant true
        %parallel_loop3A_264 = vector.broadcast %parallel_loop3A_263 : i1 to vector<16xi1>
        %parallel_loop3A_265 = tpu.scan <sum>, %parallel_loop3A_204 masked %parallel_loop3A_264 : vector<16xf32>, vector<16xi1> -> vector<16xf32>
        %parallel_loop3A_266 = arith.constant true
        %parallel_loop3A_267 = vector.broadcast %parallel_loop3A_266 : i1 to vector<16xi1>
        %parallel_loop3A_268 = tpu.scan <sum>, %parallel_loop3A_208 masked %parallel_loop3A_267 : vector<16xf32>, vector<16xi1> -> vector<16xf32>
        %parallel_loop3A_269 = arith.constant true
        %parallel_loop3A_270 = vector.broadcast %parallel_loop3A_269 : i1 to vector<16xi1>
        %parallel_loop3A_271 = tpu.scan <sum>, %parallel_loop3A_212 masked %parallel_loop3A_270 : vector<16xf32>, vector<16xi1> -> vector<16xf32>
        %parallel_loop3A_272 = arith.constant true
        %parallel_loop3A_273 = vector.broadcast %parallel_loop3A_272 : i1 to vector<16xi1>
        %parallel_loop3A_274 = tpu.scan <sum>, %parallel_loop3A_216 masked %parallel_loop3A_273 : vector<16xf32>, vector<16xi1> -> vector<16xf32>
        %parallel_loop3A_275 = arith.constant true
        %parallel_loop3A_276 = vector.broadcast %parallel_loop3A_275 : i1 to vector<16xi1>
        %parallel_loop3A_277 = tpu.scan <sum>, %parallel_loop3A_220 masked %parallel_loop3A_276 : vector<16xf32>, vector<16xi1> -> vector<16xf32>
        %parallel_loop3A_278 = arith.constant true
        %parallel_loop3A_279 = vector.broadcast %parallel_loop3A_278 : i1 to vector<16xi1>
        %parallel_loop3A_280 = tpu.scan <sum>, %parallel_loop3A_224 masked %parallel_loop3A_279 : vector<16xf32>, vector<16xi1> -> vector<16xf32>
        %parallel_loop3A_281 = arith.constant true
        %parallel_loop3A_282 = vector.broadcast %parallel_loop3A_281 : i1 to vector<16xi1>
        %parallel_loop3A_283 = tpu.scan <sum>, %parallel_loop3A_228 masked %parallel_loop3A_282 : vector<16xf32>, vector<16xi1> -> vector<16xf32>
        %parallel_loop3A_284 = arith.constant true
        %parallel_loop3A_285 = vector.broadcast %parallel_loop3A_284 : i1 to vector<16xi1>
        %parallel_loop3A_286 = tpu.scan <sum>, %parallel_loop3A_232 masked %parallel_loop3A_285 : vector<16xf32>, vector<16xi1> -> vector<16xf32>
        %parallel_loop3A_287 = arith.constant true
        %parallel_loop3A_288 = vector.broadcast %parallel_loop3A_287 : i1 to vector<16xi1>
        %parallel_loop3A_289 = tpu.scan <sum>, %parallel_loop3A_236 masked %parallel_loop3A_288 : vector<16xf32>, vector<16xi1> -> vector<16xf32>
        %parallel_loop3A_290 = arith.constant true
        %parallel_loop3A_291 = vector.broadcast %parallel_loop3A_290 : i1 to vector<16xi1>
        %parallel_loop3A_292 = tpu.scan <sum>, %parallel_loop3A_240 masked %parallel_loop3A_291 : vector<16xf32>, vector<16xi1> -> vector<16xf32>
        %parallel_loop3A_293 = arith.constant true
        %parallel_loop3A_294 = vector.broadcast %parallel_loop3A_293 : i1 to vector<16xi1>
        %parallel_loop3A_295 = tpu.scan <sum>, %parallel_loop3A_244 masked %parallel_loop3A_294 : vector<16xf32>, vector<16xi1> -> vector<16xf32>
        %parallel_loop3A_296 = arith.constant true
        %parallel_loop3A_297 = vector.broadcast %parallel_loop3A_296 : i1 to vector<16xi1>
        %parallel_loop3A_298 = tpu.scan <sum>, %parallel_loop3A_248 masked %parallel_loop3A_297 : vector<16xf32>, vector<16xi1> -> vector<16xf32>
        %parallel_loop3A_299 = arith.constant true
        %parallel_loop3A_300 = vector.broadcast %parallel_loop3A_299 : i1 to vector<16xi1>
        %parallel_loop3A_301 = tpu.scan <sum>, %parallel_loop3A_252 masked %parallel_loop3A_300 : vector<16xf32>, vector<16xi1> -> vector<16xf32>
        %parallel_loop3A_302 = arith.constant true
        %parallel_loop3A_303 = vector.broadcast %parallel_loop3A_302 : i1 to vector<16xi1>
        %parallel_loop3A_304 = tpu.scan <sum>, %parallel_loop3A_256 masked %parallel_loop3A_303 : vector<16xf32>, vector<16xi1> -> vector<16xf32>
        %parallel_loop3A_305 = arith.addf %parallel_loop3A_259, %parallel_loop3A_262 : vector<16xf32>
        %parallel_loop3A_306 = arith.addf %parallel_loop3A_265, %parallel_loop3A_268 : vector<16xf32>
        %parallel_loop3A_307 = arith.addf %parallel_loop3A_305, %parallel_loop3A_265 : vector<16xf32>
        %parallel_loop3A_308 = arith.addf %parallel_loop3A_305, %parallel_loop3A_306 : vector<16xf32>
        %parallel_loop3A_309 = arith.addf %parallel_loop3A_271, %parallel_loop3A_274 : vector<16xf32>
        %parallel_loop3A_310 = arith.addf %parallel_loop3A_277, %parallel_loop3A_280 : vector<16xf32>
        %parallel_loop3A_311 = arith.addf %parallel_loop3A_309, %parallel_loop3A_277 : vector<16xf32>
        %parallel_loop3A_312 = arith.addf %parallel_loop3A_309, %parallel_loop3A_310 : vector<16xf32>
        %parallel_loop3A_313 = arith.addf %parallel_loop3A_308, %parallel_loop3A_271 : vector<16xf32>
        %parallel_loop3A_314 = arith.addf %parallel_loop3A_308, %parallel_loop3A_309 : vector<16xf32>
        %parallel_loop3A_315 = arith.addf %parallel_loop3A_308, %parallel_loop3A_311 : vector<16xf32>
        %parallel_loop3A_316 = arith.addf %parallel_loop3A_308, %parallel_loop3A_312 : vector<16xf32>
        %parallel_loop3A_317 = arith.addf %parallel_loop3A_283, %parallel_loop3A_286 : vector<16xf32>
        %parallel_loop3A_318 = arith.addf %parallel_loop3A_289, %parallel_loop3A_292 : vector<16xf32>
        %parallel_loop3A_319 = arith.addf %parallel_loop3A_317, %parallel_loop3A_289 : vector<16xf32>
        %parallel_loop3A_320 = arith.addf %parallel_loop3A_317, %parallel_loop3A_318 : vector<16xf32>
        %parallel_loop3A_321 = arith.addf %parallel_loop3A_295, %parallel_loop3A_298 : vector<16xf32>
        %parallel_loop3A_322 = arith.addf %parallel_loop3A_301, %parallel_loop3A_304 : vector<16xf32>
        %parallel_loop3A_323 = arith.addf %parallel_loop3A_321, %parallel_loop3A_301 : vector<16xf32>
        %parallel_loop3A_324 = arith.addf %parallel_loop3A_321, %parallel_loop3A_322 : vector<16xf32>
        %parallel_loop3A_325 = arith.addf %parallel_loop3A_320, %parallel_loop3A_295 : vector<16xf32>
        %parallel_loop3A_326 = arith.addf %parallel_loop3A_320, %parallel_loop3A_321 : vector<16xf32>
        %parallel_loop3A_327 = arith.addf %parallel_loop3A_320, %parallel_loop3A_323 : vector<16xf32>
        %parallel_loop3A_328 = arith.addf %parallel_loop3A_320, %parallel_loop3A_324 : vector<16xf32>
        %parallel_loop3A_329 = arith.addf %parallel_loop3A_316, %parallel_loop3A_283 : vector<16xf32>
        %parallel_loop3A_330 = arith.addf %parallel_loop3A_316, %parallel_loop3A_317 : vector<16xf32>
        %parallel_loop3A_331 = arith.addf %parallel_loop3A_316, %parallel_loop3A_319 : vector<16xf32>
        %parallel_loop3A_332 = arith.addf %parallel_loop3A_316, %parallel_loop3A_320 : vector<16xf32>
        %parallel_loop3A_333 = arith.addf %parallel_loop3A_316, %parallel_loop3A_325 : vector<16xf32>
        %parallel_loop3A_334 = arith.addf %parallel_loop3A_316, %parallel_loop3A_326 : vector<16xf32>
        %parallel_loop3A_335 = arith.addf %parallel_loop3A_316, %parallel_loop3A_327 : vector<16xf32>
        %parallel_loop3A_336 = arith.addf %parallel_loop3A_316, %parallel_loop3A_328 : vector<16xf32>
        %parallel_loop3A_337 = vector.broadcast %parallel_loop3A_157 : f32 to vector<16xf32>
        %parallel_loop3A_338 = arith.addf %parallel_loop3A_259, %parallel_loop3A_337 : vector<16xf32>
        %parallel_loop3A_339 = arith.constant 1 : i32
        %parallel_loop3A_340 = arith.index_cast %parallel_loop3A_339 : i32 to index
        %parallel_loop3A_341 = arith.index_cast %parallel_loop3A_162 : i32 to index
        %parallel_loop3A_342 = tpu.vector_load %arg5[%parallel_loop3A_340, %parallel_loop3A_341] {strides = array<i32>} : memref<2x8192xf32, #tpu.memory_space<vmem>>, vector<16xf32>,
        tpu.vector_store %arg5[%parallel_loop3A_340, %parallel_loop3A_341], %parallel_loop3A_338 {strides = array<i32>} : memref<2x8192xf32, #tpu.memory_space<vmem>>, vector<16xf32>,
        %parallel_loop3A_343 = vector.extract_strided_slice %parallel_loop3A_259 {offsets = [15], sizes = [1], strides = [1]} : vector<16xf32> to vector<1xf32>
        %parallel_loop3A_344 = vector.extract %parallel_loop3A_343[0] : f32 from vector<1xf32>
        %parallel_loop3A_345 = vector.broadcast %parallel_loop3A_344 : f32 to vector<16xf32>
        %parallel_loop3A_346 = arith.addf %parallel_loop3A_262, %parallel_loop3A_345 : vector<16xf32>
        %parallel_loop3A_347 = vector.broadcast %parallel_loop3A_157 : f32 to vector<16xf32>
        %parallel_loop3A_348 = arith.addf %parallel_loop3A_346, %parallel_loop3A_347 : vector<16xf32>
        %parallel_loop3A_349 = arith.constant 1 : i32
        %parallel_loop3A_350 = arith.index_cast %parallel_loop3A_349 : i32 to index
        %parallel_loop3A_351 = arith.index_cast %parallel_loop3A_164 : i32 to index
        %parallel_loop3A_352 = tpu.vector_load %arg5[%parallel_loop3A_350, %parallel_loop3A_351] {strides = array<i32>} : memref<2x8192xf32, #tpu.memory_space<vmem>>, vector<16xf32>,
        tpu.vector_store %arg5[%parallel_loop3A_350, %parallel_loop3A_351], %parallel_loop3A_348 {strides = array<i32>} : memref<2x8192xf32, #tpu.memory_space<vmem>>, vector<16xf32>,
        %parallel_loop3A_353 = vector.extract_strided_slice %parallel_loop3A_305 {offsets = [15], sizes = [1], strides = [1]} : vector<16xf32> to vector<1xf32>
        %parallel_loop3A_354 = vector.extract %parallel_loop3A_353[0] : f32 from vector<1xf32>
        %parallel_loop3A_355 = vector.broadcast %parallel_loop3A_354 : f32 to vector<16xf32>
        %parallel_loop3A_356 = arith.addf %parallel_loop3A_265, %parallel_loop3A_355 : vector<16xf32>
        %parallel_loop3A_357 = vector.broadcast %parallel_loop3A_157 : f32 to vector<16xf32>
        %parallel_loop3A_358 = arith.addf %parallel_loop3A_356, %parallel_loop3A_357 : vector<16xf32>
        %parallel_loop3A_359 = arith.constant 1 : i32
        %parallel_loop3A_360 = arith.index_cast %parallel_loop3A_359 : i32 to index
        %parallel_loop3A_361 = arith.index_cast %parallel_loop3A_166 : i32 to index
        %parallel_loop3A_362 = tpu.vector_load %arg5[%parallel_loop3A_360, %parallel_loop3A_361] {strides = array<i32>} : memref<2x8192xf32, #tpu.memory_space<vmem>>, vector<16xf32>,
        tpu.vector_store %arg5[%parallel_loop3A_360, %parallel_loop3A_361], %parallel_loop3A_358 {strides = array<i32>} : memref<2x8192xf32, #tpu.memory_space<vmem>>, vector<16xf32>,
        %parallel_loop3A_363 = vector.extract_strided_slice %parallel_loop3A_307 {offsets = [15], sizes = [1], strides = [1]} : vector<16xf32> to vector<1xf32>
        %parallel_loop3A_364 = vector.extract %parallel_loop3A_363[0] : f32 from vector<1xf32>
        %parallel_loop3A_365 = vector.broadcast %parallel_loop3A_364 : f32 to vector<16xf32>
        %parallel_loop3A_366 = arith.addf %parallel_loop3A_268, %parallel_loop3A_365 : vector<16xf32>
        %parallel_loop3A_367 = vector.broadcast %parallel_loop3A_157 : f32 to vector<16xf32>
        %parallel_loop3A_368 = arith.addf %parallel_loop3A_366, %parallel_loop3A_367 : vector<16xf32>
        %parallel_loop3A_369 = arith.constant 1 : i32
        %parallel_loop3A_370 = arith.index_cast %parallel_loop3A_369 : i32 to index
        %parallel_loop3A_371 = arith.index_cast %parallel_loop3A_168 : i32 to index
        %parallel_loop3A_372 = tpu.vector_load %arg5[%parallel_loop3A_370, %parallel_loop3A_371] {strides = array<i32>} : memref<2x8192xf32, #tpu.memory_space<vmem>>, vector<16xf32>,
        tpu.vector_store %arg5[%parallel_loop3A_370, %parallel_loop3A_371], %parallel_loop3A_368 {strides = array<i32>} : memref<2x8192xf32, #tpu.memory_space<vmem>>, vector<16xf32>,
        %parallel_loop3A_373 = vector.extract_strided_slice %parallel_loop3A_308 {offsets = [15], sizes = [1], strides = [1]} : vector<16xf32> to vector<1xf32>
        %parallel_loop3A_374 = vector.extract %parallel_loop3A_373[0] : f32 from vector<1xf32>
        %parallel_loop3A_375 = vector.broadcast %parallel_loop3A_374 : f32 to vector<16xf32>
        %parallel_loop3A_376 = arith.addf %parallel_loop3A_271, %parallel_loop3A_375 : vector<16xf32>
        %parallel_loop3A_377 = vector.broadcast %parallel_loop3A_157 : f32 to vector<16xf32>
        %parallel_loop3A_378 = arith.addf %parallel_loop3A_376, %parallel_loop3A_377 : vector<16xf32>
        %parallel_loop3A_379 = arith.constant 1 : i32
        %parallel_loop3A_380 = arith.index_cast %parallel_loop3A_379 : i32 to index
        %parallel_loop3A_381 = arith.index_cast %parallel_loop3A_170 : i32 to index
        %parallel_loop3A_382 = tpu.vector_load %arg5[%parallel_loop3A_380, %parallel_loop3A_381] {strides = array<i32>} : memref<2x8192xf32, #tpu.memory_space<vmem>>, vector<16xf32>,
        tpu.vector_store %arg5[%parallel_loop3A_380, %parallel_loop3A_381], %parallel_loop3A_378 {strides = array<i32>} : memref<2x8192xf32, #tpu.memory_space<vmem>>, vector<16xf32>,
        %parallel_loop3A_383 = vector.extract_strided_slice %parallel_loop3A_313 {offsets = [15], sizes = [1], strides = [1]} : vector<16xf32> to vector<1xf32>
        %parallel_loop3A_384 = vector.extract %parallel_loop3A_383[0] : f32 from vector<1xf32>
        %parallel_loop3A_385 = vector.broadcast %parallel_loop3A_384 : f32 to vector<16xf32>
        %parallel_loop3A_386 = arith.addf %parallel_loop3A_274, %parallel_loop3A_385 : vector<16xf32>
        %parallel_loop3A_387 = vector.broadcast %parallel_loop3A_157 : f32 to vector<16xf32>
        %parallel_loop3A_388 = arith.addf %parallel_loop3A_386, %parallel_loop3A_387 : vector<16xf32>
        %parallel_loop3A_389 = arith.constant 1 : i32
        %parallel_loop3A_390 = arith.index_cast %parallel_loop3A_389 : i32 to index
        %parallel_loop3A_391 = arith.index_cast %parallel_loop3A_172 : i32 to index
        %parallel_loop3A_392 = tpu.vector_load %arg5[%parallel_loop3A_390, %parallel_loop3A_391] {strides = array<i32>} : memref<2x8192xf32, #tpu.memory_space<vmem>>, vector<16xf32>,
        tpu.vector_store %arg5[%parallel_loop3A_390, %parallel_loop3A_391], %parallel_loop3A_388 {strides = array<i32>} : memref<2x8192xf32, #tpu.memory_space<vmem>>, vector<16xf32>,
        %parallel_loop3A_393 = vector.extract_strided_slice %parallel_loop3A_314 {offsets = [15], sizes = [1], strides = [1]} : vector<16xf32> to vector<1xf32>
        %parallel_loop3A_394 = vector.extract %parallel_loop3A_393[0] : f32 from vector<1xf32>
        %parallel_loop3A_395 = vector.broadcast %parallel_loop3A_394 : f32 to vector<16xf32>
        %parallel_loop3A_396 = arith.addf %parallel_loop3A_277, %parallel_loop3A_395 : vector<16xf32>
        %parallel_loop3A_397 = vector.broadcast %parallel_loop3A_157 : f32 to vector<16xf32>
        %parallel_loop3A_398 = arith.addf %parallel_loop3A_396, %parallel_loop3A_397 : vector<16xf32>
        %parallel_loop3A_399 = arith.constant 1 : i32
        %parallel_loop3A_400 = arith.index_cast %parallel_loop3A_399 : i32 to index
        %parallel_loop3A_401 = arith.index_cast %parallel_loop3A_174 : i32 to index
        %parallel_loop3A_402 = tpu.vector_load %arg5[%parallel_loop3A_400, %parallel_loop3A_401] {strides = array<i32>} : memref<2x8192xf32, #tpu.memory_space<vmem>>, vector<16xf32>,
        tpu.vector_store %arg5[%parallel_loop3A_400, %parallel_loop3A_401], %parallel_loop3A_398 {strides = array<i32>} : memref<2x8192xf32, #tpu.memory_space<vmem>>, vector<16xf32>,
        %parallel_loop3A_403 = vector.extract_strided_slice %parallel_loop3A_315 {offsets = [15], sizes = [1], strides = [1]} : vector<16xf32> to vector<1xf32>
        %parallel_loop3A_404 = vector.extract %parallel_loop3A_403[0] : f32 from vector<1xf32>
        %parallel_loop3A_405 = vector.broadcast %parallel_loop3A_404 : f32 to vector<16xf32>
        %parallel_loop3A_406 = arith.addf %parallel_loop3A_280, %parallel_loop3A_405 : vector<16xf32>
        %parallel_loop3A_407 = vector.broadcast %parallel_loop3A_157 : f32 to vector<16xf32>
        %parallel_loop3A_408 = arith.addf %parallel_loop3A_406, %parallel_loop3A_407 : vector<16xf32>
        %parallel_loop3A_409 = arith.constant 1 : i32
        %parallel_loop3A_410 = arith.index_cast %parallel_loop3A_409 : i32 to index
        %parallel_loop3A_411 = arith.index_cast %parallel_loop3A_176 : i32 to index
        %parallel_loop3A_412 = tpu.vector_load %arg5[%parallel_loop3A_410, %parallel_loop3A_411] {strides = array<i32>} : memref<2x8192xf32, #tpu.memory_space<vmem>>, vector<16xf32>,
        tpu.vector_store %arg5[%parallel_loop3A_410, %parallel_loop3A_411], %parallel_loop3A_408 {strides = array<i32>} : memref<2x8192xf32, #tpu.memory_space<vmem>>, vector<16xf32>,
        %parallel_loop3A_413 = vector.extract_strided_slice %parallel_loop3A_316 {offsets = [15], sizes = [1], strides = [1]} : vector<16xf32> to vector<1xf32>
        %parallel_loop3A_414 = vector.extract %parallel_loop3A_413[0] : f32 from vector<1xf32>
        %parallel_loop3A_415 = vector.broadcast %parallel_loop3A_414 : f32 to vector<16xf32>
        %parallel_loop3A_416 = arith.addf %parallel_loop3A_283, %parallel_loop3A_415 : vector<16xf32>
        %parallel_loop3A_417 = vector.broadcast %parallel_loop3A_157 : f32 to vector<16xf32>
        %parallel_loop3A_418 = arith.addf %parallel_loop3A_416, %parallel_loop3A_417 : vector<16xf32>
        %parallel_loop3A_419 = arith.constant 1 : i32
        %parallel_loop3A_420 = arith.index_cast %parallel_loop3A_419 : i32 to index
        %parallel_loop3A_421 = arith.index_cast %parallel_loop3A_178 : i32 to index
        %parallel_loop3A_422 = tpu.vector_load %arg5[%parallel_loop3A_420, %parallel_loop3A_421] {strides = array<i32>} : memref<2x8192xf32, #tpu.memory_space<vmem>>, vector<16xf32>,
        tpu.vector_store %arg5[%parallel_loop3A_420, %parallel_loop3A_421], %parallel_loop3A_418 {strides = array<i32>} : memref<2x8192xf32, #tpu.memory_space<vmem>>, vector<16xf32>,
        %parallel_loop3A_423 = vector.extract_strided_slice %parallel_loop3A_329 {offsets = [15], sizes = [1], strides = [1]} : vector<16xf32> to vector<1xf32>
        %parallel_loop3A_424 = vector.extract %parallel_loop3A_423[0] : f32 from vector<1xf32>
        %parallel_loop3A_425 = vector.broadcast %parallel_loop3A_424 : f32 to vector<16xf32>
        %parallel_loop3A_426 = arith.addf %parallel_loop3A_286, %parallel_loop3A_425 : vector<16xf32>
        %parallel_loop3A_427 = vector.broadcast %parallel_loop3A_157 : f32 to vector<16xf32>
        %parallel_loop3A_428 = arith.addf %parallel_loop3A_426, %parallel_loop3A_427 : vector<16xf32>
        %parallel_loop3A_429 = arith.constant 1 : i32
        %parallel_loop3A_430 = arith.index_cast %parallel_loop3A_429 : i32 to index
        %parallel_loop3A_431 = arith.index_cast %parallel_loop3A_180 : i32 to index
        %parallel_loop3A_432 = tpu.vector_load %arg5[%parallel_loop3A_430, %parallel_loop3A_431] {strides = array<i32>} : memref<2x8192xf32, #tpu.memory_space<vmem>>, vector<16xf32>,
        tpu.vector_store %arg5[%parallel_loop3A_430, %parallel_loop3A_431], %parallel_loop3A_428 {strides = array<i32>} : memref<2x8192xf32, #tpu.memory_space<vmem>>, vector<16xf32>,
        %parallel_loop3A_433 = vector.extract_strided_slice %parallel_loop3A_330 {offsets = [15], sizes = [1], strides = [1]} : vector<16xf32> to vector<1xf32>
        %parallel_loop3A_434 = vector.extract %parallel_loop3A_433[0] : f32 from vector<1xf32>
        %parallel_loop3A_435 = vector.broadcast %parallel_loop3A_434 : f32 to vector<16xf32>
        %parallel_loop3A_436 = arith.addf %parallel_loop3A_289, %parallel_loop3A_435 : vector<16xf32>
        %parallel_loop3A_437 = vector.broadcast %parallel_loop3A_157 : f32 to vector<16xf32>
        %parallel_loop3A_438 = arith.addf %parallel_loop3A_436, %parallel_loop3A_437 : vector<16xf32>
        %parallel_loop3A_439 = arith.constant 1 : i32
        %parallel_loop3A_440 = arith.index_cast %parallel_loop3A_439 : i32 to index
        %parallel_loop3A_441 = arith.index_cast %parallel_loop3A_182 : i32 to index
        %parallel_loop3A_442 = tpu.vector_load %arg5[%parallel_loop3A_440, %parallel_loop3A_441] {strides = array<i32>} : memref<2x8192xf32, #tpu.memory_space<vmem>>, vector<16xf32>,
        tpu.vector_store %arg5[%parallel_loop3A_440, %parallel_loop3A_441], %parallel_loop3A_438 {strides = array<i32>} : memref<2x8192xf32, #tpu.memory_space<vmem>>, vector<16xf32>,
        %parallel_loop3A_443 = vector.extract_strided_slice %parallel_loop3A_331 {offsets = [15], sizes = [1], strides = [1]} : vector<16xf32> to vector<1xf32>
        %parallel_loop3A_444 = vector.extract %parallel_loop3A_443[0] : f32 from vector<1xf32>
        %parallel_loop3A_445 = vector.broadcast %parallel_loop3A_444 : f32 to vector<16xf32>
        %parallel_loop3A_446 = arith.addf %parallel_loop3A_292, %parallel_loop3A_445 : vector<16xf32>
        %parallel_loop3A_447 = vector.broadcast %parallel_loop3A_157 : f32 to vector<16xf32>
        %parallel_loop3A_448 = arith.addf %parallel_loop3A_446, %parallel_loop3A_447 : vector<16xf32>
        %parallel_loop3A_449 = arith.constant 1 : i32
        %parallel_loop3A_450 = arith.index_cast %parallel_loop3A_449 : i32 to index
        %parallel_loop3A_451 = arith.index_cast %parallel_loop3A_184 : i32 to index
        %parallel_loop3A_452 = tpu.vector_load %arg5[%parallel_loop3A_450, %parallel_loop3A_451] {strides = array<i32>} : memref<2x8192xf32, #tpu.memory_space<vmem>>, vector<16xf32>,
        tpu.vector_store %arg5[%parallel_loop3A_450, %parallel_loop3A_451], %parallel_loop3A_448 {strides = array<i32>} : memref<2x8192xf32, #tpu.memory_space<vmem>>, vector<16xf32>,
        %parallel_loop3A_453 = vector.extract_strided_slice %parallel_loop3A_332 {offsets = [15], sizes = [1], strides = [1]} : vector<16xf32> to vector<1xf32>
        %parallel_loop3A_454 = vector.extract %parallel_loop3A_453[0] : f32 from vector<1xf32>
        %parallel_loop3A_455 = vector.broadcast %parallel_loop3A_454 : f32 to vector<16xf32>
        %parallel_loop3A_456 = arith.addf %parallel_loop3A_295, %parallel_loop3A_455 : vector<16xf32>
        %parallel_loop3A_457 = vector.broadcast %parallel_loop3A_157 : f32 to vector<16xf32>
        %parallel_loop3A_458 = arith.addf %parallel_loop3A_456, %parallel_loop3A_457 : vector<16xf32>
        %parallel_loop3A_459 = arith.constant 1 : i32
        %parallel_loop3A_460 = arith.index_cast %parallel_loop3A_459 : i32 to index
        %parallel_loop3A_461 = arith.index_cast %parallel_loop3A_186 : i32 to index
        %parallel_loop3A_462 = tpu.vector_load %arg5[%parallel_loop3A_460, %parallel_loop3A_461] {strides = array<i32>} : memref<2x8192xf32, #tpu.memory_space<vmem>>, vector<16xf32>,
        tpu.vector_store %arg5[%parallel_loop3A_460, %parallel_loop3A_461], %parallel_loop3A_458 {strides = array<i32>} : memref<2x8192xf32, #tpu.memory_space<vmem>>, vector<16xf32>,
        %parallel_loop3A_463 = vector.extract_strided_slice %parallel_loop3A_333 {offsets = [15], sizes = [1], strides = [1]} : vector<16xf32> to vector<1xf32>
        %parallel_loop3A_464 = vector.extract %parallel_loop3A_463[0] : f32 from vector<1xf32>
        %parallel_loop3A_465 = vector.broadcast %parallel_loop3A_464 : f32 to vector<16xf32>
        %parallel_loop3A_466 = arith.addf %parallel_loop3A_298, %parallel_loop3A_465 : vector<16xf32>
        %parallel_loop3A_467 = vector.broadcast %parallel_loop3A_157 : f32 to vector<16xf32>
        %parallel_loop3A_468 = arith.addf %parallel_loop3A_466, %parallel_loop3A_467 : vector<16xf32>
        %parallel_loop3A_469 = arith.constant 1 : i32
        %parallel_loop3A_470 = arith.index_cast %parallel_loop3A_469 : i32 to index
        %parallel_loop3A_471 = arith.index_cast %parallel_loop3A_188 : i32 to index
        %parallel_loop3A_472 = tpu.vector_load %arg5[%parallel_loop3A_470, %parallel_loop3A_471] {strides = array<i32>} : memref<2x8192xf32, #tpu.memory_space<vmem>>, vector<16xf32>,
        tpu.vector_store %arg5[%parallel_loop3A_470, %parallel_loop3A_471], %parallel_loop3A_468 {strides = array<i32>} : memref<2x8192xf32, #tpu.memory_space<vmem>>, vector<16xf32>,
        %parallel_loop3A_473 = vector.extract_strided_slice %parallel_loop3A_334 {offsets = [15], sizes = [1], strides = [1]} : vector<16xf32> to vector<1xf32>
        %parallel_loop3A_474 = vector.extract %parallel_loop3A_473[0] : f32 from vector<1xf32>
        %parallel_loop3A_475 = vector.broadcast %parallel_loop3A_474 : f32 to vector<16xf32>
        %parallel_loop3A_476 = arith.addf %parallel_loop3A_301, %parallel_loop3A_475 : vector<16xf32>
        %parallel_loop3A_477 = vector.broadcast %parallel_loop3A_157 : f32 to vector<16xf32>
        %parallel_loop3A_478 = arith.addf %parallel_loop3A_476, %parallel_loop3A_477 : vector<16xf32>
        %parallel_loop3A_479 = arith.constant 1 : i32
        %parallel_loop3A_480 = arith.index_cast %parallel_loop3A_479 : i32 to index
        %parallel_loop3A_481 = arith.index_cast %parallel_loop3A_190 : i32 to index
        %parallel_loop3A_482 = tpu.vector_load %arg5[%parallel_loop3A_480, %parallel_loop3A_481] {strides = array<i32>} : memref<2x8192xf32, #tpu.memory_space<vmem>>, vector<16xf32>,
        tpu.vector_store %arg5[%parallel_loop3A_480, %parallel_loop3A_481], %parallel_loop3A_478 {strides = array<i32>} : memref<2x8192xf32, #tpu.memory_space<vmem>>, vector<16xf32>,
        %parallel_loop3A_483 = vector.extract_strided_slice %parallel_loop3A_335 {offsets = [15], sizes = [1], strides = [1]} : vector<16xf32> to vector<1xf32>
        %parallel_loop3A_484 = vector.extract %parallel_loop3A_483[0] : f32 from vector<1xf32>
        %parallel_loop3A_485 = vector.broadcast %parallel_loop3A_484 : f32 to vector<16xf32>
        %parallel_loop3A_486 = arith.addf %parallel_loop3A_304, %parallel_loop3A_485 : vector<16xf32>
        %parallel_loop3A_487 = vector.broadcast %parallel_loop3A_157 : f32 to vector<16xf32>
        %parallel_loop3A_488 = arith.addf %parallel_loop3A_486, %parallel_loop3A_487 : vector<16xf32>
        %parallel_loop3A_489 = arith.constant 1 : i32
        %parallel_loop3A_490 = arith.index_cast %parallel_loop3A_489 : i32 to index
        %parallel_loop3A_491 = arith.index_cast %parallel_loop3A_192 : i32 to index
        %parallel_loop3A_492 = tpu.vector_load %arg5[%parallel_loop3A_490, %parallel_loop3A_491] {strides = array<i32>} : memref<2x8192xf32, #tpu.memory_space<vmem>>, vector<16xf32>,
        tpu.vector_store %arg5[%parallel_loop3A_490, %parallel_loop3A_491], %parallel_loop3A_488 {strides = array<i32>} : memref<2x8192xf32, #tpu.memory_space<vmem>>, vector<16xf32>,
        %parallel_loop3A_493 = vector.extract_strided_slice %parallel_loop3A_336 {offsets = [15], sizes = [1], strides = [1]} : vector<16xf32> to vector<1xf32>
        %parallel_loop3A_494 = vector.extract %parallel_loop3A_493[0] : f32 from vector<1xf32>
        %parallel_loop3A_495 = arith.addf %parallel_loop3A_157, %parallel_loop3A_494 : f32
        scf.yield %parallel_loop3A_495 : f32
      } {sc.loop_unroll_factor = 1 : i64, sc.parallel_access}
      %mul3A_84 = arith.constant 2 : i32
      %mul3A_85 = arith.muli %add3A_62, %mul3A_84 : i32
      %add3A_86 = arith.addi %mul3A_2, %mul3A_85 : i32
      %dma_start3A_87 = arith.constant 0 : i32
      %dma_start3A_88 = tpu.memref_slice %arg3[%add3A_86, %dma_start3A_87] : memref<4096x8192xf32, #tpu.memory_space<hbm>> -> memref<2x8192xf32, #tpu.memory_space<hbm>>
      %dma_start3A_89 = arith.constant 0 : i32
      %dma_start3A_90 = tpu.memref_slice %arg3[%add3A_86, %dma_start3A_89] : memref<4096x8192xf32, #tpu.memory_space<hbm>> -> memref<2x8192xf32, #tpu.memory_space<hbm>>
      tpu.enqueue_dma source(%arg5 : memref<2x8192xf32, #tpu.memory_space<vmem>>) target(%dma_start3A_90 : memref<2x8192xf32, #tpu.memory_space<hbm>>) target_semaphore(%arg13 : memref<!tpu.dma_semaphore, #tpu.memory_space<semaphore_mem>>)
      %mul3A_91 = arith.constant 4 : i32
      %mul3A_92 = arith.muli %scan3A_29, %mul3A_91 : i32
      %add3A_93 = arith.constant 2 : i32
      %add3A_94 = arith.addi %mul3A_92, %add3A_93 : i32
      %add3A_95 = arith.constant 1 : i32
      %add3A_96 = arith.addi %add3A_94, %add3A_95 : i32
      %lt3A_97 = arith.constant 64 : i32
      %lt3A_98 = arith.cmpi slt, %add3A_96, %lt3A_97 : i32
      %convert_element_type3A_99 = arith.extui %lt3A_98 : i1 to i32
      %cond3A_100 = arith.constant 0 : i32
      %cond3A_101 = arith.cmpi ne, %convert_element_type3A_99, %cond3A_100 : i32
      scf.if %cond3A_101 {
        %ge3A = arith.constant 4 : i32
        %ge3A_156 = arith.cmpi sge, %add3A_96, %ge3A : i32
        %convert_element_type3A_157 = arith.extui %ge3A_156 : i1 to i32
        %cond3A_158 = arith.constant 0 : i32
        %cond3A_159 = arith.cmpi ne, %convert_element_type3A_157, %cond3A_158 : i32
        scf.if %cond3A_159 {
          %dma_wait3A_167 = arith.constant 0 : i32
          %dma_wait3A_168 = tpu.memref_slice %arg3[%mul3A_2, %dma_wait3A_167] : memref<4096x8192xf32, #tpu.memory_space<hbm>> -> memref<2x8192xf32, #tpu.memory_space<hbm>>
          %dma_wait3A_169 = arith.constant 0 : i32
          %dma_wait3A_170 = tpu.memref_slice %arg3[%mul3A_2, %dma_wait3A_169] : memref<4096x8192xf32, #tpu.memory_space<hbm>> -> memref<2x8192xf32, #tpu.memory_space<hbm>>
          tpu.wait_dma2 semaphore(%arg15 : memref<!tpu.dma_semaphore, #tpu.memory_space<semaphore_mem>>) src(%arg7 : memref<2x8192xf32, #tpu.memory_space<vmem>>) dst(%dma_wait3A_170 : memref<2x8192xf32, #tpu.memory_space<hbm>>)
        } else {
        }
        %mul3A_160 = arith.constant 2 : i32
        %mul3A_161 = arith.muli %add3A_96, %mul3A_160 : i32
        %add3A_162 = arith.addi %mul3A_2, %mul3A_161 : i32
        %dma_start3A_163 = arith.constant 0 : i32
        %dma_start3A_164 = tpu.memref_slice %arg2[%add3A_162, %dma_start3A_163] : memref<4096x8192xf32, #tpu.memory_space<hbm>> -> memref<2x8192xf32, #tpu.memory_space<hbm>>
        %dma_start3A_165 = arith.constant 0 : i32
        %dma_start3A_166 = tpu.memref_slice %arg2[%add3A_162, %dma_start3A_165] : memref<4096x8192xf32, #tpu.memory_space<hbm>> -> memref<2x8192xf32, #tpu.memory_space<hbm>>
        tpu.enqueue_dma source(%dma_start3A_166 : memref<2x8192xf32, #tpu.memory_space<hbm>>) target(%arg7 : memref<2x8192xf32, #tpu.memory_space<vmem>>) target_semaphore(%arg11 : memref<!tpu.dma_semaphore, #tpu.memory_space<semaphore_mem>>)
      } else {
      }
      %dma_wait3A_102 = arith.constant 0 : i32
      %dma_wait3A_103 = tpu.memref_slice %arg2[%mul3A_2, %dma_wait3A_102] : memref<4096x8192xf32, #tpu.memory_space<hbm>> -> memref<2x8192xf32, #tpu.memory_space<hbm>>
      %dma_wait3A_104 = arith.constant 0 : i32
      %dma_wait3A_105 = tpu.memref_slice %arg2[%mul3A_2, %dma_wait3A_104] : memref<4096x8192xf32, #tpu.memory_space<hbm>> -> memref<2x8192xf32, #tpu.memory_space<hbm>>
      tpu.wait_dma2 semaphore(%arg10 : memref<!tpu.dma_semaphore, #tpu.memory_space<semaphore_mem>>) src(%dma_wait3A_105 : memref<2x8192xf32, #tpu.memory_space<hbm>>) dst(%arg6 : memref<2x8192xf32, #tpu.memory_space<vmem>>)
      %parallel_loop3A_106 = arith.constant 0 : i32
      %parallel_loop3A_107 = arith.constant 32 : i32
      %parallel_loop3A_108 = arith.constant 1 : i32
      %parallel_loop3A_109 = arith.constant 0.000000e+00 : f32
      %parallel_loop3A_110 = scf.for %parallel_loop3A_156 = %parallel_loop3A_106 to %parallel_loop3A_107 step %parallel_loop3A_108 iter_args(%parallel_loop3A_157 = %parallel_loop3A_109) -> (f32)  : i32 {
        %parallel_loop3A_158 = arith.constant 256 : i32
        %parallel_loop3A_159 = arith.muli %parallel_loop3A_156, %parallel_loop3A_158 : i32
        %parallel_loop3A_160 = tpu.assume_multiple %parallel_loop3A_159, 256 : i32
        %parallel_loop3A_161 = arith.constant 0 : i32
        %parallel_loop3A_162 = arith.addi %parallel_loop3A_160, %parallel_loop3A_161 : i32
        %parallel_loop3A_163 = arith.constant 16 : i32
        %parallel_loop3A_164 = arith.addi %parallel_loop3A_160, %parallel_loop3A_163 : i32
        %parallel_loop3A_165 = arith.constant 32 : i32
        %parallel_loop3A_166 = arith.addi %parallel_loop3A_160, %parallel_loop3A_165 : i32
        %parallel_loop3A_167 = arith.constant 48 : i32
        %parallel_loop3A_168 = arith.addi %parallel_loop3A_160, %parallel_loop3A_167 : i32
        %parallel_loop3A_169 = arith.constant 64 : i32
        %parallel_loop3A_170 = arith.addi %parallel_loop3A_160, %parallel_loop3A_169 : i32
        %parallel_loop3A_171 = arith.constant 80 : i32
        %parallel_loop3A_172 = arith.addi %parallel_loop3A_160, %parallel_loop3A_171 : i32
        %parallel_loop3A_173 = arith.constant 96 : i32
        %parallel_loop3A_174 = arith.addi %parallel_loop3A_160, %parallel_loop3A_173 : i32
        %parallel_loop3A_175 = arith.constant 112 : i32
        %parallel_loop3A_176 = arith.addi %parallel_loop3A_160, %parallel_loop3A_175 : i32
        %parallel_loop3A_177 = arith.constant 128 : i32
        %parallel_loop3A_178 = arith.addi %parallel_loop3A_160, %parallel_loop3A_177 : i32
        %parallel_loop3A_179 = arith.constant 144 : i32
        %parallel_loop3A_180 = arith.addi %parallel_loop3A_160, %parallel_loop3A_179 : i32
        %parallel_loop3A_181 = arith.constant 160 : i32
        %parallel_loop3A_182 = arith.addi %parallel_loop3A_160, %parallel_loop3A_181 : i32
        %parallel_loop3A_183 = arith.constant 176 : i32
        %parallel_loop3A_184 = arith.addi %parallel_loop3A_160, %parallel_loop3A_183 : i32
        %parallel_loop3A_185 = arith.constant 192 : i32
        %parallel_loop3A_186 = arith.addi %parallel_loop3A_160, %parallel_loop3A_185 : i32
        %parallel_loop3A_187 = arith.constant 208 : i32
        %parallel_loop3A_188 = arith.addi %parallel_loop3A_160, %parallel_loop3A_187 : i32
        %parallel_loop3A_189 = arith.constant 224 : i32
        %parallel_loop3A_190 = arith.addi %parallel_loop3A_160, %parallel_loop3A_189 : i32
        %parallel_loop3A_191 = arith.constant 240 : i32
        %parallel_loop3A_192 = arith.addi %parallel_loop3A_160, %parallel_loop3A_191 : i32
        %parallel_loop3A_193 = arith.constant 0 : i32
        %parallel_loop3A_194 = arith.index_cast %parallel_loop3A_193 : i32 to index
        %parallel_loop3A_195 = arith.index_cast %parallel_loop3A_162 : i32 to index
        %parallel_loop3A_196 = tpu.vector_load %arg6[%parallel_loop3A_194, %parallel_loop3A_195] {strides = array<i32>} : memref<2x8192xf32, #tpu.memory_space<vmem>>, vector<16xf32>,
        %parallel_loop3A_197 = arith.constant 0 : i32
        %parallel_loop3A_198 = arith.index_cast %parallel_loop3A_197 : i32 to index
        %parallel_loop3A_199 = arith.index_cast %parallel_loop3A_164 : i32 to index
        %parallel_loop3A_200 = tpu.vector_load %arg6[%parallel_loop3A_198, %parallel_loop3A_199] {strides = array<i32>} : memref<2x8192xf32, #tpu.memory_space<vmem>>, vector<16xf32>,
        %parallel_loop3A_201 = arith.constant 0 : i32
        %parallel_loop3A_202 = arith.index_cast %parallel_loop3A_201 : i32 to index
        %parallel_loop3A_203 = arith.index_cast %parallel_loop3A_166 : i32 to index
        %parallel_loop3A_204 = tpu.vector_load %arg6[%parallel_loop3A_202, %parallel_loop3A_203] {strides = array<i32>} : memref<2x8192xf32, #tpu.memory_space<vmem>>, vector<16xf32>,
        %parallel_loop3A_205 = arith.constant 0 : i32
        %parallel_loop3A_206 = arith.index_cast %parallel_loop3A_205 : i32 to index
        %parallel_loop3A_207 = arith.index_cast %parallel_loop3A_168 : i32 to index
        %parallel_loop3A_208 = tpu.vector_load %arg6[%parallel_loop3A_206, %parallel_loop3A_207] {strides = array<i32>} : memref<2x8192xf32, #tpu.memory_space<vmem>>, vector<16xf32>,
        %parallel_loop3A_209 = arith.constant 0 : i32
        %parallel_loop3A_210 = arith.index_cast %parallel_loop3A_209 : i32 to index
        %parallel_loop3A_211 = arith.index_cast %parallel_loop3A_170 : i32 to index
        %parallel_loop3A_212 = tpu.vector_load %arg6[%parallel_loop3A_210, %parallel_loop3A_211] {strides = array<i32>} : memref<2x8192xf32, #tpu.memory_space<vmem>>, vector<16xf32>,
        %parallel_loop3A_213 = arith.constant 0 : i32
        %parallel_loop3A_214 = arith.index_cast %parallel_loop3A_213 : i32 to index
        %parallel_loop3A_215 = arith.index_cast %parallel_loop3A_172 : i32 to index
        %parallel_loop3A_216 = tpu.vector_load %arg6[%parallel_loop3A_214, %parallel_loop3A_215] {strides = array<i32>} : memref<2x8192xf32, #tpu.memory_space<vmem>>, vector<16xf32>,
        %parallel_loop3A_217 = arith.constant 0 : i32
        %parallel_loop3A_218 = arith.index_cast %parallel_loop3A_217 : i32 to index
        %parallel_loop3A_219 = arith.index_cast %parallel_loop3A_174 : i32 to index
        %parallel_loop3A_220 = tpu.vector_load %arg6[%parallel_loop3A_218, %parallel_loop3A_219] {strides = array<i32>} : memref<2x8192xf32, #tpu.memory_space<vmem>>, vector<16xf32>,
        %parallel_loop3A_221 = arith.constant 0 : i32
        %parallel_loop3A_222 = arith.index_cast %parallel_loop3A_221 : i32 to index
        %parallel_loop3A_223 = arith.index_cast %parallel_loop3A_176 : i32 to index
        %parallel_loop3A_224 = tpu.vector_load %arg6[%parallel_loop3A_222, %parallel_loop3A_223] {strides = array<i32>} : memref<2x8192xf32, #tpu.memory_space<vmem>>, vector<16xf32>,
        %parallel_loop3A_225 = arith.constant 0 : i32
        %parallel_loop3A_226 = arith.index_cast %parallel_loop3A_225 : i32 to index
        %parallel_loop3A_227 = arith.index_cast %parallel_loop3A_178 : i32 to index
        %parallel_loop3A_228 = tpu.vector_load %arg6[%parallel_loop3A_226, %parallel_loop3A_227] {strides = array<i32>} : memref<2x8192xf32, #tpu.memory_space<vmem>>, vector<16xf32>,
        %parallel_loop3A_229 = arith.constant 0 : i32
        %parallel_loop3A_230 = arith.index_cast %parallel_loop3A_229 : i32 to index
        %parallel_loop3A_231 = arith.index_cast %parallel_loop3A_180 : i32 to index
        %parallel_loop3A_232 = tpu.vector_load %arg6[%parallel_loop3A_230, %parallel_loop3A_231] {strides = array<i32>} : memref<2x8192xf32, #tpu.memory_space<vmem>>, vector<16xf32>,
        %parallel_loop3A_233 = arith.constant 0 : i32
        %parallel_loop3A_234 = arith.index_cast %parallel_loop3A_233 : i32 to index
        %parallel_loop3A_235 = arith.index_cast %parallel_loop3A_182 : i32 to index
        %parallel_loop3A_236 = tpu.vector_load %arg6[%parallel_loop3A_234, %parallel_loop3A_235] {strides = array<i32>} : memref<2x8192xf32, #tpu.memory_space<vmem>>, vector<16xf32>,
        %parallel_loop3A_237 = arith.constant 0 : i32
        %parallel_loop3A_238 = arith.index_cast %parallel_loop3A_237 : i32 to index
        %parallel_loop3A_239 = arith.index_cast %parallel_loop3A_184 : i32 to index
        %parallel_loop3A_240 = tpu.vector_load %arg6[%parallel_loop3A_238, %parallel_loop3A_239] {strides = array<i32>} : memref<2x8192xf32, #tpu.memory_space<vmem>>, vector<16xf32>,
        %parallel_loop3A_241 = arith.constant 0 : i32
        %parallel_loop3A_242 = arith.index_cast %parallel_loop3A_241 : i32 to index
        %parallel_loop3A_243 = arith.index_cast %parallel_loop3A_186 : i32 to index
        %parallel_loop3A_244 = tpu.vector_load %arg6[%parallel_loop3A_242, %parallel_loop3A_243] {strides = array<i32>} : memref<2x8192xf32, #tpu.memory_space<vmem>>, vector<16xf32>,
        %parallel_loop3A_245 = arith.constant 0 : i32
        %parallel_loop3A_246 = arith.index_cast %parallel_loop3A_245 : i32 to index
        %parallel_loop3A_247 = arith.index_cast %parallel_loop3A_188 : i32 to index
        %parallel_loop3A_248 = tpu.vector_load %arg6[%parallel_loop3A_246, %parallel_loop3A_247] {strides = array<i32>} : memref<2x8192xf32, #tpu.memory_space<vmem>>, vector<16xf32>,
        %parallel_loop3A_249 = arith.constant 0 : i32
        %parallel_loop3A_250 = arith.index_cast %parallel_loop3A_249 : i32 to index
        %parallel_loop3A_251 = arith.index_cast %parallel_loop3A_190 : i32 to index
        %parallel_loop3A_252 = tpu.vector_load %arg6[%parallel_loop3A_250, %parallel_loop3A_251] {strides = array<i32>} : memref<2x8192xf32, #tpu.memory_space<vmem>>, vector<16xf32>,
        %parallel_loop3A_253 = arith.constant 0 : i32
        %parallel_loop3A_254 = arith.index_cast %parallel_loop3A_253 : i32 to index
        %parallel_loop3A_255 = arith.index_cast %parallel_loop3A_192 : i32 to index
        %parallel_loop3A_256 = tpu.vector_load %arg6[%parallel_loop3A_254, %parallel_loop3A_255] {strides = array<i32>} : memref<2x8192xf32, #tpu.memory_space<vmem>>, vector<16xf32>,
        %parallel_loop3A_257 = arith.constant true
        %parallel_loop3A_258 = vector.broadcast %parallel_loop3A_257 : i1 to vector<16xi1>
        %parallel_loop3A_259 = tpu.scan <sum>, %parallel_loop3A_196 masked %parallel_loop3A_258 : vector<16xf32>, vector<16xi1> -> vector<16xf32>
        %parallel_loop3A_260 = arith.constant true
        %parallel_loop3A_261 = vector.broadcast %parallel_loop3A_260 : i1 to vector<16xi1>
        %parallel_loop3A_262 = tpu.scan <sum>, %parallel_loop3A_200 masked %parallel_loop3A_261 : vector<16xf32>, vector<16xi1> -> vector<16xf32>
        %parallel_loop3A_263 = arith.constant true
        %parallel_loop3A_264 = vector.broadcast %parallel_loop3A_263 : i1 to vector<16xi1>
        %parallel_loop3A_265 = tpu.scan <sum>, %parallel_loop3A_204 masked %parallel_loop3A_264 : vector<16xf32>, vector<16xi1> -> vector<16xf32>
        %parallel_loop3A_266 = arith.constant true
        %parallel_loop3A_267 = vector.broadcast %parallel_loop3A_266 : i1 to vector<16xi1>
        %parallel_loop3A_268 = tpu.scan <sum>, %parallel_loop3A_208 masked %parallel_loop3A_267 : vector<16xf32>, vector<16xi1> -> vector<16xf32>
        %parallel_loop3A_269 = arith.constant true
        %parallel_loop3A_270 = vector.broadcast %parallel_loop3A_269 : i1 to vector<16xi1>
        %parallel_loop3A_271 = tpu.scan <sum>, %parallel_loop3A_212 masked %parallel_loop3A_270 : vector<16xf32>, vector<16xi1> -> vector<16xf32>
        %parallel_loop3A_272 = arith.constant true
        %parallel_loop3A_273 = vector.broadcast %parallel_loop3A_272 : i1 to vector<16xi1>
        %parallel_loop3A_274 = tpu.scan <sum>, %parallel_loop3A_216 masked %parallel_loop3A_273 : vector<16xf32>, vector<16xi1> -> vector<16xf32>
        %parallel_loop3A_275 = arith.constant true
        %parallel_loop3A_276 = vector.broadcast %parallel_loop3A_275 : i1 to vector<16xi1>
        %parallel_loop3A_277 = tpu.scan <sum>, %parallel_loop3A_220 masked %parallel_loop3A_276 : vector<16xf32>, vector<16xi1> -> vector<16xf32>
        %parallel_loop3A_278 = arith.constant true
        %parallel_loop3A_279 = vector.broadcast %parallel_loop3A_278 : i1 to vector<16xi1>
        %parallel_loop3A_280 = tpu.scan <sum>, %parallel_loop3A_224 masked %parallel_loop3A_279 : vector<16xf32>, vector<16xi1> -> vector<16xf32>
        %parallel_loop3A_281 = arith.constant true
        %parallel_loop3A_282 = vector.broadcast %parallel_loop3A_281 : i1 to vector<16xi1>
        %parallel_loop3A_283 = tpu.scan <sum>, %parallel_loop3A_228 masked %parallel_loop3A_282 : vector<16xf32>, vector<16xi1> -> vector<16xf32>
        %parallel_loop3A_284 = arith.constant true
        %parallel_loop3A_285 = vector.broadcast %parallel_loop3A_284 : i1 to vector<16xi1>
        %parallel_loop3A_286 = tpu.scan <sum>, %parallel_loop3A_232 masked %parallel_loop3A_285 : vector<16xf32>, vector<16xi1> -> vector<16xf32>
        %parallel_loop3A_287 = arith.constant true
        %parallel_loop3A_288 = vector.broadcast %parallel_loop3A_287 : i1 to vector<16xi1>
        %parallel_loop3A_289 = tpu.scan <sum>, %parallel_loop3A_236 masked %parallel_loop3A_288 : vector<16xf32>, vector<16xi1> -> vector<16xf32>
        %parallel_loop3A_290 = arith.constant true
        %parallel_loop3A_291 = vector.broadcast %parallel_loop3A_290 : i1 to vector<16xi1>
        %parallel_loop3A_292 = tpu.scan <sum>, %parallel_loop3A_240 masked %parallel_loop3A_291 : vector<16xf32>, vector<16xi1> -> vector<16xf32>
        %parallel_loop3A_293 = arith.constant true
        %parallel_loop3A_294 = vector.broadcast %parallel_loop3A_293 : i1 to vector<16xi1>
        %parallel_loop3A_295 = tpu.scan <sum>, %parallel_loop3A_244 masked %parallel_loop3A_294 : vector<16xf32>, vector<16xi1> -> vector<16xf32>
        %parallel_loop3A_296 = arith.constant true
        %parallel_loop3A_297 = vector.broadcast %parallel_loop3A_296 : i1 to vector<16xi1>
        %parallel_loop3A_298 = tpu.scan <sum>, %parallel_loop3A_248 masked %parallel_loop3A_297 : vector<16xf32>, vector<16xi1> -> vector<16xf32>
        %parallel_loop3A_299 = arith.constant true
        %parallel_loop3A_300 = vector.broadcast %parallel_loop3A_299 : i1 to vector<16xi1>
        %parallel_loop3A_301 = tpu.scan <sum>, %parallel_loop3A_252 masked %parallel_loop3A_300 : vector<16xf32>, vector<16xi1> -> vector<16xf32>
        %parallel_loop3A_302 = arith.constant true
        %parallel_loop3A_303 = vector.broadcast %parallel_loop3A_302 : i1 to vector<16xi1>
        %parallel_loop3A_304 = tpu.scan <sum>, %parallel_loop3A_256 masked %parallel_loop3A_303 : vector<16xf32>, vector<16xi1> -> vector<16xf32>
        %parallel_loop3A_305 = arith.addf %parallel_loop3A_259, %parallel_loop3A_262 : vector<16xf32>
        %parallel_loop3A_306 = arith.addf %parallel_loop3A_265, %parallel_loop3A_268 : vector<16xf32>
        %parallel_loop3A_307 = arith.addf %parallel_loop3A_305, %parallel_loop3A_265 : vector<16xf32>
        %parallel_loop3A_308 = arith.addf %parallel_loop3A_305, %parallel_loop3A_306 : vector<16xf32>
        %parallel_loop3A_309 = arith.addf %parallel_loop3A_271, %parallel_loop3A_274 : vector<16xf32>
        %parallel_loop3A_310 = arith.addf %parallel_loop3A_277, %parallel_loop3A_280 : vector<16xf32>
        %parallel_loop3A_311 = arith.addf %parallel_loop3A_309, %parallel_loop3A_277 : vector<16xf32>
        %parallel_loop3A_312 = arith.addf %parallel_loop3A_309, %parallel_loop3A_310 : vector<16xf32>
        %parallel_loop3A_313 = arith.addf %parallel_loop3A_308, %parallel_loop3A_271 : vector<16xf32>
        %parallel_loop3A_314 = arith.addf %parallel_loop3A_308, %parallel_loop3A_309 : vector<16xf32>
        %parallel_loop3A_315 = arith.addf %parallel_loop3A_308, %parallel_loop3A_311 : vector<16xf32>
        %parallel_loop3A_316 = arith.addf %parallel_loop3A_308, %parallel_loop3A_312 : vector<16xf32>
        %parallel_loop3A_317 = arith.addf %parallel_loop3A_283, %parallel_loop3A_286 : vector<16xf32>
        %parallel_loop3A_318 = arith.addf %parallel_loop3A_289, %parallel_loop3A_292 : vector<16xf32>
        %parallel_loop3A_319 = arith.addf %parallel_loop3A_317, %parallel_loop3A_289 : vector<16xf32>
        %parallel_loop3A_320 = arith.addf %parallel_loop3A_317, %parallel_loop3A_318 : vector<16xf32>
        %parallel_loop3A_321 = arith.addf %parallel_loop3A_295, %parallel_loop3A_298 : vector<16xf32>
        %parallel_loop3A_322 = arith.addf %parallel_loop3A_301, %parallel_loop3A_304 : vector<16xf32>
        %parallel_loop3A_323 = arith.addf %parallel_loop3A_321, %parallel_loop3A_301 : vector<16xf32>
        %parallel_loop3A_324 = arith.addf %parallel_loop3A_321, %parallel_loop3A_322 : vector<16xf32>
        %parallel_loop3A_325 = arith.addf %parallel_loop3A_320, %parallel_loop3A_295 : vector<16xf32>
        %parallel_loop3A_326 = arith.addf %parallel_loop3A_320, %parallel_loop3A_321 : vector<16xf32>
        %parallel_loop3A_327 = arith.addf %parallel_loop3A_320, %parallel_loop3A_323 : vector<16xf32>
        %parallel_loop3A_328 = arith.addf %parallel_loop3A_320, %parallel_loop3A_324 : vector<16xf32>
        %parallel_loop3A_329 = arith.addf %parallel_loop3A_316, %parallel_loop3A_283 : vector<16xf32>
        %parallel_loop3A_330 = arith.addf %parallel_loop3A_316, %parallel_loop3A_317 : vector<16xf32>
        %parallel_loop3A_331 = arith.addf %parallel_loop3A_316, %parallel_loop3A_319 : vector<16xf32>
        %parallel_loop3A_332 = arith.addf %parallel_loop3A_316, %parallel_loop3A_320 : vector<16xf32>
        %parallel_loop3A_333 = arith.addf %parallel_loop3A_316, %parallel_loop3A_325 : vector<16xf32>
        %parallel_loop3A_334 = arith.addf %parallel_loop3A_316, %parallel_loop3A_326 : vector<16xf32>
        %parallel_loop3A_335 = arith.addf %parallel_loop3A_316, %parallel_loop3A_327 : vector<16xf32>
        %parallel_loop3A_336 = arith.addf %parallel_loop3A_316, %parallel_loop3A_328 : vector<16xf32>
        %parallel_loop3A_337 = vector.broadcast %parallel_loop3A_157 : f32 to vector<16xf32>
        %parallel_loop3A_338 = arith.addf %parallel_loop3A_259, %parallel_loop3A_337 : vector<16xf32>
        %parallel_loop3A_339 = arith.constant 0 : i32
        %parallel_loop3A_340 = arith.index_cast %parallel_loop3A_339 : i32 to index
        %parallel_loop3A_341 = arith.index_cast %parallel_loop3A_162 : i32 to index
        %parallel_loop3A_342 = tpu.vector_load %arg6[%parallel_loop3A_340, %parallel_loop3A_341] {strides = array<i32>} : memref<2x8192xf32, #tpu.memory_space<vmem>>, vector<16xf32>,
        tpu.vector_store %arg6[%parallel_loop3A_340, %parallel_loop3A_341], %parallel_loop3A_338 {strides = array<i32>} : memref<2x8192xf32, #tpu.memory_space<vmem>>, vector<16xf32>,
        %parallel_loop3A_343 = vector.extract_strided_slice %parallel_loop3A_259 {offsets = [15], sizes = [1], strides = [1]} : vector<16xf32> to vector<1xf32>
        %parallel_loop3A_344 = vector.extract %parallel_loop3A_343[0] : f32 from vector<1xf32>
        %parallel_loop3A_345 = vector.broadcast %parallel_loop3A_344 : f32 to vector<16xf32>
        %parallel_loop3A_346 = arith.addf %parallel_loop3A_262, %parallel_loop3A_345 : vector<16xf32>
        %parallel_loop3A_347 = vector.broadcast %parallel_loop3A_157 : f32 to vector<16xf32>
        %parallel_loop3A_348 = arith.addf %parallel_loop3A_346, %parallel_loop3A_347 : vector<16xf32>
        %parallel_loop3A_349 = arith.constant 0 : i32
        %parallel_loop3A_350 = arith.index_cast %parallel_loop3A_349 : i32 to index
        %parallel_loop3A_351 = arith.index_cast %parallel_loop3A_164 : i32 to index
        %parallel_loop3A_352 = tpu.vector_load %arg6[%parallel_loop3A_350, %parallel_loop3A_351] {strides = array<i32>} : memref<2x8192xf32, #tpu.memory_space<vmem>>, vector<16xf32>,
        tpu.vector_store %arg6[%parallel_loop3A_350, %parallel_loop3A_351], %parallel_loop3A_348 {strides = array<i32>} : memref<2x8192xf32, #tpu.memory_space<vmem>>, vector<16xf32>,
        %parallel_loop3A_353 = vector.extract_strided_slice %parallel_loop3A_305 {offsets = [15], sizes = [1], strides = [1]} : vector<16xf32> to vector<1xf32>
        %parallel_loop3A_354 = vector.extract %parallel_loop3A_353[0] : f32 from vector<1xf32>
        %parallel_loop3A_355 = vector.broadcast %parallel_loop3A_354 : f32 to vector<16xf32>
        %parallel_loop3A_356 = arith.addf %parallel_loop3A_265, %parallel_loop3A_355 : vector<16xf32>
        %parallel_loop3A_357 = vector.broadcast %parallel_loop3A_157 : f32 to vector<16xf32>
        %parallel_loop3A_358 = arith.addf %parallel_loop3A_356, %parallel_loop3A_357 : vector<16xf32>
        %parallel_loop3A_359 = arith.constant 0 : i32
        %parallel_loop3A_360 = arith.index_cast %parallel_loop3A_359 : i32 to index
        %parallel_loop3A_361 = arith.index_cast %parallel_loop3A_166 : i32 to index
        %parallel_loop3A_362 = tpu.vector_load %arg6[%parallel_loop3A_360, %parallel_loop3A_361] {strides = array<i32>} : memref<2x8192xf32, #tpu.memory_space<vmem>>, vector<16xf32>,
        tpu.vector_store %arg6[%parallel_loop3A_360, %parallel_loop3A_361], %parallel_loop3A_358 {strides = array<i32>} : memref<2x8192xf32, #tpu.memory_space<vmem>>, vector<16xf32>,
        %parallel_loop3A_363 = vector.extract_strided_slice %parallel_loop3A_307 {offsets = [15], sizes = [1], strides = [1]} : vector<16xf32> to vector<1xf32>
        %parallel_loop3A_364 = vector.extract %parallel_loop3A_363[0] : f32 from vector<1xf32>
        %parallel_loop3A_365 = vector.broadcast %parallel_loop3A_364 : f32 to vector<16xf32>
        %parallel_loop3A_366 = arith.addf %parallel_loop3A_268, %parallel_loop3A_365 : vector<16xf32>
        %parallel_loop3A_367 = vector.broadcast %parallel_loop3A_157 : f32 to vector<16xf32>
        %parallel_loop3A_368 = arith.addf %parallel_loop3A_366, %parallel_loop3A_367 : vector<16xf32>
        %parallel_loop3A_369 = arith.constant 0 : i32
        %parallel_loop3A_370 = arith.index_cast %parallel_loop3A_369 : i32 to index
        %parallel_loop3A_371 = arith.index_cast %parallel_loop3A_168 : i32 to index
        %parallel_loop3A_372 = tpu.vector_load %arg6[%parallel_loop3A_370, %parallel_loop3A_371] {strides = array<i32>} : memref<2x8192xf32, #tpu.memory_space<vmem>>, vector<16xf32>,
        tpu.vector_store %arg6[%parallel_loop3A_370, %parallel_loop3A_371], %parallel_loop3A_368 {strides = array<i32>} : memref<2x8192xf32, #tpu.memory_space<vmem>>, vector<16xf32>,
        %parallel_loop3A_373 = vector.extract_strided_slice %parallel_loop3A_308 {offsets = [15], sizes = [1], strides = [1]} : vector<16xf32> to vector<1xf32>
        %parallel_loop3A_374 = vector.extract %parallel_loop3A_373[0] : f32 from vector<1xf32>
        %parallel_loop3A_375 = vector.broadcast %parallel_loop3A_374 : f32 to vector<16xf32>
        %parallel_loop3A_376 = arith.addf %parallel_loop3A_271, %parallel_loop3A_375 : vector<16xf32>
        %parallel_loop3A_377 = vector.broadcast %parallel_loop3A_157 : f32 to vector<16xf32>
        %parallel_loop3A_378 = arith.addf %parallel_loop3A_376, %parallel_loop3A_377 : vector<16xf32>
        %parallel_loop3A_379 = arith.constant 0 : i32
        %parallel_loop3A_380 = arith.index_cast %parallel_loop3A_379 : i32 to index
        %parallel_loop3A_381 = arith.index_cast %parallel_loop3A_170 : i32 to index
        %parallel_loop3A_382 = tpu.vector_load %arg6[%parallel_loop3A_380, %parallel_loop3A_381] {strides = array<i32>} : memref<2x8192xf32, #tpu.memory_space<vmem>>, vector<16xf32>,
        tpu.vector_store %arg6[%parallel_loop3A_380, %parallel_loop3A_381], %parallel_loop3A_378 {strides = array<i32>} : memref<2x8192xf32, #tpu.memory_space<vmem>>, vector<16xf32>,
        %parallel_loop3A_383 = vector.extract_strided_slice %parallel_loop3A_313 {offsets = [15], sizes = [1], strides = [1]} : vector<16xf32> to vector<1xf32>
        %parallel_loop3A_384 = vector.extract %parallel_loop3A_383[0] : f32 from vector<1xf32>
        %parallel_loop3A_385 = vector.broadcast %parallel_loop3A_384 : f32 to vector<16xf32>
        %parallel_loop3A_386 = arith.addf %parallel_loop3A_274, %parallel_loop3A_385 : vector<16xf32>
        %parallel_loop3A_387 = vector.broadcast %parallel_loop3A_157 : f32 to vector<16xf32>
        %parallel_loop3A_388 = arith.addf %parallel_loop3A_386, %parallel_loop3A_387 : vector<16xf32>
        %parallel_loop3A_389 = arith.constant 0 : i32
        %parallel_loop3A_390 = arith.index_cast %parallel_loop3A_389 : i32 to index
        %parallel_loop3A_391 = arith.index_cast %parallel_loop3A_172 : i32 to index
        %parallel_loop3A_392 = tpu.vector_load %arg6[%parallel_loop3A_390, %parallel_loop3A_391] {strides = array<i32>} : memref<2x8192xf32, #tpu.memory_space<vmem>>, vector<16xf32>,
        tpu.vector_store %arg6[%parallel_loop3A_390, %parallel_loop3A_391], %parallel_loop3A_388 {strides = array<i32>} : memref<2x8192xf32, #tpu.memory_space<vmem>>, vector<16xf32>,
        %parallel_loop3A_393 = vector.extract_strided_slice %parallel_loop3A_314 {offsets = [15], sizes = [1], strides = [1]} : vector<16xf32> to vector<1xf32>
        %parallel_loop3A_394 = vector.extract %parallel_loop3A_393[0] : f32 from vector<1xf32>
        %parallel_loop3A_395 = vector.broadcast %parallel_loop3A_394 : f32 to vector<16xf32>
        %parallel_loop3A_396 = arith.addf %parallel_loop3A_277, %parallel_loop3A_395 : vector<16xf32>
        %parallel_loop3A_397 = vector.broadcast %parallel_loop3A_157 : f32 to vector<16xf32>
        %parallel_loop3A_398 = arith.addf %parallel_loop3A_396, %parallel_loop3A_397 : vector<16xf32>
        %parallel_loop3A_399 = arith.constant 0 : i32
        %parallel_loop3A_400 = arith.index_cast %parallel_loop3A_399 : i32 to index
        %parallel_loop3A_401 = arith.index_cast %parallel_loop3A_174 : i32 to index
        %parallel_loop3A_402 = tpu.vector_load %arg6[%parallel_loop3A_400, %parallel_loop3A_401] {strides = array<i32>} : memref<2x8192xf32, #tpu.memory_space<vmem>>, vector<16xf32>,
        tpu.vector_store %arg6[%parallel_loop3A_400, %parallel_loop3A_401], %parallel_loop3A_398 {strides = array<i32>} : memref<2x8192xf32, #tpu.memory_space<vmem>>, vector<16xf32>,
        %parallel_loop3A_403 = vector.extract_strided_slice %parallel_loop3A_315 {offsets = [15], sizes = [1], strides = [1]} : vector<16xf32> to vector<1xf32>
        %parallel_loop3A_404 = vector.extract %parallel_loop3A_403[0] : f32 from vector<1xf32>
        %parallel_loop3A_405 = vector.broadcast %parallel_loop3A_404 : f32 to vector<16xf32>
        %parallel_loop3A_406 = arith.addf %parallel_loop3A_280, %parallel_loop3A_405 : vector<16xf32>
        %parallel_loop3A_407 = vector.broadcast %parallel_loop3A_157 : f32 to vector<16xf32>
        %parallel_loop3A_408 = arith.addf %parallel_loop3A_406, %parallel_loop3A_407 : vector<16xf32>
        %parallel_loop3A_409 = arith.constant 0 : i32
        %parallel_loop3A_410 = arith.index_cast %parallel_loop3A_409 : i32 to index
        %parallel_loop3A_411 = arith.index_cast %parallel_loop3A_176 : i32 to index
        %parallel_loop3A_412 = tpu.vector_load %arg6[%parallel_loop3A_410, %parallel_loop3A_411] {strides = array<i32>} : memref<2x8192xf32, #tpu.memory_space<vmem>>, vector<16xf32>,
        tpu.vector_store %arg6[%parallel_loop3A_410, %parallel_loop3A_411], %parallel_loop3A_408 {strides = array<i32>} : memref<2x8192xf32, #tpu.memory_space<vmem>>, vector<16xf32>,
        %parallel_loop3A_413 = vector.extract_strided_slice %parallel_loop3A_316 {offsets = [15], sizes = [1], strides = [1]} : vector<16xf32> to vector<1xf32>
        %parallel_loop3A_414 = vector.extract %parallel_loop3A_413[0] : f32 from vector<1xf32>
        %parallel_loop3A_415 = vector.broadcast %parallel_loop3A_414 : f32 to vector<16xf32>
        %parallel_loop3A_416 = arith.addf %parallel_loop3A_283, %parallel_loop3A_415 : vector<16xf32>
        %parallel_loop3A_417 = vector.broadcast %parallel_loop3A_157 : f32 to vector<16xf32>
        %parallel_loop3A_418 = arith.addf %parallel_loop3A_416, %parallel_loop3A_417 : vector<16xf32>
        %parallel_loop3A_419 = arith.constant 0 : i32
        %parallel_loop3A_420 = arith.index_cast %parallel_loop3A_419 : i32 to index
        %parallel_loop3A_421 = arith.index_cast %parallel_loop3A_178 : i32 to index
        %parallel_loop3A_422 = tpu.vector_load %arg6[%parallel_loop3A_420, %parallel_loop3A_421] {strides = array<i32>} : memref<2x8192xf32, #tpu.memory_space<vmem>>, vector<16xf32>,
        tpu.vector_store %arg6[%parallel_loop3A_420, %parallel_loop3A_421], %parallel_loop3A_418 {strides = array<i32>} : memref<2x8192xf32, #tpu.memory_space<vmem>>, vector<16xf32>,
        %parallel_loop3A_423 = vector.extract_strided_slice %parallel_loop3A_329 {offsets = [15], sizes = [1], strides = [1]} : vector<16xf32> to vector<1xf32>
        %parallel_loop3A_424 = vector.extract %parallel_loop3A_423[0] : f32 from vector<1xf32>
        %parallel_loop3A_425 = vector.broadcast %parallel_loop3A_424 : f32 to vector<16xf32>
        %parallel_loop3A_426 = arith.addf %parallel_loop3A_286, %parallel_loop3A_425 : vector<16xf32>
        %parallel_loop3A_427 = vector.broadcast %parallel_loop3A_157 : f32 to vector<16xf32>
        %parallel_loop3A_428 = arith.addf %parallel_loop3A_426, %parallel_loop3A_427 : vector<16xf32>
        %parallel_loop3A_429 = arith.constant 0 : i32
        %parallel_loop3A_430 = arith.index_cast %parallel_loop3A_429 : i32 to index
        %parallel_loop3A_431 = arith.index_cast %parallel_loop3A_180 : i32 to index
        %parallel_loop3A_432 = tpu.vector_load %arg6[%parallel_loop3A_430, %parallel_loop3A_431] {strides = array<i32>} : memref<2x8192xf32, #tpu.memory_space<vmem>>, vector<16xf32>,
        tpu.vector_store %arg6[%parallel_loop3A_430, %parallel_loop3A_431], %parallel_loop3A_428 {strides = array<i32>} : memref<2x8192xf32, #tpu.memory_space<vmem>>, vector<16xf32>,
        %parallel_loop3A_433 = vector.extract_strided_slice %parallel_loop3A_330 {offsets = [15], sizes = [1], strides = [1]} : vector<16xf32> to vector<1xf32>
        %parallel_loop3A_434 = vector.extract %parallel_loop3A_433[0] : f32 from vector<1xf32>
        %parallel_loop3A_435 = vector.broadcast %parallel_loop3A_434 : f32 to vector<16xf32>
        %parallel_loop3A_436 = arith.addf %parallel_loop3A_289, %parallel_loop3A_435 : vector<16xf32>
        %parallel_loop3A_437 = vector.broadcast %parallel_loop3A_157 : f32 to vector<16xf32>
        %parallel_loop3A_438 = arith.addf %parallel_loop3A_436, %parallel_loop3A_437 : vector<16xf32>
        %parallel_loop3A_439 = arith.constant 0 : i32
        %parallel_loop3A_440 = arith.index_cast %parallel_loop3A_439 : i32 to index
        %parallel_loop3A_441 = arith.index_cast %parallel_loop3A_182 : i32 to index
        %parallel_loop3A_442 = tpu.vector_load %arg6[%parallel_loop3A_440, %parallel_loop3A_441] {strides = array<i32>} : memref<2x8192xf32, #tpu.memory_space<vmem>>, vector<16xf32>,
        tpu.vector_store %arg6[%parallel_loop3A_440, %parallel_loop3A_441], %parallel_loop3A_438 {strides = array<i32>} : memref<2x8192xf32, #tpu.memory_space<vmem>>, vector<16xf32>,
        %parallel_loop3A_443 = vector.extract_strided_slice %parallel_loop3A_331 {offsets = [15], sizes = [1], strides = [1]} : vector<16xf32> to vector<1xf32>
        %parallel_loop3A_444 = vector.extract %parallel_loop3A_443[0] : f32 from vector<1xf32>
        %parallel_loop3A_445 = vector.broadcast %parallel_loop3A_444 : f32 to vector<16xf32>
        %parallel_loop3A_446 = arith.addf %parallel_loop3A_292, %parallel_loop3A_445 : vector<16xf32>
        %parallel_loop3A_447 = vector.broadcast %parallel_loop3A_157 : f32 to vector<16xf32>
        %parallel_loop3A_448 = arith.addf %parallel_loop3A_446, %parallel_loop3A_447 : vector<16xf32>
        %parallel_loop3A_449 = arith.constant 0 : i32
        %parallel_loop3A_450 = arith.index_cast %parallel_loop3A_449 : i32 to index
        %parallel_loop3A_451 = arith.index_cast %parallel_loop3A_184 : i32 to index
        %parallel_loop3A_452 = tpu.vector_load %arg6[%parallel_loop3A_450, %parallel_loop3A_451] {strides = array<i32>} : memref<2x8192xf32, #tpu.memory_space<vmem>>, vector<16xf32>,
        tpu.vector_store %arg6[%parallel_loop3A_450, %parallel_loop3A_451], %parallel_loop3A_448 {strides = array<i32>} : memref<2x8192xf32, #tpu.memory_space<vmem>>, vector<16xf32>,
        %parallel_loop3A_453 = vector.extract_strided_slice %parallel_loop3A_332 {offsets = [15], sizes = [1], strides = [1]} : vector<16xf32> to vector<1xf32>
        %parallel_loop3A_454 = vector.extract %parallel_loop3A_453[0] : f32 from vector<1xf32>
        %parallel_loop3A_455 = vector.broadcast %parallel_loop3A_454 : f32 to vector<16xf32>
        %parallel_loop3A_456 = arith.addf %parallel_loop3A_295, %parallel_loop3A_455 : vector<16xf32>
        %parallel_loop3A_457 = vector.broadcast %parallel_loop3A_157 : f32 to vector<16xf32>
        %parallel_loop3A_458 = arith.addf %parallel_loop3A_456, %parallel_loop3A_457 : vector<16xf32>
        %parallel_loop3A_459 = arith.constant 0 : i32
        %parallel_loop3A_460 = arith.index_cast %parallel_loop3A_459 : i32 to index
        %parallel_loop3A_461 = arith.index_cast %parallel_loop3A_186 : i32 to index
        %parallel_loop3A_462 = tpu.vector_load %arg6[%parallel_loop3A_460, %parallel_loop3A_461] {strides = array<i32>} : memref<2x8192xf32, #tpu.memory_space<vmem>>, vector<16xf32>,
        tpu.vector_store %arg6[%parallel_loop3A_460, %parallel_loop3A_461], %parallel_loop3A_458 {strides = array<i32>} : memref<2x8192xf32, #tpu.memory_space<vmem>>, vector<16xf32>,
        %parallel_loop3A_463 = vector.extract_strided_slice %parallel_loop3A_333 {offsets = [15], sizes = [1], strides = [1]} : vector<16xf32> to vector<1xf32>
        %parallel_loop3A_464 = vector.extract %parallel_loop3A_463[0] : f32 from vector<1xf32>
        %parallel_loop3A_465 = vector.broadcast %parallel_loop3A_464 : f32 to vector<16xf32>
        %parallel_loop3A_466 = arith.addf %parallel_loop3A_298, %parallel_loop3A_465 : vector<16xf32>
        %parallel_loop3A_467 = vector.broadcast %parallel_loop3A_157 : f32 to vector<16xf32>
        %parallel_loop3A_468 = arith.addf %parallel_loop3A_466, %parallel_loop3A_467 : vector<16xf32>
        %parallel_loop3A_469 = arith.constant 0 : i32
        %parallel_loop3A_470 = arith.index_cast %parallel_loop3A_469 : i32 to index
        %parallel_loop3A_471 = arith.index_cast %parallel_loop3A_188 : i32 to index
        %parallel_loop3A_472 = tpu.vector_load %arg6[%parallel_loop3A_470, %parallel_loop3A_471] {strides = array<i32>} : memref<2x8192xf32, #tpu.memory_space<vmem>>, vector<16xf32>,
        tpu.vector_store %arg6[%parallel_loop3A_470, %parallel_loop3A_471], %parallel_loop3A_468 {strides = array<i32>} : memref<2x8192xf32, #tpu.memory_space<vmem>>, vector<16xf32>,
        %parallel_loop3A_473 = vector.extract_strided_slice %parallel_loop3A_334 {offsets = [15], sizes = [1], strides = [1]} : vector<16xf32> to vector<1xf32>
        %parallel_loop3A_474 = vector.extract %parallel_loop3A_473[0] : f32 from vector<1xf32>
        %parallel_loop3A_475 = vector.broadcast %parallel_loop3A_474 : f32 to vector<16xf32>
        %parallel_loop3A_476 = arith.addf %parallel_loop3A_301, %parallel_loop3A_475 : vector<16xf32>
        %parallel_loop3A_477 = vector.broadcast %parallel_loop3A_157 : f32 to vector<16xf32>
        %parallel_loop3A_478 = arith.addf %parallel_loop3A_476, %parallel_loop3A_477 : vector<16xf32>
        %parallel_loop3A_479 = arith.constant 0 : i32
        %parallel_loop3A_480 = arith.index_cast %parallel_loop3A_479 : i32 to index
        %parallel_loop3A_481 = arith.index_cast %parallel_loop3A_190 : i32 to index
        %parallel_loop3A_482 = tpu.vector_load %arg6[%parallel_loop3A_480, %parallel_loop3A_481] {strides = array<i32>} : memref<2x8192xf32, #tpu.memory_space<vmem>>, vector<16xf32>,
        tpu.vector_store %arg6[%parallel_loop3A_480, %parallel_loop3A_481], %parallel_loop3A_478 {strides = array<i32>} : memref<2x8192xf32, #tpu.memory_space<vmem>>, vector<16xf32>,
        %parallel_loop3A_483 = vector.extract_strided_slice %parallel_loop3A_335 {offsets = [15], sizes = [1], strides = [1]} : vector<16xf32> to vector<1xf32>
        %parallel_loop3A_484 = vector.extract %parallel_loop3A_483[0] : f32 from vector<1xf32>
        %parallel_loop3A_485 = vector.broadcast %parallel_loop3A_484 : f32 to vector<16xf32>
        %parallel_loop3A_486 = arith.addf %parallel_loop3A_304, %parallel_loop3A_485 : vector<16xf32>
        %parallel_loop3A_487 = vector.broadcast %parallel_loop3A_157 : f32 to vector<16xf32>
        %parallel_loop3A_488 = arith.addf %parallel_loop3A_486, %parallel_loop3A_487 : vector<16xf32>
        %parallel_loop3A_489 = arith.constant 0 : i32
        %parallel_loop3A_490 = arith.index_cast %parallel_loop3A_489 : i32 to index
        %parallel_loop3A_491 = arith.index_cast %parallel_loop3A_192 : i32 to index
        %parallel_loop3A_492 = tpu.vector_load %arg6[%parallel_loop3A_490, %parallel_loop3A_491] {strides = array<i32>} : memref<2x8192xf32, #tpu.memory_space<vmem>>, vector<16xf32>,
        tpu.vector_store %arg6[%parallel_loop3A_490, %parallel_loop3A_491], %parallel_loop3A_488 {strides = array<i32>} : memref<2x8192xf32, #tpu.memory_space<vmem>>, vector<16xf32>,
        %parallel_loop3A_493 = vector.extract_strided_slice %parallel_loop3A_336 {offsets = [15], sizes = [1], strides = [1]} : vector<16xf32> to vector<1xf32>
        %parallel_loop3A_494 = vector.extract %parallel_loop3A_493[0] : f32 from vector<1xf32>
        %parallel_loop3A_495 = arith.addf %parallel_loop3A_157, %parallel_loop3A_494 : f32
        scf.yield %parallel_loop3A_495 : f32
      } {sc.loop_unroll_factor = 1 : i64, sc.parallel_access}
      %parallel_loop3A_111 = arith.constant 0 : i32
      %parallel_loop3A_112 = arith.constant 32 : i32
      %parallel_loop3A_113 = arith.constant 1 : i32
      %parallel_loop3A_114 = arith.constant 0.000000e+00 : f32
      %parallel_loop3A_115 = scf.for %parallel_loop3A_156 = %parallel_loop3A_111 to %parallel_loop3A_112 step %parallel_loop3A_113 iter_args(%parallel_loop3A_157 = %parallel_loop3A_114) -> (f32)  : i32 {
        %parallel_loop3A_158 = arith.constant 256 : i32
        %parallel_loop3A_159 = arith.muli %parallel_loop3A_156, %parallel_loop3A_158 : i32
        %parallel_loop3A_160 = tpu.assume_multiple %parallel_loop3A_159, 256 : i32
        %parallel_loop3A_161 = arith.constant 0 : i32
        %parallel_loop3A_162 = arith.addi %parallel_loop3A_160, %parallel_loop3A_161 : i32
        %parallel_loop3A_163 = arith.constant 16 : i32
        %parallel_loop3A_164 = arith.addi %parallel_loop3A_160, %parallel_loop3A_163 : i32
        %parallel_loop3A_165 = arith.constant 32 : i32
        %parallel_loop3A_166 = arith.addi %parallel_loop3A_160, %parallel_loop3A_165 : i32
        %parallel_loop3A_167 = arith.constant 48 : i32
        %parallel_loop3A_168 = arith.addi %parallel_loop3A_160, %parallel_loop3A_167 : i32
        %parallel_loop3A_169 = arith.constant 64 : i32
        %parallel_loop3A_170 = arith.addi %parallel_loop3A_160, %parallel_loop3A_169 : i32
        %parallel_loop3A_171 = arith.constant 80 : i32
        %parallel_loop3A_172 = arith.addi %parallel_loop3A_160, %parallel_loop3A_171 : i32
        %parallel_loop3A_173 = arith.constant 96 : i32
        %parallel_loop3A_174 = arith.addi %parallel_loop3A_160, %parallel_loop3A_173 : i32
        %parallel_loop3A_175 = arith.constant 112 : i32
        %parallel_loop3A_176 = arith.addi %parallel_loop3A_160, %parallel_loop3A_175 : i32
        %parallel_loop3A_177 = arith.constant 128 : i32
        %parallel_loop3A_178 = arith.addi %parallel_loop3A_160, %parallel_loop3A_177 : i32
        %parallel_loop3A_179 = arith.constant 144 : i32
        %parallel_loop3A_180 = arith.addi %parallel_loop3A_160, %parallel_loop3A_179 : i32
        %parallel_loop3A_181 = arith.constant 160 : i32
        %parallel_loop3A_182 = arith.addi %parallel_loop3A_160, %parallel_loop3A_181 : i32
        %parallel_loop3A_183 = arith.constant 176 : i32
        %parallel_loop3A_184 = arith.addi %parallel_loop3A_160, %parallel_loop3A_183 : i32
        %parallel_loop3A_185 = arith.constant 192 : i32
        %parallel_loop3A_186 = arith.addi %parallel_loop3A_160, %parallel_loop3A_185 : i32
        %parallel_loop3A_187 = arith.constant 208 : i32
        %parallel_loop3A_188 = arith.addi %parallel_loop3A_160, %parallel_loop3A_187 : i32
        %parallel_loop3A_189 = arith.constant 224 : i32
        %parallel_loop3A_190 = arith.addi %parallel_loop3A_160, %parallel_loop3A_189 : i32
        %parallel_loop3A_191 = arith.constant 240 : i32
        %parallel_loop3A_192 = arith.addi %parallel_loop3A_160, %parallel_loop3A_191 : i32
        %parallel_loop3A_193 = arith.constant 1 : i32
        %parallel_loop3A_194 = arith.index_cast %parallel_loop3A_193 : i32 to index
        %parallel_loop3A_195 = arith.index_cast %parallel_loop3A_162 : i32 to index
        %parallel_loop3A_196 = tpu.vector_load %arg6[%parallel_loop3A_194, %parallel_loop3A_195] {strides = array<i32>} : memref<2x8192xf32, #tpu.memory_space<vmem>>, vector<16xf32>,
        %parallel_loop3A_197 = arith.constant 1 : i32
        %parallel_loop3A_198 = arith.index_cast %parallel_loop3A_197 : i32 to index
        %parallel_loop3A_199 = arith.index_cast %parallel_loop3A_164 : i32 to index
        %parallel_loop3A_200 = tpu.vector_load %arg6[%parallel_loop3A_198, %parallel_loop3A_199] {strides = array<i32>} : memref<2x8192xf32, #tpu.memory_space<vmem>>, vector<16xf32>,
        %parallel_loop3A_201 = arith.constant 1 : i32
        %parallel_loop3A_202 = arith.index_cast %parallel_loop3A_201 : i32 to index
        %parallel_loop3A_203 = arith.index_cast %parallel_loop3A_166 : i32 to index
        %parallel_loop3A_204 = tpu.vector_load %arg6[%parallel_loop3A_202, %parallel_loop3A_203] {strides = array<i32>} : memref<2x8192xf32, #tpu.memory_space<vmem>>, vector<16xf32>,
        %parallel_loop3A_205 = arith.constant 1 : i32
        %parallel_loop3A_206 = arith.index_cast %parallel_loop3A_205 : i32 to index
        %parallel_loop3A_207 = arith.index_cast %parallel_loop3A_168 : i32 to index
        %parallel_loop3A_208 = tpu.vector_load %arg6[%parallel_loop3A_206, %parallel_loop3A_207] {strides = array<i32>} : memref<2x8192xf32, #tpu.memory_space<vmem>>, vector<16xf32>,
        %parallel_loop3A_209 = arith.constant 1 : i32
        %parallel_loop3A_210 = arith.index_cast %parallel_loop3A_209 : i32 to index
        %parallel_loop3A_211 = arith.index_cast %parallel_loop3A_170 : i32 to index
        %parallel_loop3A_212 = tpu.vector_load %arg6[%parallel_loop3A_210, %parallel_loop3A_211] {strides = array<i32>} : memref<2x8192xf32, #tpu.memory_space<vmem>>, vector<16xf32>,
        %parallel_loop3A_213 = arith.constant 1 : i32
        %parallel_loop3A_214 = arith.index_cast %parallel_loop3A_213 : i32 to index
        %parallel_loop3A_215 = arith.index_cast %parallel_loop3A_172 : i32 to index
        %parallel_loop3A_216 = tpu.vector_load %arg6[%parallel_loop3A_214, %parallel_loop3A_215] {strides = array<i32>} : memref<2x8192xf32, #tpu.memory_space<vmem>>, vector<16xf32>,
        %parallel_loop3A_217 = arith.constant 1 : i32
        %parallel_loop3A_218 = arith.index_cast %parallel_loop3A_217 : i32 to index
        %parallel_loop3A_219 = arith.index_cast %parallel_loop3A_174 : i32 to index
        %parallel_loop3A_220 = tpu.vector_load %arg6[%parallel_loop3A_218, %parallel_loop3A_219] {strides = array<i32>} : memref<2x8192xf32, #tpu.memory_space<vmem>>, vector<16xf32>,
        %parallel_loop3A_221 = arith.constant 1 : i32
        %parallel_loop3A_222 = arith.index_cast %parallel_loop3A_221 : i32 to index
        %parallel_loop3A_223 = arith.index_cast %parallel_loop3A_176 : i32 to index
        %parallel_loop3A_224 = tpu.vector_load %arg6[%parallel_loop3A_222, %parallel_loop3A_223] {strides = array<i32>} : memref<2x8192xf32, #tpu.memory_space<vmem>>, vector<16xf32>,
        %parallel_loop3A_225 = arith.constant 1 : i32
        %parallel_loop3A_226 = arith.index_cast %parallel_loop3A_225 : i32 to index
        %parallel_loop3A_227 = arith.index_cast %parallel_loop3A_178 : i32 to index
        %parallel_loop3A_228 = tpu.vector_load %arg6[%parallel_loop3A_226, %parallel_loop3A_227] {strides = array<i32>} : memref<2x8192xf32, #tpu.memory_space<vmem>>, vector<16xf32>,
        %parallel_loop3A_229 = arith.constant 1 : i32
        %parallel_loop3A_230 = arith.index_cast %parallel_loop3A_229 : i32 to index
        %parallel_loop3A_231 = arith.index_cast %parallel_loop3A_180 : i32 to index
        %parallel_loop3A_232 = tpu.vector_load %arg6[%parallel_loop3A_230, %parallel_loop3A_231] {strides = array<i32>} : memref<2x8192xf32, #tpu.memory_space<vmem>>, vector<16xf32>,
        %parallel_loop3A_233 = arith.constant 1 : i32
        %parallel_loop3A_234 = arith.index_cast %parallel_loop3A_233 : i32 to index
        %parallel_loop3A_235 = arith.index_cast %parallel_loop3A_182 : i32 to index
        %parallel_loop3A_236 = tpu.vector_load %arg6[%parallel_loop3A_234, %parallel_loop3A_235] {strides = array<i32>} : memref<2x8192xf32, #tpu.memory_space<vmem>>, vector<16xf32>,
        %parallel_loop3A_237 = arith.constant 1 : i32
        %parallel_loop3A_238 = arith.index_cast %parallel_loop3A_237 : i32 to index
        %parallel_loop3A_239 = arith.index_cast %parallel_loop3A_184 : i32 to index
        %parallel_loop3A_240 = tpu.vector_load %arg6[%parallel_loop3A_238, %parallel_loop3A_239] {strides = array<i32>} : memref<2x8192xf32, #tpu.memory_space<vmem>>, vector<16xf32>,
        %parallel_loop3A_241 = arith.constant 1 : i32
        %parallel_loop3A_242 = arith.index_cast %parallel_loop3A_241 : i32 to index
        %parallel_loop3A_243 = arith.index_cast %parallel_loop3A_186 : i32 to index
        %parallel_loop3A_244 = tpu.vector_load %arg6[%parallel_loop3A_242, %parallel_loop3A_243] {strides = array<i32>} : memref<2x8192xf32, #tpu.memory_space<vmem>>, vector<16xf32>,
        %parallel_loop3A_245 = arith.constant 1 : i32
        %parallel_loop3A_246 = arith.index_cast %parallel_loop3A_245 : i32 to index
        %parallel_loop3A_247 = arith.index_cast %parallel_loop3A_188 : i32 to index
        %parallel_loop3A_248 = tpu.vector_load %arg6[%parallel_loop3A_246, %parallel_loop3A_247] {strides = array<i32>} : memref<2x8192xf32, #tpu.memory_space<vmem>>, vector<16xf32>,
        %parallel_loop3A_249 = arith.constant 1 : i32
        %parallel_loop3A_250 = arith.index_cast %parallel_loop3A_249 : i32 to index
        %parallel_loop3A_251 = arith.index_cast %parallel_loop3A_190 : i32 to index
        %parallel_loop3A_252 = tpu.vector_load %arg6[%parallel_loop3A_250, %parallel_loop3A_251] {strides = array<i32>} : memref<2x8192xf32, #tpu.memory_space<vmem>>, vector<16xf32>,
        %parallel_loop3A_253 = arith.constant 1 : i32
        %parallel_loop3A_254 = arith.index_cast %parallel_loop3A_253 : i32 to index
        %parallel_loop3A_255 = arith.index_cast %parallel_loop3A_192 : i32 to index
        %parallel_loop3A_256 = tpu.vector_load %arg6[%parallel_loop3A_254, %parallel_loop3A_255] {strides = array<i32>} : memref<2x8192xf32, #tpu.memory_space<vmem>>, vector<16xf32>,
        %parallel_loop3A_257 = arith.constant true
        %parallel_loop3A_258 = vector.broadcast %parallel_loop3A_257 : i1 to vector<16xi1>
        %parallel_loop3A_259 = tpu.scan <sum>, %parallel_loop3A_196 masked %parallel_loop3A_258 : vector<16xf32>, vector<16xi1> -> vector<16xf32>
        %parallel_loop3A_260 = arith.constant true
        %parallel_loop3A_261 = vector.broadcast %parallel_loop3A_260 : i1 to vector<16xi1>
        %parallel_loop3A_262 = tpu.scan <sum>, %parallel_loop3A_200 masked %parallel_loop3A_261 : vector<16xf32>, vector<16xi1> -> vector<16xf32>
        %parallel_loop3A_263 = arith.constant true
        %parallel_loop3A_264 = vector.broadcast %parallel_loop3A_263 : i1 to vector<16xi1>
        %parallel_loop3A_265 = tpu.scan <sum>, %parallel_loop3A_204 masked %parallel_loop3A_264 : vector<16xf32>, vector<16xi1> -> vector<16xf32>
        %parallel_loop3A_266 = arith.constant true
        %parallel_loop3A_267 = vector.broadcast %parallel_loop3A_266 : i1 to vector<16xi1>
        %parallel_loop3A_268 = tpu.scan <sum>, %parallel_loop3A_208 masked %parallel_loop3A_267 : vector<16xf32>, vector<16xi1> -> vector<16xf32>
        %parallel_loop3A_269 = arith.constant true
        %parallel_loop3A_270 = vector.broadcast %parallel_loop3A_269 : i1 to vector<16xi1>
        %parallel_loop3A_271 = tpu.scan <sum>, %parallel_loop3A_212 masked %parallel_loop3A_270 : vector<16xf32>, vector<16xi1> -> vector<16xf32>
        %parallel_loop3A_272 = arith.constant true
        %parallel_loop3A_273 = vector.broadcast %parallel_loop3A_272 : i1 to vector<16xi1>
        %parallel_loop3A_274 = tpu.scan <sum>, %parallel_loop3A_216 masked %parallel_loop3A_273 : vector<16xf32>, vector<16xi1> -> vector<16xf32>
        %parallel_loop3A_275 = arith.constant true
        %parallel_loop3A_276 = vector.broadcast %parallel_loop3A_275 : i1 to vector<16xi1>
        %parallel_loop3A_277 = tpu.scan <sum>, %parallel_loop3A_220 masked %parallel_loop3A_276 : vector<16xf32>, vector<16xi1> -> vector<16xf32>
        %parallel_loop3A_278 = arith.constant true
        %parallel_loop3A_279 = vector.broadcast %parallel_loop3A_278 : i1 to vector<16xi1>
        %parallel_loop3A_280 = tpu.scan <sum>, %parallel_loop3A_224 masked %parallel_loop3A_279 : vector<16xf32>, vector<16xi1> -> vector<16xf32>
        %parallel_loop3A_281 = arith.constant true
        %parallel_loop3A_282 = vector.broadcast %parallel_loop3A_281 : i1 to vector<16xi1>
        %parallel_loop3A_283 = tpu.scan <sum>, %parallel_loop3A_228 masked %parallel_loop3A_282 : vector<16xf32>, vector<16xi1> -> vector<16xf32>
        %parallel_loop3A_284 = arith.constant true
        %parallel_loop3A_285 = vector.broadcast %parallel_loop3A_284 : i1 to vector<16xi1>
        %parallel_loop3A_286 = tpu.scan <sum>, %parallel_loop3A_232 masked %parallel_loop3A_285 : vector<16xf32>, vector<16xi1> -> vector<16xf32>
        %parallel_loop3A_287 = arith.constant true
        %parallel_loop3A_288 = vector.broadcast %parallel_loop3A_287 : i1 to vector<16xi1>
        %parallel_loop3A_289 = tpu.scan <sum>, %parallel_loop3A_236 masked %parallel_loop3A_288 : vector<16xf32>, vector<16xi1> -> vector<16xf32>
        %parallel_loop3A_290 = arith.constant true
        %parallel_loop3A_291 = vector.broadcast %parallel_loop3A_290 : i1 to vector<16xi1>
        %parallel_loop3A_292 = tpu.scan <sum>, %parallel_loop3A_240 masked %parallel_loop3A_291 : vector<16xf32>, vector<16xi1> -> vector<16xf32>
        %parallel_loop3A_293 = arith.constant true
        %parallel_loop3A_294 = vector.broadcast %parallel_loop3A_293 : i1 to vector<16xi1>
        %parallel_loop3A_295 = tpu.scan <sum>, %parallel_loop3A_244 masked %parallel_loop3A_294 : vector<16xf32>, vector<16xi1> -> vector<16xf32>
        %parallel_loop3A_296 = arith.constant true
        %parallel_loop3A_297 = vector.broadcast %parallel_loop3A_296 : i1 to vector<16xi1>
        %parallel_loop3A_298 = tpu.scan <sum>, %parallel_loop3A_248 masked %parallel_loop3A_297 : vector<16xf32>, vector<16xi1> -> vector<16xf32>
        %parallel_loop3A_299 = arith.constant true
        %parallel_loop3A_300 = vector.broadcast %parallel_loop3A_299 : i1 to vector<16xi1>
        %parallel_loop3A_301 = tpu.scan <sum>, %parallel_loop3A_252 masked %parallel_loop3A_300 : vector<16xf32>, vector<16xi1> -> vector<16xf32>
        %parallel_loop3A_302 = arith.constant true
        %parallel_loop3A_303 = vector.broadcast %parallel_loop3A_302 : i1 to vector<16xi1>
        %parallel_loop3A_304 = tpu.scan <sum>, %parallel_loop3A_256 masked %parallel_loop3A_303 : vector<16xf32>, vector<16xi1> -> vector<16xf32>
        %parallel_loop3A_305 = arith.addf %parallel_loop3A_259, %parallel_loop3A_262 : vector<16xf32>
        %parallel_loop3A_306 = arith.addf %parallel_loop3A_265, %parallel_loop3A_268 : vector<16xf32>
        %parallel_loop3A_307 = arith.addf %parallel_loop3A_305, %parallel_loop3A_265 : vector<16xf32>
        %parallel_loop3A_308 = arith.addf %parallel_loop3A_305, %parallel_loop3A_306 : vector<16xf32>
        %parallel_loop3A_309 = arith.addf %parallel_loop3A_271, %parallel_loop3A_274 : vector<16xf32>
        %parallel_loop3A_310 = arith.addf %parallel_loop3A_277, %parallel_loop3A_280 : vector<16xf32>
        %parallel_loop3A_311 = arith.addf %parallel_loop3A_309, %parallel_loop3A_277 : vector<16xf32>
        %parallel_loop3A_312 = arith.addf %parallel_loop3A_309, %parallel_loop3A_310 : vector<16xf32>
        %parallel_loop3A_313 = arith.addf %parallel_loop3A_308, %parallel_loop3A_271 : vector<16xf32>
        %parallel_loop3A_314 = arith.addf %parallel_loop3A_308, %parallel_loop3A_309 : vector<16xf32>
        %parallel_loop3A_315 = arith.addf %parallel_loop3A_308, %parallel_loop3A_311 : vector<16xf32>
        %parallel_loop3A_316 = arith.addf %parallel_loop3A_308, %parallel_loop3A_312 : vector<16xf32>
        %parallel_loop3A_317 = arith.addf %parallel_loop3A_283, %parallel_loop3A_286 : vector<16xf32>
        %parallel_loop3A_318 = arith.addf %parallel_loop3A_289, %parallel_loop3A_292 : vector<16xf32>
        %parallel_loop3A_319 = arith.addf %parallel_loop3A_317, %parallel_loop3A_289 : vector<16xf32>
        %parallel_loop3A_320 = arith.addf %parallel_loop3A_317, %parallel_loop3A_318 : vector<16xf32>
        %parallel_loop3A_321 = arith.addf %parallel_loop3A_295, %parallel_loop3A_298 : vector<16xf32>
        %parallel_loop3A_322 = arith.addf %parallel_loop3A_301, %parallel_loop3A_304 : vector<16xf32>
        %parallel_loop3A_323 = arith.addf %parallel_loop3A_321, %parallel_loop3A_301 : vector<16xf32>
        %parallel_loop3A_324 = arith.addf %parallel_loop3A_321, %parallel_loop3A_322 : vector<16xf32>
        %parallel_loop3A_325 = arith.addf %parallel_loop3A_320, %parallel_loop3A_295 : vector<16xf32>
        %parallel_loop3A_326 = arith.addf %parallel_loop3A_320, %parallel_loop3A_321 : vector<16xf32>
        %parallel_loop3A_327 = arith.addf %parallel_loop3A_320, %parallel_loop3A_323 : vector<16xf32>
        %parallel_loop3A_328 = arith.addf %parallel_loop3A_320, %parallel_loop3A_324 : vector<16xf32>
        %parallel_loop3A_329 = arith.addf %parallel_loop3A_316, %parallel_loop3A_283 : vector<16xf32>
        %parallel_loop3A_330 = arith.addf %parallel_loop3A_316, %parallel_loop3A_317 : vector<16xf32>
        %parallel_loop3A_331 = arith.addf %parallel_loop3A_316, %parallel_loop3A_319 : vector<16xf32>
        %parallel_loop3A_332 = arith.addf %parallel_loop3A_316, %parallel_loop3A_320 : vector<16xf32>
        %parallel_loop3A_333 = arith.addf %parallel_loop3A_316, %parallel_loop3A_325 : vector<16xf32>
        %parallel_loop3A_334 = arith.addf %parallel_loop3A_316, %parallel_loop3A_326 : vector<16xf32>
        %parallel_loop3A_335 = arith.addf %parallel_loop3A_316, %parallel_loop3A_327 : vector<16xf32>
        %parallel_loop3A_336 = arith.addf %parallel_loop3A_316, %parallel_loop3A_328 : vector<16xf32>
        %parallel_loop3A_337 = vector.broadcast %parallel_loop3A_157 : f32 to vector<16xf32>
        %parallel_loop3A_338 = arith.addf %parallel_loop3A_259, %parallel_loop3A_337 : vector<16xf32>
        %parallel_loop3A_339 = arith.constant 1 : i32
        %parallel_loop3A_340 = arith.index_cast %parallel_loop3A_339 : i32 to index
        %parallel_loop3A_341 = arith.index_cast %parallel_loop3A_162 : i32 to index
        %parallel_loop3A_342 = tpu.vector_load %arg6[%parallel_loop3A_340, %parallel_loop3A_341] {strides = array<i32>} : memref<2x8192xf32, #tpu.memory_space<vmem>>, vector<16xf32>,
        tpu.vector_store %arg6[%parallel_loop3A_340, %parallel_loop3A_341], %parallel_loop3A_338 {strides = array<i32>} : memref<2x8192xf32, #tpu.memory_space<vmem>>, vector<16xf32>,
        %parallel_loop3A_343 = vector.extract_strided_slice %parallel_loop3A_259 {offsets = [15], sizes = [1], strides = [1]} : vector<16xf32> to vector<1xf32>
        %parallel_loop3A_344 = vector.extract %parallel_loop3A_343[0] : f32 from vector<1xf32>
        %parallel_loop3A_345 = vector.broadcast %parallel_loop3A_344 : f32 to vector<16xf32>
        %parallel_loop3A_346 = arith.addf %parallel_loop3A_262, %parallel_loop3A_345 : vector<16xf32>
        %parallel_loop3A_347 = vector.broadcast %parallel_loop3A_157 : f32 to vector<16xf32>
        %parallel_loop3A_348 = arith.addf %parallel_loop3A_346, %parallel_loop3A_347 : vector<16xf32>
        %parallel_loop3A_349 = arith.constant 1 : i32
        %parallel_loop3A_350 = arith.index_cast %parallel_loop3A_349 : i32 to index
        %parallel_loop3A_351 = arith.index_cast %parallel_loop3A_164 : i32 to index
        %parallel_loop3A_352 = tpu.vector_load %arg6[%parallel_loop3A_350, %parallel_loop3A_351] {strides = array<i32>} : memref<2x8192xf32, #tpu.memory_space<vmem>>, vector<16xf32>,
        tpu.vector_store %arg6[%parallel_loop3A_350, %parallel_loop3A_351], %parallel_loop3A_348 {strides = array<i32>} : memref<2x8192xf32, #tpu.memory_space<vmem>>, vector<16xf32>,
        %parallel_loop3A_353 = vector.extract_strided_slice %parallel_loop3A_305 {offsets = [15], sizes = [1], strides = [1]} : vector<16xf32> to vector<1xf32>
        %parallel_loop3A_354 = vector.extract %parallel_loop3A_353[0] : f32 from vector<1xf32>
        %parallel_loop3A_355 = vector.broadcast %parallel_loop3A_354 : f32 to vector<16xf32>
        %parallel_loop3A_356 = arith.addf %parallel_loop3A_265, %parallel_loop3A_355 : vector<16xf32>
        %parallel_loop3A_357 = vector.broadcast %parallel_loop3A_157 : f32 to vector<16xf32>
        %parallel_loop3A_358 = arith.addf %parallel_loop3A_356, %parallel_loop3A_357 : vector<16xf32>
        %parallel_loop3A_359 = arith.constant 1 : i32
        %parallel_loop3A_360 = arith.index_cast %parallel_loop3A_359 : i32 to index
        %parallel_loop3A_361 = arith.index_cast %parallel_loop3A_166 : i32 to index
        %parallel_loop3A_362 = tpu.vector_load %arg6[%parallel_loop3A_360, %parallel_loop3A_361] {strides = array<i32>} : memref<2x8192xf32, #tpu.memory_space<vmem>>, vector<16xf32>,
        tpu.vector_store %arg6[%parallel_loop3A_360, %parallel_loop3A_361], %parallel_loop3A_358 {strides = array<i32>} : memref<2x8192xf32, #tpu.memory_space<vmem>>, vector<16xf32>,
        %parallel_loop3A_363 = vector.extract_strided_slice %parallel_loop3A_307 {offsets = [15], sizes = [1], strides = [1]} : vector<16xf32> to vector<1xf32>
        %parallel_loop3A_364 = vector.extract %parallel_loop3A_363[0] : f32 from vector<1xf32>
        %parallel_loop3A_365 = vector.broadcast %parallel_loop3A_364 : f32 to vector<16xf32>
        %parallel_loop3A_366 = arith.addf %parallel_loop3A_268, %parallel_loop3A_365 : vector<16xf32>
        %parallel_loop3A_367 = vector.broadcast %parallel_loop3A_157 : f32 to vector<16xf32>
        %parallel_loop3A_368 = arith.addf %parallel_loop3A_366, %parallel_loop3A_367 : vector<16xf32>
        %parallel_loop3A_369 = arith.constant 1 : i32
        %parallel_loop3A_370 = arith.index_cast %parallel_loop3A_369 : i32 to index
        %parallel_loop3A_371 = arith.index_cast %parallel_loop3A_168 : i32 to index
        %parallel_loop3A_372 = tpu.vector_load %arg6[%parallel_loop3A_370, %parallel_loop3A_371] {strides = array<i32>} : memref<2x8192xf32, #tpu.memory_space<vmem>>, vector<16xf32>,
        tpu.vector_store %arg6[%parallel_loop3A_370, %parallel_loop3A_371], %parallel_loop3A_368 {strides = array<i32>} : memref<2x8192xf32, #tpu.memory_space<vmem>>, vector<16xf32>,
        %parallel_loop3A_373 = vector.extract_strided_slice %parallel_loop3A_308 {offsets = [15], sizes = [1], strides = [1]} : vector<16xf32> to vector<1xf32>
        %parallel_loop3A_374 = vector.extract %parallel_loop3A_373[0] : f32 from vector<1xf32>
        %parallel_loop3A_375 = vector.broadcast %parallel_loop3A_374 : f32 to vector<16xf32>
        %parallel_loop3A_376 = arith.addf %parallel_loop3A_271, %parallel_loop3A_375 : vector<16xf32>
        %parallel_loop3A_377 = vector.broadcast %parallel_loop3A_157 : f32 to vector<16xf32>
        %parallel_loop3A_378 = arith.addf %parallel_loop3A_376, %parallel_loop3A_377 : vector<16xf32>
        %parallel_loop3A_379 = arith.constant 1 : i32
        %parallel_loop3A_380 = arith.index_cast %parallel_loop3A_379 : i32 to index
        %parallel_loop3A_381 = arith.index_cast %parallel_loop3A_170 : i32 to index
        %parallel_loop3A_382 = tpu.vector_load %arg6[%parallel_loop3A_380, %parallel_loop3A_381] {strides = array<i32>} : memref<2x8192xf32, #tpu.memory_space<vmem>>, vector<16xf32>,
        tpu.vector_store %arg6[%parallel_loop3A_380, %parallel_loop3A_381], %parallel_loop3A_378 {strides = array<i32>} : memref<2x8192xf32, #tpu.memory_space<vmem>>, vector<16xf32>,
        %parallel_loop3A_383 = vector.extract_strided_slice %parallel_loop3A_313 {offsets = [15], sizes = [1], strides = [1]} : vector<16xf32> to vector<1xf32>
        %parallel_loop3A_384 = vector.extract %parallel_loop3A_383[0] : f32 from vector<1xf32>
        %parallel_loop3A_385 = vector.broadcast %parallel_loop3A_384 : f32 to vector<16xf32>
        %parallel_loop3A_386 = arith.addf %parallel_loop3A_274, %parallel_loop3A_385 : vector<16xf32>
        %parallel_loop3A_387 = vector.broadcast %parallel_loop3A_157 : f32 to vector<16xf32>
        %parallel_loop3A_388 = arith.addf %parallel_loop3A_386, %parallel_loop3A_387 : vector<16xf32>
        %parallel_loop3A_389 = arith.constant 1 : i32
        %parallel_loop3A_390 = arith.index_cast %parallel_loop3A_389 : i32 to index
        %parallel_loop3A_391 = arith.index_cast %parallel_loop3A_172 : i32 to index
        %parallel_loop3A_392 = tpu.vector_load %arg6[%parallel_loop3A_390, %parallel_loop3A_391] {strides = array<i32>} : memref<2x8192xf32, #tpu.memory_space<vmem>>, vector<16xf32>,
        tpu.vector_store %arg6[%parallel_loop3A_390, %parallel_loop3A_391], %parallel_loop3A_388 {strides = array<i32>} : memref<2x8192xf32, #tpu.memory_space<vmem>>, vector<16xf32>,
        %parallel_loop3A_393 = vector.extract_strided_slice %parallel_loop3A_314 {offsets = [15], sizes = [1], strides = [1]} : vector<16xf32> to vector<1xf32>
        %parallel_loop3A_394 = vector.extract %parallel_loop3A_393[0] : f32 from vector<1xf32>
        %parallel_loop3A_395 = vector.broadcast %parallel_loop3A_394 : f32 to vector<16xf32>
        %parallel_loop3A_396 = arith.addf %parallel_loop3A_277, %parallel_loop3A_395 : vector<16xf32>
        %parallel_loop3A_397 = vector.broadcast %parallel_loop3A_157 : f32 to vector<16xf32>
        %parallel_loop3A_398 = arith.addf %parallel_loop3A_396, %parallel_loop3A_397 : vector<16xf32>
        %parallel_loop3A_399 = arith.constant 1 : i32
        %parallel_loop3A_400 = arith.index_cast %parallel_loop3A_399 : i32 to index
        %parallel_loop3A_401 = arith.index_cast %parallel_loop3A_174 : i32 to index
        %parallel_loop3A_402 = tpu.vector_load %arg6[%parallel_loop3A_400, %parallel_loop3A_401] {strides = array<i32>} : memref<2x8192xf32, #tpu.memory_space<vmem>>, vector<16xf32>,
        tpu.vector_store %arg6[%parallel_loop3A_400, %parallel_loop3A_401], %parallel_loop3A_398 {strides = array<i32>} : memref<2x8192xf32, #tpu.memory_space<vmem>>, vector<16xf32>,
        %parallel_loop3A_403 = vector.extract_strided_slice %parallel_loop3A_315 {offsets = [15], sizes = [1], strides = [1]} : vector<16xf32> to vector<1xf32>
        %parallel_loop3A_404 = vector.extract %parallel_loop3A_403[0] : f32 from vector<1xf32>
        %parallel_loop3A_405 = vector.broadcast %parallel_loop3A_404 : f32 to vector<16xf32>
        %parallel_loop3A_406 = arith.addf %parallel_loop3A_280, %parallel_loop3A_405 : vector<16xf32>
        %parallel_loop3A_407 = vector.broadcast %parallel_loop3A_157 : f32 to vector<16xf32>
        %parallel_loop3A_408 = arith.addf %parallel_loop3A_406, %parallel_loop3A_407 : vector<16xf32>
        %parallel_loop3A_409 = arith.constant 1 : i32
        %parallel_loop3A_410 = arith.index_cast %parallel_loop3A_409 : i32 to index
        %parallel_loop3A_411 = arith.index_cast %parallel_loop3A_176 : i32 to index
        %parallel_loop3A_412 = tpu.vector_load %arg6[%parallel_loop3A_410, %parallel_loop3A_411] {strides = array<i32>} : memref<2x8192xf32, #tpu.memory_space<vmem>>, vector<16xf32>,
        tpu.vector_store %arg6[%parallel_loop3A_410, %parallel_loop3A_411], %parallel_loop3A_408 {strides = array<i32>} : memref<2x8192xf32, #tpu.memory_space<vmem>>, vector<16xf32>,
        %parallel_loop3A_413 = vector.extract_strided_slice %parallel_loop3A_316 {offsets = [15], sizes = [1], strides = [1]} : vector<16xf32> to vector<1xf32>
        %parallel_loop3A_414 = vector.extract %parallel_loop3A_413[0] : f32 from vector<1xf32>
        %parallel_loop3A_415 = vector.broadcast %parallel_loop3A_414 : f32 to vector<16xf32>
        %parallel_loop3A_416 = arith.addf %parallel_loop3A_283, %parallel_loop3A_415 : vector<16xf32>
        %parallel_loop3A_417 = vector.broadcast %parallel_loop3A_157 : f32 to vector<16xf32>
        %parallel_loop3A_418 = arith.addf %parallel_loop3A_416, %parallel_loop3A_417 : vector<16xf32>
        %parallel_loop3A_419 = arith.constant 1 : i32
        %parallel_loop3A_420 = arith.index_cast %parallel_loop3A_419 : i32 to index
        %parallel_loop3A_421 = arith.index_cast %parallel_loop3A_178 : i32 to index
        %parallel_loop3A_422 = tpu.vector_load %arg6[%parallel_loop3A_420, %parallel_loop3A_421] {strides = array<i32>} : memref<2x8192xf32, #tpu.memory_space<vmem>>, vector<16xf32>,
        tpu.vector_store %arg6[%parallel_loop3A_420, %parallel_loop3A_421], %parallel_loop3A_418 {strides = array<i32>} : memref<2x8192xf32, #tpu.memory_space<vmem>>, vector<16xf32>,
        %parallel_loop3A_423 = vector.extract_strided_slice %parallel_loop3A_329 {offsets = [15], sizes = [1], strides = [1]} : vector<16xf32> to vector<1xf32>
        %parallel_loop3A_424 = vector.extract %parallel_loop3A_423[0] : f32 from vector<1xf32>
        %parallel_loop3A_425 = vector.broadcast %parallel_loop3A_424 : f32 to vector<16xf32>
        %parallel_loop3A_426 = arith.addf %parallel_loop3A_286, %parallel_loop3A_425 : vector<16xf32>
        %parallel_loop3A_427 = vector.broadcast %parallel_loop3A_157 : f32 to vector<16xf32>
        %parallel_loop3A_428 = arith.addf %parallel_loop3A_426, %parallel_loop3A_427 : vector<16xf32>
        %parallel_loop3A_429 = arith.constant 1 : i32
        %parallel_loop3A_430 = arith.index_cast %parallel_loop3A_429 : i32 to index
        %parallel_loop3A_431 = arith.index_cast %parallel_loop3A_180 : i32 to index
        %parallel_loop3A_432 = tpu.vector_load %arg6[%parallel_loop3A_430, %parallel_loop3A_431] {strides = array<i32>} : memref<2x8192xf32, #tpu.memory_space<vmem>>, vector<16xf32>,
        tpu.vector_store %arg6[%parallel_loop3A_430, %parallel_loop3A_431], %parallel_loop3A_428 {strides = array<i32>} : memref<2x8192xf32, #tpu.memory_space<vmem>>, vector<16xf32>,
        %parallel_loop3A_433 = vector.extract_strided_slice %parallel_loop3A_330 {offsets = [15], sizes = [1], strides = [1]} : vector<16xf32> to vector<1xf32>
        %parallel_loop3A_434 = vector.extract %parallel_loop3A_433[0] : f32 from vector<1xf32>
        %parallel_loop3A_435 = vector.broadcast %parallel_loop3A_434 : f32 to vector<16xf32>
        %parallel_loop3A_436 = arith.addf %parallel_loop3A_289, %parallel_loop3A_435 : vector<16xf32>
        %parallel_loop3A_437 = vector.broadcast %parallel_loop3A_157 : f32 to vector<16xf32>
        %parallel_loop3A_438 = arith.addf %parallel_loop3A_436, %parallel_loop3A_437 : vector<16xf32>
        %parallel_loop3A_439 = arith.constant 1 : i32
        %parallel_loop3A_440 = arith.index_cast %parallel_loop3A_439 : i32 to index
        %parallel_loop3A_441 = arith.index_cast %parallel_loop3A_182 : i32 to index
        %parallel_loop3A_442 = tpu.vector_load %arg6[%parallel_loop3A_440, %parallel_loop3A_441] {strides = array<i32>} : memref<2x8192xf32, #tpu.memory_space<vmem>>, vector<16xf32>,
        tpu.vector_store %arg6[%parallel_loop3A_440, %parallel_loop3A_441], %parallel_loop3A_438 {strides = array<i32>} : memref<2x8192xf32, #tpu.memory_space<vmem>>, vector<16xf32>,
        %parallel_loop3A_443 = vector.extract_strided_slice %parallel_loop3A_331 {offsets = [15], sizes = [1], strides = [1]} : vector<16xf32> to vector<1xf32>
        %parallel_loop3A_444 = vector.extract %parallel_loop3A_443[0] : f32 from vector<1xf32>
        %parallel_loop3A_445 = vector.broadcast %parallel_loop3A_444 : f32 to vector<16xf32>
        %parallel_loop3A_446 = arith.addf %parallel_loop3A_292, %parallel_loop3A_445 : vector<16xf32>
        %parallel_loop3A_447 = vector.broadcast %parallel_loop3A_157 : f32 to vector<16xf32>
        %parallel_loop3A_448 = arith.addf %parallel_loop3A_446, %parallel_loop3A_447 : vector<16xf32>
        %parallel_loop3A_449 = arith.constant 1 : i32
        %parallel_loop3A_450 = arith.index_cast %parallel_loop3A_449 : i32 to index
        %parallel_loop3A_451 = arith.index_cast %parallel_loop3A_184 : i32 to index
        %parallel_loop3A_452 = tpu.vector_load %arg6[%parallel_loop3A_450, %parallel_loop3A_451] {strides = array<i32>} : memref<2x8192xf32, #tpu.memory_space<vmem>>, vector<16xf32>,
        tpu.vector_store %arg6[%parallel_loop3A_450, %parallel_loop3A_451], %parallel_loop3A_448 {strides = array<i32>} : memref<2x8192xf32, #tpu.memory_space<vmem>>, vector<16xf32>,
        %parallel_loop3A_453 = vector.extract_strided_slice %parallel_loop3A_332 {offsets = [15], sizes = [1], strides = [1]} : vector<16xf32> to vector<1xf32>
        %parallel_loop3A_454 = vector.extract %parallel_loop3A_453[0] : f32 from vector<1xf32>
        %parallel_loop3A_455 = vector.broadcast %parallel_loop3A_454 : f32 to vector<16xf32>
        %parallel_loop3A_456 = arith.addf %parallel_loop3A_295, %parallel_loop3A_455 : vector<16xf32>
        %parallel_loop3A_457 = vector.broadcast %parallel_loop3A_157 : f32 to vector<16xf32>
        %parallel_loop3A_458 = arith.addf %parallel_loop3A_456, %parallel_loop3A_457 : vector<16xf32>
        %parallel_loop3A_459 = arith.constant 1 : i32
        %parallel_loop3A_460 = arith.index_cast %parallel_loop3A_459 : i32 to index
        %parallel_loop3A_461 = arith.index_cast %parallel_loop3A_186 : i32 to index
        %parallel_loop3A_462 = tpu.vector_load %arg6[%parallel_loop3A_460, %parallel_loop3A_461] {strides = array<i32>} : memref<2x8192xf32, #tpu.memory_space<vmem>>, vector<16xf32>,
        tpu.vector_store %arg6[%parallel_loop3A_460, %parallel_loop3A_461], %parallel_loop3A_458 {strides = array<i32>} : memref<2x8192xf32, #tpu.memory_space<vmem>>, vector<16xf32>,
        %parallel_loop3A_463 = vector.extract_strided_slice %parallel_loop3A_333 {offsets = [15], sizes = [1], strides = [1]} : vector<16xf32> to vector<1xf32>
        %parallel_loop3A_464 = vector.extract %parallel_loop3A_463[0] : f32 from vector<1xf32>
        %parallel_loop3A_465 = vector.broadcast %parallel_loop3A_464 : f32 to vector<16xf32>
        %parallel_loop3A_466 = arith.addf %parallel_loop3A_298, %parallel_loop3A_465 : vector<16xf32>
        %parallel_loop3A_467 = vector.broadcast %parallel_loop3A_157 : f32 to vector<16xf32>
        %parallel_loop3A_468 = arith.addf %parallel_loop3A_466, %parallel_loop3A_467 : vector<16xf32>
        %parallel_loop3A_469 = arith.constant 1 : i32
        %parallel_loop3A_470 = arith.index_cast %parallel_loop3A_469 : i32 to index
        %parallel_loop3A_471 = arith.index_cast %parallel_loop3A_188 : i32 to index
        %parallel_loop3A_472 = tpu.vector_load %arg6[%parallel_loop3A_470, %parallel_loop3A_471] {strides = array<i32>} : memref<2x8192xf32, #tpu.memory_space<vmem>>, vector<16xf32>,
        tpu.vector_store %arg6[%parallel_loop3A_470, %parallel_loop3A_471], %parallel_loop3A_468 {strides = array<i32>} : memref<2x8192xf32, #tpu.memory_space<vmem>>, vector<16xf32>,
        %parallel_loop3A_473 = vector.extract_strided_slice %parallel_loop3A_334 {offsets = [15], sizes = [1], strides = [1]} : vector<16xf32> to vector<1xf32>
        %parallel_loop3A_474 = vector.extract %parallel_loop3A_473[0] : f32 from vector<1xf32>
        %parallel_loop3A_475 = vector.broadcast %parallel_loop3A_474 : f32 to vector<16xf32>
        %parallel_loop3A_476 = arith.addf %parallel_loop3A_301, %parallel_loop3A_475 : vector<16xf32>
        %parallel_loop3A_477 = vector.broadcast %parallel_loop3A_157 : f32 to vector<16xf32>
        %parallel_loop3A_478 = arith.addf %parallel_loop3A_476, %parallel_loop3A_477 : vector<16xf32>
        %parallel_loop3A_479 = arith.constant 1 : i32
        %parallel_loop3A_480 = arith.index_cast %parallel_loop3A_479 : i32 to index
        %parallel_loop3A_481 = arith.index_cast %parallel_loop3A_190 : i32 to index
        %parallel_loop3A_482 = tpu.vector_load %arg6[%parallel_loop3A_480, %parallel_loop3A_481] {strides = array<i32>} : memref<2x8192xf32, #tpu.memory_space<vmem>>, vector<16xf32>,
        tpu.vector_store %arg6[%parallel_loop3A_480, %parallel_loop3A_481], %parallel_loop3A_478 {strides = array<i32>} : memref<2x8192xf32, #tpu.memory_space<vmem>>, vector<16xf32>,
        %parallel_loop3A_483 = vector.extract_strided_slice %parallel_loop3A_335 {offsets = [15], sizes = [1], strides = [1]} : vector<16xf32> to vector<1xf32>
        %parallel_loop3A_484 = vector.extract %parallel_loop3A_483[0] : f32 from vector<1xf32>
        %parallel_loop3A_485 = vector.broadcast %parallel_loop3A_484 : f32 to vector<16xf32>
        %parallel_loop3A_486 = arith.addf %parallel_loop3A_304, %parallel_loop3A_485 : vector<16xf32>
        %parallel_loop3A_487 = vector.broadcast %parallel_loop3A_157 : f32 to vector<16xf32>
        %parallel_loop3A_488 = arith.addf %parallel_loop3A_486, %parallel_loop3A_487 : vector<16xf32>
        %parallel_loop3A_489 = arith.constant 1 : i32
        %parallel_loop3A_490 = arith.index_cast %parallel_loop3A_489 : i32 to index
        %parallel_loop3A_491 = arith.index_cast %parallel_loop3A_192 : i32 to index
        %parallel_loop3A_492 = tpu.vector_load %arg6[%parallel_loop3A_490, %parallel_loop3A_491] {strides = array<i32>} : memref<2x8192xf32, #tpu.memory_space<vmem>>, vector<16xf32>,
        tpu.vector_store %arg6[%parallel_loop3A_490, %parallel_loop3A_491], %parallel_loop3A_488 {strides = array<i32>} : memref<2x8192xf32, #tpu.memory_space<vmem>>, vector<16xf32>,
        %parallel_loop3A_493 = vector.extract_strided_slice %parallel_loop3A_336 {offsets = [15], sizes = [1], strides = [1]} : vector<16xf32> to vector<1xf32>
        %parallel_loop3A_494 = vector.extract %parallel_loop3A_493[0] : f32 from vector<1xf32>
        %parallel_loop3A_495 = arith.addf %parallel_loop3A_157, %parallel_loop3A_494 : f32
        scf.yield %parallel_loop3A_495 : f32
      } {sc.loop_unroll_factor = 1 : i64, sc.parallel_access}
      %mul3A_116 = arith.constant 2 : i32
      %mul3A_117 = arith.muli %add3A_94, %mul3A_116 : i32
      %add3A_118 = arith.addi %mul3A_2, %mul3A_117 : i32
      %dma_start3A_119 = arith.constant 0 : i32
      %dma_start3A_120 = tpu.memref_slice %arg3[%add3A_118, %dma_start3A_119] : memref<4096x8192xf32, #tpu.memory_space<hbm>> -> memref<2x8192xf32, #tpu.memory_space<hbm>>
      %dma_start3A_121 = arith.constant 0 : i32
      %dma_start3A_122 = tpu.memref_slice %arg3[%add3A_118, %dma_start3A_121] : memref<4096x8192xf32, #tpu.memory_space<hbm>> -> memref<2x8192xf32, #tpu.memory_space<hbm>>
      tpu.enqueue_dma source(%arg6 : memref<2x8192xf32, #tpu.memory_space<vmem>>) target(%dma_start3A_122 : memref<2x8192xf32, #tpu.memory_space<hbm>>) target_semaphore(%arg14 : memref<!tpu.dma_semaphore, #tpu.memory_space<semaphore_mem>>)
      %mul3A_123 = arith.constant 4 : i32
      %mul3A_124 = arith.muli %scan3A_29, %mul3A_123 : i32
      %add3A_125 = arith.constant 3 : i32
      %add3A_126 = arith.addi %mul3A_124, %add3A_125 : i32
      %add3A_127 = arith.constant 1 : i32
      %add3A_128 = arith.addi %add3A_126, %add3A_127 : i32
      %lt3A_129 = arith.constant 64 : i32
      %lt3A_130 = arith.cmpi slt, %add3A_128, %lt3A_129 : i32
      %convert_element_type3A_131 = arith.extui %lt3A_130 : i1 to i32
      %cond3A_132 = arith.constant 0 : i32
      %cond3A_133 = arith.cmpi ne, %convert_element_type3A_131, %cond3A_132 : i32
      scf.if %cond3A_133 {
        %ge3A = arith.constant 4 : i32
        %ge3A_156 = arith.cmpi sge, %add3A_128, %ge3A : i32
        %convert_element_type3A_157 = arith.extui %ge3A_156 : i1 to i32
        %cond3A_158 = arith.constant 0 : i32
        %cond3A_159 = arith.cmpi ne, %convert_element_type3A_157, %cond3A_158 : i32
        scf.if %cond3A_159 {
          %dma_wait3A_167 = arith.constant 0 : i32
          %dma_wait3A_168 = tpu.memref_slice %arg3[%mul3A_2, %dma_wait3A_167] : memref<4096x8192xf32, #tpu.memory_space<hbm>> -> memref<2x8192xf32, #tpu.memory_space<hbm>>
          %dma_wait3A_169 = arith.constant 0 : i32
          %dma_wait3A_170 = tpu.memref_slice %arg3[%mul3A_2, %dma_wait3A_169] : memref<4096x8192xf32, #tpu.memory_space<hbm>> -> memref<2x8192xf32, #tpu.memory_space<hbm>>
          tpu.wait_dma2 semaphore(%arg12 : memref<!tpu.dma_semaphore, #tpu.memory_space<semaphore_mem>>) src(%arg4 : memref<2x8192xf32, #tpu.memory_space<vmem>>) dst(%dma_wait3A_170 : memref<2x8192xf32, #tpu.memory_space<hbm>>)
        } else {
        }
        %mul3A_160 = arith.constant 2 : i32
        %mul3A_161 = arith.muli %add3A_128, %mul3A_160 : i32
        %add3A_162 = arith.addi %mul3A_2, %mul3A_161 : i32
        %dma_start3A_163 = arith.constant 0 : i32
        %dma_start3A_164 = tpu.memref_slice %arg2[%add3A_162, %dma_start3A_163] : memref<4096x8192xf32, #tpu.memory_space<hbm>> -> memref<2x8192xf32, #tpu.memory_space<hbm>>
        %dma_start3A_165 = arith.constant 0 : i32
        %dma_start3A_166 = tpu.memref_slice %arg2[%add3A_162, %dma_start3A_165] : memref<4096x8192xf32, #tpu.memory_space<hbm>> -> memref<2x8192xf32, #tpu.memory_space<hbm>>
        tpu.enqueue_dma source(%dma_start3A_166 : memref<2x8192xf32, #tpu.memory_space<hbm>>) target(%arg4 : memref<2x8192xf32, #tpu.memory_space<vmem>>) target_semaphore(%arg8 : memref<!tpu.dma_semaphore, #tpu.memory_space<semaphore_mem>>)
      } else {
      }
      %dma_wait3A_134 = arith.constant 0 : i32
      %dma_wait3A_135 = tpu.memref_slice %arg2[%mul3A_2, %dma_wait3A_134] : memref<4096x8192xf32, #tpu.memory_space<hbm>> -> memref<2x8192xf32, #tpu.memory_space<hbm>>
      %dma_wait3A_136 = arith.constant 0 : i32
      %dma_wait3A_137 = tpu.memref_slice %arg2[%mul3A_2, %dma_wait3A_136] : memref<4096x8192xf32, #tpu.memory_space<hbm>> -> memref<2x8192xf32, #tpu.memory_space<hbm>>
      tpu.wait_dma2 semaphore(%arg11 : memref<!tpu.dma_semaphore, #tpu.memory_space<semaphore_mem>>) src(%dma_wait3A_137 : memref<2x8192xf32, #tpu.memory_space<hbm>>) dst(%arg7 : memref<2x8192xf32, #tpu.memory_space<vmem>>)
      %parallel_loop3A_138 = arith.constant 0 : i32
      %parallel_loop3A_139 = arith.constant 32 : i32
      %parallel_loop3A_140 = arith.constant 1 : i32
      %parallel_loop3A_141 = arith.constant 0.000000e+00 : f32
      %parallel_loop3A_142 = scf.for %parallel_loop3A_156 = %parallel_loop3A_138 to %parallel_loop3A_139 step %parallel_loop3A_140 iter_args(%parallel_loop3A_157 = %parallel_loop3A_141) -> (f32)  : i32 {
        %parallel_loop3A_158 = arith.constant 256 : i32
        %parallel_loop3A_159 = arith.muli %parallel_loop3A_156, %parallel_loop3A_158 : i32
        %parallel_loop3A_160 = tpu.assume_multiple %parallel_loop3A_159, 256 : i32
        %parallel_loop3A_161 = arith.constant 0 : i32
        %parallel_loop3A_162 = arith.addi %parallel_loop3A_160, %parallel_loop3A_161 : i32
        %parallel_loop3A_163 = arith.constant 16 : i32
        %parallel_loop3A_164 = arith.addi %parallel_loop3A_160, %parallel_loop3A_163 : i32
        %parallel_loop3A_165 = arith.constant 32 : i32
        %parallel_loop3A_166 = arith.addi %parallel_loop3A_160, %parallel_loop3A_165 : i32
        %parallel_loop3A_167 = arith.constant 48 : i32
        %parallel_loop3A_168 = arith.addi %parallel_loop3A_160, %parallel_loop3A_167 : i32
        %parallel_loop3A_169 = arith.constant 64 : i32
        %parallel_loop3A_170 = arith.addi %parallel_loop3A_160, %parallel_loop3A_169 : i32
        %parallel_loop3A_171 = arith.constant 80 : i32
        %parallel_loop3A_172 = arith.addi %parallel_loop3A_160, %parallel_loop3A_171 : i32
        %parallel_loop3A_173 = arith.constant 96 : i32
        %parallel_loop3A_174 = arith.addi %parallel_loop3A_160, %parallel_loop3A_173 : i32
        %parallel_loop3A_175 = arith.constant 112 : i32
        %parallel_loop3A_176 = arith.addi %parallel_loop3A_160, %parallel_loop3A_175 : i32
        %parallel_loop3A_177 = arith.constant 128 : i32
        %parallel_loop3A_178 = arith.addi %parallel_loop3A_160, %parallel_loop3A_177 : i32
        %parallel_loop3A_179 = arith.constant 144 : i32
        %parallel_loop3A_180 = arith.addi %parallel_loop3A_160, %parallel_loop3A_179 : i32
        %parallel_loop3A_181 = arith.constant 160 : i32
        %parallel_loop3A_182 = arith.addi %parallel_loop3A_160, %parallel_loop3A_181 : i32
        %parallel_loop3A_183 = arith.constant 176 : i32
        %parallel_loop3A_184 = arith.addi %parallel_loop3A_160, %parallel_loop3A_183 : i32
        %parallel_loop3A_185 = arith.constant 192 : i32
        %parallel_loop3A_186 = arith.addi %parallel_loop3A_160, %parallel_loop3A_185 : i32
        %parallel_loop3A_187 = arith.constant 208 : i32
        %parallel_loop3A_188 = arith.addi %parallel_loop3A_160, %parallel_loop3A_187 : i32
        %parallel_loop3A_189 = arith.constant 224 : i32
        %parallel_loop3A_190 = arith.addi %parallel_loop3A_160, %parallel_loop3A_189 : i32
        %parallel_loop3A_191 = arith.constant 240 : i32
        %parallel_loop3A_192 = arith.addi %parallel_loop3A_160, %parallel_loop3A_191 : i32
        %parallel_loop3A_193 = arith.constant 0 : i32
        %parallel_loop3A_194 = arith.index_cast %parallel_loop3A_193 : i32 to index
        %parallel_loop3A_195 = arith.index_cast %parallel_loop3A_162 : i32 to index
        %parallel_loop3A_196 = tpu.vector_load %arg7[%parallel_loop3A_194, %parallel_loop3A_195] {strides = array<i32>} : memref<2x8192xf32, #tpu.memory_space<vmem>>, vector<16xf32>,
        %parallel_loop3A_197 = arith.constant 0 : i32
        %parallel_loop3A_198 = arith.index_cast %parallel_loop3A_197 : i32 to index
        %parallel_loop3A_199 = arith.index_cast %parallel_loop3A_164 : i32 to index
        %parallel_loop3A_200 = tpu.vector_load %arg7[%parallel_loop3A_198, %parallel_loop3A_199] {strides = array<i32>} : memref<2x8192xf32, #tpu.memory_space<vmem>>, vector<16xf32>,
        %parallel_loop3A_201 = arith.constant 0 : i32
        %parallel_loop3A_202 = arith.index_cast %parallel_loop3A_201 : i32 to index
        %parallel_loop3A_203 = arith.index_cast %parallel_loop3A_166 : i32 to index
        %parallel_loop3A_204 = tpu.vector_load %arg7[%parallel_loop3A_202, %parallel_loop3A_203] {strides = array<i32>} : memref<2x8192xf32, #tpu.memory_space<vmem>>, vector<16xf32>,
        %parallel_loop3A_205 = arith.constant 0 : i32
        %parallel_loop3A_206 = arith.index_cast %parallel_loop3A_205 : i32 to index
        %parallel_loop3A_207 = arith.index_cast %parallel_loop3A_168 : i32 to index
        %parallel_loop3A_208 = tpu.vector_load %arg7[%parallel_loop3A_206, %parallel_loop3A_207] {strides = array<i32>} : memref<2x8192xf32, #tpu.memory_space<vmem>>, vector<16xf32>,
        %parallel_loop3A_209 = arith.constant 0 : i32
        %parallel_loop3A_210 = arith.index_cast %parallel_loop3A_209 : i32 to index
        %parallel_loop3A_211 = arith.index_cast %parallel_loop3A_170 : i32 to index
        %parallel_loop3A_212 = tpu.vector_load %arg7[%parallel_loop3A_210, %parallel_loop3A_211] {strides = array<i32>} : memref<2x8192xf32, #tpu.memory_space<vmem>>, vector<16xf32>,
        %parallel_loop3A_213 = arith.constant 0 : i32
        %parallel_loop3A_214 = arith.index_cast %parallel_loop3A_213 : i32 to index
        %parallel_loop3A_215 = arith.index_cast %parallel_loop3A_172 : i32 to index
        %parallel_loop3A_216 = tpu.vector_load %arg7[%parallel_loop3A_214, %parallel_loop3A_215] {strides = array<i32>} : memref<2x8192xf32, #tpu.memory_space<vmem>>, vector<16xf32>,
        %parallel_loop3A_217 = arith.constant 0 : i32
        %parallel_loop3A_218 = arith.index_cast %parallel_loop3A_217 : i32 to index
        %parallel_loop3A_219 = arith.index_cast %parallel_loop3A_174 : i32 to index
        %parallel_loop3A_220 = tpu.vector_load %arg7[%parallel_loop3A_218, %parallel_loop3A_219] {strides = array<i32>} : memref<2x8192xf32, #tpu.memory_space<vmem>>, vector<16xf32>,
        %parallel_loop3A_221 = arith.constant 0 : i32
        %parallel_loop3A_222 = arith.index_cast %parallel_loop3A_221 : i32 to index
        %parallel_loop3A_223 = arith.index_cast %parallel_loop3A_176 : i32 to index
        %parallel_loop3A_224 = tpu.vector_load %arg7[%parallel_loop3A_222, %parallel_loop3A_223] {strides = array<i32>} : memref<2x8192xf32, #tpu.memory_space<vmem>>, vector<16xf32>,
        %parallel_loop3A_225 = arith.constant 0 : i32
        %parallel_loop3A_226 = arith.index_cast %parallel_loop3A_225 : i32 to index
        %parallel_loop3A_227 = arith.index_cast %parallel_loop3A_178 : i32 to index
        %parallel_loop3A_228 = tpu.vector_load %arg7[%parallel_loop3A_226, %parallel_loop3A_227] {strides = array<i32>} : memref<2x8192xf32, #tpu.memory_space<vmem>>, vector<16xf32>,
        %parallel_loop3A_229 = arith.constant 0 : i32
        %parallel_loop3A_230 = arith.index_cast %parallel_loop3A_229 : i32 to index
        %parallel_loop3A_231 = arith.index_cast %parallel_loop3A_180 : i32 to index
        %parallel_loop3A_232 = tpu.vector_load %arg7[%parallel_loop3A_230, %parallel_loop3A_231] {strides = array<i32>} : memref<2x8192xf32, #tpu.memory_space<vmem>>, vector<16xf32>,
        %parallel_loop3A_233 = arith.constant 0 : i32
        %parallel_loop3A_234 = arith.index_cast %parallel_loop3A_233 : i32 to index
        %parallel_loop3A_235 = arith.index_cast %parallel_loop3A_182 : i32 to index
        %parallel_loop3A_236 = tpu.vector_load %arg7[%parallel_loop3A_234, %parallel_loop3A_235] {strides = array<i32>} : memref<2x8192xf32, #tpu.memory_space<vmem>>, vector<16xf32>,
        %parallel_loop3A_237 = arith.constant 0 : i32
        %parallel_loop3A_238 = arith.index_cast %parallel_loop3A_237 : i32 to index
        %parallel_loop3A_239 = arith.index_cast %parallel_loop3A_184 : i32 to index
        %parallel_loop3A_240 = tpu.vector_load %arg7[%parallel_loop3A_238, %parallel_loop3A_239] {strides = array<i32>} : memref<2x8192xf32, #tpu.memory_space<vmem>>, vector<16xf32>,
        %parallel_loop3A_241 = arith.constant 0 : i32
        %parallel_loop3A_242 = arith.index_cast %parallel_loop3A_241 : i32 to index
        %parallel_loop3A_243 = arith.index_cast %parallel_loop3A_186 : i32 to index
        %parallel_loop3A_244 = tpu.vector_load %arg7[%parallel_loop3A_242, %parallel_loop3A_243] {strides = array<i32>} : memref<2x8192xf32, #tpu.memory_space<vmem>>, vector<16xf32>,
        %parallel_loop3A_245 = arith.constant 0 : i32
        %parallel_loop3A_246 = arith.index_cast %parallel_loop3A_245 : i32 to index
        %parallel_loop3A_247 = arith.index_cast %parallel_loop3A_188 : i32 to index
        %parallel_loop3A_248 = tpu.vector_load %arg7[%parallel_loop3A_246, %parallel_loop3A_247] {strides = array<i32>} : memref<2x8192xf32, #tpu.memory_space<vmem>>, vector<16xf32>,
        %parallel_loop3A_249 = arith.constant 0 : i32
        %parallel_loop3A_250 = arith.index_cast %parallel_loop3A_249 : i32 to index
        %parallel_loop3A_251 = arith.index_cast %parallel_loop3A_190 : i32 to index
        %parallel_loop3A_252 = tpu.vector_load %arg7[%parallel_loop3A_250, %parallel_loop3A_251] {strides = array<i32>} : memref<2x8192xf32, #tpu.memory_space<vmem>>, vector<16xf32>,
        %parallel_loop3A_253 = arith.constant 0 : i32
        %parallel_loop3A_254 = arith.index_cast %parallel_loop3A_253 : i32 to index
        %parallel_loop3A_255 = arith.index_cast %parallel_loop3A_192 : i32 to index
        %parallel_loop3A_256 = tpu.vector_load %arg7[%parallel_loop3A_254, %parallel_loop3A_255] {strides = array<i32>} : memref<2x8192xf32, #tpu.memory_space<vmem>>, vector<16xf32>,
        %parallel_loop3A_257 = arith.constant true
        %parallel_loop3A_258 = vector.broadcast %parallel_loop3A_257 : i1 to vector<16xi1>
        %parallel_loop3A_259 = tpu.scan <sum>, %parallel_loop3A_196 masked %parallel_loop3A_258 : vector<16xf32>, vector<16xi1> -> vector<16xf32>
        %parallel_loop3A_260 = arith.constant true
        %parallel_loop3A_261 = vector.broadcast %parallel_loop3A_260 : i1 to vector<16xi1>
        %parallel_loop3A_262 = tpu.scan <sum>, %parallel_loop3A_200 masked %parallel_loop3A_261 : vector<16xf32>, vector<16xi1> -> vector<16xf32>
        %parallel_loop3A_263 = arith.constant true
        %parallel_loop3A_264 = vector.broadcast %parallel_loop3A_263 : i1 to vector<16xi1>
        %parallel_loop3A_265 = tpu.scan <sum>, %parallel_loop3A_204 masked %parallel_loop3A_264 : vector<16xf32>, vector<16xi1> -> vector<16xf32>
        %parallel_loop3A_266 = arith.constant true
        %parallel_loop3A_267 = vector.broadcast %parallel_loop3A_266 : i1 to vector<16xi1>
        %parallel_loop3A_268 = tpu.scan <sum>, %parallel_loop3A_208 masked %parallel_loop3A_267 : vector<16xf32>, vector<16xi1> -> vector<16xf32>
        %parallel_loop3A_269 = arith.constant true
        %parallel_loop3A_270 = vector.broadcast %parallel_loop3A_269 : i1 to vector<16xi1>
        %parallel_loop3A_271 = tpu.scan <sum>, %parallel_loop3A_212 masked %parallel_loop3A_270 : vector<16xf32>, vector<16xi1> -> vector<16xf32>
        %parallel_loop3A_272 = arith.constant true
        %parallel_loop3A_273 = vector.broadcast %parallel_loop3A_272 : i1 to vector<16xi1>
        %parallel_loop3A_274 = tpu.scan <sum>, %parallel_loop3A_216 masked %parallel_loop3A_273 : vector<16xf32>, vector<16xi1> -> vector<16xf32>
        %parallel_loop3A_275 = arith.constant true
        %parallel_loop3A_276 = vector.broadcast %parallel_loop3A_275 : i1 to vector<16xi1>
        %parallel_loop3A_277 = tpu.scan <sum>, %parallel_loop3A_220 masked %parallel_loop3A_276 : vector<16xf32>, vector<16xi1> -> vector<16xf32>
        %parallel_loop3A_278 = arith.constant true
        %parallel_loop3A_279 = vector.broadcast %parallel_loop3A_278 : i1 to vector<16xi1>
        %parallel_loop3A_280 = tpu.scan <sum>, %parallel_loop3A_224 masked %parallel_loop3A_279 : vector<16xf32>, vector<16xi1> -> vector<16xf32>
        %parallel_loop3A_281 = arith.constant true
        %parallel_loop3A_282 = vector.broadcast %parallel_loop3A_281 : i1 to vector<16xi1>
        %parallel_loop3A_283 = tpu.scan <sum>, %parallel_loop3A_228 masked %parallel_loop3A_282 : vector<16xf32>, vector<16xi1> -> vector<16xf32>
        %parallel_loop3A_284 = arith.constant true
        %parallel_loop3A_285 = vector.broadcast %parallel_loop3A_284 : i1 to vector<16xi1>
        %parallel_loop3A_286 = tpu.scan <sum>, %parallel_loop3A_232 masked %parallel_loop3A_285 : vector<16xf32>, vector<16xi1> -> vector<16xf32>
        %parallel_loop3A_287 = arith.constant true
        %parallel_loop3A_288 = vector.broadcast %parallel_loop3A_287 : i1 to vector<16xi1>
        %parallel_loop3A_289 = tpu.scan <sum>, %parallel_loop3A_236 masked %parallel_loop3A_288 : vector<16xf32>, vector<16xi1> -> vector<16xf32>
        %parallel_loop3A_290 = arith.constant true
        %parallel_loop3A_291 = vector.broadcast %parallel_loop3A_290 : i1 to vector<16xi1>
        %parallel_loop3A_292 = tpu.scan <sum>, %parallel_loop3A_240 masked %parallel_loop3A_291 : vector<16xf32>, vector<16xi1> -> vector<16xf32>
        %parallel_loop3A_293 = arith.constant true
        %parallel_loop3A_294 = vector.broadcast %parallel_loop3A_293 : i1 to vector<16xi1>
        %parallel_loop3A_295 = tpu.scan <sum>, %parallel_loop3A_244 masked %parallel_loop3A_294 : vector<16xf32>, vector<16xi1> -> vector<16xf32>
        %parallel_loop3A_296 = arith.constant true
        %parallel_loop3A_297 = vector.broadcast %parallel_loop3A_296 : i1 to vector<16xi1>
        %parallel_loop3A_298 = tpu.scan <sum>, %parallel_loop3A_248 masked %parallel_loop3A_297 : vector<16xf32>, vector<16xi1> -> vector<16xf32>
        %parallel_loop3A_299 = arith.constant true
        %parallel_loop3A_300 = vector.broadcast %parallel_loop3A_299 : i1 to vector<16xi1>
        %parallel_loop3A_301 = tpu.scan <sum>, %parallel_loop3A_252 masked %parallel_loop3A_300 : vector<16xf32>, vector<16xi1> -> vector<16xf32>
        %parallel_loop3A_302 = arith.constant true
        %parallel_loop3A_303 = vector.broadcast %parallel_loop3A_302 : i1 to vector<16xi1>
        %parallel_loop3A_304 = tpu.scan <sum>, %parallel_loop3A_256 masked %parallel_loop3A_303 : vector<16xf32>, vector<16xi1> -> vector<16xf32>
        %parallel_loop3A_305 = arith.addf %parallel_loop3A_259, %parallel_loop3A_262 : vector<16xf32>
        %parallel_loop3A_306 = arith.addf %parallel_loop3A_265, %parallel_loop3A_268 : vector<16xf32>
        %parallel_loop3A_307 = arith.addf %parallel_loop3A_305, %parallel_loop3A_265 : vector<16xf32>
        %parallel_loop3A_308 = arith.addf %parallel_loop3A_305, %parallel_loop3A_306 : vector<16xf32>
        %parallel_loop3A_309 = arith.addf %parallel_loop3A_271, %parallel_loop3A_274 : vector<16xf32>
        %parallel_loop3A_310 = arith.addf %parallel_loop3A_277, %parallel_loop3A_280 : vector<16xf32>
        %parallel_loop3A_311 = arith.addf %parallel_loop3A_309, %parallel_loop3A_277 : vector<16xf32>
        %parallel_loop3A_312 = arith.addf %parallel_loop3A_309, %parallel_loop3A_310 : vector<16xf32>
        %parallel_loop3A_313 = arith.addf %parallel_loop3A_308, %parallel_loop3A_271 : vector<16xf32>
        %parallel_loop3A_314 = arith.addf %parallel_loop3A_308, %parallel_loop3A_309 : vector<16xf32>
        %parallel_loop3A_315 = arith.addf %parallel_loop3A_308, %parallel_loop3A_311 : vector<16xf32>
        %parallel_loop3A_316 = arith.addf %parallel_loop3A_308, %parallel_loop3A_312 : vector<16xf32>
        %parallel_loop3A_317 = arith.addf %parallel_loop3A_283, %parallel_loop3A_286 : vector<16xf32>
        %parallel_loop3A_318 = arith.addf %parallel_loop3A_289, %parallel_loop3A_292 : vector<16xf32>
        %parallel_loop3A_319 = arith.addf %parallel_loop3A_317, %parallel_loop3A_289 : vector<16xf32>
        %parallel_loop3A_320 = arith.addf %parallel_loop3A_317, %parallel_loop3A_318 : vector<16xf32>
        %parallel_loop3A_321 = arith.addf %parallel_loop3A_295, %parallel_loop3A_298 : vector<16xf32>
        %parallel_loop3A_322 = arith.addf %parallel_loop3A_301, %parallel_loop3A_304 : vector<16xf32>
        %parallel_loop3A_323 = arith.addf %parallel_loop3A_321, %parallel_loop3A_301 : vector<16xf32>
        %parallel_loop3A_324 = arith.addf %parallel_loop3A_321, %parallel_loop3A_322 : vector<16xf32>
        %parallel_loop3A_325 = arith.addf %parallel_loop3A_320, %parallel_loop3A_295 : vector<16xf32>
        %parallel_loop3A_326 = arith.addf %parallel_loop3A_320, %parallel_loop3A_321 : vector<16xf32>
        %parallel_loop3A_327 = arith.addf %parallel_loop3A_320, %parallel_loop3A_323 : vector<16xf32>
        %parallel_loop3A_328 = arith.addf %parallel_loop3A_320, %parallel_loop3A_324 : vector<16xf32>
        %parallel_loop3A_329 = arith.addf %parallel_loop3A_316, %parallel_loop3A_283 : vector<16xf32>
        %parallel_loop3A_330 = arith.addf %parallel_loop3A_316, %parallel_loop3A_317 : vector<16xf32>
        %parallel_loop3A_331 = arith.addf %parallel_loop3A_316, %parallel_loop3A_319 : vector<16xf32>
        %parallel_loop3A_332 = arith.addf %parallel_loop3A_316, %parallel_loop3A_320 : vector<16xf32>
        %parallel_loop3A_333 = arith.addf %parallel_loop3A_316, %parallel_loop3A_325 : vector<16xf32>
        %parallel_loop3A_334 = arith.addf %parallel_loop3A_316, %parallel_loop3A_326 : vector<16xf32>
        %parallel_loop3A_335 = arith.addf %parallel_loop3A_316, %parallel_loop3A_327 : vector<16xf32>
        %parallel_loop3A_336 = arith.addf %parallel_loop3A_316, %parallel_loop3A_328 : vector<16xf32>
        %parallel_loop3A_337 = vector.broadcast %parallel_loop3A_157 : f32 to vector<16xf32>
        %parallel_loop3A_338 = arith.addf %parallel_loop3A_259, %parallel_loop3A_337 : vector<16xf32>
        %parallel_loop3A_339 = arith.constant 0 : i32
        %parallel_loop3A_340 = arith.index_cast %parallel_loop3A_339 : i32 to index
        %parallel_loop3A_341 = arith.index_cast %parallel_loop3A_162 : i32 to index
        %parallel_loop3A_342 = tpu.vector_load %arg7[%parallel_loop3A_340, %parallel_loop3A_341] {strides = array<i32>} : memref<2x8192xf32, #tpu.memory_space<vmem>>, vector<16xf32>,
        tpu.vector_store %arg7[%parallel_loop3A_340, %parallel_loop3A_341], %parallel_loop3A_338 {strides = array<i32>} : memref<2x8192xf32, #tpu.memory_space<vmem>>, vector<16xf32>,
        %parallel_loop3A_343 = vector.extract_strided_slice %parallel_loop3A_259 {offsets = [15], sizes = [1], strides = [1]} : vector<16xf32> to vector<1xf32>
        %parallel_loop3A_344 = vector.extract %parallel_loop3A_343[0] : f32 from vector<1xf32>
        %parallel_loop3A_345 = vector.broadcast %parallel_loop3A_344 : f32 to vector<16xf32>
        %parallel_loop3A_346 = arith.addf %parallel_loop3A_262, %parallel_loop3A_345 : vector<16xf32>
        %parallel_loop3A_347 = vector.broadcast %parallel_loop3A_157 : f32 to vector<16xf32>
        %parallel_loop3A_348 = arith.addf %parallel_loop3A_346, %parallel_loop3A_347 : vector<16xf32>
        %parallel_loop3A_349 = arith.constant 0 : i32
        %parallel_loop3A_350 = arith.index_cast %parallel_loop3A_349 : i32 to index
        %parallel_loop3A_351 = arith.index_cast %parallel_loop3A_164 : i32 to index
        %parallel_loop3A_352 = tpu.vector_load %arg7[%parallel_loop3A_350, %parallel_loop3A_351] {strides = array<i32>} : memref<2x8192xf32, #tpu.memory_space<vmem>>, vector<16xf32>,
        tpu.vector_store %arg7[%parallel_loop3A_350, %parallel_loop3A_351], %parallel_loop3A_348 {strides = array<i32>} : memref<2x8192xf32, #tpu.memory_space<vmem>>, vector<16xf32>,
        %parallel_loop3A_353 = vector.extract_strided_slice %parallel_loop3A_305 {offsets = [15], sizes = [1], strides = [1]} : vector<16xf32> to vector<1xf32>
        %parallel_loop3A_354 = vector.extract %parallel_loop3A_353[0] : f32 from vector<1xf32>
        %parallel_loop3A_355 = vector.broadcast %parallel_loop3A_354 : f32 to vector<16xf32>
        %parallel_loop3A_356 = arith.addf %parallel_loop3A_265, %parallel_loop3A_355 : vector<16xf32>
        %parallel_loop3A_357 = vector.broadcast %parallel_loop3A_157 : f32 to vector<16xf32>
        %parallel_loop3A_358 = arith.addf %parallel_loop3A_356, %parallel_loop3A_357 : vector<16xf32>
        %parallel_loop3A_359 = arith.constant 0 : i32
        %parallel_loop3A_360 = arith.index_cast %parallel_loop3A_359 : i32 to index
        %parallel_loop3A_361 = arith.index_cast %parallel_loop3A_166 : i32 to index
        %parallel_loop3A_362 = tpu.vector_load %arg7[%parallel_loop3A_360, %parallel_loop3A_361] {strides = array<i32>} : memref<2x8192xf32, #tpu.memory_space<vmem>>, vector<16xf32>,
        tpu.vector_store %arg7[%parallel_loop3A_360, %parallel_loop3A_361], %parallel_loop3A_358 {strides = array<i32>} : memref<2x8192xf32, #tpu.memory_space<vmem>>, vector<16xf32>,
        %parallel_loop3A_363 = vector.extract_strided_slice %parallel_loop3A_307 {offsets = [15], sizes = [1], strides = [1]} : vector<16xf32> to vector<1xf32>
        %parallel_loop3A_364 = vector.extract %parallel_loop3A_363[0] : f32 from vector<1xf32>
        %parallel_loop3A_365 = vector.broadcast %parallel_loop3A_364 : f32 to vector<16xf32>
        %parallel_loop3A_366 = arith.addf %parallel_loop3A_268, %parallel_loop3A_365 : vector<16xf32>
        %parallel_loop3A_367 = vector.broadcast %parallel_loop3A_157 : f32 to vector<16xf32>
        %parallel_loop3A_368 = arith.addf %parallel_loop3A_366, %parallel_loop3A_367 : vector<16xf32>
        %parallel_loop3A_369 = arith.constant 0 : i32
        %parallel_loop3A_370 = arith.index_cast %parallel_loop3A_369 : i32 to index
        %parallel_loop3A_371 = arith.index_cast %parallel_loop3A_168 : i32 to index
        %parallel_loop3A_372 = tpu.vector_load %arg7[%parallel_loop3A_370, %parallel_loop3A_371] {strides = array<i32>} : memref<2x8192xf32, #tpu.memory_space<vmem>>, vector<16xf32>,
        tpu.vector_store %arg7[%parallel_loop3A_370, %parallel_loop3A_371], %parallel_loop3A_368 {strides = array<i32>} : memref<2x8192xf32, #tpu.memory_space<vmem>>, vector<16xf32>,
        %parallel_loop3A_373 = vector.extract_strided_slice %parallel_loop3A_308 {offsets = [15], sizes = [1], strides = [1]} : vector<16xf32> to vector<1xf32>
        %parallel_loop3A_374 = vector.extract %parallel_loop3A_373[0] : f32 from vector<1xf32>
        %parallel_loop3A_375 = vector.broadcast %parallel_loop3A_374 : f32 to vector<16xf32>
        %parallel_loop3A_376 = arith.addf %parallel_loop3A_271, %parallel_loop3A_375 : vector<16xf32>
        %parallel_loop3A_377 = vector.broadcast %parallel_loop3A_157 : f32 to vector<16xf32>
        %parallel_loop3A_378 = arith.addf %parallel_loop3A_376, %parallel_loop3A_377 : vector<16xf32>
        %parallel_loop3A_379 = arith.constant 0 : i32
        %parallel_loop3A_380 = arith.index_cast %parallel_loop3A_379 : i32 to index
        %parallel_loop3A_381 = arith.index_cast %parallel_loop3A_170 : i32 to index
        %parallel_loop3A_382 = tpu.vector_load %arg7[%parallel_loop3A_380, %parallel_loop3A_381] {strides = array<i32>} : memref<2x8192xf32, #tpu.memory_space<vmem>>, vector<16xf32>,
        tpu.vector_store %arg7[%parallel_loop3A_380, %parallel_loop3A_381], %parallel_loop3A_378 {strides = array<i32>} : memref<2x8192xf32, #tpu.memory_space<vmem>>, vector<16xf32>,
        %parallel_loop3A_383 = vector.extract_strided_slice %parallel_loop3A_313 {offsets = [15], sizes = [1], strides = [1]} : vector<16xf32> to vector<1xf32>
        %parallel_loop3A_384 = vector.extract %parallel_loop3A_383[0] : f32 from vector<1xf32>
        %parallel_loop3A_385 = vector.broadcast %parallel_loop3A_384 : f32 to vector<16xf32>
        %parallel_loop3A_386 = arith.addf %parallel_loop3A_274, %parallel_loop3A_385 : vector<16xf32>
        %parallel_loop3A_387 = vector.broadcast %parallel_loop3A_157 : f32 to vector<16xf32>
        %parallel_loop3A_388 = arith.addf %parallel_loop3A_386, %parallel_loop3A_387 : vector<16xf32>
        %parallel_loop3A_389 = arith.constant 0 : i32
        %parallel_loop3A_390 = arith.index_cast %parallel_loop3A_389 : i32 to index
        %parallel_loop3A_391 = arith.index_cast %parallel_loop3A_172 : i32 to index
        %parallel_loop3A_392 = tpu.vector_load %arg7[%parallel_loop3A_390, %parallel_loop3A_391] {strides = array<i32>} : memref<2x8192xf32, #tpu.memory_space<vmem>>, vector<16xf32>,
        tpu.vector_store %arg7[%parallel_loop3A_390, %parallel_loop3A_391], %parallel_loop3A_388 {strides = array<i32>} : memref<2x8192xf32, #tpu.memory_space<vmem>>, vector<16xf32>,
        %parallel_loop3A_393 = vector.extract_strided_slice %parallel_loop3A_314 {offsets = [15], sizes = [1], strides = [1]} : vector<16xf32> to vector<1xf32>
        %parallel_loop3A_394 = vector.extract %parallel_loop3A_393[0] : f32 from vector<1xf32>
        %parallel_loop3A_395 = vector.broadcast %parallel_loop3A_394 : f32 to vector<16xf32>
        %parallel_loop3A_396 = arith.addf %parallel_loop3A_277, %parallel_loop3A_395 : vector<16xf32>
        %parallel_loop3A_397 = vector.broadcast %parallel_loop3A_157 : f32 to vector<16xf32>
        %parallel_loop3A_398 = arith.addf %parallel_loop3A_396, %parallel_loop3A_397 : vector<16xf32>
        %parallel_loop3A_399 = arith.constant 0 : i32
        %parallel_loop3A_400 = arith.index_cast %parallel_loop3A_399 : i32 to index
        %parallel_loop3A_401 = arith.index_cast %parallel_loop3A_174 : i32 to index
        %parallel_loop3A_402 = tpu.vector_load %arg7[%parallel_loop3A_400, %parallel_loop3A_401] {strides = array<i32>} : memref<2x8192xf32, #tpu.memory_space<vmem>>, vector<16xf32>,
        tpu.vector_store %arg7[%parallel_loop3A_400, %parallel_loop3A_401], %parallel_loop3A_398 {strides = array<i32>} : memref<2x8192xf32, #tpu.memory_space<vmem>>, vector<16xf32>,
        %parallel_loop3A_403 = vector.extract_strided_slice %parallel_loop3A_315 {offsets = [15], sizes = [1], strides = [1]} : vector<16xf32> to vector<1xf32>
        %parallel_loop3A_404 = vector.extract %parallel_loop3A_403[0] : f32 from vector<1xf32>
        %parallel_loop3A_405 = vector.broadcast %parallel_loop3A_404 : f32 to vector<16xf32>
        %parallel_loop3A_406 = arith.addf %parallel_loop3A_280, %parallel_loop3A_405 : vector<16xf32>
        %parallel_loop3A_407 = vector.broadcast %parallel_loop3A_157 : f32 to vector<16xf32>
        %parallel_loop3A_408 = arith.addf %parallel_loop3A_406, %parallel_loop3A_407 : vector<16xf32>
        %parallel_loop3A_409 = arith.constant 0 : i32
        %parallel_loop3A_410 = arith.index_cast %parallel_loop3A_409 : i32 to index
        %parallel_loop3A_411 = arith.index_cast %parallel_loop3A_176 : i32 to index
        %parallel_loop3A_412 = tpu.vector_load %arg7[%parallel_loop3A_410, %parallel_loop3A_411] {strides = array<i32>} : memref<2x8192xf32, #tpu.memory_space<vmem>>, vector<16xf32>,
        tpu.vector_store %arg7[%parallel_loop3A_410, %parallel_loop3A_411], %parallel_loop3A_408 {strides = array<i32>} : memref<2x8192xf32, #tpu.memory_space<vmem>>, vector<16xf32>,
        %parallel_loop3A_413 = vector.extract_strided_slice %parallel_loop3A_316 {offsets = [15], sizes = [1], strides = [1]} : vector<16xf32> to vector<1xf32>
        %parallel_loop3A_414 = vector.extract %parallel_loop3A_413[0] : f32 from vector<1xf32>
        %parallel_loop3A_415 = vector.broadcast %parallel_loop3A_414 : f32 to vector<16xf32>
        %parallel_loop3A_416 = arith.addf %parallel_loop3A_283, %parallel_loop3A_415 : vector<16xf32>
        %parallel_loop3A_417 = vector.broadcast %parallel_loop3A_157 : f32 to vector<16xf32>
        %parallel_loop3A_418 = arith.addf %parallel_loop3A_416, %parallel_loop3A_417 : vector<16xf32>
        %parallel_loop3A_419 = arith.constant 0 : i32
        %parallel_loop3A_420 = arith.index_cast %parallel_loop3A_419 : i32 to index
        %parallel_loop3A_421 = arith.index_cast %parallel_loop3A_178 : i32 to index
        %parallel_loop3A_422 = tpu.vector_load %arg7[%parallel_loop3A_420, %parallel_loop3A_421] {strides = array<i32>} : memref<2x8192xf32, #tpu.memory_space<vmem>>, vector<16xf32>,
        tpu.vector_store %arg7[%parallel_loop3A_420, %parallel_loop3A_421], %parallel_loop3A_418 {strides = array<i32>} : memref<2x8192xf32, #tpu.memory_space<vmem>>, vector<16xf32>,
        %parallel_loop3A_423 = vector.extract_strided_slice %parallel_loop3A_329 {offsets = [15], sizes = [1], strides = [1]} : vector<16xf32> to vector<1xf32>
        %parallel_loop3A_424 = vector.extract %parallel_loop3A_423[0] : f32 from vector<1xf32>
        %parallel_loop3A_425 = vector.broadcast %parallel_loop3A_424 : f32 to vector<16xf32>
        %parallel_loop3A_426 = arith.addf %parallel_loop3A_286, %parallel_loop3A_425 : vector<16xf32>
        %parallel_loop3A_427 = vector.broadcast %parallel_loop3A_157 : f32 to vector<16xf32>
        %parallel_loop3A_428 = arith.addf %parallel_loop3A_426, %parallel_loop3A_427 : vector<16xf32>
        %parallel_loop3A_429 = arith.constant 0 : i32
        %parallel_loop3A_430 = arith.index_cast %parallel_loop3A_429 : i32 to index
        %parallel_loop3A_431 = arith.index_cast %parallel_loop3A_180 : i32 to index
        %parallel_loop3A_432 = tpu.vector_load %arg7[%parallel_loop3A_430, %parallel_loop3A_431] {strides = array<i32>} : memref<2x8192xf32, #tpu.memory_space<vmem>>, vector<16xf32>,
        tpu.vector_store %arg7[%parallel_loop3A_430, %parallel_loop3A_431], %parallel_loop3A_428 {strides = array<i32>} : memref<2x8192xf32, #tpu.memory_space<vmem>>, vector<16xf32>,
        %parallel_loop3A_433 = vector.extract_strided_slice %parallel_loop3A_330 {offsets = [15], sizes = [1], strides = [1]} : vector<16xf32> to vector<1xf32>
        %parallel_loop3A_434 = vector.extract %parallel_loop3A_433[0] : f32 from vector<1xf32>
        %parallel_loop3A_435 = vector.broadcast %parallel_loop3A_434 : f32 to vector<16xf32>
        %parallel_loop3A_436 = arith.addf %parallel_loop3A_289, %parallel_loop3A_435 : vector<16xf32>
        %parallel_loop3A_437 = vector.broadcast %parallel_loop3A_157 : f32 to vector<16xf32>
        %parallel_loop3A_438 = arith.addf %parallel_loop3A_436, %parallel_loop3A_437 : vector<16xf32>
        %parallel_loop3A_439 = arith.constant 0 : i32
        %parallel_loop3A_440 = arith.index_cast %parallel_loop3A_439 : i32 to index
        %parallel_loop3A_441 = arith.index_cast %parallel_loop3A_182 : i32 to index
        %parallel_loop3A_442 = tpu.vector_load %arg7[%parallel_loop3A_440, %parallel_loop3A_441] {strides = array<i32>} : memref<2x8192xf32, #tpu.memory_space<vmem>>, vector<16xf32>,
        tpu.vector_store %arg7[%parallel_loop3A_440, %parallel_loop3A_441], %parallel_loop3A_438 {strides = array<i32>} : memref<2x8192xf32, #tpu.memory_space<vmem>>, vector<16xf32>,
        %parallel_loop3A_443 = vector.extract_strided_slice %parallel_loop3A_331 {offsets = [15], sizes = [1], strides = [1]} : vector<16xf32> to vector<1xf32>
        %parallel_loop3A_444 = vector.extract %parallel_loop3A_443[0] : f32 from vector<1xf32>
        %parallel_loop3A_445 = vector.broadcast %parallel_loop3A_444 : f32 to vector<16xf32>
        %parallel_loop3A_446 = arith.addf %parallel_loop3A_292, %parallel_loop3A_445 : vector<16xf32>
        %parallel_loop3A_447 = vector.broadcast %parallel_loop3A_157 : f32 to vector<16xf32>
        %parallel_loop3A_448 = arith.addf %parallel_loop3A_446, %parallel_loop3A_447 : vector<16xf32>
        %parallel_loop3A_449 = arith.constant 0 : i32
        %parallel_loop3A_450 = arith.index_cast %parallel_loop3A_449 : i32 to index
        %parallel_loop3A_451 = arith.index_cast %parallel_loop3A_184 : i32 to index
        %parallel_loop3A_452 = tpu.vector_load %arg7[%parallel_loop3A_450, %parallel_loop3A_451] {strides = array<i32>} : memref<2x8192xf32, #tpu.memory_space<vmem>>, vector<16xf32>,
        tpu.vector_store %arg7[%parallel_loop3A_450, %parallel_loop3A_451], %parallel_loop3A_448 {strides = array<i32>} : memref<2x8192xf32, #tpu.memory_space<vmem>>, vector<16xf32>,
        %parallel_loop3A_453 = vector.extract_strided_slice %parallel_loop3A_332 {offsets = [15], sizes = [1], strides = [1]} : vector<16xf32> to vector<1xf32>
        %parallel_loop3A_454 = vector.extract %parallel_loop3A_453[0] : f32 from vector<1xf32>
        %parallel_loop3A_455 = vector.broadcast %parallel_loop3A_454 : f32 to vector<16xf32>
        %parallel_loop3A_456 = arith.addf %parallel_loop3A_295, %parallel_loop3A_455 : vector<16xf32>
        %parallel_loop3A_457 = vector.broadcast %parallel_loop3A_157 : f32 to vector<16xf32>
        %parallel_loop3A_458 = arith.addf %parallel_loop3A_456, %parallel_loop3A_457 : vector<16xf32>
        %parallel_loop3A_459 = arith.constant 0 : i32
        %parallel_loop3A_460 = arith.index_cast %parallel_loop3A_459 : i32 to index
        %parallel_loop3A_461 = arith.index_cast %parallel_loop3A_186 : i32 to index
        %parallel_loop3A_462 = tpu.vector_load %arg7[%parallel_loop3A_460, %parallel_loop3A_461] {strides = array<i32>} : memref<2x8192xf32, #tpu.memory_space<vmem>>, vector<16xf32>,
        tpu.vector_store %arg7[%parallel_loop3A_460, %parallel_loop3A_461], %parallel_loop3A_458 {strides = array<i32>} : memref<2x8192xf32, #tpu.memory_space<vmem>>, vector<16xf32>,
        %parallel_loop3A_463 = vector.extract_strided_slice %parallel_loop3A_333 {offsets = [15], sizes = [1], strides = [1]} : vector<16xf32> to vector<1xf32>
        %parallel_loop3A_464 = vector.extract %parallel_loop3A_463[0] : f32 from vector<1xf32>
        %parallel_loop3A_465 = vector.broadcast %parallel_loop3A_464 : f32 to vector<16xf32>
        %parallel_loop3A_466 = arith.addf %parallel_loop3A_298, %parallel_loop3A_465 : vector<16xf32>
        %parallel_loop3A_467 = vector.broadcast %parallel_loop3A_157 : f32 to vector<16xf32>
        %parallel_loop3A_468 = arith.addf %parallel_loop3A_466, %parallel_loop3A_467 : vector<16xf32>
        %parallel_loop3A_469 = arith.constant 0 : i32
        %parallel_loop3A_470 = arith.index_cast %parallel_loop3A_469 : i32 to index
        %parallel_loop3A_471 = arith.index_cast %parallel_loop3A_188 : i32 to index
        %parallel_loop3A_472 = tpu.vector_load %arg7[%parallel_loop3A_470, %parallel_loop3A_471] {strides = array<i32>} : memref<2x8192xf32, #tpu.memory_space<vmem>>, vector<16xf32>,
        tpu.vector_store %arg7[%parallel_loop3A_470, %parallel_loop3A_471], %parallel_loop3A_468 {strides = array<i32>} : memref<2x8192xf32, #tpu.memory_space<vmem>>, vector<16xf32>,
        %parallel_loop3A_473 = vector.extract_strided_slice %parallel_loop3A_334 {offsets = [15], sizes = [1], strides = [1]} : vector<16xf32> to vector<1xf32>
        %parallel_loop3A_474 = vector.extract %parallel_loop3A_473[0] : f32 from vector<1xf32>
        %parallel_loop3A_475 = vector.broadcast %parallel_loop3A_474 : f32 to vector<16xf32>
        %parallel_loop3A_476 = arith.addf %parallel_loop3A_301, %parallel_loop3A_475 : vector<16xf32>
        %parallel_loop3A_477 = vector.broadcast %parallel_loop3A_157 : f32 to vector<16xf32>
        %parallel_loop3A_478 = arith.addf %parallel_loop3A_476, %parallel_loop3A_477 : vector<16xf32>
        %parallel_loop3A_479 = arith.constant 0 : i32
        %parallel_loop3A_480 = arith.index_cast %parallel_loop3A_479 : i32 to index
        %parallel_loop3A_481 = arith.index_cast %parallel_loop3A_190 : i32 to index
        %parallel_loop3A_482 = tpu.vector_load %arg7[%parallel_loop3A_480, %parallel_loop3A_481] {strides = array<i32>} : memref<2x8192xf32, #tpu.memory_space<vmem>>, vector<16xf32>,
        tpu.vector_store %arg7[%parallel_loop3A_480, %parallel_loop3A_481], %parallel_loop3A_478 {strides = array<i32>} : memref<2x8192xf32, #tpu.memory_space<vmem>>, vector<16xf32>,
        %parallel_loop3A_483 = vector.extract_strided_slice %parallel_loop3A_335 {offsets = [15], sizes = [1], strides = [1]} : vector<16xf32> to vector<1xf32>
        %parallel_loop3A_484 = vector.extract %parallel_loop3A_483[0] : f32 from vector<1xf32>
        %parallel_loop3A_485 = vector.broadcast %parallel_loop3A_484 : f32 to vector<16xf32>
        %parallel_loop3A_486 = arith.addf %parallel_loop3A_304, %parallel_loop3A_485 : vector<16xf32>
        %parallel_loop3A_487 = vector.broadcast %parallel_loop3A_157 : f32 to vector<16xf32>
        %parallel_loop3A_488 = arith.addf %parallel_loop3A_486, %parallel_loop3A_487 : vector<16xf32>
        %parallel_loop3A_489 = arith.constant 0 : i32
        %parallel_loop3A_490 = arith.index_cast %parallel_loop3A_489 : i32 to index
        %parallel_loop3A_491 = arith.index_cast %parallel_loop3A_192 : i32 to index
        %parallel_loop3A_492 = tpu.vector_load %arg7[%parallel_loop3A_490, %parallel_loop3A_491] {strides = array<i32>} : memref<2x8192xf32, #tpu.memory_space<vmem>>, vector<16xf32>,
        tpu.vector_store %arg7[%parallel_loop3A_490, %parallel_loop3A_491], %parallel_loop3A_488 {strides = array<i32>} : memref<2x8192xf32, #tpu.memory_space<vmem>>, vector<16xf32>,
        %parallel_loop3A_493 = vector.extract_strided_slice %parallel_loop3A_336 {offsets = [15], sizes = [1], strides = [1]} : vector<16xf32> to vector<1xf32>
        %parallel_loop3A_494 = vector.extract %parallel_loop3A_493[0] : f32 from vector<1xf32>
        %parallel_loop3A_495 = arith.addf %parallel_loop3A_157, %parallel_loop3A_494 : f32
        scf.yield %parallel_loop3A_495 : f32
      } {sc.loop_unroll_factor = 1 : i64, sc.parallel_access}
      %parallel_loop3A_143 = arith.constant 0 : i32
      %parallel_loop3A_144 = arith.constant 32 : i32
      %parallel_loop3A_145 = arith.constant 1 : i32
      %parallel_loop3A_146 = arith.constant 0.000000e+00 : f32
      %parallel_loop3A_147 = scf.for %parallel_loop3A_156 = %parallel_loop3A_143 to %parallel_loop3A_144 step %parallel_loop3A_145 iter_args(%parallel_loop3A_157 = %parallel_loop3A_146) -> (f32)  : i32 {
        %parallel_loop3A_158 = arith.constant 256 : i32
        %parallel_loop3A_159 = arith.muli %parallel_loop3A_156, %parallel_loop3A_158 : i32
        %parallel_loop3A_160 = tpu.assume_multiple %parallel_loop3A_159, 256 : i32
        %parallel_loop3A_161 = arith.constant 0 : i32
        %parallel_loop3A_162 = arith.addi %parallel_loop3A_160, %parallel_loop3A_161 : i32
        %parallel_loop3A_163 = arith.constant 16 : i32
        %parallel_loop3A_164 = arith.addi %parallel_loop3A_160, %parallel_loop3A_163 : i32
        %parallel_loop3A_165 = arith.constant 32 : i32
        %parallel_loop3A_166 = arith.addi %parallel_loop3A_160, %parallel_loop3A_165 : i32
        %parallel_loop3A_167 = arith.constant 48 : i32
        %parallel_loop3A_168 = arith.addi %parallel_loop3A_160, %parallel_loop3A_167 : i32
        %parallel_loop3A_169 = arith.constant 64 : i32
        %parallel_loop3A_170 = arith.addi %parallel_loop3A_160, %parallel_loop3A_169 : i32
        %parallel_loop3A_171 = arith.constant 80 : i32
        %parallel_loop3A_172 = arith.addi %parallel_loop3A_160, %parallel_loop3A_171 : i32
        %parallel_loop3A_173 = arith.constant 96 : i32
        %parallel_loop3A_174 = arith.addi %parallel_loop3A_160, %parallel_loop3A_173 : i32
        %parallel_loop3A_175 = arith.constant 112 : i32
        %parallel_loop3A_176 = arith.addi %parallel_loop3A_160, %parallel_loop3A_175 : i32
        %parallel_loop3A_177 = arith.constant 128 : i32
        %parallel_loop3A_178 = arith.addi %parallel_loop3A_160, %parallel_loop3A_177 : i32
        %parallel_loop3A_179 = arith.constant 144 : i32
        %parallel_loop3A_180 = arith.addi %parallel_loop3A_160, %parallel_loop3A_179 : i32
        %parallel_loop3A_181 = arith.constant 160 : i32
        %parallel_loop3A_182 = arith.addi %parallel_loop3A_160, %parallel_loop3A_181 : i32
        %parallel_loop3A_183 = arith.constant 176 : i32
        %parallel_loop3A_184 = arith.addi %parallel_loop3A_160, %parallel_loop3A_183 : i32
        %parallel_loop3A_185 = arith.constant 192 : i32
        %parallel_loop3A_186 = arith.addi %parallel_loop3A_160, %parallel_loop3A_185 : i32
        %parallel_loop3A_187 = arith.constant 208 : i32
        %parallel_loop3A_188 = arith.addi %parallel_loop3A_160, %parallel_loop3A_187 : i32
        %parallel_loop3A_189 = arith.constant 224 : i32
        %parallel_loop3A_190 = arith.addi %parallel_loop3A_160, %parallel_loop3A_189 : i32
        %parallel_loop3A_191 = arith.constant 240 : i32
        %parallel_loop3A_192 = arith.addi %parallel_loop3A_160, %parallel_loop3A_191 : i32
        %parallel_loop3A_193 = arith.constant 1 : i32
        %parallel_loop3A_194 = arith.index_cast %parallel_loop3A_193 : i32 to index
        %parallel_loop3A_195 = arith.index_cast %parallel_loop3A_162 : i32 to index
        %parallel_loop3A_196 = tpu.vector_load %arg7[%parallel_loop3A_194, %parallel_loop3A_195] {strides = array<i32>} : memref<2x8192xf32, #tpu.memory_space<vmem>>, vector<16xf32>,
        %parallel_loop3A_197 = arith.constant 1 : i32
        %parallel_loop3A_198 = arith.index_cast %parallel_loop3A_197 : i32 to index
        %parallel_loop3A_199 = arith.index_cast %parallel_loop3A_164 : i32 to index
        %parallel_loop3A_200 = tpu.vector_load %arg7[%parallel_loop3A_198, %parallel_loop3A_199] {strides = array<i32>} : memref<2x8192xf32, #tpu.memory_space<vmem>>, vector<16xf32>,
        %parallel_loop3A_201 = arith.constant 1 : i32
        %parallel_loop3A_202 = arith.index_cast %parallel_loop3A_201 : i32 to index
        %parallel_loop3A_203 = arith.index_cast %parallel_loop3A_166 : i32 to index
        %parallel_loop3A_204 = tpu.vector_load %arg7[%parallel_loop3A_202, %parallel_loop3A_203] {strides = array<i32>} : memref<2x8192xf32, #tpu.memory_space<vmem>>, vector<16xf32>,
        %parallel_loop3A_205 = arith.constant 1 : i32
        %parallel_loop3A_206 = arith.index_cast %parallel_loop3A_205 : i32 to index
        %parallel_loop3A_207 = arith.index_cast %parallel_loop3A_168 : i32 to index
        %parallel_loop3A_208 = tpu.vector_load %arg7[%parallel_loop3A_206, %parallel_loop3A_207] {strides = array<i32>} : memref<2x8192xf32, #tpu.memory_space<vmem>>, vector<16xf32>,
        %parallel_loop3A_209 = arith.constant 1 : i32
        %parallel_loop3A_210 = arith.index_cast %parallel_loop3A_209 : i32 to index
        %parallel_loop3A_211 = arith.index_cast %parallel_loop3A_170 : i32 to index
        %parallel_loop3A_212 = tpu.vector_load %arg7[%parallel_loop3A_210, %parallel_loop3A_211] {strides = array<i32>} : memref<2x8192xf32, #tpu.memory_space<vmem>>, vector<16xf32>,
        %parallel_loop3A_213 = arith.constant 1 : i32
        %parallel_loop3A_214 = arith.index_cast %parallel_loop3A_213 : i32 to index
        %parallel_loop3A_215 = arith.index_cast %parallel_loop3A_172 : i32 to index
        %parallel_loop3A_216 = tpu.vector_load %arg7[%parallel_loop3A_214, %parallel_loop3A_215] {strides = array<i32>} : memref<2x8192xf32, #tpu.memory_space<vmem>>, vector<16xf32>,
        %parallel_loop3A_217 = arith.constant 1 : i32
        %parallel_loop3A_218 = arith.index_cast %parallel_loop3A_217 : i32 to index
        %parallel_loop3A_219 = arith.index_cast %parallel_loop3A_174 : i32 to index
        %parallel_loop3A_220 = tpu.vector_load %arg7[%parallel_loop3A_218, %parallel_loop3A_219] {strides = array<i32>} : memref<2x8192xf32, #tpu.memory_space<vmem>>, vector<16xf32>,
        %parallel_loop3A_221 = arith.constant 1 : i32
        %parallel_loop3A_222 = arith.index_cast %parallel_loop3A_221 : i32 to index
        %parallel_loop3A_223 = arith.index_cast %parallel_loop3A_176 : i32 to index
        %parallel_loop3A_224 = tpu.vector_load %arg7[%parallel_loop3A_222, %parallel_loop3A_223] {strides = array<i32>} : memref<2x8192xf32, #tpu.memory_space<vmem>>, vector<16xf32>,
        %parallel_loop3A_225 = arith.constant 1 : i32
        %parallel_loop3A_226 = arith.index_cast %parallel_loop3A_225 : i32 to index
        %parallel_loop3A_227 = arith.index_cast %parallel_loop3A_178 : i32 to index
        %parallel_loop3A_228 = tpu.vector_load %arg7[%parallel_loop3A_226, %parallel_loop3A_227] {strides = array<i32>} : memref<2x8192xf32, #tpu.memory_space<vmem>>, vector<16xf32>,
        %parallel_loop3A_229 = arith.constant 1 : i32
        %parallel_loop3A_230 = arith.index_cast %parallel_loop3A_229 : i32 to index
        %parallel_loop3A_231 = arith.index_cast %parallel_loop3A_180 : i32 to index
        %parallel_loop3A_232 = tpu.vector_load %arg7[%parallel_loop3A_230, %parallel_loop3A_231] {strides = array<i32>} : memref<2x8192xf32, #tpu.memory_space<vmem>>, vector<16xf32>,
        %parallel_loop3A_233 = arith.constant 1 : i32
        %parallel_loop3A_234 = arith.index_cast %parallel_loop3A_233 : i32 to index
        %parallel_loop3A_235 = arith.index_cast %parallel_loop3A_182 : i32 to index
        %parallel_loop3A_236 = tpu.vector_load %arg7[%parallel_loop3A_234, %parallel_loop3A_235] {strides = array<i32>} : memref<2x8192xf32, #tpu.memory_space<vmem>>, vector<16xf32>,
        %parallel_loop3A_237 = arith.constant 1 : i32
        %parallel_loop3A_238 = arith.index_cast %parallel_loop3A_237 : i32 to index
        %parallel_loop3A_239 = arith.index_cast %parallel_loop3A_184 : i32 to index
        %parallel_loop3A_240 = tpu.vector_load %arg7[%parallel_loop3A_238, %parallel_loop3A_239] {strides = array<i32>} : memref<2x8192xf32, #tpu.memory_space<vmem>>, vector<16xf32>,
        %parallel_loop3A_241 = arith.constant 1 : i32
        %parallel_loop3A_242 = arith.index_cast %parallel_loop3A_241 : i32 to index
        %parallel_loop3A_243 = arith.index_cast %parallel_loop3A_186 : i32 to index
        %parallel_loop3A_244 = tpu.vector_load %arg7[%parallel_loop3A_242, %parallel_loop3A_243] {strides = array<i32>} : memref<2x8192xf32, #tpu.memory_space<vmem>>, vector<16xf32>,
        %parallel_loop3A_245 = arith.constant 1 : i32
        %parallel_loop3A_246 = arith.index_cast %parallel_loop3A_245 : i32 to index
        %parallel_loop3A_247 = arith.index_cast %parallel_loop3A_188 : i32 to index
        %parallel_loop3A_248 = tpu.vector_load %arg7[%parallel_loop3A_246, %parallel_loop3A_247] {strides = array<i32>} : memref<2x8192xf32, #tpu.memory_space<vmem>>, vector<16xf32>,
        %parallel_loop3A_249 = arith.constant 1 : i32
        %parallel_loop3A_250 = arith.index_cast %parallel_loop3A_249 : i32 to index
        %parallel_loop3A_251 = arith.index_cast %parallel_loop3A_190 : i32 to index
        %parallel_loop3A_252 = tpu.vector_load %arg7[%parallel_loop3A_250, %parallel_loop3A_251] {strides = array<i32>} : memref<2x8192xf32, #tpu.memory_space<vmem>>, vector<16xf32>,
        %parallel_loop3A_253 = arith.constant 1 : i32
        %parallel_loop3A_254 = arith.index_cast %parallel_loop3A_253 : i32 to index
        %parallel_loop3A_255 = arith.index_cast %parallel_loop3A_192 : i32 to index
        %parallel_loop3A_256 = tpu.vector_load %arg7[%parallel_loop3A_254, %parallel_loop3A_255] {strides = array<i32>} : memref<2x8192xf32, #tpu.memory_space<vmem>>, vector<16xf32>,
        %parallel_loop3A_257 = arith.constant true
        %parallel_loop3A_258 = vector.broadcast %parallel_loop3A_257 : i1 to vector<16xi1>
        %parallel_loop3A_259 = tpu.scan <sum>, %parallel_loop3A_196 masked %parallel_loop3A_258 : vector<16xf32>, vector<16xi1> -> vector<16xf32>
        %parallel_loop3A_260 = arith.constant true
        %parallel_loop3A_261 = vector.broadcast %parallel_loop3A_260 : i1 to vector<16xi1>
        %parallel_loop3A_262 = tpu.scan <sum>, %parallel_loop3A_200 masked %parallel_loop3A_261 : vector<16xf32>, vector<16xi1> -> vector<16xf32>
        %parallel_loop3A_263 = arith.constant true
        %parallel_loop3A_264 = vector.broadcast %parallel_loop3A_263 : i1 to vector<16xi1>
        %parallel_loop3A_265 = tpu.scan <sum>, %parallel_loop3A_204 masked %parallel_loop3A_264 : vector<16xf32>, vector<16xi1> -> vector<16xf32>
        %parallel_loop3A_266 = arith.constant true
        %parallel_loop3A_267 = vector.broadcast %parallel_loop3A_266 : i1 to vector<16xi1>
        %parallel_loop3A_268 = tpu.scan <sum>, %parallel_loop3A_208 masked %parallel_loop3A_267 : vector<16xf32>, vector<16xi1> -> vector<16xf32>
        %parallel_loop3A_269 = arith.constant true
        %parallel_loop3A_270 = vector.broadcast %parallel_loop3A_269 : i1 to vector<16xi1>
        %parallel_loop3A_271 = tpu.scan <sum>, %parallel_loop3A_212 masked %parallel_loop3A_270 : vector<16xf32>, vector<16xi1> -> vector<16xf32>
        %parallel_loop3A_272 = arith.constant true
        %parallel_loop3A_273 = vector.broadcast %parallel_loop3A_272 : i1 to vector<16xi1>
        %parallel_loop3A_274 = tpu.scan <sum>, %parallel_loop3A_216 masked %parallel_loop3A_273 : vector<16xf32>, vector<16xi1> -> vector<16xf32>
        %parallel_loop3A_275 = arith.constant true
        %parallel_loop3A_276 = vector.broadcast %parallel_loop3A_275 : i1 to vector<16xi1>
        %parallel_loop3A_277 = tpu.scan <sum>, %parallel_loop3A_220 masked %parallel_loop3A_276 : vector<16xf32>, vector<16xi1> -> vector<16xf32>
        %parallel_loop3A_278 = arith.constant true
        %parallel_loop3A_279 = vector.broadcast %parallel_loop3A_278 : i1 to vector<16xi1>
        %parallel_loop3A_280 = tpu.scan <sum>, %parallel_loop3A_224 masked %parallel_loop3A_279 : vector<16xf32>, vector<16xi1> -> vector<16xf32>
        %parallel_loop3A_281 = arith.constant true
        %parallel_loop3A_282 = vector.broadcast %parallel_loop3A_281 : i1 to vector<16xi1>
        %parallel_loop3A_283 = tpu.scan <sum>, %parallel_loop3A_228 masked %parallel_loop3A_282 : vector<16xf32>, vector<16xi1> -> vector<16xf32>
        %parallel_loop3A_284 = arith.constant true
        %parallel_loop3A_285 = vector.broadcast %parallel_loop3A_284 : i1 to vector<16xi1>
        %parallel_loop3A_286 = tpu.scan <sum>, %parallel_loop3A_232 masked %parallel_loop3A_285 : vector<16xf32>, vector<16xi1> -> vector<16xf32>
        %parallel_loop3A_287 = arith.constant true
        %parallel_loop3A_288 = vector.broadcast %parallel_loop3A_287 : i1 to vector<16xi1>
        %parallel_loop3A_289 = tpu.scan <sum>, %parallel_loop3A_236 masked %parallel_loop3A_288 : vector<16xf32>, vector<16xi1> -> vector<16xf32>
        %parallel_loop3A_290 = arith.constant true
        %parallel_loop3A_291 = vector.broadcast %parallel_loop3A_290 : i1 to vector<16xi1>
        %parallel_loop3A_292 = tpu.scan <sum>, %parallel_loop3A_240 masked %parallel_loop3A_291 : vector<16xf32>, vector<16xi1> -> vector<16xf32>
        %parallel_loop3A_293 = arith.constant true
        %parallel_loop3A_294 = vector.broadcast %parallel_loop3A_293 : i1 to vector<16xi1>
        %parallel_loop3A_295 = tpu.scan <sum>, %parallel_loop3A_244 masked %parallel_loop3A_294 : vector<16xf32>, vector<16xi1> -> vector<16xf32>
        %parallel_loop3A_296 = arith.constant true
        %parallel_loop3A_297 = vector.broadcast %parallel_loop3A_296 : i1 to vector<16xi1>
        %parallel_loop3A_298 = tpu.scan <sum>, %parallel_loop3A_248 masked %parallel_loop3A_297 : vector<16xf32>, vector<16xi1> -> vector<16xf32>
        %parallel_loop3A_299 = arith.constant true
        %parallel_loop3A_300 = vector.broadcast %parallel_loop3A_299 : i1 to vector<16xi1>
        %parallel_loop3A_301 = tpu.scan <sum>, %parallel_loop3A_252 masked %parallel_loop3A_300 : vector<16xf32>, vector<16xi1> -> vector<16xf32>
        %parallel_loop3A_302 = arith.constant true
        %parallel_loop3A_303 = vector.broadcast %parallel_loop3A_302 : i1 to vector<16xi1>
        %parallel_loop3A_304 = tpu.scan <sum>, %parallel_loop3A_256 masked %parallel_loop3A_303 : vector<16xf32>, vector<16xi1> -> vector<16xf32>
        %parallel_loop3A_305 = arith.addf %parallel_loop3A_259, %parallel_loop3A_262 : vector<16xf32>
        %parallel_loop3A_306 = arith.addf %parallel_loop3A_265, %parallel_loop3A_268 : vector<16xf32>
        %parallel_loop3A_307 = arith.addf %parallel_loop3A_305, %parallel_loop3A_265 : vector<16xf32>
        %parallel_loop3A_308 = arith.addf %parallel_loop3A_305, %parallel_loop3A_306 : vector<16xf32>
        %parallel_loop3A_309 = arith.addf %parallel_loop3A_271, %parallel_loop3A_274 : vector<16xf32>
        %parallel_loop3A_310 = arith.addf %parallel_loop3A_277, %parallel_loop3A_280 : vector<16xf32>
        %parallel_loop3A_311 = arith.addf %parallel_loop3A_309, %parallel_loop3A_277 : vector<16xf32>
        %parallel_loop3A_312 = arith.addf %parallel_loop3A_309, %parallel_loop3A_310 : vector<16xf32>
        %parallel_loop3A_313 = arith.addf %parallel_loop3A_308, %parallel_loop3A_271 : vector<16xf32>
        %parallel_loop3A_314 = arith.addf %parallel_loop3A_308, %parallel_loop3A_309 : vector<16xf32>
        %parallel_loop3A_315 = arith.addf %parallel_loop3A_308, %parallel_loop3A_311 : vector<16xf32>
        %parallel_loop3A_316 = arith.addf %parallel_loop3A_308, %parallel_loop3A_312 : vector<16xf32>
        %parallel_loop3A_317 = arith.addf %parallel_loop3A_283, %parallel_loop3A_286 : vector<16xf32>
        %parallel_loop3A_318 = arith.addf %parallel_loop3A_289, %parallel_loop3A_292 : vector<16xf32>
        %parallel_loop3A_319 = arith.addf %parallel_loop3A_317, %parallel_loop3A_289 : vector<16xf32>
        %parallel_loop3A_320 = arith.addf %parallel_loop3A_317, %parallel_loop3A_318 : vector<16xf32>
        %parallel_loop3A_321 = arith.addf %parallel_loop3A_295, %parallel_loop3A_298 : vector<16xf32>
        %parallel_loop3A_322 = arith.addf %parallel_loop3A_301, %parallel_loop3A_304 : vector<16xf32>
        %parallel_loop3A_323 = arith.addf %parallel_loop3A_321, %parallel_loop3A_301 : vector<16xf32>
        %parallel_loop3A_324 = arith.addf %parallel_loop3A_321, %parallel_loop3A_322 : vector<16xf32>
        %parallel_loop3A_325 = arith.addf %parallel_loop3A_320, %parallel_loop3A_295 : vector<16xf32>
        %parallel_loop3A_326 = arith.addf %parallel_loop3A_320, %parallel_loop3A_321 : vector<16xf32>
        %parallel_loop3A_327 = arith.addf %parallel_loop3A_320, %parallel_loop3A_323 : vector<16xf32>
        %parallel_loop3A_328 = arith.addf %parallel_loop3A_320, %parallel_loop3A_324 : vector<16xf32>
        %parallel_loop3A_329 = arith.addf %parallel_loop3A_316, %parallel_loop3A_283 : vector<16xf32>
        %parallel_loop3A_330 = arith.addf %parallel_loop3A_316, %parallel_loop3A_317 : vector<16xf32>
        %parallel_loop3A_331 = arith.addf %parallel_loop3A_316, %parallel_loop3A_319 : vector<16xf32>
        %parallel_loop3A_332 = arith.addf %parallel_loop3A_316, %parallel_loop3A_320 : vector<16xf32>
        %parallel_loop3A_333 = arith.addf %parallel_loop3A_316, %parallel_loop3A_325 : vector<16xf32>
        %parallel_loop3A_334 = arith.addf %parallel_loop3A_316, %parallel_loop3A_326 : vector<16xf32>
        %parallel_loop3A_335 = arith.addf %parallel_loop3A_316, %parallel_loop3A_327 : vector<16xf32>
        %parallel_loop3A_336 = arith.addf %parallel_loop3A_316, %parallel_loop3A_328 : vector<16xf32>
        %parallel_loop3A_337 = vector.broadcast %parallel_loop3A_157 : f32 to vector<16xf32>
        %parallel_loop3A_338 = arith.addf %parallel_loop3A_259, %parallel_loop3A_337 : vector<16xf32>
        %parallel_loop3A_339 = arith.constant 1 : i32
        %parallel_loop3A_340 = arith.index_cast %parallel_loop3A_339 : i32 to index
        %parallel_loop3A_341 = arith.index_cast %parallel_loop3A_162 : i32 to index
        %parallel_loop3A_342 = tpu.vector_load %arg7[%parallel_loop3A_340, %parallel_loop3A_341] {strides = array<i32>} : memref<2x8192xf32, #tpu.memory_space<vmem>>, vector<16xf32>,
        tpu.vector_store %arg7[%parallel_loop3A_340, %parallel_loop3A_341], %parallel_loop3A_338 {strides = array<i32>} : memref<2x8192xf32, #tpu.memory_space<vmem>>, vector<16xf32>,
        %parallel_loop3A_343 = vector.extract_strided_slice %parallel_loop3A_259 {offsets = [15], sizes = [1], strides = [1]} : vector<16xf32> to vector<1xf32>
        %parallel_loop3A_344 = vector.extract %parallel_loop3A_343[0] : f32 from vector<1xf32>
        %parallel_loop3A_345 = vector.broadcast %parallel_loop3A_344 : f32 to vector<16xf32>
        %parallel_loop3A_346 = arith.addf %parallel_loop3A_262, %parallel_loop3A_345 : vector<16xf32>
        %parallel_loop3A_347 = vector.broadcast %parallel_loop3A_157 : f32 to vector<16xf32>
        %parallel_loop3A_348 = arith.addf %parallel_loop3A_346, %parallel_loop3A_347 : vector<16xf32>
        %parallel_loop3A_349 = arith.constant 1 : i32
        %parallel_loop3A_350 = arith.index_cast %parallel_loop3A_349 : i32 to index
        %parallel_loop3A_351 = arith.index_cast %parallel_loop3A_164 : i32 to index
        %parallel_loop3A_352 = tpu.vector_load %arg7[%parallel_loop3A_350, %parallel_loop3A_351] {strides = array<i32>} : memref<2x8192xf32, #tpu.memory_space<vmem>>, vector<16xf32>,
        tpu.vector_store %arg7[%parallel_loop3A_350, %parallel_loop3A_351], %parallel_loop3A_348 {strides = array<i32>} : memref<2x8192xf32, #tpu.memory_space<vmem>>, vector<16xf32>,
        %parallel_loop3A_353 = vector.extract_strided_slice %parallel_loop3A_305 {offsets = [15], sizes = [1], strides = [1]} : vector<16xf32> to vector<1xf32>
        %parallel_loop3A_354 = vector.extract %parallel_loop3A_353[0] : f32 from vector<1xf32>
        %parallel_loop3A_355 = vector.broadcast %parallel_loop3A_354 : f32 to vector<16xf32>
        %parallel_loop3A_356 = arith.addf %parallel_loop3A_265, %parallel_loop3A_355 : vector<16xf32>
        %parallel_loop3A_357 = vector.broadcast %parallel_loop3A_157 : f32 to vector<16xf32>
        %parallel_loop3A_358 = arith.addf %parallel_loop3A_356, %parallel_loop3A_357 : vector<16xf32>
        %parallel_loop3A_359 = arith.constant 1 : i32
        %parallel_loop3A_360 = arith.index_cast %parallel_loop3A_359 : i32 to index
        %parallel_loop3A_361 = arith.index_cast %parallel_loop3A_166 : i32 to index
        %parallel_loop3A_362 = tpu.vector_load %arg7[%parallel_loop3A_360, %parallel_loop3A_361] {strides = array<i32>} : memref<2x8192xf32, #tpu.memory_space<vmem>>, vector<16xf32>,
        tpu.vector_store %arg7[%parallel_loop3A_360, %parallel_loop3A_361], %parallel_loop3A_358 {strides = array<i32>} : memref<2x8192xf32, #tpu.memory_space<vmem>>, vector<16xf32>,
        %parallel_loop3A_363 = vector.extract_strided_slice %parallel_loop3A_307 {offsets = [15], sizes = [1], strides = [1]} : vector<16xf32> to vector<1xf32>
        %parallel_loop3A_364 = vector.extract %parallel_loop3A_363[0] : f32 from vector<1xf32>
        %parallel_loop3A_365 = vector.broadcast %parallel_loop3A_364 : f32 to vector<16xf32>
        %parallel_loop3A_366 = arith.addf %parallel_loop3A_268, %parallel_loop3A_365 : vector<16xf32>
        %parallel_loop3A_367 = vector.broadcast %parallel_loop3A_157 : f32 to vector<16xf32>
        %parallel_loop3A_368 = arith.addf %parallel_loop3A_366, %parallel_loop3A_367 : vector<16xf32>
        %parallel_loop3A_369 = arith.constant 1 : i32
        %parallel_loop3A_370 = arith.index_cast %parallel_loop3A_369 : i32 to index
        %parallel_loop3A_371 = arith.index_cast %parallel_loop3A_168 : i32 to index
        %parallel_loop3A_372 = tpu.vector_load %arg7[%parallel_loop3A_370, %parallel_loop3A_371] {strides = array<i32>} : memref<2x8192xf32, #tpu.memory_space<vmem>>, vector<16xf32>,
        tpu.vector_store %arg7[%parallel_loop3A_370, %parallel_loop3A_371], %parallel_loop3A_368 {strides = array<i32>} : memref<2x8192xf32, #tpu.memory_space<vmem>>, vector<16xf32>,
        %parallel_loop3A_373 = vector.extract_strided_slice %parallel_loop3A_308 {offsets = [15], sizes = [1], strides = [1]} : vector<16xf32> to vector<1xf32>
        %parallel_loop3A_374 = vector.extract %parallel_loop3A_373[0] : f32 from vector<1xf32>
        %parallel_loop3A_375 = vector.broadcast %parallel_loop3A_374 : f32 to vector<16xf32>
        %parallel_loop3A_376 = arith.addf %parallel_loop3A_271, %parallel_loop3A_375 : vector<16xf32>
        %parallel_loop3A_377 = vector.broadcast %parallel_loop3A_157 : f32 to vector<16xf32>
        %parallel_loop3A_378 = arith.addf %parallel_loop3A_376, %parallel_loop3A_377 : vector<16xf32>
        %parallel_loop3A_379 = arith.constant 1 : i32
        %parallel_loop3A_380 = arith.index_cast %parallel_loop3A_379 : i32 to index
        %parallel_loop3A_381 = arith.index_cast %parallel_loop3A_170 : i32 to index
        %parallel_loop3A_382 = tpu.vector_load %arg7[%parallel_loop3A_380, %parallel_loop3A_381] {strides = array<i32>} : memref<2x8192xf32, #tpu.memory_space<vmem>>, vector<16xf32>,
        tpu.vector_store %arg7[%parallel_loop3A_380, %parallel_loop3A_381], %parallel_loop3A_378 {strides = array<i32>} : memref<2x8192xf32, #tpu.memory_space<vmem>>, vector<16xf32>,
        %parallel_loop3A_383 = vector.extract_strided_slice %parallel_loop3A_313 {offsets = [15], sizes = [1], strides = [1]} : vector<16xf32> to vector<1xf32>
        %parallel_loop3A_384 = vector.extract %parallel_loop3A_383[0] : f32 from vector<1xf32>
        %parallel_loop3A_385 = vector.broadcast %parallel_loop3A_384 : f32 to vector<16xf32>
        %parallel_loop3A_386 = arith.addf %parallel_loop3A_274, %parallel_loop3A_385 : vector<16xf32>
        %parallel_loop3A_387 = vector.broadcast %parallel_loop3A_157 : f32 to vector<16xf32>
        %parallel_loop3A_388 = arith.addf %parallel_loop3A_386, %parallel_loop3A_387 : vector<16xf32>
        %parallel_loop3A_389 = arith.constant 1 : i32
        %parallel_loop3A_390 = arith.index_cast %parallel_loop3A_389 : i32 to index
        %parallel_loop3A_391 = arith.index_cast %parallel_loop3A_172 : i32 to index
        %parallel_loop3A_392 = tpu.vector_load %arg7[%parallel_loop3A_390, %parallel_loop3A_391] {strides = array<i32>} : memref<2x8192xf32, #tpu.memory_space<vmem>>, vector<16xf32>,
        tpu.vector_store %arg7[%parallel_loop3A_390, %parallel_loop3A_391], %parallel_loop3A_388 {strides = array<i32>} : memref<2x8192xf32, #tpu.memory_space<vmem>>, vector<16xf32>,
        %parallel_loop3A_393 = vector.extract_strided_slice %parallel_loop3A_314 {offsets = [15], sizes = [1], strides = [1]} : vector<16xf32> to vector<1xf32>
        %parallel_loop3A_394 = vector.extract %parallel_loop3A_393[0] : f32 from vector<1xf32>
        %parallel_loop3A_395 = vector.broadcast %parallel_loop3A_394 : f32 to vector<16xf32>
        %parallel_loop3A_396 = arith.addf %parallel_loop3A_277, %parallel_loop3A_395 : vector<16xf32>
        %parallel_loop3A_397 = vector.broadcast %parallel_loop3A_157 : f32 to vector<16xf32>
        %parallel_loop3A_398 = arith.addf %parallel_loop3A_396, %parallel_loop3A_397 : vector<16xf32>
        %parallel_loop3A_399 = arith.constant 1 : i32
        %parallel_loop3A_400 = arith.index_cast %parallel_loop3A_399 : i32 to index
        %parallel_loop3A_401 = arith.index_cast %parallel_loop3A_174 : i32 to index
        %parallel_loop3A_402 = tpu.vector_load %arg7[%parallel_loop3A_400, %parallel_loop3A_401] {strides = array<i32>} : memref<2x8192xf32, #tpu.memory_space<vmem>>, vector<16xf32>,
        tpu.vector_store %arg7[%parallel_loop3A_400, %parallel_loop3A_401], %parallel_loop3A_398 {strides = array<i32>} : memref<2x8192xf32, #tpu.memory_space<vmem>>, vector<16xf32>,
        %parallel_loop3A_403 = vector.extract_strided_slice %parallel_loop3A_315 {offsets = [15], sizes = [1], strides = [1]} : vector<16xf32> to vector<1xf32>
        %parallel_loop3A_404 = vector.extract %parallel_loop3A_403[0] : f32 from vector<1xf32>
        %parallel_loop3A_405 = vector.broadcast %parallel_loop3A_404 : f32 to vector<16xf32>
        %parallel_loop3A_406 = arith.addf %parallel_loop3A_280, %parallel_loop3A_405 : vector<16xf32>
        %parallel_loop3A_407 = vector.broadcast %parallel_loop3A_157 : f32 to vector<16xf32>
        %parallel_loop3A_408 = arith.addf %parallel_loop3A_406, %parallel_loop3A_407 : vector<16xf32>
        %parallel_loop3A_409 = arith.constant 1 : i32
        %parallel_loop3A_410 = arith.index_cast %parallel_loop3A_409 : i32 to index
        %parallel_loop3A_411 = arith.index_cast %parallel_loop3A_176 : i32 to index
        %parallel_loop3A_412 = tpu.vector_load %arg7[%parallel_loop3A_410, %parallel_loop3A_411] {strides = array<i32>} : memref<2x8192xf32, #tpu.memory_space<vmem>>, vector<16xf32>,
        tpu.vector_store %arg7[%parallel_loop3A_410, %parallel_loop3A_411], %parallel_loop3A_408 {strides = array<i32>} : memref<2x8192xf32, #tpu.memory_space<vmem>>, vector<16xf32>,
        %parallel_loop3A_413 = vector.extract_strided_slice %parallel_loop3A_316 {offsets = [15], sizes = [1], strides = [1]} : vector<16xf32> to vector<1xf32>
        %parallel_loop3A_414 = vector.extract %parallel_loop3A_413[0] : f32 from vector<1xf32>
        %parallel_loop3A_415 = vector.broadcast %parallel_loop3A_414 : f32 to vector<16xf32>
        %parallel_loop3A_416 = arith.addf %parallel_loop3A_283, %parallel_loop3A_415 : vector<16xf32>
        %parallel_loop3A_417 = vector.broadcast %parallel_loop3A_157 : f32 to vector<16xf32>
        %parallel_loop3A_418 = arith.addf %parallel_loop3A_416, %parallel_loop3A_417 : vector<16xf32>
        %parallel_loop3A_419 = arith.constant 1 : i32
        %parallel_loop3A_420 = arith.index_cast %parallel_loop3A_419 : i32 to index
        %parallel_loop3A_421 = arith.index_cast %parallel_loop3A_178 : i32 to index
        %parallel_loop3A_422 = tpu.vector_load %arg7[%parallel_loop3A_420, %parallel_loop3A_421] {strides = array<i32>} : memref<2x8192xf32, #tpu.memory_space<vmem>>, vector<16xf32>,
        tpu.vector_store %arg7[%parallel_loop3A_420, %parallel_loop3A_421], %parallel_loop3A_418 {strides = array<i32>} : memref<2x8192xf32, #tpu.memory_space<vmem>>, vector<16xf32>,
        %parallel_loop3A_423 = vector.extract_strided_slice %parallel_loop3A_329 {offsets = [15], sizes = [1], strides = [1]} : vector<16xf32> to vector<1xf32>
        %parallel_loop3A_424 = vector.extract %parallel_loop3A_423[0] : f32 from vector<1xf32>
        %parallel_loop3A_425 = vector.broadcast %parallel_loop3A_424 : f32 to vector<16xf32>
        %parallel_loop3A_426 = arith.addf %parallel_loop3A_286, %parallel_loop3A_425 : vector<16xf32>
        %parallel_loop3A_427 = vector.broadcast %parallel_loop3A_157 : f32 to vector<16xf32>
        %parallel_loop3A_428 = arith.addf %parallel_loop3A_426, %parallel_loop3A_427 : vector<16xf32>
        %parallel_loop3A_429 = arith.constant 1 : i32
        %parallel_loop3A_430 = arith.index_cast %parallel_loop3A_429 : i32 to index
        %parallel_loop3A_431 = arith.index_cast %parallel_loop3A_180 : i32 to index
        %parallel_loop3A_432 = tpu.vector_load %arg7[%parallel_loop3A_430, %parallel_loop3A_431] {strides = array<i32>} : memref<2x8192xf32, #tpu.memory_space<vmem>>, vector<16xf32>,
        tpu.vector_store %arg7[%parallel_loop3A_430, %parallel_loop3A_431], %parallel_loop3A_428 {strides = array<i32>} : memref<2x8192xf32, #tpu.memory_space<vmem>>, vector<16xf32>,
        %parallel_loop3A_433 = vector.extract_strided_slice %parallel_loop3A_330 {offsets = [15], sizes = [1], strides = [1]} : vector<16xf32> to vector<1xf32>
        %parallel_loop3A_434 = vector.extract %parallel_loop3A_433[0] : f32 from vector<1xf32>
        %parallel_loop3A_435 = vector.broadcast %parallel_loop3A_434 : f32 to vector<16xf32>
        %parallel_loop3A_436 = arith.addf %parallel_loop3A_289, %parallel_loop3A_435 : vector<16xf32>
        %parallel_loop3A_437 = vector.broadcast %parallel_loop3A_157 : f32 to vector<16xf32>
        %parallel_loop3A_438 = arith.addf %parallel_loop3A_436, %parallel_loop3A_437 : vector<16xf32>
        %parallel_loop3A_439 = arith.constant 1 : i32
        %parallel_loop3A_440 = arith.index_cast %parallel_loop3A_439 : i32 to index
        %parallel_loop3A_441 = arith.index_cast %parallel_loop3A_182 : i32 to index
        %parallel_loop3A_442 = tpu.vector_load %arg7[%parallel_loop3A_440, %parallel_loop3A_441] {strides = array<i32>} : memref<2x8192xf32, #tpu.memory_space<vmem>>, vector<16xf32>,
        tpu.vector_store %arg7[%parallel_loop3A_440, %parallel_loop3A_441], %parallel_loop3A_438 {strides = array<i32>} : memref<2x8192xf32, #tpu.memory_space<vmem>>, vector<16xf32>,
        %parallel_loop3A_443 = vector.extract_strided_slice %parallel_loop3A_331 {offsets = [15], sizes = [1], strides = [1]} : vector<16xf32> to vector<1xf32>
        %parallel_loop3A_444 = vector.extract %parallel_loop3A_443[0] : f32 from vector<1xf32>
        %parallel_loop3A_445 = vector.broadcast %parallel_loop3A_444 : f32 to vector<16xf32>
        %parallel_loop3A_446 = arith.addf %parallel_loop3A_292, %parallel_loop3A_445 : vector<16xf32>
        %parallel_loop3A_447 = vector.broadcast %parallel_loop3A_157 : f32 to vector<16xf32>
        %parallel_loop3A_448 = arith.addf %parallel_loop3A_446, %parallel_loop3A_447 : vector<16xf32>
        %parallel_loop3A_449 = arith.constant 1 : i32
        %parallel_loop3A_450 = arith.index_cast %parallel_loop3A_449 : i32 to index
        %parallel_loop3A_451 = arith.index_cast %parallel_loop3A_184 : i32 to index
        %parallel_loop3A_452 = tpu.vector_load %arg7[%parallel_loop3A_450, %parallel_loop3A_451] {strides = array<i32>} : memref<2x8192xf32, #tpu.memory_space<vmem>>, vector<16xf32>,
        tpu.vector_store %arg7[%parallel_loop3A_450, %parallel_loop3A_451], %parallel_loop3A_448 {strides = array<i32>} : memref<2x8192xf32, #tpu.memory_space<vmem>>, vector<16xf32>,
        %parallel_loop3A_453 = vector.extract_strided_slice %parallel_loop3A_332 {offsets = [15], sizes = [1], strides = [1]} : vector<16xf32> to vector<1xf32>
        %parallel_loop3A_454 = vector.extract %parallel_loop3A_453[0] : f32 from vector<1xf32>
        %parallel_loop3A_455 = vector.broadcast %parallel_loop3A_454 : f32 to vector<16xf32>
        %parallel_loop3A_456 = arith.addf %parallel_loop3A_295, %parallel_loop3A_455 : vector<16xf32>
        %parallel_loop3A_457 = vector.broadcast %parallel_loop3A_157 : f32 to vector<16xf32>
        %parallel_loop3A_458 = arith.addf %parallel_loop3A_456, %parallel_loop3A_457 : vector<16xf32>
        %parallel_loop3A_459 = arith.constant 1 : i32
        %parallel_loop3A_460 = arith.index_cast %parallel_loop3A_459 : i32 to index
        %parallel_loop3A_461 = arith.index_cast %parallel_loop3A_186 : i32 to index
        %parallel_loop3A_462 = tpu.vector_load %arg7[%parallel_loop3A_460, %parallel_loop3A_461] {strides = array<i32>} : memref<2x8192xf32, #tpu.memory_space<vmem>>, vector<16xf32>,
        tpu.vector_store %arg7[%parallel_loop3A_460, %parallel_loop3A_461], %parallel_loop3A_458 {strides = array<i32>} : memref<2x8192xf32, #tpu.memory_space<vmem>>, vector<16xf32>,
        %parallel_loop3A_463 = vector.extract_strided_slice %parallel_loop3A_333 {offsets = [15], sizes = [1], strides = [1]} : vector<16xf32> to vector<1xf32>
        %parallel_loop3A_464 = vector.extract %parallel_loop3A_463[0] : f32 from vector<1xf32>
        %parallel_loop3A_465 = vector.broadcast %parallel_loop3A_464 : f32 to vector<16xf32>
        %parallel_loop3A_466 = arith.addf %parallel_loop3A_298, %parallel_loop3A_465 : vector<16xf32>
        %parallel_loop3A_467 = vector.broadcast %parallel_loop3A_157 : f32 to vector<16xf32>
        %parallel_loop3A_468 = arith.addf %parallel_loop3A_466, %parallel_loop3A_467 : vector<16xf32>
        %parallel_loop3A_469 = arith.constant 1 : i32
        %parallel_loop3A_470 = arith.index_cast %parallel_loop3A_469 : i32 to index
        %parallel_loop3A_471 = arith.index_cast %parallel_loop3A_188 : i32 to index
        %parallel_loop3A_472 = tpu.vector_load %arg7[%parallel_loop3A_470, %parallel_loop3A_471] {strides = array<i32>} : memref<2x8192xf32, #tpu.memory_space<vmem>>, vector<16xf32>,
        tpu.vector_store %arg7[%parallel_loop3A_470, %parallel_loop3A_471], %parallel_loop3A_468 {strides = array<i32>} : memref<2x8192xf32, #tpu.memory_space<vmem>>, vector<16xf32>,
        %parallel_loop3A_473 = vector.extract_strided_slice %parallel_loop3A_334 {offsets = [15], sizes = [1], strides = [1]} : vector<16xf32> to vector<1xf32>
        %parallel_loop3A_474 = vector.extract %parallel_loop3A_473[0] : f32 from vector<1xf32>
        %parallel_loop3A_475 = vector.broadcast %parallel_loop3A_474 : f32 to vector<16xf32>
        %parallel_loop3A_476 = arith.addf %parallel_loop3A_301, %parallel_loop3A_475 : vector<16xf32>
        %parallel_loop3A_477 = vector.broadcast %parallel_loop3A_157 : f32 to vector<16xf32>
        %parallel_loop3A_478 = arith.addf %parallel_loop3A_476, %parallel_loop3A_477 : vector<16xf32>
        %parallel_loop3A_479 = arith.constant 1 : i32
        %parallel_loop3A_480 = arith.index_cast %parallel_loop3A_479 : i32 to index
        %parallel_loop3A_481 = arith.index_cast %parallel_loop3A_190 : i32 to index
        %parallel_loop3A_482 = tpu.vector_load %arg7[%parallel_loop3A_480, %parallel_loop3A_481] {strides = array<i32>} : memref<2x8192xf32, #tpu.memory_space<vmem>>, vector<16xf32>,
        tpu.vector_store %arg7[%parallel_loop3A_480, %parallel_loop3A_481], %parallel_loop3A_478 {strides = array<i32>} : memref<2x8192xf32, #tpu.memory_space<vmem>>, vector<16xf32>,
        %parallel_loop3A_483 = vector.extract_strided_slice %parallel_loop3A_335 {offsets = [15], sizes = [1], strides = [1]} : vector<16xf32> to vector<1xf32>
        %parallel_loop3A_484 = vector.extract %parallel_loop3A_483[0] : f32 from vector<1xf32>
        %parallel_loop3A_485 = vector.broadcast %parallel_loop3A_484 : f32 to vector<16xf32>
        %parallel_loop3A_486 = arith.addf %parallel_loop3A_304, %parallel_loop3A_485 : vector<16xf32>
        %parallel_loop3A_487 = vector.broadcast %parallel_loop3A_157 : f32 to vector<16xf32>
        %parallel_loop3A_488 = arith.addf %parallel_loop3A_486, %parallel_loop3A_487 : vector<16xf32>
        %parallel_loop3A_489 = arith.constant 1 : i32
        %parallel_loop3A_490 = arith.index_cast %parallel_loop3A_489 : i32 to index
        %parallel_loop3A_491 = arith.index_cast %parallel_loop3A_192 : i32 to index
        %parallel_loop3A_492 = tpu.vector_load %arg7[%parallel_loop3A_490, %parallel_loop3A_491] {strides = array<i32>} : memref<2x8192xf32, #tpu.memory_space<vmem>>, vector<16xf32>,
        tpu.vector_store %arg7[%parallel_loop3A_490, %parallel_loop3A_491], %parallel_loop3A_488 {strides = array<i32>} : memref<2x8192xf32, #tpu.memory_space<vmem>>, vector<16xf32>,
        %parallel_loop3A_493 = vector.extract_strided_slice %parallel_loop3A_336 {offsets = [15], sizes = [1], strides = [1]} : vector<16xf32> to vector<1xf32>
        %parallel_loop3A_494 = vector.extract %parallel_loop3A_493[0] : f32 from vector<1xf32>
        %parallel_loop3A_495 = arith.addf %parallel_loop3A_157, %parallel_loop3A_494 : f32
        scf.yield %parallel_loop3A_495 : f32
      } {sc.loop_unroll_factor = 1 : i64, sc.parallel_access}
      %mul3A_148 = arith.constant 2 : i32
      %mul3A_149 = arith.muli %add3A_126, %mul3A_148 : i32
      %add3A_150 = arith.addi %mul3A_2, %mul3A_149 : i32
      %dma_start3A_151 = arith.constant 0 : i32
      %dma_start3A_152 = tpu.memref_slice %arg3[%add3A_150, %dma_start3A_151] : memref<4096x8192xf32, #tpu.memory_space<hbm>> -> memref<2x8192xf32, #tpu.memory_space<hbm>>
      %dma_start3A_153 = arith.constant 0 : i32
      %dma_start3A_154 = tpu.memref_slice %arg3[%add3A_150, %dma_start3A_153] : memref<4096x8192xf32, #tpu.memory_space<hbm>> -> memref<2x8192xf32, #tpu.memory_space<hbm>>
      tpu.enqueue_dma source(%arg7 : memref<2x8192xf32, #tpu.memory_space<vmem>>) target(%dma_start3A_154 : memref<2x8192xf32, #tpu.memory_space<hbm>>) target_semaphore(%arg15 : memref<!tpu.dma_semaphore, #tpu.memory_space<semaphore_mem>>)
      %scan3A_155 = arith.constant 0 : i32
      scf.yield %scan3A_155 : i32
    }
    %scan3A_13 = arith.constant 16 : i32
    %dma_wait3A = arith.constant 0 : i32
    %dma_wait3A_14 = tpu.memref_slice %arg3[%mul3A_2, %dma_wait3A] : memref<4096x8192xf32, #tpu.memory_space<hbm>> -> memref<2x8192xf32, #tpu.memory_space<hbm>>
    %dma_wait3A_15 = arith.constant 0 : i32
    %dma_wait3A_16 = tpu.memref_slice %arg3[%mul3A_2, %dma_wait3A_15] : memref<4096x8192xf32, #tpu.memory_space<hbm>> -> memref<2x8192xf32, #tpu.memory_space<hbm>>
    tpu.wait_dma2 semaphore(%arg12 : memref<!tpu.dma_semaphore, #tpu.memory_space<semaphore_mem>>) src(%arg4 : memref<2x8192xf32, #tpu.memory_space<vmem>>) dst(%dma_wait3A_16 : memref<2x8192xf32, #tpu.memory_space<hbm>>)
    %dma_wait3A_17 = arith.constant 0 : i32
    %dma_wait3A_18 = tpu.memref_slice %arg3[%mul3A_2, %dma_wait3A_17] : memref<4096x8192xf32, #tpu.memory_space<hbm>> -> memref<2x8192xf32, #tpu.memory_space<hbm>>
    %dma_wait3A_19 = arith.constant 0 : i32
    %dma_wait3A_20 = tpu.memref_slice %arg3[%mul3A_2, %dma_wait3A_19] : memref<4096x8192xf32, #tpu.memory_space<hbm>> -> memref<2x8192xf32, #tpu.memory_space<hbm>>
    tpu.wait_dma2 semaphore(%arg13 : memref<!tpu.dma_semaphore, #tpu.memory_space<semaphore_mem>>) src(%arg5 : memref<2x8192xf32, #tpu.memory_space<vmem>>) dst(%dma_wait3A_20 : memref<2x8192xf32, #tpu.memory_space<hbm>>)
    %dma_wait3A_21 = arith.constant 0 : i32
    %dma_wait3A_22 = tpu.memref_slice %arg3[%mul3A_2, %dma_wait3A_21] : memref<4096x8192xf32, #tpu.memory_space<hbm>> -> memref<2x8192xf32, #tpu.memory_space<hbm>>
    %dma_wait3A_23 = arith.constant 0 : i32
    %dma_wait3A_24 = tpu.memref_slice %arg3[%mul3A_2, %dma_wait3A_23] : memref<4096x8192xf32, #tpu.memory_space<hbm>> -> memref<2x8192xf32, #tpu.memory_space<hbm>>
    tpu.wait_dma2 semaphore(%arg14 : memref<!tpu.dma_semaphore, #tpu.memory_space<semaphore_mem>>) src(%arg6 : memref<2x8192xf32, #tpu.memory_space<vmem>>) dst(%dma_wait3A_24 : memref<2x8192xf32, #tpu.memory_space<hbm>>)
    %dma_wait3A_25 = arith.constant 0 : i32
    %dma_wait3A_26 = tpu.memref_slice %arg3[%mul3A_2, %dma_wait3A_25] : memref<4096x8192xf32, #tpu.memory_space<hbm>> -> memref<2x8192xf32, #tpu.memory_space<hbm>>
    %dma_wait3A_27 = arith.constant 0 : i32
    %dma_wait3A_28 = tpu.memref_slice %arg3[%mul3A_2, %dma_wait3A_27] : memref<4096x8192xf32, #tpu.memory_space<hbm>> -> memref<2x8192xf32, #tpu.memory_space<hbm>>
    tpu.wait_dma2 semaphore(%arg15 : memref<!tpu.dma_semaphore, #tpu.memory_space<semaphore_mem>>) src(%arg7 : memref<2x8192xf32, #tpu.memory_space<vmem>>) dst(%dma_wait3A_28 : memref<2x8192xf32, #tpu.memory_space<hbm>>)
    return
  }
}

</mosaic_0001>

<sc_bundles>
// kernel: kernel.3.cloned.1.call-start
scs
__scs_entry_jumppad:
0x0: {  	(pc) =	sbr.rel $0x88, $3  }
0x1: {  	(tag) =	ssettag $0x0;
	lr =	simm.s32 $0x1  }
0x2: {  	[smem:$0x3FA0] =	sst lr;
	_ =	strace $0xD0000000  }
0x3: {  	_ = 	snop  }
0x4: {  	_ = 	snop  }
0x5: {  	_ = 	snop  }
0x6: {  	_ = 	snop  }
0x7: {  	_ = 	snop  }
__scs_overlays_trampoline_lowered:
0x8: {  	[smem:$0x3FAF] =	sst s0  }
0x9: {  	[smem:$0x3FB0] =	sst s1  }
0xa: {  	[smem:$0x3FB1] =	sst s2  }
0xb: {  	[smem:$0x3FB2] =	sst s3  }
0xc: {  	[smem:$0x3FB3] =	sst s4  }
0xd: {  	[smem:$0x3FB4] =	sst s5  }
0xe: {  	[smem:$0x3FB5] =	sst s6  }
0xf: {  	[smem:$0x3FB6] =	sst s7  }
0x10: {  	[smem:$0x3FB7] =	sst s8  }
0x11: {  	[smem:$0x3FB8] =	sst s9;
	s0 =	simm.s32 @!p0 $0x0  }
0x12: {  	s1 =	sld [smem:$0x3F9E];
	s0 =	simm.s32 @p0 $0x1  }
0x13: {  	[smem:$0x3FB9] =	sst s0;
	s0 =	simm.s32 @!p1 $0x0  }
0x14: {  	s2 =	sld [smem:$0x3F9D];
	s0 =	simm.s32 @p1 $0x1  }
0x15: {  	[smem:$0x3FBA] =	sst s0;
	s0 =	simm.s32 @!p2 $0x0  }
0x16: {  	s3 =	sld [smem:$0x3FDB];
	s0 =	simm.s32 @p2 $0x1  }
0x17: {  	s4 =	simm.s32 $0x1BF5;
	[smem:$0x3FBC] =	sst s0  }
0x18: {  	s0 =	sld [smem:$0x3F9F];
	_ =	swait.ge [sflag:s4], $0x0  }
0x19: {  	s7 =	sld [smem:$0x3FA0]  }
0x1a: {  	s8 =	sadd.s32 $0xFFFFE003, lr  }
0x1b: {  	s9 =	sadd.s32 $0xFFFFFEF7, lr;
	s5 =	simm.s32 $0xFFFFFFFF;
	p2 =	slt.u32 s8, $0xFFFFF086  }
0x1c: {  	p1 =	slt.u32 s9, $0xF7A;
	s5 =	simm.s32 @!p2 $0x0  }
0x1d: {  	s5 =	simm.s32 @p1 $0x1;
	p0 =	seq.s32 s7, s2  }
0x1e: {  	s7 =	smul.u32 @!p0 $0xF7A, s2;
	p2 =	seq.s32 @!p0 s5, $0x0  }
0x1f: {  	s9 =	smul.u32 $0xF7A, s1;
	s8 =	simm.s32 @!p0 $0x1BF5;
	p2 =	por !p2, p0  }
0x20: {  	[sflag:s8] =	ssyncset.s32 @!p0 $0xFFFFF086;
	s6 =	sadd.s32 @!p0 s3, s7;
	s7 =	simm.s32 @!p0 $0x108  }
0x21: {  	s3 =	sadd.s32 s3, s9;
	s6 =	sadd.s32 @!p0 $0x88, s6;
	s7 =	simm.s32 @p2 $0x1082  }
0x22: {  	[simem:s7], [sflag:s8] =	dma.local @!p0 [hbm:s6], $0xF7A  }
0x23: {  	s9 =	sor.u32 $0xD0000000, s2;
	s6 =	simm.s32 $0x108;
	_ =	swait.ge @!p0 [sflag:s8], $0x0  }
0x24: {  	s3 =	sadd.s32 $0x88, s3;
	s6 =	simm.s32 @!p1 $0x1082;
	[sflag:s4] =	ssyncset.s32 $0xFFFFF086  }
0x25: {  	[simem:s6], [sflag:s4] =	dma.local [hbm:s3], $0xF7A  }
0x26: {  	[smem:$0x3FA0] =	sst s1;
	(tag) =	ssettag s2;
	_ =	strace s9  }
0x27: {  	s1 =	sld [smem:$0x3FB0]  }
0x28: {  	s2 =	sld [smem:$0x3FB1]  }
0x29: {  	s4 =	sld [smem:$0x3FB3]  }
0x2a: {  	p0 =	seq.s32 s5, $0x0;
	s5 =	sld [smem:$0x3FB4]  }
0x2b: {  	s6 =	sld [smem:$0x3FB5]  }
0x2c: {  	s7 =	sld [smem:$0x3FB6]  }
0x2d: {  	s3 =	simm.s32 $0x108;
	s8 =	sld [smem:$0x3FB7]  }
0x2e: {  	s3 =	simm.s32 @!p0 $0x1082;
	s9 =	sld [smem:$0x3FB8]  }
0x2f: {  	lr =	sadd.s32 s0, s3;
	s0 =	sld [smem:$0x3FAF]  }
0x30: {  	s3 =	sld [smem:$0x3FB2]  }
0x31: {  	[smem:$0x3FBB] =	sst s10  }
0x32: {  	s10 =	sld [smem:$0x3FB9];
	_ =	sdelay $0x3  }
0x33: {  	p0 =	seq.s32 s10, $0x1;
	s10 =	sld [smem:$0x3FBB];
	_ =	sdelay $0x3  }
0x34: {  	[smem:$0x3FBB] =	sst s10  }
0x35: {  	s10 =	sld [smem:$0x3FBA];
	_ =	sdelay $0x3  }
0x36: {  	p1 =	seq.s32 s10, $0x1;
	s10 =	sld [smem:$0x3FBB];
	_ =	sdelay $0x3  }
0x37: {  	[smem:$0x3FBB] =	sst s10  }
0x38: {  	s10 =	sld [smem:$0x3FBC]  }
0x39: {  	_ = 	snop;
	(pc) =	sbr.ind lr, $3  }
0x3a: {  	_ = 	snop  }
0x3b: {  	_ = 	snop  }
0x3c: {  	p2 =	seq.s32 s10, $0x1;
	s10 =	sld [smem:$0x3FBB]  }
0x3d: {  	_ =	shalt  }
0x3e: {  	_ =	shalt  }
0x3f: {  	_ =	shalt  }
0x40: {  	_ =	shalt  }
0x41: {  	_ =	shalt  }
0x42: {  	_ =	shalt  }
0x43: {  	_ =	shalt  }
0x44: {  	_ =	shalt  }
0x45: {  	_ =	shalt  }
0x46: {  	_ =	shalt  }
0x47: {  	_ =	shalt  }
0x48: {  	_ =	shalt  }
0x49: {  	_ =	shalt  }
0x4a: {  	_ =	shalt  }
0x4b: {  	_ =	shalt  }
0x4c: {  	_ =	shalt  }
0x4d: {  	_ =	shalt  }
0x4e: {  	_ =	shalt  }
0x4f: {  	_ =	shalt  }
0x50: {  	_ =	shalt  }
0x51: {  	_ =	shalt  }
0x52: {  	_ =	shalt  }
0x53: {  	_ =	shalt  }
0x54: {  	_ =	shalt  }
0x55: {  	_ =	shalt  }
0x56: {  	_ =	shalt  }
0x57: {  	_ =	shalt  }
0x58: {  	_ =	shalt  }
0x59: {  	_ =	shalt  }
0x5a: {  	_ =	shalt  }
0x5b: {  	_ =	shalt  }
0x5c: {  	_ =	shalt  }
0x5d: {  	_ =	shalt  }
0x5e: {  	_ =	shalt  }
0x5f: {  	_ =	shalt  }
0x60: {  	_ =	shalt  }
0x61: {  	_ =	shalt  }
0x62: {  	_ =	shalt  }
0x63: {  	_ =	shalt  }
0x64: {  	_ =	shalt  }
0x65: {  	_ =	shalt  }
0x66: {  	_ =	shalt  }
0x67: {  	_ =	shalt  }
0x68: {  	_ =	shalt  }
0x69: {  	_ =	shalt  }
0x6a: {  	_ =	shalt  }
0x6b: {  	_ =	shalt  }
0x6c: {  	_ =	shalt  }
0x6d: {  	_ =	shalt  }
0x6e: {  	_ =	shalt  }
0x6f: {  	_ =	shalt  }
0x70: {  	_ =	shalt  }
0x71: {  	_ =	shalt  }
0x72: {  	_ =	shalt  }
0x73: {  	_ =	shalt  }
0x74: {  	_ =	shalt  }
0x75: {  	_ =	shalt  }
0x76: {  	_ =	shalt  }
0x77: {  	_ =	shalt  }
0x78: {  	_ =	shalt  }
0x79: {  	_ =	shalt  }
0x7a: {  	_ =	shalt  }
0x7b: {  	_ =	shalt  }
0x7c: {  	_ =	shalt  }
0x7d: {  	_ =	shalt  }
0x7e: {  	_ =	shalt  }
0x7f: {  	_ =	shalt  }
0x80: {  	_ =	shalt  }
0x81: {  	_ =	shalt  }
0x82: {  	_ =	shalt  }
0x83: {  	_ =	shalt  }
0x84: {  	_ =	shalt  }
0x85: {  	_ =	shalt  }
0x86: {  	_ =	shalt  }
0x87: {  	_ =	shalt  }
.Lfunc_end0:
.L_simem_size_0:
called_computation_lowered:
.L_overlay_start_0:
0x88: {  	s2 =	sld [smem:$0x3FD9]  }
0x89: {  	s3 =	sld [smem:$0x3FFE];
	_ =	sdelay $0x1  }
0x8a: {  	s1 =	srdreg.scid  }
0x8b: {  	s0 =	sand.u32 $0x1, s1  }
0x8c: {  	s18 =	sshll.u32 s0, $0xA;
	s2 =	sadd.s32 s3, s2  }
0x8d: {  	s2 =	sadd.s32 s2, s18  }
0x8e: {  	[smem:$0x3FC7] =	sst s2  }
0x8f: {  	_ = 	snop  }
0x90: {  	s2 =	sld [smem:$0x3FC9]  }
0x91: {  	s19 =	sld [smem:$0x3FD0];
	(tm) =	ssettm $0x1  }
0x92: {  	s4 =	sld [smem:$0x3FFB];
	_ =	sdelay $0x3  }
0x93: {  	_ =	strace s4  }
0x94: {  	s4 =	sld [smem:$0x3FFC];
	_ =	sdelay $0x3  }
0x95: {  	_ =	strace s4  }
0x96: {  	s4 =	sld [smem:$0x3FFD];
	_ =	sdelay $0x3  }
0x97: {  	_ =	strace s4  }
0x98: {  	_ =	strace $0x8FFFFFFF  }
0x99: {  	s20 =	sld [smem:$0x3FDB];
	_ =	sdelay $0x1  }
0x9a: {  	s5 =	simm.s32 $_scs_section_size  }
0x9b: {  	s6 =	simm.s32 $_size__tile_overlayer_lowered;
	s7 =	simm.s32 $_tile_overlayer_lowered  }
0x9c: {  	s23 =	simm.s32 $0x1BFF;
	s22 =	sshll.u32 s7, $0x1;
	s4 =	sadd.s32 s5, s20  }
0x9d: {  	s8 =	simm.s32 $0x0;
	s21 =	sshll.u32 s6, $0x1;
	s6 =	sadd.s32 s22, s4  }
0x9e: {  	[timem:s8], [sflag:s23] =	dma.local [hbm:s6], s21  }
0x9f: {  	_ =	swait.ge [sflag:s23], s21  }
0xa0: {  	s5 =	ssub.s32 $0x0, s21;
	[sflag:s23] =	ssyncset.done $0x0  }
0xa1: {  	[sflag:s23] =	ssyncadd.s32 s5;
	_ =	sdelay $0x1  }
0xa2: {  	s24 =	simm.s32 $0x1B8B  }
0xa3: {  	_ =	swait.ge [sflag:s24], $0x1  }
0xa4: {  	[sflag:s24] =	ssyncset.done $0x0  }
0xa5: {  	s25 =	simm.s32 $0x1B8E;
	[sflag:s24] =	ssyncadd.s32 $0xFFFFFFFF  }
0xa6: {  	s26 =	simm.s32 $execute0_lowered;
	[smem:$0x3FD2] =	sst s25  }
0xa7: {  	s5 =	sshll.u32 s26, $0x1;
	_ =	strace $0x80000046;
	[dreg:$0x1] =	wrdreg $0xFFFFFFFF  }
0xa8: {  	s28 =	simm.s32 $_size_execute0_lowered;
	s4 =	sadd.s32 s4, s5;
	[dreg:$0x0] =	wrdreg $0x0  }
0xa9: {  	s5 =	sshll.u32 s28, $0x1;
	[dreg:$0x2] =	wrdreg s4  }
0xaa: {  	[dreg:$0x3] =	wrdreg s5  }
0xab: {  	[dreg:$0x4] =	wrdreg $0xC0  }
0xac: {  	_ =	task [dreg:s8], $0x5FFFF  }
0xad: {  	[dreg:$0x1] =	wrdreg $0xFFFFFFFF  }
0xae: {  	[dreg:$0x0] =	wrdreg $0x60  }
0xaf: {  	[dreg:$0x2] =	wrdreg s2  }
0xb0: {  	[dreg:$0x3] =	wrdreg s19  }
0xb1: {  	[dreg:$0x4] =	wrdreg $0x9  }
0xb2: {  	_ =	task.clear_ibuf [dreg:s8], $0x5FFFF;
	_ =	strace $0x90000046  }
0xb3: {  	s29 =	simm.s32 $0x9;
	_ =	strace $0x80000048  }
0xb4: {  	_ =	swait.ge [sflag:s29], $0x1  }
0xb5: {  	[sflag:s29] =	ssyncadd.s32 $0xFFFFFFFF  }
0xb6: {  	_ =	strace $0x90000048  }
0xb7: {  	_ =	sfence  }
0xb8: {  	s30 =	sld [smem:$0x0];
	_ =	sdelay $0x2  }
0xb9: {  	s31 =	sshll.u32 s1, $0xD;
	s1 =	sshrl.u32 s1, $0x2  }
0xba: {  	s3 =	sand.u32 $0x4000, s31;
	s1 =	sadd.s32 s1, s30  }
0xbb: {  	s0 =	sor.u32 s3, s0;
	s1 =	sshll.u32 s1, $0x11  }
0xbc: {  	s0 =	sor.u32 s1, s0  }
0xbd: {  	s0 =	sadd.s32 $0x8F2B, s0  }
0xbe: {  	[sflag:s0] =	ssyncadd.remote.s32 $0x1  }
0xbf: {  	_ =	sfence.sel $0xFFFF  }
0xc0: {  	[dreg:$0x0] =	wrdreg $0xFFFFFFFF;
	(pc) =	sbr.abs _section_cstart, $3  }
0xc1: {  	[dreg:$0x1] =	wrdreg $0xFFFFFFFF  }
0xc2: {  	_ =	task.clear_ibuf [dreg:s8], $0x2FFFF;
	_ =	strace $0x9FFFFFFF  }
0xc3: {  	(tm) =	ssettm $0x7FFFFFFF  }
tec
execute0_lowered:
.L_overlay_start_1:
0x0: {  	(tag) =	ssettag $0x1  }
0x1: {  	s0 =	srdreg.scid;
	s2 =	rddreg [dreg:$0x0]  }
0x2: {  	s1 =	stileid.u32;
	s3 =	rddreg [dreg:$0x1];
	s4 =	simm.s32 $0x0  }
0x3: {  	s10 =	simm.s32 $0x100;
	s11 =	simm.s32 $0x400;
	s12 =	simm.s32 $0x4000  }
0x4: {  	s13 =	simm.s32 $0x1;
	s14 =	simm.s32 $0x8000;
	s15 =	simm.s32 $0x2  }
0x5: {  	s16 =	simm.s32 $0xC000;
	s17 =	simm.s32 $0x3;
	s0 =	sand.u32 $0x1, s0  }
0x6: {  	s18 =	simm.s32 $0x4;
	s1 =	sshll.u32 s1, $0x8;
	s5 =	sshll.u32 s0, $0x7  }
0x7: {  	s22 =	simm.s32 $0x8;
	s0 =	ssub.s32 $0x2, s0;
	s1 =	sor.u32 s5, s1  }
0x8: {  	s23 =	simm.s32 $0x0;
	s6 =	sshrl.u32 s0, $0x1;
	s5 =	sshll.u32 s1, $0xA  }
0x9: {  	[smem:$0x7FF] =	sst s4;
	s0 =	ssub.s32 s0, s6;
	s8 =	sadd.s32 s2, s5  }
0xa: {  	_ =	strace $0x80000047;
	s0 =	smax.u32 s0, $0x1;
	[dreg:$0x3] =	wrdreg s8  }
0xb: {  	s7 =	sshrl.u32 s1, $0x3;
	s8 =	sadd.s32 $0x2000, s8;
	[dreg:$0x4] =	wrdreg s0  }
.LBB2_1:
0xc: {  	s0 =	rddreg [dreg:$0x3];
	s24 =	simm.s32 $0x0  }
0xd: {  	[tilespmem:s4], [sflag:$0x1] =	stream.strided.gather [hbm4b:s0+s10], $0x4000, s11, s10, $0x38;
	[tilespmem:$0x10000] =	vst v63  }
.LBB2_2:
0xe: {  	p0 =	seq.s32 s24, $0x0  }
0xf: {  	s25 =	sshll.u32 s24, $0xD;
	s0 =	simm.s32 @!p0 $0x6  }
0x10: {  	s26 =	sor.u32 s5, s25;
	_ =	swait.ge @!p0 [sflag:s0], $0x4000  }
0x11: {  	s28 =	sor.u32 $0x20, s26;
	[sflag:s0] =	ssyncset.done @!p0 $0x0  }
0x12: {  	s20 =	sadd.s32 s2, s28;
	[sflag:s0] =	ssyncadd.s32 @!p0 $0xFFFFC000  }
0x13: {  	[tilespmem:s12], [sflag:$0x2] =	stream.strided.gather [hbm4b:s20+s10], $0x4000, s11, s10, $0x38;
	[tilespmem:$0x10000] =	vst v63  }
0x14: {  	_ =	swait.ge [sflag:s13], $0x4000  }
0x15: {  	[sflag:s13] =	ssyncset.done $0x0  }
0x16: {  	s29 =	simm.s32 $0x0;
	[sflag:s13] =	ssyncadd.s32 $0xFFFFC000  }
0x17: {  	v0 =	vld [tilespmem:s29+$0x0]  }
0x18: {  	v1 =	vld [tilespmem:s29+$0x10]  }
0x19: {  	v2 =	vld [tilespmem:s29+$0x20]  }
0x1a: {  	v3 =	vld [tilespmem:s29+$0x30]  }
0x1b: {  	v4 =	vld [tilespmem:s29+$0x40]  }
0x1c: {  	(xrf2) =	vadd.scan.msk.f32 $0xffff, v0;
	v0 =	vld [tilespmem:s29+$0x50]  }
0x1d: {  	(xrf2) =	vadd.scan.msk.f32 $0xffff, v1;
	v1 =	vld [tilespmem:s29+$0x60]  }
0x1e: {  	(xrf2) =	vadd.scan.msk.f32 $0xffff, v2;
	v2 =	vld [tilespmem:s29+$0x70]  }
0x1f: {  	(xrf2) =	vadd.scan.msk.f32 $0xffff, v3;
	v3 =	vld [tilespmem:s29+$0x100]  }
0x20: {  	(xrf2) =	vadd.scan.msk.f32 $0xffff, v4;
	v4 =	vld [tilespmem:s29+$0x110]  }
0x21: {  	(xrf2) =	vadd.scan.msk.f32 $0xffff, v0;
	v0 =	vld [tilespmem:s29+$0x120]  }
0x22: {  	(xrf2) =	vadd.scan.msk.f32 $0xffff, v1;
	v1 =	vld [tilespmem:s29+$0x130]  }
0x23: {  	(xrf2) =	vadd.scan.msk.f32 $0xffff, v2;
	v2 =	vld [tilespmem:s29+$0x140]  }
0x24: {  	(xrf2) =	vadd.scan.msk.f32 $0xffff, v3;
	v3 =	vld [tilespmem:s29+$0x150]  }
0x25: {  	(xrf2) =	vadd.scan.msk.f32 $0xffff, v4;
	v4 =	vld [tilespmem:s29+$0x160]  }
0x26: {  	v5, _, _ =	vpop (xrf2);
	(xrf2) =	vadd.scan.msk.f32 $0xffff, v0;
	v0 =	vld [tilespmem:s29+$0x170]  }
0x27: {  	v6, _, _ =	vpop (xrf2);
	(xrf2) =	vadd.scan.msk.f32 $0xffff, v1  }
0x28: {  	v1, _, _ =	vpop (xrf2);
	(xrf2) =	vadd.scan.msk.f32 $0xffff, v2  }
0x29: {  	v2, _, _ =	vpop (xrf2);
	(xrf2) =	vadd.scan.msk.f32 $0xffff, v3  }
0x2a: {  	v3, _, _ =	vpop (xrf2);
	(xrf2) =	vadd.scan.msk.f32 $0xffff, v4  }
0x2b: {  	v4, _, _ =	vpop (xrf2);
	(xrf2) =	vadd.scan.msk.f32 $0xffff, v0  }
0x2c: {  	v0, _, _ =	vpop (xrf2)  }
0x2d: {  	s31 =	simm.f32 $0.0e+00;
	v8 =	vbroadcast v5, $0xF;
	v7, _, _ =	vpop (xrf2)  }
0x2e: {  	v13 =	vadd.f32 s31, v5;
	v5 =	vadd.f32 v6, v5;
	v9, _, _ =	vpop (xrf2)  }
0x2f: {  	v8 =	vadd.f32 v8, v6;
	v6 =	vadd.f32 v2, v1;
	v10, _, _ =	vpop (xrf2)  }
0x30: {  	v34 =	vadd.f32 v1, v5;
	v11, _, _ =	vpop (xrf2)  }
0x31: {  	v17 =	vadd.f32 v4, v3;
	v6 =	vadd.f32 v6, v5;
	v12, _, _ =	vpop (xrf2)  }
0x32: {  	v8 =	vadd.f32 s31, v8;
	v18 =	vadd.f32 v7, v0;
	v14, _, _ =	vpop (xrf2)  }
0x33: {  	v24 =	vadd.f32 v0, v17;
	v33 =	vadd.f32 v6, v3;
	v15, _, _ =	vpop (xrf2)  }
0x34: {  	v19 =	vadd.f32 v10, v9;
	v18 =	vadd.f32 v18, v17;
	v16, _, _ =	vpop (xrf2)  }
0x35: {  	s30 =	simm.s32 $0x200;
	v17 =	vadd.f32 v17, v6;
	v20 =	vadd.f32 v12, v11;
	v21, _, _ =	vpop (xrf2)  }
0x36: {  	v26 =	vld [tilespmem:s30+$0x0];
	v22 =	vadd.f32 v15, v14;
	v23 =	vadd.f32 v21, v16  }
0x37: {  	v24 =	vadd.f32 v24, v6;
	v33 =	vbroadcast v33, $0xF;
	v18 =	vadd.f32 v18, v6  }
0x38: {  	v28 =	vld [tilespmem:s30+$0x10];
	v20 =	vadd.f32 v20, v19;
	v23 =	vadd.f32 v23, v22  }
0x39: {  	v30 =	vadd.f32 v11, v19;
	v4 =	vadd.f32 v33, v4  }
0x3a: {  	v29 =	vld [tilespmem:s30+$0x20];
	v17 =	vbroadcast v17, $0xF;
	v31 =	vadd.f32 v18, v9;
	v23 =	vadd.f32 v23, v20  }
0x3b: {  	v32 =	vld [tilespmem:s30+$0x30];
	(xrf2) =	vadd.scan.msk.f32 $0xffff, v26;
	v19 =	vadd.f32 v19, v18;
	v30 =	vadd.f32 v30, v18  }
0x3c: {  	v55 =	vld [tilespmem:s30+$0x40];
	v17 =	vadd.f32 v17, v0;
	v23 =	vadd.f32 v23, v18  }
0x3d: {  	v56 =	vld [tilespmem:s30+$0x50];
	[tilespmem:s29+$0x0] =	vst v13;
	(xrf2) =	vadd.scan.msk.f32 $0xffff, v28;
	v25 =	vadd.f32 v16, v22;
	v27 =	vadd.f32 v20, v14  }
0x3e: {  	v57 =	vld [tilespmem:s30+$0x60];
	[tilespmem:s29+$0x10] =	vst v8;
	v31 =	vbroadcast v31, $0xF;
	v22 =	vadd.f32 v22, v20;
	(v2sf) =	vpush v23, $0xF  }
0x3f: {  	v58 =	vld [tilespmem:s30+$0x70];
	(xrf2) =	vadd.scan.msk.f32 $0xffff, v29;
	v19 =	vbroadcast v19, $0xF;
	v25 =	vadd.f32 v25, v20;
	v20 =	vadd.f32 v20, v18  }
0x40: {  	v59 =	vld [tilespmem:s30+$0x100];
	(xrf2) =	vadd.scan.msk.f32 $0xffff, v32;
	v63 =	vadd.f32 s31, v4;
	v30 =	vbroadcast v30, $0xF;
	v27 =	vadd.f32 v27, v18  }
0x41: {  	v60 =	vld [tilespmem:s30+$0x110];
	(xrf2) =	vadd.scan.msk.f32 $0xffff, v55;
	v10 =	vadd.f32 v31, v10;
	v11 =	vadd.f32 v19, v11;
	v20 =	vbroadcast v20, $0xF  }
0x42: {  	v13 =	vld [tilespmem:s30+$0x120];
	(xrf2) =	vadd.scan.msk.f32 $0xffff, v56;
	v19 =	vbroadcast v24, $0xF;
	v22 =	vadd.f32 v22, v18;
	v25 =	vadd.f32 v25, v18  }
0x43: {  	(xrf2) =	vadd.scan.msk.f32 $0xffff, v57;
	v18 =	vbroadcast v18, $0xF;
	v14 =	vadd.f32 v20, v14;
	v20 =	vbroadcast v34, $0xF  }
0x44: {  	v0 =	vbroadcast v5, $0xF;
	(xrf2) =	vadd.scan.msk.f32 $0xffff, v58;
	v12 =	vadd.f32 v30, v12;
	v5 =	vadd.f32 v19, v7  }
0x45: {  	(xrf2) =	vadd.scan.msk.f32 $0xffff, v59;
	v7, _, _ =	vpop (xrf2);
	v19 =	vadd.f32 v20, v2;
	v2 =	vbroadcast v6, $0xF;
	v6 =	vadd.f32 v18, v9;
	v18 =	vld [tilespmem:s30+$0x130]  }
0x46: {  	(xrf2) =	vadd.scan.msk.f32 $0xffff, v60;
	v27 =	vbroadcast v27, $0xF;
	v9 =	vadd.f32 s31, v10;
	v10 =	vbroadcast v7, $0xF  }
0x47: {  	v11 =	vadd.f32 s31, v11;
	(xrf2) =	vadd.scan.msk.f32 $0xffff, v13;
	v8, _, _ =	vpop (xrf2);
	v22 =	vbroadcast v22, $0xF;
	v61 =	vadd.f32 v2, v3  }
0x48: {  	v25 =	vbroadcast v25, $0xF;
	v3 =	vadd.f32 s31, v12;
	[tilespmem:s29+$0x110] =	vst v9;
	v9 =	vadd.f32 v10, v8;
	v10 =	vld [tilespmem:s30+$0x140]  }
0x49: {  	v15 =	vadd.f32 v27, v15;
	v20 =	vadd.f32 v0, v1;
	v0, _, _ =	vpop (xrf2)  }
0x4a: {  	[tilespmem:s29+$0x50] =	vst v63;
	v16 =	vadd.f32 v22, v16;
	v21 =	vadd.f32 v25, v21;
	v1, _, _ =	vpop (xrf2);
	(xrf2) =	vadd.scan.msk.f32 $0xffff, v18  }
0x4b: {  	v62 =	vld [tilespmem:s30+$0x150];
	v17 =	vadd.f32 s31, v17;
	[tilespmem:s29+$0x120] =	vst v11;
	v11 =	vadd.f32 s31, v15;
	v2, _, _ =	vpop (xrf2)  }
0x4c: {  	v15 =	vadd.f32 s31, v16;
	v21 =	vadd.f32 s31, v21;
	[tilespmem:s29+$0x130] =	vst v3;
	v3, _, _ =	vpop (xrf2)  }
0x4d: {  	v16 =	vadd.f32 s31, v5;
	[tilespmem:s29+$0x150] =	vst v11;
	v12 =	vadd.f32 s31, v14;
	v4, _, _ =	vpop (xrf2);
	(xrf2) =	vadd.scan.msk.f32 $0xffff, v10;
	s21 =	spop (v2sf)  }
0x4e: {  	v14 =	vadd.f32 s31, v6;
	v13 =	vadd.f32 s31, v19;
	[tilespmem:s29+$0x160] =	vst v15;
	v18 =	vld [tilespmem:s30+$0x160];
	v5, _, _ =	vpop (xrf2);
	s9 =	sadd.f32 s21, s31  }
0x4f: {  	s19 =	simm.s32 $0x1000;
	v15 =	vadd.f32 s31, v20;
	[tilespmem:s29+$0x140] =	vst v12;
	v12 =	vadd.f32 s31, v61;
	v6, _, _ =	vpop (xrf2)  }
0x50: {  	s1 =	simm.s32 $0x200;
	s6 =	simm.s32 $0x0;
	[tilespmem:s29+$0x170] =	vst v21;
	(xrf2) =	vadd.scan.msk.f32 $0xffff, v62;
	v10 =	vadd.f32 s9, v9;
	v9, _, _ =	vpop (xrf2);
	v11 =	vadd.f32 s9, v7;
	s0 =	smov.u32 s9  }
.LBB2_3:
0x51: {  	p1 =	sne.s32 s19, $0xF800;
	v19 =	vld [tilespmem:s1+$0x170];
	v20, _, _ =	vpop (xrf2);
	[tilespmem:s6+$0x60] =	vst v17  }
0x52: {  	[tilespmem:s6+$0x70] =	vst v16  }
0x53: {  	s20 =	sshra.s32 s19, $0x2;
	(xrf2) =	vadd.scan.msk.f32 $0xffff, v18;
	[tilespmem:s6+$0x100] =	vst v14  }
0x54: {  	v14 =	vld [tilespmem:s20+$0x0];
	v16, _, _ =	vpop (xrf2);
	[tilespmem:s6+$0x30] =	vst v13  }
0x55: {  	[tilespmem:s6+$0x40] =	vst v12  }
0x56: {  	(xrf2) =	vadd.scan.msk.f32 $0xffff, v19;
	[tilespmem:s6+$0x20] =	vst v15;
	s6 =	smov.u32 s1;
	s1 =	smov.u32 s20  }
0x57: {  	v12 =	vld [tilespmem:s1+$0x10];
	[tilespmem:s6+$0x10] =	vst v10;
	v10, _, _ =	vpop (xrf2)  }
0x58: {  	[tilespmem:s6+$0x0] =	vst v11  }
0x59: {  	(xrf2) =	vadd.scan.msk.f32 $0xffff, v14  }
0x5a: {  	v11 =	vld [tilespmem:s1+$0x20];
	v13, _, _ =	vpop (xrf2);
	_ =	sdelay $0x1  }
0x5b: {  	(xrf2) =	vadd.scan.msk.f32 $0xffff, v12  }
0x5c: {  	v12 =	vld [tilespmem:s1+$0x30];
	v14, _, _ =	vpop (xrf2)  }
0x5d: {  	v15 =	vadd.f32 v8, v7;
	v7 =	vadd.f32 v1, v0  }
0x5e: {  	v8 =	vadd.f32 v5, v4;
	(xrf2) =	vadd.scan.msk.f32 $0xffff, v11;
	v11 =	vadd.f32 v3, v2  }
0x5f: {  	v18 =	vadd.f32 v9, v6;
	v19 =	vadd.f32 v16, v20;
	v21 =	vbroadcast v15, $0xF;
	v17 =	vld [tilespmem:s1+$0x40];
	v22, _, _ =	vpop (xrf2)  }
0x60: {  	v23 =	vadd.f32 v13, v10;
	v24 =	vadd.f32 v22, v14  }
0x61: {  	v8 =	vadd.f32 v8, v11;
	(xrf2) =	vadd.scan.msk.f32 $0xffff, v12;
	v12 =	vadd.f32 v7, v15  }
0x62: {  	v19 =	vadd.f32 v19, v18;
	v25 =	vld [tilespmem:s1+$0x50];
	v7, _, _ =	vpop (xrf2);
	v24 =	vadd.f32 v24, v23  }
0x63: {  	v27 =	vadd.f32 v14, v23;
	v26 =	vadd.f32 v4, v11;
	v28 =	vbroadcast v12, $0xF  }
0x64: {  	v29 =	vbroadcast v7, $0xF;
	(xrf2) =	vadd.scan.msk.f32 $0xffff, v17;
	v17 =	vadd.f32 v8, v12;
	v24 =	vadd.f32 v24, v19  }
0x65: {  	v31 =	vadd.f32 v19, v10;
	v23 =	vadd.f32 v23, v19;
	v30 =	vld [tilespmem:s1+$0x60];
	v8, _, _ =	vpop (xrf2)  }
0x66: {  	v27 =	vadd.f32 v27, v19;
	v24 =	vadd.f32 v24, v17;
	v32 =	vbroadcast v17, $0xF  }
0x67: {  	v33 =	vadd.f32 v17, v6;
	(xrf2) =	vadd.scan.msk.f32 $0xffff, v25;
	v25 =	vadd.f32 v20, v18  }
0x68: {  	v18 =	vadd.f32 v18, v17;
	v34 =	vld [tilespmem:s1+$0x70];
	v35, _, _ =	vpop (xrf2);
	(v2sf) =	vpush v24, $0xF  }
0x69: {  	v19 =	vadd.f32 v19, v17;
	v24 =	vadd.f32 v25, v17;
	v25 =	vbroadcast v33, $0xF  }
0x6a: {  	v23 =	vadd.f32 v23, v17;
	v18 =	vbroadcast v18, $0xF;
	(xrf2) =	vadd.scan.msk.f32 $0xffff, v30;
	v30 =	vadd.f32 v31, v17  }
0x6b: {  	v36 =	vadd.f32 v12, v2;
	v17 =	vadd.f32 v27, v17;
	v31 =	vld [tilespmem:s1+$0x100];
	v33, _, _ =	vpop (xrf2);
	v24 =	vbroadcast v24, $0xF  }
0x6c: {  	v11 =	vadd.f32 v11, v12;
	v12 =	vadd.f32 v26, v12;
	v19 =	vbroadcast v19, $0xF  }
0x6d: {  	v15 =	vadd.f32 v0, v15;
	v23 =	vbroadcast v23, $0xF;
	v26 =	vbroadcast v30, $0xF;
	(xrf2) =	vadd.scan.msk.f32 $0xffff, v34  }
0x6e: {  	v9 =	vadd.f32 v25, v9;
	v17 =	vbroadcast v17, $0xF;
	v34 =	vbroadcast v36, $0xF;
	v27 =	vld [tilespmem:s1+$0x110];
	v30, _, _ =	vpop (xrf2)  }
0x6f: {  	v11 =	vbroadcast v11, $0xF;
	v12 =	vbroadcast v12, $0xF;
	v18 =	vadd.f32 v18, v20  }
0x70: {  	v15 =	vbroadcast v15, $0xF;
	v10 =	vadd.f32 v19, v10;
	v16 =	vadd.f32 v24, v16;
	(xrf2) =	vadd.scan.msk.f32 $0xffff, v31  }
0x71: {  	v14 =	vadd.f32 v23, v14;
	v13 =	vadd.f32 v26, v13;
	v19 =	vld [tilespmem:s1+$0x120];
	v20, _, _ =	vpop (xrf2)  }
0x72: {  	v17 =	vadd.f32 v17, v22;
	v23 =	vadd.f32 v34, v3;
	v3 =	vmov v20  }
0x73: {  	v11 =	vadd.f32 v11, v4;
	v12 =	vadd.f32 v12, v5;
	(xrf2) =	vadd.scan.msk.f32 $0xffff, v27  }
0x74: {  	v15 =	vadd.f32 v15, v1;
	v1 =	vmov v33;
	v22 =	vadd.f32 v32, v6;
	v20 =	vld [tilespmem:s1+$0x130];
	v4, _, _ =	vpop (xrf2)  }
0x75: {  	v21 =	vadd.f32 v21, v0;
	v0 =	vmovc v35;
	v24 =	vadd.f32 v28, v2;
	v2 =	vmov v30  }
0x76: {  	v25 =	vadd.f32 v29, v8;
	v6 =	vadd.f32 s9, v9;
	(xrf2) =	vadd.scan.msk.f32 $0xffff, v19  }
0x77: {  	v18 =	vadd.f32 s9, v18;
	v16 =	vadd.f32 s9, v16;
	v9 =	vld [tilespmem:s1+$0x140];
	v5, _, _ =	vpop (xrf2);
	s20 =	spop (v2sf)  }
0x78: {  	v10 =	vadd.f32 s0, v10;
	v19 =	vadd.f32 s0, v13;
	[tilespmem:s6+$0x110] =	vst v6;
	s9 =	sadd.f32 s20, s9  }
0x79: {  	v26 =	vadd.f32 s0, v17;
	(xrf2) =	vadd.scan.msk.f32 $0xffff, v20;
	[tilespmem:s6+$0x120] =	vst v18;
	v20 =	vadd.f32 s0, v14  }
0x7a: {  	v17 =	vadd.f32 s0, v11;
	v23 =	vadd.f32 s0, v23;
	v27 =	vld [tilespmem:s1+$0x150];
	v6, _, _ =	vpop (xrf2);
	[tilespmem:s6+$0x130] =	vst v16  }
.Ltmp0:
0x7b: {  	v14 =	vadd.f32 s0, v22;
	v16 =	vadd.f32 s0, v12;
	[tilespmem:s6+$0x140] =	vst v10;
	(pc) =	sbr.rel @p1 .LBB2_3-.Ltmp0, $4  }
0x7c: {  	v13 =	vadd.f32 s0, v15;
	v12 =	vadd.f32 s0, v24;
	(xrf2) =	vadd.scan.msk.f32 $0xffff, v9;
	[tilespmem:s6+$0x150] =	vst v19  }
0x7d: {  	v15 =	vadd.f32 s0, v21;
	s0 =	smov.u32 s9;
	v10 =	vadd.f32 s9, v25;
	v18 =	vld [tilespmem:s1+$0x160];
	v9, _, _ =	vpop (xrf2);
	[tilespmem:s6+$0x160] =	vst v20  }
0x7e: {  	v11 =	vadd.f32 s9, v7;
	[tilespmem:s6+$0x170] =	vst v26  }
0x7f: {  	s19 =	sadd.s32 $0x800, s19;
	(xrf2) =	vadd.scan.msk.f32 $0xffff, v27;
	[tilespmem:s6+$0x50] =	vst v23  }
0x80: {  	v7 =	vadd.f32 v8, v7;
	v8 =	vadd.f32 v1, v0  }
0x81: {  	v21 =	vadd.f32 v3, v2;
	v22 =	vadd.f32 v5, v4  }
0x82: {  	v24 =	vadd.f32 v9, v6  }
0x83: {  	(xrf2) =	vadd.scan.msk.f32 $0xffff, v18;
	v18, _, _ =	vpop (xrf2);
	v8 =	vadd.f32 v8, v7;
	v22 =	vadd.f32 v22, v21  }
0x84: {  	[tilespmem:s6+$0x20] =	vst v15;
	v29 =	vadd.f32 v4, v21;
	v15 =	vadd.f32 v0, v7;
	v19, _, _ =	vpop (xrf2)  }
0x85: {  	v33 =	vadd.f32 v18, v24;
	v25 =	vadd.f32 v19, v18  }
0x86: {  	v7 =	vbroadcast v7, $0xF;
	v22 =	vadd.f32 v22, v8;
	v40 =	vadd.f32 v8, v2  }
0x87: {  	v21 =	vadd.f32 v21, v8;
	v41 =	vadd.f32 v29, v8  }
0x88: {  	v8 =	vbroadcast v8, $0xF;
	v0 =	vadd.f32 v7, v0;
	v25 =	vadd.f32 v25, v24  }
0x89: {  	[tilespmem:s6+$0x60] =	vst v17;
	v37 =	vadd.f32 v22, v6;
	v17 =	vadd.f32 v24, v22  }
0x8a: {  	[tilespmem:s6+$0x70] =	vst v16;
	v20, _, _ =	vpop (xrf2);
	v38 =	vadd.f32 v33, v22;
	v2 =	vadd.f32 v8, v2  }
0x8b: {  	v26 =	vld [tilespmem:s1+$0x170];
	[tilespmem:s6+$0x100] =	vst v14;
	v0 =	vadd.f32 s0, v0;
	v31 =	vadd.f32 v25, v20  }
0x8c: {  	[tilespmem:s6+$0x30] =	vst v13;
	v16 =	vadd.f32 v25, v22;
	v14 =	vbroadcast v37, $0xF;
	v13 =	vbroadcast v17, $0xF;
	v23, _, _ =	vpop (xrf2)  }
0x8d: {  	[tilespmem:s6+$0x40] =	vst v12;
	v12 =	vbroadcast v38, $0xF;
	v2 =	vadd.f32 s0, v2;
	v27 =	vadd.f32 v23, v20  }
0x8e: {  	v31 =	vadd.f32 v31, v22;
	v9 =	vadd.f32 v14, v9  }
0x8f: {  	v14 =	vbroadcast v16, $0xF;
	v13 =	vadd.f32 v13, v18;
	v12 =	vadd.f32 v12, v19  }
0x90: {  	(xrf2) =	vadd.scan.msk.f32 $0xffff, v26;
	v32 =	vadd.f32 v27, v25;
	v9 =	vadd.f32 s9, v9  }
0x91: {  	[tilespmem:s1+$0x10] =	vst v10;
	v28, _, _ =	vpop (xrf2);
	v10 =	vbroadcast v31, $0xF;
	v14 =	vadd.f32 v14, v20;
	v13 =	vadd.f32 s9, v13  }
0x92: {  	[tilespmem:s1+$0x0] =	vst v11;
	v12 =	vadd.f32 s9, v12;
	v30 =	vadd.f32 v28, v27  }
0x93: {  	[tilespmem:s1+$0x20] =	vst v0;
	v39 =	vadd.f32 v32, v22;
	v10 =	vadd.f32 v10, v23  }
0x94: {  	v14 =	vadd.f32 s0, v14;
	[tilespmem:s1+$0x120] =	vst v13;
	v13 =	vbroadcast v21, $0xF;
	v36 =	vadd.f32 v30, v25  }
0x95: {  	[tilespmem:s1+$0x130] =	vst v12;
	v12 =	vbroadcast v41, $0xF;
	v11 =	vbroadcast v39, $0xF;
	v10 =	vadd.f32 s0, v10  }
0x96: {  	[tilespmem:s1+$0x40] =	vst v2;
	v4 =	vadd.f32 v13, v4;
	v17 =	vadd.f32 v36, v22  }
0x97: {  	v5 =	vadd.f32 v12, v5;
	v11 =	vadd.f32 v11, v28;
	[tilespmem:s1+$0x150] =	vst v10;
	v10 =	vbroadcast v15, $0xF  }
0x98: {  	[tilespmem:s1+$0x110] =	vst v9;
	v4 =	vadd.f32 s0, v4;
	v16 =	vbroadcast v17, $0xF;
	v17 =	vbroadcast v40, $0xF  }
0x99: {  	[tilespmem:s1+$0x140] =	vst v14;
	v5 =	vadd.f32 s0, v5;
	v1 =	vadd.f32 v10, v1  }
0x9a: {  	v9, _, _ =	vpop (xrf2);
	v14 =	vbroadcast v22, $0xF;
	v11 =	vadd.f32 s0, v11;
	[tilespmem:s1+$0x60] =	vst v4;
	v3 =	vadd.f32 v17, v3  }
0x9b: {  	[tilespmem:s1+$0x70] =	vst v5;
	v16 =	vadd.f32 v16, v9;
	v1 =	vadd.f32 s0, v1  }
0x9c: {  	v6 =	vadd.f32 v14, v6;
	[tilespmem:s1+$0x160] =	vst v11;
	v3 =	vadd.f32 s0, v3  }
0x9d: {  	v13 =	vadd.f32 s0, v16;
	[tilespmem:s1+$0x30] =	vst v1  }
0x9e: {  	[tilespmem:s1+$0x50] =	vst v3;
	v3 =	vadd.f32 s0, v6  }
0x9f: {  	[tilespmem:s1+$0x170] =	vst v13  }
0xa0: {  	[tilespmem:s1+$0x100] =	vst v3  }
0xa1: {  	v0 =	vld [tilespmem:s29+$0x80]  }
0xa2: {  	v1 =	vld [tilespmem:s29+$0x90]  }
0xa3: {  	v2 =	vld [tilespmem:s29+$0xA0]  }
0xa4: {  	v3 =	vld [tilespmem:s29+$0xB0]  }
0xa5: {  	v4 =	vld [tilespmem:s29+$0xC0]  }
0xa6: {  	(xrf2) =	vadd.scan.msk.f32 $0xffff, v0;
	v0 =	vld [tilespmem:s29+$0xD0]  }
0xa7: {  	(xrf2) =	vadd.scan.msk.f32 $0xffff, v1;
	v1 =	vld [tilespmem:s29+$0xE0]  }
0xa8: {  	(xrf2) =	vadd.scan.msk.f32 $0xffff, v2;
	v2 =	vld [tilespmem:s29+$0xF0]  }
0xa9: {  	(xrf2) =	vadd.scan.msk.f32 $0xffff, v3;
	v3 =	vld [tilespmem:s29+$0x180]  }
0xaa: {  	(xrf2) =	vadd.scan.msk.f32 $0xffff, v4;
	v4 =	vld [tilespmem:s29+$0x190]  }
0xab: {  	(xrf2) =	vadd.scan.msk.f32 $0xffff, v0;
	v0 =	vld [tilespmem:s29+$0x1A0]  }
0xac: {  	(xrf2) =	vadd.scan.msk.f32 $0xffff, v1;
	v1 =	vld [tilespmem:s29+$0x1B0]  }
0xad: {  	(xrf2) =	vadd.scan.msk.f32 $0xffff, v2;
	v2 =	vld [tilespmem:s29+$0x1C0]  }
0xae: {  	(xrf2) =	vadd.scan.msk.f32 $0xffff, v3  }
0xaf: {  	v3 =	vld [tilespmem:s29+$0x1D0];
	(xrf2) =	vadd.scan.msk.f32 $0xffff, v4  }
0xb0: {  	v4 =	vld [tilespmem:s29+$0x1E0];
	v5, _, _ =	vpop (xrf2);
	(xrf2) =	vadd.scan.msk.f32 $0xffff, v0  }
0xb1: {  	v0 =	vld [tilespmem:s29+$0x1F0];
	v6, _, _ =	vpop (xrf2);
	(xrf2) =	vadd.scan.msk.f32 $0xffff, v1  }
0xb2: {  	v1, _, _ =	vpop (xrf2);
	(xrf2) =	vadd.scan.msk.f32 $0xffff, v2;
	v2 =	vadd.f32 v9, v28;
	_ =	sdelay $0x1  }
0xb3: {  	v7, _, _ =	vpop (xrf2);
	(xrf2) =	vadd.scan.msk.f32 $0xffff, v3;
	v2 =	vadd.f32 v2, v27  }
0xb4: {  	v3, _, _ =	vpop (xrf2);
	(xrf2) =	vadd.scan.msk.f32 $0xffff, v4  }
0xb5: {  	v4, _, _ =	vpop (xrf2);
	(xrf2) =	vadd.scan.msk.f32 $0xffff, v0;
	v2 =	vadd.f32 v2, v25  }
0xb6: {  	v13 =	vadd.f32 s31, v5;
	v9 =	vbroadcast v5, $0xF;
	v0, _, _ =	vpop (xrf2)  }
0xb7: {  	v5 =	vadd.f32 v6, v5;
	v8, _, _ =	vpop (xrf2);
	v2 =	vadd.f32 v2, v22  }
0xb8: {  	v9 =	vadd.f32 v9, v6;
	v10, _, _ =	vpop (xrf2)  }
0xb9: {  	v6 =	vadd.f32 v7, v1;
	v34 =	vadd.f32 v1, v5;
	v11, _, _ =	vpop (xrf2)  }
0xba: {  	v9 =	vadd.f32 s31, v9;
	v17 =	vadd.f32 v4, v3;
	v12, _, _ =	vpop (xrf2)  }
0xbb: {  	v6 =	vadd.f32 v6, v5;
	(v2sf) =	vpush v2, $0xF;
	v2, _, _ =	vpop (xrf2)  }
0xbc: {  	v18 =	vadd.f32 v8, v0;
	v45 =	vadd.f32 v0, v17;
	v14, _, _ =	vpop (xrf2)  }
0xbd: {  	v57 =	vadd.f32 v6, v3;
	v19 =	vadd.f32 v11, v10;
	v15, _, _ =	vpop (xrf2)  }
0xbe: {  	v18 =	vadd.f32 v18, v17;
	v17 =	vadd.f32 v17, v6;
	v16, _, _ =	vpop (xrf2)  }
0xbf: {  	v24 =	vadd.f32 v45, v6;
	v20 =	vadd.f32 v2, v12;
	v42, _, _ =	vpop (xrf2)  }
0xc0: {  	v47 =	vld [tilespmem:s30+$0x80];
	v43 =	vadd.f32 v15, v14;
	v44 =	vadd.f32 v42, v16  }
0xc1: {  	v33 =	vbroadcast v57, $0xF;
	v18 =	vadd.f32 v18, v6;
	v51 =	vadd.f32 v12, v19  }
0xc2: {  	v49 =	vld [tilespmem:s30+$0x90];
	v17 =	vbroadcast v17, $0xF;
	v20 =	vadd.f32 v20, v19;
	v23 =	vadd.f32 v44, v43  }
0xc3: {  	v4 =	vadd.f32 v33, v4;
	v6 =	vbroadcast v6, $0xF;
	v52 =	vadd.f32 v18, v10  }
0xc4: {  	v50 =	vld [tilespmem:s30+$0xA0];
	v30 =	vadd.f32 v51, v18;
	v23 =	vadd.f32 v23, v20  }
0xc5: {  	v53 =	vld [tilespmem:s30+$0xB0];
	(xrf2) =	vadd.scan.msk.f32 $0xffff, v47;
	v17 =	vadd.f32 v17, v0;
	v61 =	vadd.f32 v6, v3  }
0xc6: {  	v54 =	vld [tilespmem:s30+$0xC0];
	v19 =	vadd.f32 v19, v18;
	v23 =	vadd.f32 v23, v18  }
0xc7: {  	v55 =	vld [tilespmem:s30+$0xD0];
	(xrf2) =	vadd.scan.msk.f32 $0xffff, v49;
	v46 =	vadd.f32 v16, v43;
	v48 =	vadd.f32 v20, v14  }
0xc8: {  	v56 =	vld [tilespmem:s30+$0xE0];
	v31 =	vbroadcast v52, $0xF;
	v22 =	vadd.f32 v43, v20;
	(v2sf) =	vpush v23, $0xF  }
0xc9: {  	v58 =	vld [tilespmem:s30+$0xF0];
	[tilespmem:s29+$0x80] =	vst v13;
	(xrf2) =	vadd.scan.msk.f32 $0xffff, v50;
	v25 =	vadd.f32 v46, v20;
	v20 =	vadd.f32 v20, v18  }
0xca: {  	v59 =	vld [tilespmem:s30+$0x180];
	(xrf2) =	vadd.scan.msk.f32 $0xffff, v53;
	v30 =	vbroadcast v30, $0xF;
	v19 =	vbroadcast v19, $0xF;
	v11 =	vadd.f32 v31, v11  }
0xcb: {  	v60 =	vld [tilespmem:s30+$0x190];
	(xrf2) =	vadd.scan.msk.f32 $0xffff, v54;
	v27 =	vadd.f32 v48, v18;
	v22 =	vadd.f32 v22, v18;
	v20 =	vbroadcast v20, $0xF  }
0xcc: {  	v13 =	vld [tilespmem:s30+$0x1A0];
	(xrf2) =	vadd.scan.msk.f32 $0xffff, v55;
	v12 =	vadd.f32 v19, v12;
	v19 =	vbroadcast v24, $0xF;
	v25 =	vadd.f32 v25, v18  }
0xcd: {  	(xrf2) =	vadd.scan.msk.f32 $0xffff, v56;
	v18 =	vbroadcast v18, $0xF;
	v14 =	vadd.f32 v20, v14;
	v20 =	vbroadcast v34, $0xF  }
0xce: {  	v0 =	vbroadcast v5, $0xF;
	v2 =	vadd.f32 v30, v2;
	(xrf2) =	vadd.scan.msk.f32 $0xffff, v58;
	v5 =	vadd.f32 v19, v8  }
0xcf: {  	[tilespmem:s29+$0x90] =	vst v9;
	(xrf2) =	vadd.scan.msk.f32 $0xffff, v59;
	v9 =	vadd.f32 v18, v10;
	v18 =	vld [tilespmem:s30+$0x1B0];
	v19 =	vadd.f32 v20, v7;
	v7, _, _ =	vpop (xrf2)  }
0xd0: {  	v63 =	vadd.f32 s31, v4;
	(xrf2) =	vadd.scan.msk.f32 $0xffff, v60;
	v10 =	vadd.f32 s31, v11;
	v11 =	vbroadcast v7, $0xF  }
0xd1: {  	v3 =	vadd.f32 s31, v2;
	v27 =	vbroadcast v27, $0xF;
	v22 =	vbroadcast v22, $0xF;
	(xrf2) =	vadd.scan.msk.f32 $0xffff, v13;
	v8, _, _ =	vpop (xrf2)  }
0xd2: {  	v12 =	vadd.f32 s31, v12;
	v25 =	vbroadcast v25, $0xF;
	[tilespmem:s29+$0x190] =	vst v10;
	v10 =	vadd.f32 v11, v8;
	v11 =	vld [tilespmem:s30+$0x1C0]  }
0xd3: {  	v15 =	vadd.f32 v27, v15;
	v20 =	vadd.f32 v0, v1;
	v0, _, _ =	vpop (xrf2)  }
0xd4: {  	[tilespmem:s29+$0xD0] =	vst v63;
	v16 =	vadd.f32 v22, v16;
	v21 =	vadd.f32 v25, v42;
	v1, _, _ =	vpop (xrf2);
	(xrf2) =	vadd.scan.msk.f32 $0xffff, v18  }
0xd5: {  	v62 =	vld [tilespmem:s30+$0x1D0];
	[tilespmem:s29+$0x1A0] =	vst v12;
	v12 =	vadd.f32 s31, v15;
	v6 =	vadd.f32 s31, v14;
	v2, _, _ =	vpop (xrf2)  }
0xd6: {  	v17 =	vadd.f32 s31, v17;
	[tilespmem:s29+$0x1B0] =	vst v3;
	s21 =	spop (v2sf);
	v15 =	vadd.f32 s31, v16;
	v3, _, _ =	vpop (xrf2)  }
0xd7: {  	v16 =	vadd.f32 s31, v5;
	v21 =	vadd.f32 s31, v21;
	[tilespmem:s29+$0x1D0] =	vst v12;
	v4, _, _ =	vpop (xrf2);
	(xrf2) =	vadd.scan.msk.f32 $0xffff, v11;
	s0 =	spop (v2sf)  }
0xd8: {  	v14 =	vadd.f32 s31, v9;
	[tilespmem:s29+$0x1E0] =	vst v15;
	v12 =	vadd.f32 s31, v61;
	v18 =	vld [tilespmem:s30+$0x1E0];
	v5, _, _ =	vpop (xrf2);
	s1 =	sadd.f32 s0, s31  }
0xd9: {  	[tilespmem:s29+$0x1C0] =	vst v6;
	v13 =	vadd.f32 s31, v19;
	v15 =	vadd.f32 s31, v20;
	v6, _, _ =	vpop (xrf2)  }
0xda: {  	s6 =	simm.s32 $0x1000;
	[tilespmem:s29+$0x1F0] =	vst v21;
	v9, _, _ =	vpop (xrf2);
	(xrf2) =	vadd.scan.msk.f32 $0xffff, v62;
	v10 =	vadd.f32 s1, v10;
	v11 =	vadd.f32 s1, v7;
	s0 =	smov.u32 s1  }
.LBB2_5:
0xdb: {  	p1 =	sne.s32 s6, $0xF800;
	v19 =	vld [tilespmem:s30+$0x1F0];
	v20, _, _ =	vpop (xrf2);
	[tilespmem:s29+$0xE0] =	vst v17  }
0xdc: {  	[tilespmem:s29+$0xF0] =	vst v16  }
0xdd: {  	s9 =	sshra.s32 s6, $0x2;
	(xrf2) =	vadd.scan.msk.f32 $0xffff, v18;
	[tilespmem:s29+$0x180] =	vst v14  }
0xde: {  	v14 =	vld [tilespmem:s9+$0x80];
	v16, _, _ =	vpop (xrf2);
	[tilespmem:s29+$0xB0] =	vst v13  }
0xdf: {  	[tilespmem:s29+$0xC0] =	vst v12  }
0xe0: {  	(xrf2) =	vadd.scan.msk.f32 $0xffff, v19;
	[tilespmem:s29+$0xA0] =	vst v15;
	s29 =	smov.u32 s30;
	s30 =	smov.u32 s9  }
0xe1: {  	v12 =	vld [tilespmem:s30+$0x90];
	[tilespmem:s29+$0x90] =	vst v10;
	v10, _, _ =	vpop (xrf2)  }
0xe2: {  	[tilespmem:s29+$0x80] =	vst v11  }
0xe3: {  	(xrf2) =	vadd.scan.msk.f32 $0xffff, v14  }
0xe4: {  	v11 =	vld [tilespmem:s30+$0xA0];
	v13, _, _ =	vpop (xrf2);
	_ =	sdelay $0x1  }
0xe5: {  	(xrf2) =	vadd.scan.msk.f32 $0xffff, v12  }
0xe6: {  	v12 =	vld [tilespmem:s30+$0xB0];
	v14, _, _ =	vpop (xrf2)  }
0xe7: {  	v15 =	vadd.f32 v8, v7;
	v7 =	vadd.f32 v1, v0  }
0xe8: {  	v8 =	vadd.f32 v5, v4;
	(xrf2) =	vadd.scan.msk.f32 $0xffff, v11;
	v11 =	vadd.f32 v3, v2  }
0xe9: {  	v18 =	vadd.f32 v9, v6;
	v19 =	vadd.f32 v16, v20;
	v21 =	vbroadcast v15, $0xF;
	v17 =	vld [tilespmem:s30+$0xC0];
	v22, _, _ =	vpop (xrf2)  }
0xea: {  	v23 =	vadd.f32 v13, v10;
	v24 =	vadd.f32 v22, v14  }
0xeb: {  	v8 =	vadd.f32 v8, v11;
	(xrf2) =	vadd.scan.msk.f32 $0xffff, v12;
	v12 =	vadd.f32 v7, v15  }
0xec: {  	v19 =	vadd.f32 v19, v18;
	v25 =	vld [tilespmem:s30+$0xD0];
	v7, _, _ =	vpop (xrf2);
	v24 =	vadd.f32 v24, v23  }
0xed: {  	v27 =	vadd.f32 v14, v23;
	v26 =	vadd.f32 v4, v11;
	v28 =	vbroadcast v12, $0xF  }
0xee: {  	v29 =	vbroadcast v7, $0xF;
	(xrf2) =	vadd.scan.msk.f32 $0xffff, v17;
	v17 =	vadd.f32 v8, v12;
	v24 =	vadd.f32 v24, v19  }
0xef: {  	v31 =	vadd.f32 v19, v10;
	v23 =	vadd.f32 v23, v19;
	v30 =	vld [tilespmem:s30+$0xE0];
	v8, _, _ =	vpop (xrf2)  }
0xf0: {  	v27 =	vadd.f32 v27, v19;
	v24 =	vadd.f32 v24, v17;
	v32 =	vbroadcast v17, $0xF  }
0xf1: {  	v33 =	vadd.f32 v17, v6;
	(xrf2) =	vadd.scan.msk.f32 $0xffff, v25;
	v25 =	vadd.f32 v20, v18  }
0xf2: {  	v18 =	vadd.f32 v18, v17;
	v34 =	vld [tilespmem:s30+$0xF0];
	v35, _, _ =	vpop (xrf2);
	(v2sf) =	vpush v24, $0xF  }
0xf3: {  	v19 =	vadd.f32 v19, v17;
	v24 =	vadd.f32 v25, v17;
	v25 =	vbroadcast v33, $0xF  }
0xf4: {  	v23 =	vadd.f32 v23, v17;
	v18 =	vbroadcast v18, $0xF;
	(xrf2) =	vadd.scan.msk.f32 $0xffff, v30;
	v30 =	vadd.f32 v31, v17  }
0xf5: {  	v36 =	vadd.f32 v12, v2;
	v17 =	vadd.f32 v27, v17;
	v31 =	vld [tilespmem:s30+$0x180];
	v33, _, _ =	vpop (xrf2);
	v24 =	vbroadcast v24, $0xF  }
0xf6: {  	v11 =	vadd.f32 v11, v12;
	v12 =	vadd.f32 v26, v12;
	v19 =	vbroadcast v19, $0xF  }
0xf7: {  	v15 =	vadd.f32 v0, v15;
	v23 =	vbroadcast v23, $0xF;
	v26 =	vbroadcast v30, $0xF;
	(xrf2) =	vadd.scan.msk.f32 $0xffff, v34  }
0xf8: {  	v9 =	vadd.f32 v25, v9;
	v17 =	vbroadcast v17, $0xF;
	v34 =	vbroadcast v36, $0xF;
	v27 =	vld [tilespmem:s30+$0x190];
	v30, _, _ =	vpop (xrf2)  }
0xf9: {  	v11 =	vbroadcast v11, $0xF;
	v12 =	vbroadcast v12, $0xF;
	v18 =	vadd.f32 v18, v20  }
0xfa: {  	v15 =	vbroadcast v15, $0xF;
	v10 =	vadd.f32 v19, v10;
	v16 =	vadd.f32 v24, v16;
	(xrf2) =	vadd.scan.msk.f32 $0xffff, v31  }
0xfb: {  	v14 =	vadd.f32 v23, v14;
	v13 =	vadd.f32 v26, v13;
	v19 =	vld [tilespmem:s30+$0x1A0];
	v20, _, _ =	vpop (xrf2)  }
0xfc: {  	v17 =	vadd.f32 v17, v22;
	v23 =	vadd.f32 v34, v3;
	v3 =	vmov v20  }
0xfd: {  	v11 =	vadd.f32 v11, v4;
	v12 =	vadd.f32 v12, v5;
	(xrf2) =	vadd.scan.msk.f32 $0xffff, v27  }
0xfe: {  	v15 =	vadd.f32 v15, v1;
	v1 =	vmov v33;
	v22 =	vadd.f32 v32, v6;
	v20 =	vld [tilespmem:s30+$0x1B0];
	v4, _, _ =	vpop (xrf2)  }
0xff: {  	v21 =	vadd.f32 v21, v0;
	v0 =	vmovc v35;
	v24 =	vadd.f32 v28, v2;
	v2 =	vmov v30  }
0x100: {  	v25 =	vadd.f32 v29, v8;
	v6 =	vadd.f32 s1, v9;
	(xrf2) =	vadd.scan.msk.f32 $0xffff, v19  }
0x101: {  	v18 =	vadd.f32 s1, v18;
	v16 =	vadd.f32 s1, v16;
	v9 =	vld [tilespmem:s30+$0x1C0];
	v5, _, _ =	vpop (xrf2);
	s9 =	spop (v2sf)  }
0x102: {  	v10 =	vadd.f32 s0, v10;
	v19 =	vadd.f32 s0, v13;
	[tilespmem:s29+$0x190] =	vst v6;
	s1 =	sadd.f32 s9, s1  }
0x103: {  	v26 =	vadd.f32 s0, v17;
	(xrf2) =	vadd.scan.msk.f32 $0xffff, v20;
	[tilespmem:s29+$0x1A0] =	vst v18;
	v20 =	vadd.f32 s0, v14  }
0x104: {  	v17 =	vadd.f32 s0, v11;
	v23 =	vadd.f32 s0, v23;
	v27 =	vld [tilespmem:s30+$0x1D0];
	v6, _, _ =	vpop (xrf2);
	[tilespmem:s29+$0x1B0] =	vst v16  }
.Ltmp1:
0x105: {  	v14 =	vadd.f32 s0, v22;
	v16 =	vadd.f32 s0, v12;
	[tilespmem:s29+$0x1C0] =	vst v10;
	(pc) =	sbr.rel @p1 .LBB2_5-.Ltmp1, $4  }
0x106: {  	v13 =	vadd.f32 s0, v15;
	v12 =	vadd.f32 s0, v24;
	(xrf2) =	vadd.scan.msk.f32 $0xffff, v9;
	[tilespmem:s29+$0x1D0] =	vst v19  }
0x107: {  	v15 =	vadd.f32 s0, v21;
	s0 =	smov.u32 s1;
	v10 =	vadd.f32 s1, v25;
	v18 =	vld [tilespmem:s30+$0x1E0];
	v9, _, _ =	vpop (xrf2);
	[tilespmem:s29+$0x1E0] =	vst v20  }
0x108: {  	v11 =	vadd.f32 s1, v7;
	[tilespmem:s29+$0x1F0] =	vst v26  }
0x109: {  	s6 =	sadd.s32 $0x800, s6;
	(xrf2) =	vadd.scan.msk.f32 $0xffff, v27;
	[tilespmem:s29+$0xD0] =	vst v23  }
0x10a: {  	v19 =	vld [tilespmem:s30+$0x1F0];
	_ =	sdelay $0x3  }
0x10b: {  	v7 =	vadd.f32 v8, v7;
	v21 =	vadd.f32 v1, v0;
	(xrf2) =	vadd.scan.msk.f32 $0xffff, v18  }
0x10c: {  	v22 =	vadd.f32 v3, v2;
	v24 =	vadd.f32 v5, v4;
	(xrf2) =	vadd.scan.msk.f32 $0xffff, v19  }
0x10d: {  	v25 =	vadd.f32 v9, v6  }
0x10e: {  	v21 =	vadd.f32 v21, v7;
	v24 =	vadd.f32 v24, v22  }
0x10f: {  	[tilespmem:s29+$0xA0] =	vst v15;
	v18, _, _ =	vpop (xrf2);
	v30 =	vadd.f32 v4, v22;
	v15 =	vadd.f32 v0, v7  }
0x110: {  	v7 =	vbroadcast v7, $0xF;
	v33 =	vadd.f32 v18, v25;
	v24 =	vadd.f32 v24, v21  }
0x111: {  	v39 =	vadd.f32 v21, v2;
	v22 =	vadd.f32 v22, v21;
	v19, _, _ =	vpop (xrf2)  }
0x112: {  	v0 =	vadd.f32 v7, v0;
	v26 =	vadd.f32 v19, v18  }
0x113: {  	[tilespmem:s29+$0xE0] =	vst v17;
	v20, _, _ =	vpop (xrf2);
	v34 =	vadd.f32 v24, v6;
	v17 =	vadd.f32 v33, v24  }
0x114: {  	v0 =	vadd.f32 s0, v0;
	v26 =	vadd.f32 v26, v25;
	v8, _, _ =	vpop (xrf2)  }
0x115: {  	[tilespmem:s29+$0xC0] =	vst v12;
	v25 =	vadd.f32 v25, v24;
	v12 =	vbroadcast v17, $0xF;
	v17 =	vadd.f32 v30, v21;
	v23, _, _ =	vpop (xrf2)  }
0x116: {  	[tilespmem:s29+$0x180] =	vst v14;
	v14 =	vbroadcast v34, $0xF;
	v28 =	vadd.f32 v8, v20;
	v32 =	vadd.f32 v26, v20;
	v27, _, _ =	vpop (xrf2)  }
0x117: {  	[tilespmem:s29+$0xF0] =	vst v16;
	v16 =	vadd.f32 v26, v24;
	v29 =	vadd.f32 v27, v23  }
0x118: {  	[tilespmem:s29+$0xB0] =	vst v13;
	v13 =	vbroadcast v25, $0xF;
	v9 =	vadd.f32 v14, v9;
	v12 =	vadd.f32 v12, v19  }
0x119: {  	v38 =	vadd.f32 v32, v24;
	v29 =	vadd.f32 v29, v28  }
0x11a: {  	v14 =	vbroadcast v16, $0xF;
	v13 =	vadd.f32 v13, v18;
	v9 =	vadd.f32 s1, v9  }
0x11b: {  	v31 =	vadd.f32 v23, v28;
	v29 =	vadd.f32 v29, v26  }
0x11c: {  	v14 =	vadd.f32 v14, v20;
	v28 =	vadd.f32 v28, v26  }
0x11d: {  	[tilespmem:s30+$0x90] =	vst v10;
	v10 =	vbroadcast v38, $0xF;
	v13 =	vadd.f32 s1, v13;
	v29 =	vadd.f32 v29, v24  }
0x11e: {  	[tilespmem:s30+$0x80] =	vst v11;
	v31 =	vadd.f32 v31, v26;
	v28 =	vadd.f32 v28, v24  }
0x11f: {  	[tilespmem:s30+$0x190] =	vst v9;
	v9 =	vbroadcast v39, $0xF;
	v8 =	vadd.f32 v10, v8;
	(v2sf) =	vpush v29, $0xF  }
0x120: {  	[tilespmem:s30+$0xA0] =	vst v0;
	v10 =	vadd.f32 s1, v12;
	v12 =	vadd.f32 s0, v14;
	v11 =	vbroadcast v28, $0xF  }
0x121: {  	[tilespmem:s30+$0x1A0] =	vst v13;
	v13 =	vbroadcast v22, $0xF;
	v3 =	vadd.f32 v9, v3;
	v40 =	vadd.f32 v31, v24  }
0x122: {  	v8 =	vadd.f32 s0, v8;
	[tilespmem:s30+$0x1B0] =	vst v10;
	v10 =	vbroadcast v17, $0xF;
	v11 =	vadd.f32 v11, v23  }
0x123: {  	[tilespmem:s30+$0x1C0] =	vst v12;
	v4 =	vadd.f32 v13, v4;
	v3 =	vadd.f32 s0, v3;
	v16 =	vbroadcast v40, $0xF  }
0x124: {  	[tilespmem:s30+$0x1D0] =	vst v8;
	v8 =	vbroadcast v15, $0xF;
	v5 =	vadd.f32 v10, v5;
	v9 =	vadd.f32 s0, v11  }
0x125: {  	v4 =	vadd.f32 s0, v4;
	[tilespmem:s30+$0xD0] =	vst v3;
	v14 =	vadd.f32 v16, v27;
	v11 =	vbroadcast v24, $0xF  }
0x126: {  	v1 =	vadd.f32 v8, v1;
	v5 =	vadd.f32 s0, v5;
	[tilespmem:s30+$0x1E0] =	vst v9;
	v9 =	vbroadcast v21, $0xF  }
0x127: {  	[tilespmem:s30+$0xE0] =	vst v4;
	v12 =	vadd.f32 s0, v14;
	v6 =	vadd.f32 v11, v6  }
0x128: {  	v1 =	vadd.f32 s0, v1;
	[tilespmem:s30+$0xF0] =	vst v5;
	v2 =	vadd.f32 v9, v2  }
0x129: {  	[tilespmem:s30+$0x1F0] =	vst v12;
	v3 =	vadd.f32 s0, v6  }
0x12a: {  	s9 =	sadd.s32 s7, s24;
	[tilespmem:s30+$0xB0] =	vst v1;
	v2 =	vadd.f32 s0, v2  }
0x12b: {  	[tilespmem:s30+$0x180] =	vst v3;
	s0 =	sshll.u32 s9, $0xD  }
0x12c: {  	s0 =	sadd.s32 s3, s0;
	[tilespmem:s30+$0xC0] =	vst v2  }
0x12d: {  	[hbm4b:s0+s10] =	stream.strided.scatter [tilespmem:s4], [sflag:$0x5], $0x4000, s11, s10, $0x38;
	[tilespmem:$0x10000] =	vst v63  }
0x12e: {  	s0 =	simm.s32 @!p0 $0x7;
	s19 =	spop (v2sf)  }
0x12f: {  	_ =	swait.ge @!p0 [sflag:s0], $0x4000  }
0x130: {  	s29 =	sor.u32 $0x40, s26;
	[sflag:s0] =	ssyncset.done @!p0 $0x0  }
0x131: {  	s20 =	sadd.s32 s2, s29;
	[sflag:s0] =	ssyncadd.s32 @!p0 $0xFFFFC000  }
0x132: {  	[tilespmem:s14], [sflag:$0x3] =	stream.strided.gather [hbm4b:s20+s10], $0x4000, s11, s10, $0x38;
	[tilespmem:$0x10000] =	vst v63  }
0x133: {  	_ =	swait.ge [sflag:s15], $0x4000  }
0x134: {  	[sflag:s15] =	ssyncset.done $0x0  }
0x135: {  	s30 =	simm.s32 $0x0;
	[sflag:s15] =	ssyncadd.s32 $0xFFFFC000  }
0x136: {  	v0 =	vld [tilespmem:s30+$0x4000]  }
0x137: {  	v1 =	vld [tilespmem:s30+$0x4010]  }
0x138: {  	v2 =	vld [tilespmem:s30+$0x4020]  }
0x139: {  	v3 =	vld [tilespmem:s30+$0x4030]  }
0x13a: {  	v4 =	vld [tilespmem:s30+$0x4040]  }
0x13b: {  	(xrf2) =	vadd.scan.msk.f32 $0xffff, v0;
	v0 =	vld [tilespmem:s30+$0x4050]  }
0x13c: {  	(xrf2) =	vadd.scan.msk.f32 $0xffff, v1;
	v1 =	vld [tilespmem:s30+$0x4060]  }
0x13d: {  	(xrf2) =	vadd.scan.msk.f32 $0xffff, v2;
	v2 =	vld [tilespmem:s30+$0x4070]  }
0x13e: {  	(xrf2) =	vadd.scan.msk.f32 $0xffff, v3;
	v3 =	vld [tilespmem:s30+$0x4100]  }
0x13f: {  	(xrf2) =	vadd.scan.msk.f32 $0xffff, v4;
	v4 =	vld [tilespmem:s30+$0x4110]  }
0x140: {  	(xrf2) =	vadd.scan.msk.f32 $0xffff, v0;
	v0 =	vld [tilespmem:s30+$0x4120]  }
0x141: {  	(xrf2) =	vadd.scan.msk.f32 $0xffff, v1;
	v1 =	vld [tilespmem:s30+$0x4130]  }
0x142: {  	(xrf2) =	vadd.scan.msk.f32 $0xffff, v2;
	v2 =	vld [tilespmem:s30+$0x4140]  }
0x143: {  	(xrf2) =	vadd.scan.msk.f32 $0xffff, v3;
	v3 =	vld [tilespmem:s30+$0x4150]  }
0x144: {  	(xrf2) =	vadd.scan.msk.f32 $0xffff, v4;
	v4 =	vld [tilespmem:s30+$0x4160]  }
0x145: {  	v5, _, _ =	vpop (xrf2);
	(xrf2) =	vadd.scan.msk.f32 $0xffff, v0;
	v0 =	vld [tilespmem:s30+$0x4170]  }
0x146: {  	v6, _, _ =	vpop (xrf2);
	(xrf2) =	vadd.scan.msk.f32 $0xffff, v1  }
0x147: {  	v1, _, _ =	vpop (xrf2);
	(xrf2) =	vadd.scan.msk.f32 $0xffff, v2  }
0x148: {  	v2, _, _ =	vpop (xrf2);
	(xrf2) =	vadd.scan.msk.f32 $0xffff, v3  }
0x149: {  	v3, _, _ =	vpop (xrf2);
	(xrf2) =	vadd.scan.msk.f32 $0xffff, v4  }
0x14a: {  	v4, _, _ =	vpop (xrf2);
	(xrf2) =	vadd.scan.msk.f32 $0xffff, v0  }
0x14b: {  	v0, _, _ =	vpop (xrf2)  }
0x14c: {  	s1 =	simm.f32 $0.0e+00;
	v8 =	vbroadcast v5, $0xF;
	v7, _, _ =	vpop (xrf2)  }
0x14d: {  	v13 =	vadd.f32 s1, v5;
	v5 =	vadd.f32 v6, v5;
	v9, _, _ =	vpop (xrf2)  }
0x14e: {  	v8 =	vadd.f32 v8, v6;
	v6 =	vadd.f32 v2, v1;
	v10, _, _ =	vpop (xrf2)  }
0x14f: {  	v59 =	vadd.f32 v1, v5;
	v11, _, _ =	vpop (xrf2)  }
0x150: {  	v17 =	vadd.f32 v4, v3;
	v6 =	vadd.f32 v6, v5;
	v12, _, _ =	vpop (xrf2)  }
0x151: {  	v8 =	vadd.f32 s1, v8;
	v18 =	vadd.f32 v7, v0;
	v14, _, _ =	vpop (xrf2)  }
0x152: {  	v44 =	vadd.f32 v0, v17;
	v56 =	vadd.f32 v6, v3;
	v15, _, _ =	vpop (xrf2)  }
0x153: {  	v19 =	vadd.f32 v10, v9;
	v18 =	vadd.f32 v18, v17;
	v16, _, _ =	vpop (xrf2)  }
0x154: {  	s31 =	simm.s32 $0x200;
	v17 =	vadd.f32 v17, v6;
	v20 =	vadd.f32 v12, v11;
	v41, _, _ =	vpop (xrf2)  }
0x155: {  	v46 =	vld [tilespmem:s31+$0x4000];
	v42 =	vadd.f32 v15, v14;
	v43 =	vadd.f32 v41, v16  }
0x156: {  	v24 =	vadd.f32 v44, v6;
	v33 =	vbroadcast v56, $0xF;
	v18 =	vadd.f32 v18, v6  }
0x157: {  	v48 =	vld [tilespmem:s31+$0x4010];
	v20 =	vadd.f32 v20, v19;
	v23 =	vadd.f32 v43, v42  }
0x158: {  	v50 =	vadd.f32 v11, v19;
	v4 =	vadd.f32 v33, v4  }
0x159: {  	v49 =	vld [tilespmem:s31+$0x4020];
	v17 =	vbroadcast v17, $0xF;
	v51 =	vadd.f32 v18, v9;
	v23 =	vadd.f32 v23, v20  }
0x15a: {  	v52 =	vld [tilespmem:s31+$0x4030];
	(xrf2) =	vadd.scan.msk.f32 $0xffff, v46;
	v19 =	vadd.f32 v19, v18;
	v30 =	vadd.f32 v50, v18  }
0x15b: {  	v53 =	vld [tilespmem:s31+$0x4040];
	v17 =	vadd.f32 v17, v0;
	v23 =	vadd.f32 v23, v18  }
0x15c: {  	v54 =	vld [tilespmem:s31+$0x4050];
	[tilespmem:s30+$0x4000] =	vst v13;
	(xrf2) =	vadd.scan.msk.f32 $0xffff, v48;
	v45 =	vadd.f32 v16, v42;
	v47 =	vadd.f32 v20, v14  }
0x15d: {  	v55 =	vld [tilespmem:s31+$0x4060];
	[tilespmem:s30+$0x4010] =	vst v8;
	v22 =	vadd.f32 v42, v20;
	(v2sf) =	vpush v23, $0xF  }
0x15e: {  	v57 =	vld [tilespmem:s31+$0x4070];
	(xrf2) =	vadd.scan.msk.f32 $0xffff, v49;
	v0 =	vbroadcast v5, $0xF;
	v25 =	vadd.f32 v45, v20;
	v20 =	vadd.f32 v20, v18  }
0x15f: {  	v58 =	vld [tilespmem:s31+$0x4100];
	(xrf2) =	vadd.scan.msk.f32 $0xffff, v52;
	v63 =	vadd.f32 s1, v4;
	v31 =	vbroadcast v51, $0xF;
	v19 =	vbroadcast v19, $0xF  }
0x160: {  	v60 =	vld [tilespmem:s31+$0x4110];
	(xrf2) =	vadd.scan.msk.f32 $0xffff, v53;
	v27 =	vadd.f32 v47, v18;
	v22 =	vadd.f32 v22, v18;
	v20 =	vbroadcast v20, $0xF  }
0x161: {  	v13 =	vld [tilespmem:s31+$0x4120];
	(xrf2) =	vadd.scan.msk.f32 $0xffff, v54;
	v11 =	vadd.f32 v19, v11;
	v19 =	vbroadcast v24, $0xF;
	v25 =	vadd.f32 v25, v18  }
0x162: {  	(xrf2) =	vadd.scan.msk.f32 $0xffff, v55;
	v18 =	vbroadcast v18, $0xF;
	v14 =	vadd.f32 v20, v14;
	v20 =	vbroadcast v59, $0xF  }
0x163: {  	v30 =	vbroadcast v30, $0xF;
	(xrf2) =	vadd.scan.msk.f32 $0xffff, v57;
	v10 =	vadd.f32 v31, v10;
	v5 =	vadd.f32 v19, v7  }
0x164: {  	(xrf2) =	vadd.scan.msk.f32 $0xffff, v58;
	v7, _, _ =	vpop (xrf2);
	v19 =	vadd.f32 v20, v2;
	v2 =	vbroadcast v6, $0xF;
	v6 =	vadd.f32 v18, v9;
	v18 =	vld [tilespmem:s31+$0x4130]  }
0x165: {  	v12 =	vadd.f32 v30, v12;
	(xrf2) =	vadd.scan.msk.f32 $0xffff, v60;
	v9 =	vadd.f32 s1, v10;
	v10 =	vbroadcast v7, $0xF  }
0x166: {  	v27 =	vbroadcast v27, $0xF;
	v11 =	vadd.f32 s1, v11;
	(xrf2) =	vadd.scan.msk.f32 $0xffff, v13;
	v8, _, _ =	vpop (xrf2);
	v61 =	vadd.f32 v2, v3  }
0x167: {  	v22 =	vbroadcast v22, $0xF;
	v3 =	vadd.f32 s1, v12;
	[tilespmem:s30+$0x4110] =	vst v9;
	v9 =	vadd.f32 v10, v8;
	v10 =	vld [tilespmem:s31+$0x4140]  }
0x168: {  	v25 =	vbroadcast v25, $0xF;
	v15 =	vadd.f32 v27, v15;
	v20 =	vadd.f32 v0, v1;
	v0, _, _ =	vpop (xrf2)  }
0x169: {  	v17 =	vadd.f32 s1, v17;
	[tilespmem:s30+$0x4050] =	vst v63;
	v16 =	vadd.f32 v22, v16;
	v1, _, _ =	vpop (xrf2);
	(xrf2) =	vadd.scan.msk.f32 $0xffff, v18  }
0x16a: {  	v62 =	vld [tilespmem:s31+$0x4150];
	[tilespmem:s30+$0x4120] =	vst v11;
	v21 =	vadd.f32 v25, v41;
	v11 =	vadd.f32 s1, v15;
	v2, _, _ =	vpop (xrf2)  }
0x16b: {  	v15 =	vadd.f32 s1, v16;
	v16 =	vadd.f32 s1, v5;
	[tilespmem:s30+$0x4130] =	vst v3;
	v3, _, _ =	vpop (xrf2)  }
0x16c: {  	v21 =	vadd.f32 s1, v21;
	[tilespmem:s30+$0x4150] =	vst v11;
	v12 =	vadd.f32 s1, v14;
	v4, _, _ =	vpop (xrf2);
	(xrf2) =	vadd.scan.msk.f32 $0xffff, v10;
	s21 =	spop (v2sf)  }
0x16d: {  	[tilespmem:s30+$0x4160] =	vst v15;
	v14 =	vadd.f32 s1, v6;
	v13 =	vadd.f32 s1, v19;
	v18 =	vld [tilespmem:s31+$0x4160];
	v5, _, _ =	vpop (xrf2);
	s6 =	sadd.f32 s21, s1  }
0x16e: {  	s19 =	simm.s32 $0x0;
	v15 =	vadd.f32 s1, v20;
	[tilespmem:s30+$0x4140] =	vst v12;
	v12 =	vadd.f32 s1, v61;
	v6, _, _ =	vpop (xrf2)  }
0x16f: {  	s0 =	simm.s32 $0x200;
	s20 =	simm.s32 $0x1000;
	[tilespmem:s30+$0x4170] =	vst v21;
	(xrf2) =	vadd.scan.msk.f32 $0xffff, v62;
	v10 =	vadd.f32 s6, v9;
	v9, _, _ =	vpop (xrf2);
	v11 =	vadd.f32 s6, v7;
	s9 =	smov.u32 s6  }
.LBB2_7:
0x170: {  	p1 =	sne.s32 s20, $0xF800;
	v19 =	vld [tilespmem:s0+$0x4170];
	v20, _, _ =	vpop (xrf2);
	[tilespmem:s19+$0x4060] =	vst v17  }
0x171: {  	[tilespmem:s19+$0x4070] =	vst v16  }
0x172: {  	s21 =	sshra.s32 s20, $0x2;
	(xrf2) =	vadd.scan.msk.f32 $0xffff, v18;
	[tilespmem:s19+$0x4100] =	vst v14  }
0x173: {  	v14 =	vld [tilespmem:s21+$0x4000];
	v16, _, _ =	vpop (xrf2);
	[tilespmem:s19+$0x4030] =	vst v13  }
0x174: {  	[tilespmem:s19+$0x4040] =	vst v12  }
0x175: {  	(xrf2) =	vadd.scan.msk.f32 $0xffff, v19;
	[tilespmem:s19+$0x4020] =	vst v15;
	s19 =	smov.u32 s0;
	s0 =	smov.u32 s21  }
0x176: {  	v12 =	vld [tilespmem:s0+$0x4010];
	[tilespmem:s19+$0x4010] =	vst v10;
	v10, _, _ =	vpop (xrf2)  }
0x177: {  	[tilespmem:s19+$0x4000] =	vst v11  }
0x178: {  	(xrf2) =	vadd.scan.msk.f32 $0xffff, v14  }
0x179: {  	v11 =	vld [tilespmem:s0+$0x4020];
	v13, _, _ =	vpop (xrf2);
	_ =	sdelay $0x1  }
0x17a: {  	(xrf2) =	vadd.scan.msk.f32 $0xffff, v12  }
0x17b: {  	v12 =	vld [tilespmem:s0+$0x4030];
	v14, _, _ =	vpop (xrf2)  }
0x17c: {  	v15 =	vadd.f32 v8, v7;
	v7 =	vadd.f32 v1, v0  }
0x17d: {  	v8 =	vadd.f32 v5, v4;
	(xrf2) =	vadd.scan.msk.f32 $0xffff, v11;
	v11 =	vadd.f32 v3, v2  }
0x17e: {  	v18 =	vadd.f32 v9, v6;
	v19 =	vadd.f32 v16, v20;
	v21 =	vbroadcast v15, $0xF;
	v17 =	vld [tilespmem:s0+$0x4040];
	v22, _, _ =	vpop (xrf2)  }
0x17f: {  	v23 =	vadd.f32 v13, v10;
	v24 =	vadd.f32 v22, v14  }
0x180: {  	v8 =	vadd.f32 v8, v11;
	(xrf2) =	vadd.scan.msk.f32 $0xffff, v12;
	v12 =	vadd.f32 v7, v15  }
0x181: {  	v19 =	vadd.f32 v19, v18;
	v25 =	vld [tilespmem:s0+$0x4050];
	v7, _, _ =	vpop (xrf2);
	v24 =	vadd.f32 v24, v23  }
0x182: {  	v27 =	vadd.f32 v14, v23;
	v26 =	vadd.f32 v4, v11;
	v28 =	vbroadcast v12, $0xF  }
0x183: {  	v29 =	vbroadcast v7, $0xF;
	(xrf2) =	vadd.scan.msk.f32 $0xffff, v17;
	v17 =	vadd.f32 v8, v12;
	v24 =	vadd.f32 v24, v19  }
0x184: {  	v31 =	vadd.f32 v19, v10;
	v23 =	vadd.f32 v23, v19;
	v30 =	vld [tilespmem:s0+$0x4060];
	v8, _, _ =	vpop (xrf2)  }
0x185: {  	v27 =	vadd.f32 v27, v19;
	v24 =	vadd.f32 v24, v17;
	v32 =	vbroadcast v17, $0xF  }
0x186: {  	v33 =	vadd.f32 v17, v6;
	(xrf2) =	vadd.scan.msk.f32 $0xffff, v25;
	v25 =	vadd.f32 v20, v18  }
0x187: {  	v18 =	vadd.f32 v18, v17;
	v34 =	vld [tilespmem:s0+$0x4070];
	v35, _, _ =	vpop (xrf2);
	(v2sf) =	vpush v24, $0xF  }
0x188: {  	v19 =	vadd.f32 v19, v17;
	v24 =	vadd.f32 v25, v17;
	v25 =	vbroadcast v33, $0xF  }
0x189: {  	v23 =	vadd.f32 v23, v17;
	v18 =	vbroadcast v18, $0xF;
	(xrf2) =	vadd.scan.msk.f32 $0xffff, v30;
	v30 =	vadd.f32 v31, v17  }
0x18a: {  	v36 =	vadd.f32 v12, v2;
	v17 =	vadd.f32 v27, v17;
	v31 =	vld [tilespmem:s0+$0x4100];
	v33, _, _ =	vpop (xrf2);
	v24 =	vbroadcast v24, $0xF  }
0x18b: {  	v11 =	vadd.f32 v11, v12;
	v12 =	vadd.f32 v26, v12;
	v19 =	vbroadcast v19, $0xF  }
0x18c: {  	v15 =	vadd.f32 v0, v15;
	v23 =	vbroadcast v23, $0xF;
	v26 =	vbroadcast v30, $0xF;
	(xrf2) =	vadd.scan.msk.f32 $0xffff, v34  }
0x18d: {  	v9 =	vadd.f32 v25, v9;
	v17 =	vbroadcast v17, $0xF;
	v34 =	vbroadcast v36, $0xF;
	v27 =	vld [tilespmem:s0+$0x4110];
	v30, _, _ =	vpop (xrf2)  }
0x18e: {  	v11 =	vbroadcast v11, $0xF;
	v12 =	vbroadcast v12, $0xF;
	v18 =	vadd.f32 v18, v20  }
0x18f: {  	v15 =	vbroadcast v15, $0xF;
	v10 =	vadd.f32 v19, v10;
	v16 =	vadd.f32 v24, v16;
	(xrf2) =	vadd.scan.msk.f32 $0xffff, v31  }
0x190: {  	v14 =	vadd.f32 v23, v14;
	v13 =	vadd.f32 v26, v13;
	v19 =	vld [tilespmem:s0+$0x4120];
	v20, _, _ =	vpop (xrf2)  }
0x191: {  	v17 =	vadd.f32 v17, v22;
	v23 =	vadd.f32 v34, v3;
	v3 =	vmov v20  }
0x192: {  	v11 =	vadd.f32 v11, v4;
	v12 =	vadd.f32 v12, v5;
	(xrf2) =	vadd.scan.msk.f32 $0xffff, v27  }
0x193: {  	v15 =	vadd.f32 v15, v1;
	v1 =	vmov v33;
	v22 =	vadd.f32 v32, v6;
	v20 =	vld [tilespmem:s0+$0x4130];
	v4, _, _ =	vpop (xrf2)  }
0x194: {  	v21 =	vadd.f32 v21, v0;
	v0 =	vmovc v35;
	v24 =	vadd.f32 v28, v2;
	v2 =	vmov v30  }
0x195: {  	v25 =	vadd.f32 v29, v8;
	v6 =	vadd.f32 s6, v9;
	(xrf2) =	vadd.scan.msk.f32 $0xffff, v19  }
0x196: {  	v18 =	vadd.f32 s6, v18;
	v16 =	vadd.f32 s6, v16;
	v9 =	vld [tilespmem:s0+$0x4140];
	v5, _, _ =	vpop (xrf2);
	s21 =	spop (v2sf)  }
0x197: {  	v10 =	vadd.f32 s9, v10;
	v19 =	vadd.f32 s9, v13;
	[tilespmem:s19+$0x4110] =	vst v6;
	s6 =	sadd.f32 s21, s6  }
0x198: {  	v26 =	vadd.f32 s9, v17;
	(xrf2) =	vadd.scan.msk.f32 $0xffff, v20;
	[tilespmem:s19+$0x4120] =	vst v18;
	v20 =	vadd.f32 s9, v14  }
0x199: {  	v17 =	vadd.f32 s9, v11;
	v23 =	vadd.f32 s9, v23;
	v27 =	vld [tilespmem:s0+$0x4150];
	v6, _, _ =	vpop (xrf2);
	[tilespmem:s19+$0x4130] =	vst v16  }
.Ltmp2:
0x19a: {  	v14 =	vadd.f32 s9, v22;
	v16 =	vadd.f32 s9, v12;
	[tilespmem:s19+$0x4140] =	vst v10;
	(pc) =	sbr.rel @p1 .LBB2_7-.Ltmp2, $4  }
0x19b: {  	v13 =	vadd.f32 s9, v15;
	v12 =	vadd.f32 s9, v24;
	(xrf2) =	vadd.scan.msk.f32 $0xffff, v9;
	[tilespmem:s19+$0x4150] =	vst v19  }
0x19c: {  	v15 =	vadd.f32 s9, v21;
	s9 =	smov.u32 s6;
	v10 =	vadd.f32 s6, v25;
	v18 =	vld [tilespmem:s0+$0x4160];
	v9, _, _ =	vpop (xrf2);
	[tilespmem:s19+$0x4160] =	vst v20  }
0x19d: {  	v11 =	vadd.f32 s6, v7;
	[tilespmem:s19+$0x4170] =	vst v26  }
0x19e: {  	s20 =	sadd.s32 $0x800, s20;
	(xrf2) =	vadd.scan.msk.f32 $0xffff, v27;
	[tilespmem:s19+$0x4050] =	vst v23  }
0x19f: {  	v7 =	vadd.f32 v8, v7;
	v8 =	vadd.f32 v1, v0  }
0x1a0: {  	v21 =	vadd.f32 v3, v2;
	v22 =	vadd.f32 v5, v4  }
0x1a1: {  	v24 =	vadd.f32 v9, v6  }
0x1a2: {  	(xrf2) =	vadd.scan.msk.f32 $0xffff, v18;
	v18, _, _ =	vpop (xrf2);
	v8 =	vadd.f32 v8, v7;
	v22 =	vadd.f32 v22, v21  }
0x1a3: {  	[tilespmem:s19+$0x4020] =	vst v15;
	v29 =	vadd.f32 v4, v21;
	v15 =	vadd.f32 v0, v7;
	v19, _, _ =	vpop (xrf2)  }
0x1a4: {  	v33 =	vadd.f32 v18, v24;
	v25 =	vadd.f32 v19, v18  }
0x1a5: {  	v7 =	vbroadcast v7, $0xF;
	v22 =	vadd.f32 v22, v8;
	v40 =	vadd.f32 v8, v2  }
0x1a6: {  	v21 =	vadd.f32 v21, v8;
	v41 =	vadd.f32 v29, v8  }
0x1a7: {  	v8 =	vbroadcast v8, $0xF;
	v0 =	vadd.f32 v7, v0;
	v25 =	vadd.f32 v25, v24  }
0x1a8: {  	[tilespmem:s19+$0x4060] =	vst v17;
	v37 =	vadd.f32 v22, v6;
	v17 =	vadd.f32 v24, v22  }
0x1a9: {  	[tilespmem:s19+$0x4070] =	vst v16;
	v20, _, _ =	vpop (xrf2);
	v38 =	vadd.f32 v33, v22;
	v2 =	vadd.f32 v8, v2  }
0x1aa: {  	v26 =	vld [tilespmem:s0+$0x4170];
	[tilespmem:s19+$0x4100] =	vst v14;
	v0 =	vadd.f32 s9, v0;
	v31 =	vadd.f32 v25, v20  }
0x1ab: {  	[tilespmem:s19+$0x4030] =	vst v13;
	v16 =	vadd.f32 v25, v22;
	v14 =	vbroadcast v37, $0xF;
	v13 =	vbroadcast v17, $0xF;
	v23, _, _ =	vpop (xrf2)  }
0x1ac: {  	[tilespmem:s19+$0x4040] =	vst v12;
	v12 =	vbroadcast v38, $0xF;
	v2 =	vadd.f32 s9, v2;
	v27 =	vadd.f32 v23, v20  }
0x1ad: {  	v31 =	vadd.f32 v31, v22;
	v9 =	vadd.f32 v14, v9  }
0x1ae: {  	v14 =	vbroadcast v16, $0xF;
	v13 =	vadd.f32 v13, v18;
	v12 =	vadd.f32 v12, v19  }
0x1af: {  	(xrf2) =	vadd.scan.msk.f32 $0xffff, v26;
	v32 =	vadd.f32 v27, v25;
	v9 =	vadd.f32 s6, v9  }
0x1b0: {  	[tilespmem:s0+$0x4010] =	vst v10;
	v28, _, _ =	vpop (xrf2);
	v10 =	vbroadcast v31, $0xF;
	v14 =	vadd.f32 v14, v20;
	v13 =	vadd.f32 s6, v13  }
0x1b1: {  	[tilespmem:s0+$0x4000] =	vst v11;
	v12 =	vadd.f32 s6, v12;
	v30 =	vadd.f32 v28, v27  }
0x1b2: {  	[tilespmem:s0+$0x4020] =	vst v0;
	v39 =	vadd.f32 v32, v22;
	v10 =	vadd.f32 v10, v23  }
0x1b3: {  	v14 =	vadd.f32 s9, v14;
	[tilespmem:s0+$0x4120] =	vst v13;
	v13 =	vbroadcast v21, $0xF;
	v36 =	vadd.f32 v30, v25  }
0x1b4: {  	[tilespmem:s0+$0x4130] =	vst v12;
	v12 =	vbroadcast v41, $0xF;
	v11 =	vbroadcast v39, $0xF;
	v10 =	vadd.f32 s9, v10  }
0x1b5: {  	[tilespmem:s0+$0x4040] =	vst v2;
	v4 =	vadd.f32 v13, v4;
	v17 =	vadd.f32 v36, v22  }
0x1b6: {  	v5 =	vadd.f32 v12, v5;
	v11 =	vadd.f32 v11, v28;
	[tilespmem:s0+$0x4150] =	vst v10;
	v10 =	vbroadcast v15, $0xF  }
0x1b7: {  	[tilespmem:s0+$0x4110] =	vst v9;
	v4 =	vadd.f32 s9, v4;
	v16 =	vbroadcast v17, $0xF;
	v17 =	vbroadcast v40, $0xF  }
0x1b8: {  	[tilespmem:s0+$0x4140] =	vst v14;
	v5 =	vadd.f32 s9, v5;
	v1 =	vadd.f32 v10, v1  }
0x1b9: {  	v9, _, _ =	vpop (xrf2);
	v14 =	vbroadcast v22, $0xF;
	v11 =	vadd.f32 s9, v11;
	[tilespmem:s0+$0x4060] =	vst v4;
	v3 =	vadd.f32 v17, v3  }
0x1ba: {  	[tilespmem:s0+$0x4070] =	vst v5;
	v16 =	vadd.f32 v16, v9;
	v1 =	vadd.f32 s9, v1  }
0x1bb: {  	v6 =	vadd.f32 v14, v6;
	[tilespmem:s0+$0x4160] =	vst v11;
	v3 =	vadd.f32 s9, v3  }
0x1bc: {  	v13 =	vadd.f32 s9, v16;
	[tilespmem:s0+$0x4030] =	vst v1  }
0x1bd: {  	[tilespmem:s0+$0x4050] =	vst v3;
	v3 =	vadd.f32 s9, v6  }
0x1be: {  	[tilespmem:s0+$0x4170] =	vst v13  }
0x1bf: {  	[tilespmem:s0+$0x4100] =	vst v3  }
0x1c0: {  	v0 =	vld [tilespmem:s30+$0x4080]  }
0x1c1: {  	v1 =	vld [tilespmem:s30+$0x4090]  }
0x1c2: {  	v2 =	vld [tilespmem:s30+$0x40A0]  }
0x1c3: {  	v3 =	vld [tilespmem:s30+$0x40B0]  }
0x1c4: {  	v4 =	vld [tilespmem:s30+$0x40C0]  }
0x1c5: {  	(xrf2) =	vadd.scan.msk.f32 $0xffff, v0;
	v0 =	vld [tilespmem:s30+$0x40D0]  }
0x1c6: {  	(xrf2) =	vadd.scan.msk.f32 $0xffff, v1;
	v1 =	vld [tilespmem:s30+$0x40E0]  }
0x1c7: {  	(xrf2) =	vadd.scan.msk.f32 $0xffff, v2;
	v2 =	vld [tilespmem:s30+$0x40F0]  }
0x1c8: {  	(xrf2) =	vadd.scan.msk.f32 $0xffff, v3;
	v3 =	vld [tilespmem:s30+$0x4180]  }
0x1c9: {  	(xrf2) =	vadd.scan.msk.f32 $0xffff, v4;
	v4 =	vld [tilespmem:s30+$0x4190]  }
0x1ca: {  	(xrf2) =	vadd.scan.msk.f32 $0xffff, v0;
	v0 =	vld [tilespmem:s30+$0x41A0]  }
0x1cb: {  	(xrf2) =	vadd.scan.msk.f32 $0xffff, v1;
	v1 =	vld [tilespmem:s30+$0x41B0]  }
0x1cc: {  	(xrf2) =	vadd.scan.msk.f32 $0xffff, v2;
	v2 =	vld [tilespmem:s30+$0x41C0]  }
0x1cd: {  	(xrf2) =	vadd.scan.msk.f32 $0xffff, v3  }
0x1ce: {  	v3 =	vld [tilespmem:s30+$0x41D0];
	(xrf2) =	vadd.scan.msk.f32 $0xffff, v4  }
0x1cf: {  	v4 =	vld [tilespmem:s30+$0x41E0];
	v5, _, _ =	vpop (xrf2);
	(xrf2) =	vadd.scan.msk.f32 $0xffff, v0  }
0x1d0: {  	v0 =	vld [tilespmem:s30+$0x41F0];
	v6, _, _ =	vpop (xrf2);
	(xrf2) =	vadd.scan.msk.f32 $0xffff, v1  }
0x1d1: {  	v1, _, _ =	vpop (xrf2);
	(xrf2) =	vadd.scan.msk.f32 $0xffff, v2;
	v2 =	vadd.f32 v9, v28;
	_ =	sdelay $0x1  }
0x1d2: {  	v7, _, _ =	vpop (xrf2);
	(xrf2) =	vadd.scan.msk.f32 $0xffff, v3;
	v2 =	vadd.f32 v2, v27  }
0x1d3: {  	v3, _, _ =	vpop (xrf2);
	(xrf2) =	vadd.scan.msk.f32 $0xffff, v4  }
0x1d4: {  	v4, _, _ =	vpop (xrf2);
	(xrf2) =	vadd.scan.msk.f32 $0xffff, v0;
	v2 =	vadd.f32 v2, v25  }
0x1d5: {  	v13 =	vadd.f32 s1, v5;
	v9 =	vbroadcast v5, $0xF;
	v0, _, _ =	vpop (xrf2)  }
0x1d6: {  	v5 =	vadd.f32 v6, v5;
	v8, _, _ =	vpop (xrf2);
	v2 =	vadd.f32 v2, v22  }
0x1d7: {  	v9 =	vadd.f32 v9, v6;
	v10, _, _ =	vpop (xrf2)  }
0x1d8: {  	v6 =	vadd.f32 v7, v1;
	v34 =	vadd.f32 v1, v5;
	v11, _, _ =	vpop (xrf2)  }
0x1d9: {  	v9 =	vadd.f32 s1, v9;
	v17 =	vadd.f32 v4, v3;
	v12, _, _ =	vpop (xrf2)  }
0x1da: {  	v6 =	vadd.f32 v6, v5;
	(v2sf) =	vpush v2, $0xF;
	v2, _, _ =	vpop (xrf2)  }
0x1db: {  	v18 =	vadd.f32 v8, v0;
	v45 =	vadd.f32 v0, v17;
	v14, _, _ =	vpop (xrf2)  }
0x1dc: {  	v57 =	vadd.f32 v6, v3;
	v19 =	vadd.f32 v11, v10;
	v15, _, _ =	vpop (xrf2)  }
0x1dd: {  	v18 =	vadd.f32 v18, v17;
	v17 =	vadd.f32 v17, v6;
	v16, _, _ =	vpop (xrf2)  }
0x1de: {  	v24 =	vadd.f32 v45, v6;
	v20 =	vadd.f32 v2, v12;
	v42, _, _ =	vpop (xrf2)  }
0x1df: {  	v47 =	vld [tilespmem:s31+$0x4080];
	v43 =	vadd.f32 v15, v14;
	v44 =	vadd.f32 v42, v16  }
0x1e0: {  	v33 =	vbroadcast v57, $0xF;
	v18 =	vadd.f32 v18, v6;
	v51 =	vadd.f32 v12, v19  }
0x1e1: {  	v49 =	vld [tilespmem:s31+$0x4090];
	v17 =	vbroadcast v17, $0xF;
	v20 =	vadd.f32 v20, v19;
	v23 =	vadd.f32 v44, v43  }
0x1e2: {  	v4 =	vadd.f32 v33, v4;
	v6 =	vbroadcast v6, $0xF;
	v52 =	vadd.f32 v18, v10  }
0x1e3: {  	v50 =	vld [tilespmem:s31+$0x40A0];
	v30 =	vadd.f32 v51, v18;
	v23 =	vadd.f32 v23, v20  }
0x1e4: {  	v53 =	vld [tilespmem:s31+$0x40B0];
	(xrf2) =	vadd.scan.msk.f32 $0xffff, v47;
	v17 =	vadd.f32 v17, v0;
	v61 =	vadd.f32 v6, v3  }
0x1e5: {  	v54 =	vld [tilespmem:s31+$0x40C0];
	v19 =	vadd.f32 v19, v18;
	v23 =	vadd.f32 v23, v18  }
0x1e6: {  	v55 =	vld [tilespmem:s31+$0x40D0];
	(xrf2) =	vadd.scan.msk.f32 $0xffff, v49;
	v46 =	vadd.f32 v16, v43;
	v48 =	vadd.f32 v20, v14  }
0x1e7: {  	v56 =	vld [tilespmem:s31+$0x40E0];
	v31 =	vbroadcast v52, $0xF;
	v22 =	vadd.f32 v43, v20;
	(v2sf) =	vpush v23, $0xF  }
0x1e8: {  	v58 =	vld [tilespmem:s31+$0x40F0];
	[tilespmem:s30+$0x4080] =	vst v13;
	(xrf2) =	vadd.scan.msk.f32 $0xffff, v50;
	v25 =	vadd.f32 v46, v20;
	v20 =	vadd.f32 v20, v18  }
0x1e9: {  	v59 =	vld [tilespmem:s31+$0x4180];
	(xrf2) =	vadd.scan.msk.f32 $0xffff, v53;
	v30 =	vbroadcast v30, $0xF;
	v19 =	vbroadcast v19, $0xF;
	v11 =	vadd.f32 v31, v11  }
0x1ea: {  	v60 =	vld [tilespmem:s31+$0x4190];
	(xrf2) =	vadd.scan.msk.f32 $0xffff, v54;
	v27 =	vadd.f32 v48, v18;
	v22 =	vadd.f32 v22, v18;
	v20 =	vbroadcast v20, $0xF  }
0x1eb: {  	v13 =	vld [tilespmem:s31+$0x41A0];
	(xrf2) =	vadd.scan.msk.f32 $0xffff, v55;
	v12 =	vadd.f32 v19, v12;
	v19 =	vbroadcast v24, $0xF;
	v25 =	vadd.f32 v25, v18  }
0x1ec: {  	(xrf2) =	vadd.scan.msk.f32 $0xffff, v56;
	v18 =	vbroadcast v18, $0xF;
	v14 =	vadd.f32 v20, v14;
	v20 =	vbroadcast v34, $0xF  }
0x1ed: {  	v0 =	vbroadcast v5, $0xF;
	v2 =	vadd.f32 v30, v2;
	(xrf2) =	vadd.scan.msk.f32 $0xffff, v58;
	v5 =	vadd.f32 v19, v8  }
0x1ee: {  	[tilespmem:s30+$0x4090] =	vst v9;
	(xrf2) =	vadd.scan.msk.f32 $0xffff, v59;
	v9 =	vadd.f32 v18, v10;
	v18 =	vld [tilespmem:s31+$0x41B0];
	v19 =	vadd.f32 v20, v7;
	v7, _, _ =	vpop (xrf2)  }
0x1ef: {  	v63 =	vadd.f32 s1, v4;
	(xrf2) =	vadd.scan.msk.f32 $0xffff, v60;
	v10 =	vadd.f32 s1, v11;
	v11 =	vbroadcast v7, $0xF  }
0x1f0: {  	v3 =	vadd.f32 s1, v2;
	v27 =	vbroadcast v27, $0xF;
	v22 =	vbroadcast v22, $0xF;
	(xrf2) =	vadd.scan.msk.f32 $0xffff, v13;
	v8, _, _ =	vpop (xrf2)  }
0x1f1: {  	v12 =	vadd.f32 s1, v12;
	v25 =	vbroadcast v25, $0xF;
	[tilespmem:s30+$0x4190] =	vst v10;
	v10 =	vadd.f32 v11, v8;
	v11 =	vld [tilespmem:s31+$0x41C0]  }
0x1f2: {  	v15 =	vadd.f32 v27, v15;
	v20 =	vadd.f32 v0, v1;
	v0, _, _ =	vpop (xrf2)  }
0x1f3: {  	[tilespmem:s30+$0x40D0] =	vst v63;
	v16 =	vadd.f32 v22, v16;
	v21 =	vadd.f32 v25, v42;
	v1, _, _ =	vpop (xrf2);
	(xrf2) =	vadd.scan.msk.f32 $0xffff, v18  }
0x1f4: {  	v62 =	vld [tilespmem:s31+$0x41D0];
	[tilespmem:s30+$0x41A0] =	vst v12;
	v12 =	vadd.f32 s1, v15;
	v6 =	vadd.f32 s1, v14;
	v2, _, _ =	vpop (xrf2)  }
0x1f5: {  	v17 =	vadd.f32 s1, v17;
	[tilespmem:s30+$0x41B0] =	vst v3;
	s21 =	spop (v2sf);
	v15 =	vadd.f32 s1, v16;
	v3, _, _ =	vpop (xrf2)  }
0x1f6: {  	v16 =	vadd.f32 s1, v5;
	v21 =	vadd.f32 s1, v21;
	[tilespmem:s30+$0x41D0] =	vst v12;
	v4, _, _ =	vpop (xrf2);
	(xrf2) =	vadd.scan.msk.f32 $0xffff, v11;
	s0 =	spop (v2sf)  }
0x1f7: {  	v14 =	vadd.f32 s1, v9;
	[tilespmem:s30+$0x41E0] =	vst v15;
	v12 =	vadd.f32 s1, v61;
	v18 =	vld [tilespmem:s31+$0x41E0];
	v5, _, _ =	vpop (xrf2);
	s9 =	sadd.f32 s0, s1  }
0x1f8: {  	[tilespmem:s30+$0x41C0] =	vst v6;
	v13 =	vadd.f32 s1, v19;
	v15 =	vadd.f32 s1, v20;
	v6, _, _ =	vpop (xrf2)  }
0x1f9: {  	[tilespmem:s30+$0x41F0] =	vst v21;
	v9, _, _ =	vpop (xrf2);
	(xrf2) =	vadd.scan.msk.f32 $0xffff, v62;
	s1 =	simm.s32 $0x1000;
	v10 =	vadd.f32 s9, v10;
	v11 =	vadd.f32 s9, v7;
	s0 =	smov.u32 s9  }
.LBB2_9:
0x1fa: {  	p1 =	sne.s32 s1, $0xF800;
	v19 =	vld [tilespmem:s31+$0x41F0];
	v20, _, _ =	vpop (xrf2);
	[tilespmem:s30+$0x40E0] =	vst v17  }
0x1fb: {  	[tilespmem:s30+$0x40F0] =	vst v16  }
0x1fc: {  	s6 =	sshra.s32 s1, $0x2;
	(xrf2) =	vadd.scan.msk.f32 $0xffff, v18;
	[tilespmem:s30+$0x4180] =	vst v14  }
0x1fd: {  	v14 =	vld [tilespmem:s6+$0x4080];
	v16, _, _ =	vpop (xrf2);
	[tilespmem:s30+$0x40B0] =	vst v13  }
0x1fe: {  	[tilespmem:s30+$0x40C0] =	vst v12  }
0x1ff: {  	(xrf2) =	vadd.scan.msk.f32 $0xffff, v19;
	[tilespmem:s30+$0x40A0] =	vst v15;
	s30 =	smov.u32 s31;
	s31 =	smov.u32 s6  }
0x200: {  	v12 =	vld [tilespmem:s31+$0x4090];
	[tilespmem:s30+$0x4090] =	vst v10;
	v10, _, _ =	vpop (xrf2)  }
0x201: {  	[tilespmem:s30+$0x4080] =	vst v11  }
0x202: {  	(xrf2) =	vadd.scan.msk.f32 $0xffff, v14  }
0x203: {  	v11 =	vld [tilespmem:s31+$0x40A0];
	v13, _, _ =	vpop (xrf2);
	_ =	sdelay $0x1  }
0x204: {  	(xrf2) =	vadd.scan.msk.f32 $0xffff, v12  }
0x205: {  	v12 =	vld [tilespmem:s31+$0x40B0];
	v14, _, _ =	vpop (xrf2)  }
0x206: {  	v15 =	vadd.f32 v8, v7;
	v7 =	vadd.f32 v1, v0  }
0x207: {  	v8 =	vadd.f32 v5, v4;
	(xrf2) =	vadd.scan.msk.f32 $0xffff, v11;
	v11 =	vadd.f32 v3, v2  }
0x208: {  	v18 =	vadd.f32 v9, v6;
	v19 =	vadd.f32 v16, v20;
	v21 =	vbroadcast v15, $0xF;
	v17 =	vld [tilespmem:s31+$0x40C0];
	v22, _, _ =	vpop (xrf2)  }
0x209: {  	v23 =	vadd.f32 v13, v10;
	v24 =	vadd.f32 v22, v14  }
0x20a: {  	v8 =	vadd.f32 v8, v11;
	(xrf2) =	vadd.scan.msk.f32 $0xffff, v12;
	v12 =	vadd.f32 v7, v15  }
0x20b: {  	v19 =	vadd.f32 v19, v18;
	v25 =	vld [tilespmem:s31+$0x40D0];
	v7, _, _ =	vpop (xrf2);
	v24 =	vadd.f32 v24, v23  }
0x20c: {  	v27 =	vadd.f32 v14, v23;
	v26 =	vadd.f32 v4, v11;
	v28 =	vbroadcast v12, $0xF  }
0x20d: {  	v29 =	vbroadcast v7, $0xF;
	(xrf2) =	vadd.scan.msk.f32 $0xffff, v17;
	v17 =	vadd.f32 v8, v12;
	v24 =	vadd.f32 v24, v19  }
0x20e: {  	v31 =	vadd.f32 v19, v10;
	v23 =	vadd.f32 v23, v19;
	v30 =	vld [tilespmem:s31+$0x40E0];
	v8, _, _ =	vpop (xrf2)  }
0x20f: {  	v27 =	vadd.f32 v27, v19;
	v24 =	vadd.f32 v24, v17;
	v32 =	vbroadcast v17, $0xF  }
0x210: {  	v33 =	vadd.f32 v17, v6;
	(xrf2) =	vadd.scan.msk.f32 $0xffff, v25;
	v25 =	vadd.f32 v20, v18  }
0x211: {  	v18 =	vadd.f32 v18, v17;
	v34 =	vld [tilespmem:s31+$0x40F0];
	v35, _, _ =	vpop (xrf2);
	(v2sf) =	vpush v24, $0xF  }
0x212: {  	v19 =	vadd.f32 v19, v17;
	v24 =	vadd.f32 v25, v17;
	v25 =	vbroadcast v33, $0xF  }
0x213: {  	v23 =	vadd.f32 v23, v17;
	v18 =	vbroadcast v18, $0xF;
	(xrf2) =	vadd.scan.msk.f32 $0xffff, v30;
	v30 =	vadd.f32 v31, v17  }
0x214: {  	v36 =	vadd.f32 v12, v2;
	v17 =	vadd.f32 v27, v17;
	v31 =	vld [tilespmem:s31+$0x4180];
	v33, _, _ =	vpop (xrf2);
	v24 =	vbroadcast v24, $0xF  }
0x215: {  	v11 =	vadd.f32 v11, v12;
	v12 =	vadd.f32 v26, v12;
	v19 =	vbroadcast v19, $0xF  }
0x216: {  	v15 =	vadd.f32 v0, v15;
	v23 =	vbroadcast v23, $0xF;
	v26 =	vbroadcast v30, $0xF;
	(xrf2) =	vadd.scan.msk.f32 $0xffff, v34  }
0x217: {  	v9 =	vadd.f32 v25, v9;
	v17 =	vbroadcast v17, $0xF;
	v34 =	vbroadcast v36, $0xF;
	v27 =	vld [tilespmem:s31+$0x4190];
	v30, _, _ =	vpop (xrf2)  }
0x218: {  	v11 =	vbroadcast v11, $0xF;
	v12 =	vbroadcast v12, $0xF;
	v18 =	vadd.f32 v18, v20  }
0x219: {  	v15 =	vbroadcast v15, $0xF;
	v10 =	vadd.f32 v19, v10;
	v16 =	vadd.f32 v24, v16;
	(xrf2) =	vadd.scan.msk.f32 $0xffff, v31  }
0x21a: {  	v14 =	vadd.f32 v23, v14;
	v13 =	vadd.f32 v26, v13;
	v19 =	vld [tilespmem:s31+$0x41A0];
	v20, _, _ =	vpop (xrf2)  }
0x21b: {  	v17 =	vadd.f32 v17, v22;
	v23 =	vadd.f32 v34, v3;
	v3 =	vmov v20  }
0x21c: {  	v11 =	vadd.f32 v11, v4;
	v12 =	vadd.f32 v12, v5;
	(xrf2) =	vadd.scan.msk.f32 $0xffff, v27  }
0x21d: {  	v15 =	vadd.f32 v15, v1;
	v1 =	vmov v33;
	v22 =	vadd.f32 v32, v6;
	v20 =	vld [tilespmem:s31+$0x41B0];
	v4, _, _ =	vpop (xrf2)  }
0x21e: {  	v21 =	vadd.f32 v21, v0;
	v0 =	vmovc v35;
	v24 =	vadd.f32 v28, v2;
	v2 =	vmov v30  }
0x21f: {  	v25 =	vadd.f32 v29, v8;
	v6 =	vadd.f32 s9, v9;
	(xrf2) =	vadd.scan.msk.f32 $0xffff, v19  }
0x220: {  	v18 =	vadd.f32 s9, v18;
	v16 =	vadd.f32 s9, v16;
	v9 =	vld [tilespmem:s31+$0x41C0];
	v5, _, _ =	vpop (xrf2);
	s6 =	spop (v2sf)  }
0x221: {  	v10 =	vadd.f32 s0, v10;
	v19 =	vadd.f32 s0, v13;
	[tilespmem:s30+$0x4190] =	vst v6;
	s9 =	sadd.f32 s6, s9  }
0x222: {  	v26 =	vadd.f32 s0, v17;
	(xrf2) =	vadd.scan.msk.f32 $0xffff, v20;
	[tilespmem:s30+$0x41A0] =	vst v18;
	v20 =	vadd.f32 s0, v14  }
0x223: {  	v17 =	vadd.f32 s0, v11;
	v23 =	vadd.f32 s0, v23;
	v27 =	vld [tilespmem:s31+$0x41D0];
	v6, _, _ =	vpop (xrf2);
	[tilespmem:s30+$0x41B0] =	vst v16  }
.Ltmp3:
0x224: {  	v14 =	vadd.f32 s0, v22;
	v16 =	vadd.f32 s0, v12;
	[tilespmem:s30+$0x41C0] =	vst v10;
	(pc) =	sbr.rel @p1 .LBB2_9-.Ltmp3, $4  }
0x225: {  	v13 =	vadd.f32 s0, v15;
	v12 =	vadd.f32 s0, v24;
	(xrf2) =	vadd.scan.msk.f32 $0xffff, v9;
	[tilespmem:s30+$0x41D0] =	vst v19  }
0x226: {  	v15 =	vadd.f32 s0, v21;
	s0 =	smov.u32 s9;
	v10 =	vadd.f32 s9, v25;
	v18 =	vld [tilespmem:s31+$0x41E0];
	v9, _, _ =	vpop (xrf2);
	[tilespmem:s30+$0x41E0] =	vst v20  }
0x227: {  	v11 =	vadd.f32 s9, v7;
	[tilespmem:s30+$0x41F0] =	vst v26  }
0x228: {  	s1 =	sadd.s32 $0x800, s1;
	(xrf2) =	vadd.scan.msk.f32 $0xffff, v27;
	[tilespmem:s30+$0x40D0] =	vst v23  }
0x229: {  	v19 =	vld [tilespmem:s31+$0x41F0];
	_ =	sdelay $0x3  }
0x22a: {  	v7 =	vadd.f32 v8, v7;
	v21 =	vadd.f32 v1, v0;
	(xrf2) =	vadd.scan.msk.f32 $0xffff, v18  }
0x22b: {  	v22 =	vadd.f32 v3, v2;
	v24 =	vadd.f32 v5, v4;
	(xrf2) =	vadd.scan.msk.f32 $0xffff, v19  }
0x22c: {  	v25 =	vadd.f32 v9, v6  }
0x22d: {  	v21 =	vadd.f32 v21, v7;
	v24 =	vadd.f32 v24, v22  }
0x22e: {  	[tilespmem:s30+$0x40A0] =	vst v15;
	v18, _, _ =	vpop (xrf2);
	v30 =	vadd.f32 v4, v22;
	v15 =	vadd.f32 v0, v7  }
0x22f: {  	v7 =	vbroadcast v7, $0xF;
	v33 =	vadd.f32 v18, v25;
	v24 =	vadd.f32 v24, v21  }
0x230: {  	v39 =	vadd.f32 v21, v2;
	v22 =	vadd.f32 v22, v21;
	v19, _, _ =	vpop (xrf2)  }
0x231: {  	v0 =	vadd.f32 v7, v0;
	v26 =	vadd.f32 v19, v18  }
0x232: {  	[tilespmem:s30+$0x40E0] =	vst v17;
	v20, _, _ =	vpop (xrf2);
	v34 =	vadd.f32 v24, v6;
	v17 =	vadd.f32 v33, v24  }
0x233: {  	v0 =	vadd.f32 s0, v0;
	v26 =	vadd.f32 v26, v25;
	v8, _, _ =	vpop (xrf2)  }
0x234: {  	[tilespmem:s30+$0x40C0] =	vst v12;
	v25 =	vadd.f32 v25, v24;
	v12 =	vbroadcast v17, $0xF;
	v17 =	vadd.f32 v30, v21;
	v23, _, _ =	vpop (xrf2)  }
0x235: {  	[tilespmem:s30+$0x4180] =	vst v14;
	v14 =	vbroadcast v34, $0xF;
	v28 =	vadd.f32 v8, v20;
	v32 =	vadd.f32 v26, v20;
	v27, _, _ =	vpop (xrf2)  }
0x236: {  	[tilespmem:s30+$0x40F0] =	vst v16;
	v16 =	vadd.f32 v26, v24;
	v29 =	vadd.f32 v27, v23  }
0x237: {  	[tilespmem:s30+$0x40B0] =	vst v13;
	v13 =	vbroadcast v25, $0xF;
	v9 =	vadd.f32 v14, v9;
	v12 =	vadd.f32 v12, v19  }
0x238: {  	v38 =	vadd.f32 v32, v24;
	v29 =	vadd.f32 v29, v28  }
0x239: {  	v14 =	vbroadcast v16, $0xF;
	v13 =	vadd.f32 v13, v18;
	v9 =	vadd.f32 s9, v9  }
0x23a: {  	v31 =	vadd.f32 v23, v28;
	v29 =	vadd.f32 v29, v26  }
0x23b: {  	v14 =	vadd.f32 v14, v20;
	v28 =	vadd.f32 v28, v26  }
0x23c: {  	[tilespmem:s31+$0x4090] =	vst v10;
	v10 =	vbroadcast v38, $0xF;
	v13 =	vadd.f32 s9, v13;
	v29 =	vadd.f32 v29, v24  }
0x23d: {  	[tilespmem:s31+$0x4080] =	vst v11;
	v31 =	vadd.f32 v31, v26;
	v28 =	vadd.f32 v28, v24  }
0x23e: {  	[tilespmem:s31+$0x4190] =	vst v9;
	v9 =	vbroadcast v39, $0xF;
	v8 =	vadd.f32 v10, v8;
	(v2sf) =	vpush v29, $0xF  }
0x23f: {  	[tilespmem:s31+$0x40A0] =	vst v0;
	v10 =	vadd.f32 s9, v12;
	v12 =	vadd.f32 s0, v14;
	v11 =	vbroadcast v28, $0xF  }
0x240: {  	[tilespmem:s31+$0x41A0] =	vst v13;
	v13 =	vbroadcast v22, $0xF;
	v3 =	vadd.f32 v9, v3;
	v40 =	vadd.f32 v31, v24  }
0x241: {  	v8 =	vadd.f32 s0, v8;
	[tilespmem:s31+$0x41B0] =	vst v10;
	v10 =	vbroadcast v17, $0xF;
	v11 =	vadd.f32 v11, v23  }
0x242: {  	[tilespmem:s31+$0x41C0] =	vst v12;
	v4 =	vadd.f32 v13, v4;
	v3 =	vadd.f32 s0, v3;
	v16 =	vbroadcast v40, $0xF  }
0x243: {  	[tilespmem:s31+$0x41D0] =	vst v8;
	v8 =	vbroadcast v15, $0xF;
	v5 =	vadd.f32 v10, v5;
	v9 =	vadd.f32 s0, v11  }
0x244: {  	v4 =	vadd.f32 s0, v4;
	[tilespmem:s31+$0x40D0] =	vst v3;
	v14 =	vadd.f32 v16, v27;
	v11 =	vbroadcast v24, $0xF  }
0x245: {  	v1 =	vadd.f32 v8, v1;
	v5 =	vadd.f32 s0, v5;
	[tilespmem:s31+$0x41E0] =	vst v9;
	v9 =	vbroadcast v21, $0xF  }
0x246: {  	[tilespmem:s31+$0x40E0] =	vst v4;
	v12 =	vadd.f32 s0, v14;
	v6 =	vadd.f32 v11, v6  }
0x247: {  	v1 =	vadd.f32 s0, v1;
	[tilespmem:s31+$0x40F0] =	vst v5;
	v2 =	vadd.f32 v9, v2  }
0x248: {  	[tilespmem:s31+$0x41F0] =	vst v12;
	v3 =	vadd.f32 s0, v6  }
0x249: {  	[tilespmem:s31+$0x40B0] =	vst v1;
	v2 =	vadd.f32 s0, v2  }
0x24a: {  	[tilespmem:s31+$0x4180] =	vst v3  }
0x24b: {  	s19 =	sadd.s32 s3, s28;
	[tilespmem:s31+$0x40C0] =	vst v2  }
0x24c: {  	[hbm4b:s19+s10] =	stream.strided.scatter [tilespmem:s12], [sflag:$0x6], $0x4000, s11, s10, $0x38;
	[tilespmem:$0x10000] =	vst v63  }
0x24d: {  	s0 =	simm.s32 @!p0 $0x8;
	s20 =	spop (v2sf)  }
0x24e: {  	_ =	swait.ge @!p0 [sflag:s0], $0x4000  }
0x24f: {  	s26 =	sor.u32 $0x60, s26;
	[sflag:s0] =	ssyncset.done @!p0 $0x0  }
0x250: {  	s21 =	sadd.s32 s2, s26;
	[sflag:s0] =	ssyncadd.s32 @!p0 $0xFFFFC000  }
0x251: {  	[tilespmem:s16], [sflag:$0x4] =	stream.strided.gather [hbm4b:s21+s10], $0x4000, s11, s10, $0x38;
	[tilespmem:$0x10000] =	vst v63  }
0x252: {  	_ =	swait.ge [sflag:s17], $0x4000  }
0x253: {  	[sflag:s17] =	ssyncset.done $0x0  }
0x254: {  	s28 =	simm.s32 $0x0;
	[sflag:s17] =	ssyncadd.s32 $0xFFFFC000  }
0x255: {  	v0 =	vld [tilespmem:s28+$0x8000]  }
0x256: {  	v1 =	vld [tilespmem:s28+$0x8010]  }
0x257: {  	v2 =	vld [tilespmem:s28+$0x8020]  }
0x258: {  	v3 =	vld [tilespmem:s28+$0x8030]  }
0x259: {  	v4 =	vld [tilespmem:s28+$0x8040]  }
0x25a: {  	(xrf2) =	vadd.scan.msk.f32 $0xffff, v0;
	v0 =	vld [tilespmem:s28+$0x8050]  }
0x25b: {  	(xrf2) =	vadd.scan.msk.f32 $0xffff, v1;
	v1 =	vld [tilespmem:s28+$0x8060]  }
0x25c: {  	(xrf2) =	vadd.scan.msk.f32 $0xffff, v2;
	v2 =	vld [tilespmem:s28+$0x8070]  }
0x25d: {  	(xrf2) =	vadd.scan.msk.f32 $0xffff, v3;
	v3 =	vld [tilespmem:s28+$0x8100]  }
0x25e: {  	(xrf2) =	vadd.scan.msk.f32 $0xffff, v4;
	v4 =	vld [tilespmem:s28+$0x8110]  }
0x25f: {  	(xrf2) =	vadd.scan.msk.f32 $0xffff, v0;
	v0 =	vld [tilespmem:s28+$0x8120]  }
0x260: {  	(xrf2) =	vadd.scan.msk.f32 $0xffff, v1;
	v1 =	vld [tilespmem:s28+$0x8130]  }
0x261: {  	(xrf2) =	vadd.scan.msk.f32 $0xffff, v2;
	v2 =	vld [tilespmem:s28+$0x8140]  }
0x262: {  	(xrf2) =	vadd.scan.msk.f32 $0xffff, v3;
	v3 =	vld [tilespmem:s28+$0x8150]  }
0x263: {  	(xrf2) =	vadd.scan.msk.f32 $0xffff, v4;
	v4 =	vld [tilespmem:s28+$0x8160]  }
0x264: {  	v5, _, _ =	vpop (xrf2);
	(xrf2) =	vadd.scan.msk.f32 $0xffff, v0;
	v0 =	vld [tilespmem:s28+$0x8170]  }
0x265: {  	v6, _, _ =	vpop (xrf2);
	(xrf2) =	vadd.scan.msk.f32 $0xffff, v1  }
0x266: {  	v1, _, _ =	vpop (xrf2);
	(xrf2) =	vadd.scan.msk.f32 $0xffff, v2  }
0x267: {  	v2, _, _ =	vpop (xrf2);
	(xrf2) =	vadd.scan.msk.f32 $0xffff, v3  }
0x268: {  	v3, _, _ =	vpop (xrf2);
	(xrf2) =	vadd.scan.msk.f32 $0xffff, v4  }
0x269: {  	v4, _, _ =	vpop (xrf2);
	(xrf2) =	vadd.scan.msk.f32 $0xffff, v0  }
0x26a: {  	v0, _, _ =	vpop (xrf2)  }
0x26b: {  	s1 =	simm.f32 $0.0e+00;
	v8 =	vbroadcast v5, $0xF;
	v7, _, _ =	vpop (xrf2)  }
0x26c: {  	v13 =	vadd.f32 s1, v5;
	v5 =	vadd.f32 v6, v5;
	v9, _, _ =	vpop (xrf2)  }
0x26d: {  	v8 =	vadd.f32 v8, v6;
	v6 =	vadd.f32 v2, v1;
	v10, _, _ =	vpop (xrf2)  }
0x26e: {  	v59 =	vadd.f32 v1, v5;
	v11, _, _ =	vpop (xrf2)  }
0x26f: {  	v17 =	vadd.f32 v4, v3;
	v6 =	vadd.f32 v6, v5;
	v12, _, _ =	vpop (xrf2)  }
0x270: {  	v8 =	vadd.f32 s1, v8;
	v18 =	vadd.f32 v7, v0;
	v14, _, _ =	vpop (xrf2)  }
0x271: {  	v44 =	vadd.f32 v0, v17;
	v56 =	vadd.f32 v6, v3;
	v15, _, _ =	vpop (xrf2)  }
0x272: {  	v19 =	vadd.f32 v10, v9;
	v18 =	vadd.f32 v18, v17;
	v16, _, _ =	vpop (xrf2)  }
0x273: {  	s30 =	simm.s32 $0x200;
	v17 =	vadd.f32 v17, v6;
	v20 =	vadd.f32 v12, v11;
	v41, _, _ =	vpop (xrf2)  }
0x274: {  	v46 =	vld [tilespmem:s30+$0x8000];
	v42 =	vadd.f32 v15, v14;
	v43 =	vadd.f32 v41, v16  }
0x275: {  	v24 =	vadd.f32 v44, v6;
	v33 =	vbroadcast v56, $0xF;
	v18 =	vadd.f32 v18, v6  }
0x276: {  	v48 =	vld [tilespmem:s30+$0x8010];
	v20 =	vadd.f32 v20, v19;
	v23 =	vadd.f32 v43, v42  }
0x277: {  	v50 =	vadd.f32 v11, v19;
	v4 =	vadd.f32 v33, v4  }
0x278: {  	v49 =	vld [tilespmem:s30+$0x8020];
	v17 =	vbroadcast v17, $0xF;
	v51 =	vadd.f32 v18, v9;
	v23 =	vadd.f32 v23, v20  }
0x279: {  	v52 =	vld [tilespmem:s30+$0x8030];
	(xrf2) =	vadd.scan.msk.f32 $0xffff, v46;
	v19 =	vadd.f32 v19, v18;
	v30 =	vadd.f32 v50, v18  }
0x27a: {  	v53 =	vld [tilespmem:s30+$0x8040];
	v17 =	vadd.f32 v17, v0;
	v23 =	vadd.f32 v23, v18  }
0x27b: {  	v54 =	vld [tilespmem:s30+$0x8050];
	[tilespmem:s28+$0x8000] =	vst v13;
	(xrf2) =	vadd.scan.msk.f32 $0xffff, v48;
	v45 =	vadd.f32 v16, v42;
	v47 =	vadd.f32 v20, v14  }
0x27c: {  	v55 =	vld [tilespmem:s30+$0x8060];
	[tilespmem:s28+$0x8010] =	vst v8;
	v22 =	vadd.f32 v42, v20;
	(v2sf) =	vpush v23, $0xF  }
0x27d: {  	v57 =	vld [tilespmem:s30+$0x8070];
	(xrf2) =	vadd.scan.msk.f32 $0xffff, v49;
	v0 =	vbroadcast v5, $0xF;
	v25 =	vadd.f32 v45, v20;
	v20 =	vadd.f32 v20, v18  }
0x27e: {  	v58 =	vld [tilespmem:s30+$0x8100];
	(xrf2) =	vadd.scan.msk.f32 $0xffff, v52;
	v63 =	vadd.f32 s1, v4;
	v31 =	vbroadcast v51, $0xF;
	v19 =	vbroadcast v19, $0xF  }
0x27f: {  	v60 =	vld [tilespmem:s30+$0x8110];
	(xrf2) =	vadd.scan.msk.f32 $0xffff, v53;
	v27 =	vadd.f32 v47, v18;
	v22 =	vadd.f32 v22, v18;
	v20 =	vbroadcast v20, $0xF  }
0x280: {  	v13 =	vld [tilespmem:s30+$0x8120];
	(xrf2) =	vadd.scan.msk.f32 $0xffff, v54;
	v11 =	vadd.f32 v19, v11;
	v19 =	vbroadcast v24, $0xF;
	v25 =	vadd.f32 v25, v18  }
0x281: {  	(xrf2) =	vadd.scan.msk.f32 $0xffff, v55;
	v18 =	vbroadcast v18, $0xF;
	v14 =	vadd.f32 v20, v14;
	v20 =	vbroadcast v59, $0xF  }
0x282: {  	v30 =	vbroadcast v30, $0xF;
	(xrf2) =	vadd.scan.msk.f32 $0xffff, v57;
	v10 =	vadd.f32 v31, v10;
	v5 =	vadd.f32 v19, v7  }
0x283: {  	(xrf2) =	vadd.scan.msk.f32 $0xffff, v58;
	v7, _, _ =	vpop (xrf2);
	v19 =	vadd.f32 v20, v2;
	v2 =	vbroadcast v6, $0xF;
	v6 =	vadd.f32 v18, v9;
	v18 =	vld [tilespmem:s30+$0x8130]  }
0x284: {  	v12 =	vadd.f32 v30, v12;
	(xrf2) =	vadd.scan.msk.f32 $0xffff, v60;
	v9 =	vadd.f32 s1, v10;
	v10 =	vbroadcast v7, $0xF  }
0x285: {  	v27 =	vbroadcast v27, $0xF;
	v11 =	vadd.f32 s1, v11;
	(xrf2) =	vadd.scan.msk.f32 $0xffff, v13;
	v8, _, _ =	vpop (xrf2);
	v61 =	vadd.f32 v2, v3  }
0x286: {  	v22 =	vbroadcast v22, $0xF;
	v3 =	vadd.f32 s1, v12;
	[tilespmem:s28+$0x8110] =	vst v9;
	v9 =	vadd.f32 v10, v8;
	v10 =	vld [tilespmem:s30+$0x8140]  }
0x287: {  	v25 =	vbroadcast v25, $0xF;
	v15 =	vadd.f32 v27, v15;
	v20 =	vadd.f32 v0, v1;
	v0, _, _ =	vpop (xrf2)  }
0x288: {  	v17 =	vadd.f32 s1, v17;
	[tilespmem:s28+$0x8050] =	vst v63;
	v16 =	vadd.f32 v22, v16;
	v1, _, _ =	vpop (xrf2);
	(xrf2) =	vadd.scan.msk.f32 $0xffff, v18  }
0x289: {  	v62 =	vld [tilespmem:s30+$0x8150];
	[tilespmem:s28+$0x8120] =	vst v11;
	v21 =	vadd.f32 v25, v41;
	v11 =	vadd.f32 s1, v15;
	v2, _, _ =	vpop (xrf2)  }
0x28a: {  	v15 =	vadd.f32 s1, v16;
	v16 =	vadd.f32 s1, v5;
	[tilespmem:s28+$0x8130] =	vst v3;
	v3, _, _ =	vpop (xrf2)  }
0x28b: {  	v21 =	vadd.f32 s1, v21;
	[tilespmem:s28+$0x8150] =	vst v11;
	v12 =	vadd.f32 s1, v14;
	v4, _, _ =	vpop (xrf2);
	(xrf2) =	vadd.scan.msk.f32 $0xffff, v10;
	s31 =	spop (v2sf)  }
0x28c: {  	[tilespmem:s28+$0x8160] =	vst v15;
	v14 =	vadd.f32 s1, v6;
	v13 =	vadd.f32 s1, v19;
	v18 =	vld [tilespmem:s30+$0x8160];
	v5, _, _ =	vpop (xrf2);
	s6 =	sadd.f32 s31, s1  }
0x28d: {  	s19 =	simm.s32 $0x0;
	v15 =	vadd.f32 s1, v20;
	[tilespmem:s28+$0x8140] =	vst v12;
	v12 =	vadd.f32 s1, v61;
	v6, _, _ =	vpop (xrf2)  }
0x28e: {  	s20 =	simm.s32 $0x1000;
	s0 =	simm.s32 $0x200;
	[tilespmem:s28+$0x8170] =	vst v21;
	(xrf2) =	vadd.scan.msk.f32 $0xffff, v62;
	v10 =	vadd.f32 s6, v9;
	v9, _, _ =	vpop (xrf2);
	v11 =	vadd.f32 s6, v7;
	s9 =	smov.u32 s6  }
.LBB2_11:
0x28f: {  	p0 =	sne.s32 s20, $0xF800;
	v19 =	vld [tilespmem:s0+$0x8170];
	v20, _, _ =	vpop (xrf2);
	[tilespmem:s19+$0x8060] =	vst v17  }
0x290: {  	[tilespmem:s19+$0x8070] =	vst v16  }
0x291: {  	s21 =	sshra.s32 s20, $0x2;
	(xrf2) =	vadd.scan.msk.f32 $0xffff, v18;
	[tilespmem:s19+$0x8100] =	vst v14  }
0x292: {  	v14 =	vld [tilespmem:s21+$0x8000];
	v16, _, _ =	vpop (xrf2);
	[tilespmem:s19+$0x8030] =	vst v13  }
0x293: {  	[tilespmem:s19+$0x8040] =	vst v12  }
0x294: {  	(xrf2) =	vadd.scan.msk.f32 $0xffff, v19;
	[tilespmem:s19+$0x8020] =	vst v15;
	s19 =	smov.u32 s0;
	s0 =	smov.u32 s21  }
0x295: {  	v12 =	vld [tilespmem:s0+$0x8010];
	[tilespmem:s19+$0x8010] =	vst v10;
	v10, _, _ =	vpop (xrf2)  }
0x296: {  	[tilespmem:s19+$0x8000] =	vst v11  }
0x297: {  	(xrf2) =	vadd.scan.msk.f32 $0xffff, v14  }
0x298: {  	v11 =	vld [tilespmem:s0+$0x8020];
	v13, _, _ =	vpop (xrf2);
	_ =	sdelay $0x1  }
0x299: {  	(xrf2) =	vadd.scan.msk.f32 $0xffff, v12  }
0x29a: {  	v12 =	vld [tilespmem:s0+$0x8030];
	v14, _, _ =	vpop (xrf2)  }
0x29b: {  	v15 =	vadd.f32 v8, v7;
	v7 =	vadd.f32 v1, v0  }
0x29c: {  	v8 =	vadd.f32 v5, v4;
	(xrf2) =	vadd.scan.msk.f32 $0xffff, v11;
	v11 =	vadd.f32 v3, v2  }
0x29d: {  	v18 =	vadd.f32 v9, v6;
	v19 =	vadd.f32 v16, v20;
	v21 =	vbroadcast v15, $0xF;
	v17 =	vld [tilespmem:s0+$0x8040];
	v22, _, _ =	vpop (xrf2)  }
0x29e: {  	v23 =	vadd.f32 v13, v10;
	v24 =	vadd.f32 v22, v14  }
0x29f: {  	v8 =	vadd.f32 v8, v11;
	(xrf2) =	vadd.scan.msk.f32 $0xffff, v12;
	v12 =	vadd.f32 v7, v15  }
0x2a0: {  	v19 =	vadd.f32 v19, v18;
	v25 =	vld [tilespmem:s0+$0x8050];
	v7, _, _ =	vpop (xrf2);
	v24 =	vadd.f32 v24, v23  }
0x2a1: {  	v27 =	vadd.f32 v14, v23;
	v26 =	vadd.f32 v4, v11;
	v28 =	vbroadcast v12, $0xF  }
0x2a2: {  	v29 =	vbroadcast v7, $0xF;
	(xrf2) =	vadd.scan.msk.f32 $0xffff, v17;
	v17 =	vadd.f32 v8, v12;
	v24 =	vadd.f32 v24, v19  }
0x2a3: {  	v31 =	vadd.f32 v19, v10;
	v23 =	vadd.f32 v23, v19;
	v30 =	vld [tilespmem:s0+$0x8060];
	v8, _, _ =	vpop (xrf2)  }
0x2a4: {  	v27 =	vadd.f32 v27, v19;
	v24 =	vadd.f32 v24, v17;
	v32 =	vbroadcast v17, $0xF  }
0x2a5: {  	v33 =	vadd.f32 v17, v6;
	(xrf2) =	vadd.scan.msk.f32 $0xffff, v25;
	v25 =	vadd.f32 v20, v18  }
0x2a6: {  	v18 =	vadd.f32 v18, v17;
	v34 =	vld [tilespmem:s0+$0x8070];
	v35, _, _ =	vpop (xrf2);
	(v2sf) =	vpush v24, $0xF  }
0x2a7: {  	v19 =	vadd.f32 v19, v17;
	v24 =	vadd.f32 v25, v17;
	v25 =	vbroadcast v33, $0xF  }
0x2a8: {  	v23 =	vadd.f32 v23, v17;
	v18 =	vbroadcast v18, $0xF;
	(xrf2) =	vadd.scan.msk.f32 $0xffff, v30;
	v30 =	vadd.f32 v31, v17  }
0x2a9: {  	v36 =	vadd.f32 v12, v2;
	v17 =	vadd.f32 v27, v17;
	v31 =	vld [tilespmem:s0+$0x8100];
	v33, _, _ =	vpop (xrf2);
	v24 =	vbroadcast v24, $0xF  }
0x2aa: {  	v11 =	vadd.f32 v11, v12;
	v12 =	vadd.f32 v26, v12;
	v19 =	vbroadcast v19, $0xF  }
0x2ab: {  	v15 =	vadd.f32 v0, v15;
	v23 =	vbroadcast v23, $0xF;
	v26 =	vbroadcast v30, $0xF;
	(xrf2) =	vadd.scan.msk.f32 $0xffff, v34  }
0x2ac: {  	v9 =	vadd.f32 v25, v9;
	v17 =	vbroadcast v17, $0xF;
	v34 =	vbroadcast v36, $0xF;
	v27 =	vld [tilespmem:s0+$0x8110];
	v30, _, _ =	vpop (xrf2)  }
0x2ad: {  	v11 =	vbroadcast v11, $0xF;
	v12 =	vbroadcast v12, $0xF;
	v18 =	vadd.f32 v18, v20  }
0x2ae: {  	v15 =	vbroadcast v15, $0xF;
	v10 =	vadd.f32 v19, v10;
	v16 =	vadd.f32 v24, v16;
	(xrf2) =	vadd.scan.msk.f32 $0xffff, v31  }
0x2af: {  	v14 =	vadd.f32 v23, v14;
	v13 =	vadd.f32 v26, v13;
	v19 =	vld [tilespmem:s0+$0x8120];
	v20, _, _ =	vpop (xrf2)  }
0x2b0: {  	v17 =	vadd.f32 v17, v22;
	v23 =	vadd.f32 v34, v3;
	v3 =	vmov v20  }
0x2b1: {  	v11 =	vadd.f32 v11, v4;
	v12 =	vadd.f32 v12, v5;
	(xrf2) =	vadd.scan.msk.f32 $0xffff, v27  }
0x2b2: {  	v15 =	vadd.f32 v15, v1;
	v1 =	vmov v33;
	v22 =	vadd.f32 v32, v6;
	v20 =	vld [tilespmem:s0+$0x8130];
	v4, _, _ =	vpop (xrf2)  }
0x2b3: {  	v21 =	vadd.f32 v21, v0;
	v0 =	vmovc v35;
	v24 =	vadd.f32 v28, v2;
	v2 =	vmov v30  }
0x2b4: {  	v25 =	vadd.f32 v29, v8;
	v6 =	vadd.f32 s6, v9;
	(xrf2) =	vadd.scan.msk.f32 $0xffff, v19  }
0x2b5: {  	v18 =	vadd.f32 s6, v18;
	v16 =	vadd.f32 s6, v16;
	v9 =	vld [tilespmem:s0+$0x8140];
	v5, _, _ =	vpop (xrf2);
	s21 =	spop (v2sf)  }
0x2b6: {  	v10 =	vadd.f32 s9, v10;
	v19 =	vadd.f32 s9, v13;
	[tilespmem:s19+$0x8110] =	vst v6;
	s6 =	sadd.f32 s21, s6  }
0x2b7: {  	v26 =	vadd.f32 s9, v17;
	(xrf2) =	vadd.scan.msk.f32 $0xffff, v20;
	[tilespmem:s19+$0x8120] =	vst v18;
	v20 =	vadd.f32 s9, v14  }
0x2b8: {  	v17 =	vadd.f32 s9, v11;
	v23 =	vadd.f32 s9, v23;
	v27 =	vld [tilespmem:s0+$0x8150];
	v6, _, _ =	vpop (xrf2);
	[tilespmem:s19+$0x8130] =	vst v16  }
.Ltmp4:
0x2b9: {  	v14 =	vadd.f32 s9, v22;
	v16 =	vadd.f32 s9, v12;
	[tilespmem:s19+$0x8140] =	vst v10;
	(pc) =	sbr.rel @p0 .LBB2_11-.Ltmp4, $4  }
0x2ba: {  	v13 =	vadd.f32 s9, v15;
	v12 =	vadd.f32 s9, v24;
	(xrf2) =	vadd.scan.msk.f32 $0xffff, v9;
	[tilespmem:s19+$0x8150] =	vst v19  }
0x2bb: {  	v15 =	vadd.f32 s9, v21;
	s9 =	smov.u32 s6;
	v10 =	vadd.f32 s6, v25;
	v18 =	vld [tilespmem:s0+$0x8160];
	v9, _, _ =	vpop (xrf2);
	[tilespmem:s19+$0x8160] =	vst v20  }
0x2bc: {  	v11 =	vadd.f32 s6, v7;
	[tilespmem:s19+$0x8170] =	vst v26  }
0x2bd: {  	s20 =	sadd.s32 $0x800, s20;
	(xrf2) =	vadd.scan.msk.f32 $0xffff, v27;
	[tilespmem:s19+$0x8050] =	vst v23  }
0x2be: {  	v7 =	vadd.f32 v8, v7;
	v8 =	vadd.f32 v1, v0  }
0x2bf: {  	v21 =	vadd.f32 v3, v2;
	v22 =	vadd.f32 v5, v4  }
0x2c0: {  	v24 =	vadd.f32 v9, v6  }
0x2c1: {  	(xrf2) =	vadd.scan.msk.f32 $0xffff, v18;
	v18, _, _ =	vpop (xrf2);
	v8 =	vadd.f32 v8, v7;
	v22 =	vadd.f32 v22, v21  }
0x2c2: {  	[tilespmem:s19+$0x8020] =	vst v15;
	v29 =	vadd.f32 v4, v21;
	v15 =	vadd.f32 v0, v7;
	v19, _, _ =	vpop (xrf2)  }
0x2c3: {  	v33 =	vadd.f32 v18, v24;
	v25 =	vadd.f32 v19, v18  }
0x2c4: {  	v7 =	vbroadcast v7, $0xF;
	v22 =	vadd.f32 v22, v8;
	v40 =	vadd.f32 v8, v2  }
0x2c5: {  	v21 =	vadd.f32 v21, v8;
	v41 =	vadd.f32 v29, v8  }
0x2c6: {  	v8 =	vbroadcast v8, $0xF;
	v0 =	vadd.f32 v7, v0;
	v25 =	vadd.f32 v25, v24  }
0x2c7: {  	[tilespmem:s19+$0x8060] =	vst v17;
	v37 =	vadd.f32 v22, v6;
	v17 =	vadd.f32 v24, v22  }
0x2c8: {  	[tilespmem:s19+$0x8070] =	vst v16;
	v20, _, _ =	vpop (xrf2);
	v38 =	vadd.f32 v33, v22;
	v2 =	vadd.f32 v8, v2  }
0x2c9: {  	v26 =	vld [tilespmem:s0+$0x8170];
	[tilespmem:s19+$0x8100] =	vst v14;
	v0 =	vadd.f32 s9, v0;
	v31 =	vadd.f32 v25, v20  }
0x2ca: {  	[tilespmem:s19+$0x8030] =	vst v13;
	v16 =	vadd.f32 v25, v22;
	v14 =	vbroadcast v37, $0xF;
	v13 =	vbroadcast v17, $0xF;
	v23, _, _ =	vpop (xrf2)  }
0x2cb: {  	[tilespmem:s19+$0x8040] =	vst v12;
	v12 =	vbroadcast v38, $0xF;
	v2 =	vadd.f32 s9, v2;
	v27 =	vadd.f32 v23, v20  }
0x2cc: {  	v31 =	vadd.f32 v31, v22;
	v9 =	vadd.f32 v14, v9  }
0x2cd: {  	v14 =	vbroadcast v16, $0xF;
	v13 =	vadd.f32 v13, v18;
	v12 =	vadd.f32 v12, v19  }
0x2ce: {  	(xrf2) =	vadd.scan.msk.f32 $0xffff, v26;
	v32 =	vadd.f32 v27, v25;
	v9 =	vadd.f32 s6, v9  }
0x2cf: {  	[tilespmem:s0+$0x8010] =	vst v10;
	v28, _, _ =	vpop (xrf2);
	v10 =	vbroadcast v31, $0xF;
	v14 =	vadd.f32 v14, v20;
	v13 =	vadd.f32 s6, v13  }
0x2d0: {  	[tilespmem:s0+$0x8000] =	vst v11;
	v12 =	vadd.f32 s6, v12;
	v30 =	vadd.f32 v28, v27  }
0x2d1: {  	[tilespmem:s0+$0x8020] =	vst v0;
	v39 =	vadd.f32 v32, v22;
	v10 =	vadd.f32 v10, v23  }
0x2d2: {  	v14 =	vadd.f32 s9, v14;
	[tilespmem:s0+$0x8120] =	vst v13;
	v13 =	vbroadcast v21, $0xF;
	v36 =	vadd.f32 v30, v25  }
0x2d3: {  	[tilespmem:s0+$0x8130] =	vst v12;
	v12 =	vbroadcast v41, $0xF;
	v11 =	vbroadcast v39, $0xF;
	v10 =	vadd.f32 s9, v10  }
0x2d4: {  	[tilespmem:s0+$0x8040] =	vst v2;
	v4 =	vadd.f32 v13, v4;
	v17 =	vadd.f32 v36, v22  }
0x2d5: {  	v5 =	vadd.f32 v12, v5;
	v11 =	vadd.f32 v11, v28;
	[tilespmem:s0+$0x8150] =	vst v10;
	v10 =	vbroadcast v15, $0xF  }
0x2d6: {  	[tilespmem:s0+$0x8110] =	vst v9;
	v4 =	vadd.f32 s9, v4;
	v16 =	vbroadcast v17, $0xF;
	v17 =	vbroadcast v40, $0xF  }
0x2d7: {  	[tilespmem:s0+$0x8140] =	vst v14;
	v5 =	vadd.f32 s9, v5;
	v1 =	vadd.f32 v10, v1  }
0x2d8: {  	v9, _, _ =	vpop (xrf2);
	v14 =	vbroadcast v22, $0xF;
	v11 =	vadd.f32 s9, v11;
	[tilespmem:s0+$0x8060] =	vst v4;
	v3 =	vadd.f32 v17, v3  }
0x2d9: {  	[tilespmem:s0+$0x8070] =	vst v5;
	v16 =	vadd.f32 v16, v9;
	v1 =	vadd.f32 s9, v1  }
0x2da: {  	v6 =	vadd.f32 v14, v6;
	[tilespmem:s0+$0x8160] =	vst v11;
	v3 =	vadd.f32 s9, v3  }
0x2db: {  	v13 =	vadd.f32 s9, v16;
	[tilespmem:s0+$0x8030] =	vst v1  }
0x2dc: {  	[tilespmem:s0+$0x8050] =	vst v3;
	v3 =	vadd.f32 s9, v6  }
0x2dd: {  	[tilespmem:s0+$0x8170] =	vst v13  }
0x2de: {  	[tilespmem:s0+$0x8100] =	vst v3  }
0x2df: {  	v0 =	vld [tilespmem:s28+$0x8080]  }
0x2e0: {  	v1 =	vld [tilespmem:s28+$0x8090]  }
0x2e1: {  	v2 =	vld [tilespmem:s28+$0x80A0]  }
0x2e2: {  	v3 =	vld [tilespmem:s28+$0x80B0]  }
0x2e3: {  	v4 =	vld [tilespmem:s28+$0x80C0]  }
0x2e4: {  	(xrf2) =	vadd.scan.msk.f32 $0xffff, v0;
	v0 =	vld [tilespmem:s28+$0x80D0]  }
0x2e5: {  	(xrf2) =	vadd.scan.msk.f32 $0xffff, v1;
	v1 =	vld [tilespmem:s28+$0x80E0]  }
0x2e6: {  	(xrf2) =	vadd.scan.msk.f32 $0xffff, v2;
	v2 =	vld [tilespmem:s28+$0x80F0]  }
0x2e7: {  	(xrf2) =	vadd.scan.msk.f32 $0xffff, v3;
	v3 =	vld [tilespmem:s28+$0x8180]  }
0x2e8: {  	(xrf2) =	vadd.scan.msk.f32 $0xffff, v4;
	v4 =	vld [tilespmem:s28+$0x8190]  }
0x2e9: {  	(xrf2) =	vadd.scan.msk.f32 $0xffff, v0;
	v0 =	vld [tilespmem:s28+$0x81A0]  }
0x2ea: {  	(xrf2) =	vadd.scan.msk.f32 $0xffff, v1;
	v1 =	vld [tilespmem:s28+$0x81B0]  }
0x2eb: {  	(xrf2) =	vadd.scan.msk.f32 $0xffff, v2;
	v2 =	vld [tilespmem:s28+$0x81C0]  }
0x2ec: {  	(xrf2) =	vadd.scan.msk.f32 $0xffff, v3  }
0x2ed: {  	v3 =	vld [tilespmem:s28+$0x81D0];
	(xrf2) =	vadd.scan.msk.f32 $0xffff, v4  }
0x2ee: {  	v4 =	vld [tilespmem:s28+$0x81E0];
	v5, _, _ =	vpop (xrf2);
	(xrf2) =	vadd.scan.msk.f32 $0xffff, v0  }
0x2ef: {  	v0 =	vld [tilespmem:s28+$0x81F0];
	v6, _, _ =	vpop (xrf2);
	(xrf2) =	vadd.scan.msk.f32 $0xffff, v1  }
0x2f0: {  	v1, _, _ =	vpop (xrf2);
	(xrf2) =	vadd.scan.msk.f32 $0xffff, v2;
	v2 =	vadd.f32 v9, v28;
	_ =	sdelay $0x1  }
0x2f1: {  	v7, _, _ =	vpop (xrf2);
	(xrf2) =	vadd.scan.msk.f32 $0xffff, v3;
	v2 =	vadd.f32 v2, v27  }
0x2f2: {  	v3, _, _ =	vpop (xrf2);
	(xrf2) =	vadd.scan.msk.f32 $0xffff, v4  }
0x2f3: {  	v4, _, _ =	vpop (xrf2);
	(xrf2) =	vadd.scan.msk.f32 $0xffff, v0;
	v2 =	vadd.f32 v2, v25  }
0x2f4: {  	v13 =	vadd.f32 s1, v5;
	v9 =	vbroadcast v5, $0xF;
	v0, _, _ =	vpop (xrf2)  }
0x2f5: {  	v5 =	vadd.f32 v6, v5;
	v8, _, _ =	vpop (xrf2);
	v2 =	vadd.f32 v2, v22  }
0x2f6: {  	v9 =	vadd.f32 v9, v6;
	v10, _, _ =	vpop (xrf2)  }
0x2f7: {  	v6 =	vadd.f32 v7, v1;
	v34 =	vadd.f32 v1, v5;
	v11, _, _ =	vpop (xrf2)  }
0x2f8: {  	v9 =	vadd.f32 s1, v9;
	v17 =	vadd.f32 v4, v3;
	v12, _, _ =	vpop (xrf2)  }
0x2f9: {  	v6 =	vadd.f32 v6, v5;
	(v2sf) =	vpush v2, $0xF;
	v2, _, _ =	vpop (xrf2)  }
0x2fa: {  	v18 =	vadd.f32 v8, v0;
	v45 =	vadd.f32 v0, v17;
	v14, _, _ =	vpop (xrf2)  }
0x2fb: {  	v57 =	vadd.f32 v6, v3;
	v19 =	vadd.f32 v11, v10;
	v15, _, _ =	vpop (xrf2)  }
0x2fc: {  	v18 =	vadd.f32 v18, v17;
	v17 =	vadd.f32 v17, v6;
	v16, _, _ =	vpop (xrf2)  }
0x2fd: {  	v24 =	vadd.f32 v45, v6;
	v20 =	vadd.f32 v2, v12;
	v42, _, _ =	vpop (xrf2)  }
0x2fe: {  	v47 =	vld [tilespmem:s30+$0x8080];
	v43 =	vadd.f32 v15, v14;
	v44 =	vadd.f32 v42, v16  }
0x2ff: {  	v33 =	vbroadcast v57, $0xF;
	v18 =	vadd.f32 v18, v6;
	v51 =	vadd.f32 v12, v19  }
0x300: {  	v49 =	vld [tilespmem:s30+$0x8090];
	v17 =	vbroadcast v17, $0xF;
	v20 =	vadd.f32 v20, v19;
	v23 =	vadd.f32 v44, v43  }
0x301: {  	v4 =	vadd.f32 v33, v4;
	v6 =	vbroadcast v6, $0xF;
	v52 =	vadd.f32 v18, v10  }
0x302: {  	v50 =	vld [tilespmem:s30+$0x80A0];
	v30 =	vadd.f32 v51, v18;
	v23 =	vadd.f32 v23, v20  }
0x303: {  	v53 =	vld [tilespmem:s30+$0x80B0];
	(xrf2) =	vadd.scan.msk.f32 $0xffff, v47;
	v17 =	vadd.f32 v17, v0;
	v61 =	vadd.f32 v6, v3  }
0x304: {  	v54 =	vld [tilespmem:s30+$0x80C0];
	v19 =	vadd.f32 v19, v18;
	v23 =	vadd.f32 v23, v18  }
0x305: {  	v55 =	vld [tilespmem:s30+$0x80D0];
	(xrf2) =	vadd.scan.msk.f32 $0xffff, v49;
	v46 =	vadd.f32 v16, v43;
	v48 =	vadd.f32 v20, v14  }
0x306: {  	v56 =	vld [tilespmem:s30+$0x80E0];
	v31 =	vbroadcast v52, $0xF;
	v22 =	vadd.f32 v43, v20;
	(v2sf) =	vpush v23, $0xF  }
0x307: {  	v58 =	vld [tilespmem:s30+$0x80F0];
	[tilespmem:s28+$0x8080] =	vst v13;
	(xrf2) =	vadd.scan.msk.f32 $0xffff, v50;
	v25 =	vadd.f32 v46, v20;
	v20 =	vadd.f32 v20, v18  }
0x308: {  	v59 =	vld [tilespmem:s30+$0x8180];
	(xrf2) =	vadd.scan.msk.f32 $0xffff, v53;
	v30 =	vbroadcast v30, $0xF;
	v19 =	vbroadcast v19, $0xF;
	v11 =	vadd.f32 v31, v11  }
0x309: {  	v60 =	vld [tilespmem:s30+$0x8190];
	(xrf2) =	vadd.scan.msk.f32 $0xffff, v54;
	v27 =	vadd.f32 v48, v18;
	v22 =	vadd.f32 v22, v18;
	v20 =	vbroadcast v20, $0xF  }
0x30a: {  	v13 =	vld [tilespmem:s30+$0x81A0];
	(xrf2) =	vadd.scan.msk.f32 $0xffff, v55;
	v12 =	vadd.f32 v19, v12;
	v19 =	vbroadcast v24, $0xF;
	v25 =	vadd.f32 v25, v18  }
0x30b: {  	(xrf2) =	vadd.scan.msk.f32 $0xffff, v56;
	v18 =	vbroadcast v18, $0xF;
	v14 =	vadd.f32 v20, v14;
	v20 =	vbroadcast v34, $0xF  }
0x30c: {  	v0 =	vbroadcast v5, $0xF;
	v2 =	vadd.f32 v30, v2;
	(xrf2) =	vadd.scan.msk.f32 $0xffff, v58;
	v5 =	vadd.f32 v19, v8  }
0x30d: {  	[tilespmem:s28+$0x8090] =	vst v9;
	(xrf2) =	vadd.scan.msk.f32 $0xffff, v59;
	v9 =	vadd.f32 v18, v10;
	v18 =	vld [tilespmem:s30+$0x81B0];
	v19 =	vadd.f32 v20, v7;
	v7, _, _ =	vpop (xrf2)  }
0x30e: {  	v63 =	vadd.f32 s1, v4;
	(xrf2) =	vadd.scan.msk.f32 $0xffff, v60;
	v10 =	vadd.f32 s1, v11;
	v11 =	vbroadcast v7, $0xF  }
0x30f: {  	v3 =	vadd.f32 s1, v2;
	v27 =	vbroadcast v27, $0xF;
	v22 =	vbroadcast v22, $0xF;
	(xrf2) =	vadd.scan.msk.f32 $0xffff, v13;
	v8, _, _ =	vpop (xrf2)  }
0x310: {  	v12 =	vadd.f32 s1, v12;
	v25 =	vbroadcast v25, $0xF;
	[tilespmem:s28+$0x8190] =	vst v10;
	v10 =	vadd.f32 v11, v8;
	v11 =	vld [tilespmem:s30+$0x81C0]  }
0x311: {  	v15 =	vadd.f32 v27, v15;
	v20 =	vadd.f32 v0, v1;
	v0, _, _ =	vpop (xrf2)  }
0x312: {  	[tilespmem:s28+$0x80D0] =	vst v63;
	v16 =	vadd.f32 v22, v16;
	v21 =	vadd.f32 v25, v42;
	v1, _, _ =	vpop (xrf2);
	(xrf2) =	vadd.scan.msk.f32 $0xffff, v18  }
0x313: {  	v62 =	vld [tilespmem:s30+$0x81D0];
	[tilespmem:s28+$0x81A0] =	vst v12;
	v12 =	vadd.f32 s1, v15;
	v6 =	vadd.f32 s1, v14;
	v2, _, _ =	vpop (xrf2)  }
0x314: {  	v17 =	vadd.f32 s1, v17;
	[tilespmem:s28+$0x81B0] =	vst v3;
	s31 =	spop (v2sf);
	v15 =	vadd.f32 s1, v16;
	v3, _, _ =	vpop (xrf2)  }
0x315: {  	v16 =	vadd.f32 s1, v5;
	v21 =	vadd.f32 s1, v21;
	[tilespmem:s28+$0x81D0] =	vst v12;
	v4, _, _ =	vpop (xrf2);
	(xrf2) =	vadd.scan.msk.f32 $0xffff, v11;
	s0 =	spop (v2sf)  }
0x316: {  	v14 =	vadd.f32 s1, v9;
	[tilespmem:s28+$0x81E0] =	vst v15;
	v12 =	vadd.f32 s1, v61;
	v18 =	vld [tilespmem:s30+$0x81E0];
	v5, _, _ =	vpop (xrf2);
	s9 =	sadd.f32 s0, s1  }
0x317: {  	[tilespmem:s28+$0x81C0] =	vst v6;
	v13 =	vadd.f32 s1, v19;
	v15 =	vadd.f32 s1, v20;
	v6, _, _ =	vpop (xrf2)  }
0x318: {  	[tilespmem:s28+$0x81F0] =	vst v21;
	v9, _, _ =	vpop (xrf2);
	(xrf2) =	vadd.scan.msk.f32 $0xffff, v62;
	s1 =	simm.s32 $0x1000;
	v10 =	vadd.f32 s9, v10;
	v11 =	vadd.f32 s9, v7;
	s0 =	smov.u32 s9  }
.LBB2_13:
0x319: {  	p0 =	sne.s32 s1, $0xF800;
	v19 =	vld [tilespmem:s30+$0x81F0];
	v20, _, _ =	vpop (xrf2);
	[tilespmem:s28+$0x80E0] =	vst v17  }
0x31a: {  	[tilespmem:s28+$0x80F0] =	vst v16  }
0x31b: {  	s6 =	sshra.s32 s1, $0x2;
	(xrf2) =	vadd.scan.msk.f32 $0xffff, v18;
	[tilespmem:s28+$0x8180] =	vst v14  }
0x31c: {  	v14 =	vld [tilespmem:s6+$0x8080];
	v16, _, _ =	vpop (xrf2);
	[tilespmem:s28+$0x80B0] =	vst v13  }
0x31d: {  	[tilespmem:s28+$0x80C0] =	vst v12  }
0x31e: {  	(xrf2) =	vadd.scan.msk.f32 $0xffff, v19;
	[tilespmem:s28+$0x80A0] =	vst v15;
	s28 =	smov.u32 s30;
	s30 =	smov.u32 s6  }
0x31f: {  	v12 =	vld [tilespmem:s30+$0x8090];
	[tilespmem:s28+$0x8090] =	vst v10;
	v10, _, _ =	vpop (xrf2)  }
0x320: {  	[tilespmem:s28+$0x8080] =	vst v11  }
0x321: {  	(xrf2) =	vadd.scan.msk.f32 $0xffff, v14  }
0x322: {  	v11 =	vld [tilespmem:s30+$0x80A0];
	v13, _, _ =	vpop (xrf2);
	_ =	sdelay $0x1  }
0x323: {  	(xrf2) =	vadd.scan.msk.f32 $0xffff, v12  }
0x324: {  	v12 =	vld [tilespmem:s30+$0x80B0];
	v14, _, _ =	vpop (xrf2)  }
0x325: {  	v15 =	vadd.f32 v8, v7;
	v7 =	vadd.f32 v1, v0  }
0x326: {  	v8 =	vadd.f32 v5, v4;
	(xrf2) =	vadd.scan.msk.f32 $0xffff, v11;
	v11 =	vadd.f32 v3, v2  }
0x327: {  	v18 =	vadd.f32 v9, v6;
	v19 =	vadd.f32 v16, v20;
	v21 =	vbroadcast v15, $0xF;
	v17 =	vld [tilespmem:s30+$0x80C0];
	v22, _, _ =	vpop (xrf2)  }
0x328: {  	v23 =	vadd.f32 v13, v10;
	v24 =	vadd.f32 v22, v14  }
0x329: {  	v8 =	vadd.f32 v8, v11;
	(xrf2) =	vadd.scan.msk.f32 $0xffff, v12;
	v12 =	vadd.f32 v7, v15  }
0x32a: {  	v19 =	vadd.f32 v19, v18;
	v25 =	vld [tilespmem:s30+$0x80D0];
	v7, _, _ =	vpop (xrf2);
	v24 =	vadd.f32 v24, v23  }
0x32b: {  	v27 =	vadd.f32 v14, v23;
	v26 =	vadd.f32 v4, v11;
	v28 =	vbroadcast v12, $0xF  }
0x32c: {  	v29 =	vbroadcast v7, $0xF;
	(xrf2) =	vadd.scan.msk.f32 $0xffff, v17;
	v17 =	vadd.f32 v8, v12;
	v24 =	vadd.f32 v24, v19  }
0x32d: {  	v31 =	vadd.f32 v19, v10;
	v23 =	vadd.f32 v23, v19;
	v30 =	vld [tilespmem:s30+$0x80E0];
	v8, _, _ =	vpop (xrf2)  }
0x32e: {  	v27 =	vadd.f32 v27, v19;
	v24 =	vadd.f32 v24, v17;
	v32 =	vbroadcast v17, $0xF  }
0x32f: {  	v33 =	vadd.f32 v17, v6;
	(xrf2) =	vadd.scan.msk.f32 $0xffff, v25;
	v25 =	vadd.f32 v20, v18  }
0x330: {  	v18 =	vadd.f32 v18, v17;
	v34 =	vld [tilespmem:s30+$0x80F0];
	v35, _, _ =	vpop (xrf2);
	(v2sf) =	vpush v24, $0xF  }
0x331: {  	v19 =	vadd.f32 v19, v17;
	v24 =	vadd.f32 v25, v17;
	v25 =	vbroadcast v33, $0xF  }
0x332: {  	v23 =	vadd.f32 v23, v17;
	v18 =	vbroadcast v18, $0xF;
	(xrf2) =	vadd.scan.msk.f32 $0xffff, v30;
	v30 =	vadd.f32 v31, v17  }
0x333: {  	v36 =	vadd.f32 v12, v2;
	v17 =	vadd.f32 v27, v17;
	v31 =	vld [tilespmem:s30+$0x8180];
	v33, _, _ =	vpop (xrf2);
	v24 =	vbroadcast v24, $0xF  }
0x334: {  	v11 =	vadd.f32 v11, v12;
	v12 =	vadd.f32 v26, v12;
	v19 =	vbroadcast v19, $0xF  }
0x335: {  	v15 =	vadd.f32 v0, v15;
	v23 =	vbroadcast v23, $0xF;
	v26 =	vbroadcast v30, $0xF;
	(xrf2) =	vadd.scan.msk.f32 $0xffff, v34  }
0x336: {  	v9 =	vadd.f32 v25, v9;
	v17 =	vbroadcast v17, $0xF;
	v34 =	vbroadcast v36, $0xF;
	v27 =	vld [tilespmem:s30+$0x8190];
	v30, _, _ =	vpop (xrf2)  }
0x337: {  	v11 =	vbroadcast v11, $0xF;
	v12 =	vbroadcast v12, $0xF;
	v18 =	vadd.f32 v18, v20  }
0x338: {  	v15 =	vbroadcast v15, $0xF;
	v10 =	vadd.f32 v19, v10;
	v16 =	vadd.f32 v24, v16;
	(xrf2) =	vadd.scan.msk.f32 $0xffff, v31  }
0x339: {  	v14 =	vadd.f32 v23, v14;
	v13 =	vadd.f32 v26, v13;
	v19 =	vld [tilespmem:s30+$0x81A0];
	v20, _, _ =	vpop (xrf2)  }
0x33a: {  	v17 =	vadd.f32 v17, v22;
	v23 =	vadd.f32 v34, v3;
	v3 =	vmov v20  }
0x33b: {  	v11 =	vadd.f32 v11, v4;
	v12 =	vadd.f32 v12, v5;
	(xrf2) =	vadd.scan.msk.f32 $0xffff, v27  }
0x33c: {  	v15 =	vadd.f32 v15, v1;
	v1 =	vmov v33;
	v22 =	vadd.f32 v32, v6;
	v20 =	vld [tilespmem:s30+$0x81B0];
	v4, _, _ =	vpop (xrf2)  }
0x33d: {  	v21 =	vadd.f32 v21, v0;
	v0 =	vmovc v35;
	v24 =	vadd.f32 v28, v2;
	v2 =	vmov v30  }
0x33e: {  	v25 =	vadd.f32 v29, v8;
	v6 =	vadd.f32 s9, v9;
	(xrf2) =	vadd.scan.msk.f32 $0xffff, v19  }
0x33f: {  	v18 =	vadd.f32 s9, v18;
	v16 =	vadd.f32 s9, v16;
	v9 =	vld [tilespmem:s30+$0x81C0];
	v5, _, _ =	vpop (xrf2);
	s6 =	spop (v2sf)  }
0x340: {  	v10 =	vadd.f32 s0, v10;
	v19 =	vadd.f32 s0, v13;
	[tilespmem:s28+$0x8190] =	vst v6;
	s9 =	sadd.f32 s6, s9  }
0x341: {  	v26 =	vadd.f32 s0, v17;
	(xrf2) =	vadd.scan.msk.f32 $0xffff, v20;
	[tilespmem:s28+$0x81A0] =	vst v18;
	v20 =	vadd.f32 s0, v14  }
0x342: {  	v17 =	vadd.f32 s0, v11;
	v23 =	vadd.f32 s0, v23;
	v27 =	vld [tilespmem:s30+$0x81D0];
	v6, _, _ =	vpop (xrf2);
	[tilespmem:s28+$0x81B0] =	vst v16  }
.Ltmp5:
0x343: {  	v14 =	vadd.f32 s0, v22;
	v16 =	vadd.f32 s0, v12;
	[tilespmem:s28+$0x81C0] =	vst v10;
	(pc) =	sbr.rel @p0 .LBB2_13-.Ltmp5, $4  }
0x344: {  	v13 =	vadd.f32 s0, v15;
	v12 =	vadd.f32 s0, v24;
	(xrf2) =	vadd.scan.msk.f32 $0xffff, v9;
	[tilespmem:s28+$0x81D0] =	vst v19  }
0x345: {  	v15 =	vadd.f32 s0, v21;
	s0 =	smov.u32 s9;
	v10 =	vadd.f32 s9, v25;
	v18 =	vld [tilespmem:s30+$0x81E0];
	v9, _, _ =	vpop (xrf2);
	[tilespmem:s28+$0x81E0] =	vst v20  }
0x346: {  	v11 =	vadd.f32 s9, v7;
	[tilespmem:s28+$0x81F0] =	vst v26  }
0x347: {  	s1 =	sadd.s32 $0x800, s1;
	(xrf2) =	vadd.scan.msk.f32 $0xffff, v27;
	[tilespmem:s28+$0x80D0] =	vst v23  }
0x348: {  	v19 =	vld [tilespmem:s30+$0x81F0];
	_ =	sdelay $0x3  }
0x349: {  	v7 =	vadd.f32 v8, v7;
	v21 =	vadd.f32 v1, v0;
	(xrf2) =	vadd.scan.msk.f32 $0xffff, v18  }
0x34a: {  	v22 =	vadd.f32 v3, v2;
	v24 =	vadd.f32 v5, v4;
	(xrf2) =	vadd.scan.msk.f32 $0xffff, v19  }
0x34b: {  	v25 =	vadd.f32 v9, v6  }
0x34c: {  	v21 =	vadd.f32 v21, v7;
	v24 =	vadd.f32 v24, v22  }
0x34d: {  	[tilespmem:s28+$0x80A0] =	vst v15;
	v18, _, _ =	vpop (xrf2);
	v30 =	vadd.f32 v4, v22;
	v15 =	vadd.f32 v0, v7  }
0x34e: {  	v7 =	vbroadcast v7, $0xF;
	v33 =	vadd.f32 v18, v25;
	v24 =	vadd.f32 v24, v21  }
0x34f: {  	v39 =	vadd.f32 v21, v2;
	v22 =	vadd.f32 v22, v21;
	v19, _, _ =	vpop (xrf2)  }
0x350: {  	v0 =	vadd.f32 v7, v0;
	v26 =	vadd.f32 v19, v18  }
0x351: {  	[tilespmem:s28+$0x80E0] =	vst v17;
	v20, _, _ =	vpop (xrf2);
	v34 =	vadd.f32 v24, v6;
	v17 =	vadd.f32 v33, v24  }
0x352: {  	v0 =	vadd.f32 s0, v0;
	v26 =	vadd.f32 v26, v25;
	v8, _, _ =	vpop (xrf2)  }
0x353: {  	[tilespmem:s28+$0x80C0] =	vst v12;
	v25 =	vadd.f32 v25, v24;
	v12 =	vbroadcast v17, $0xF;
	v17 =	vadd.f32 v30, v21;
	v23, _, _ =	vpop (xrf2)  }
0x354: {  	[tilespmem:s28+$0x8180] =	vst v14;
	v14 =	vbroadcast v34, $0xF;
	v28 =	vadd.f32 v8, v20;
	v32 =	vadd.f32 v26, v20;
	v27, _, _ =	vpop (xrf2)  }
0x355: {  	[tilespmem:s28+$0x80F0] =	vst v16;
	v16 =	vadd.f32 v26, v24;
	v29 =	vadd.f32 v27, v23  }
0x356: {  	[tilespmem:s28+$0x80B0] =	vst v13;
	v13 =	vbroadcast v25, $0xF;
	v9 =	vadd.f32 v14, v9;
	v12 =	vadd.f32 v12, v19  }
0x357: {  	v38 =	vadd.f32 v32, v24;
	v29 =	vadd.f32 v29, v28  }
0x358: {  	v14 =	vbroadcast v16, $0xF;
	v13 =	vadd.f32 v13, v18;
	v9 =	vadd.f32 s9, v9  }
0x359: {  	v31 =	vadd.f32 v23, v28;
	v29 =	vadd.f32 v29, v26  }
0x35a: {  	v14 =	vadd.f32 v14, v20;
	v28 =	vadd.f32 v28, v26  }
0x35b: {  	[tilespmem:s30+$0x8090] =	vst v10;
	v10 =	vbroadcast v38, $0xF;
	v13 =	vadd.f32 s9, v13;
	v29 =	vadd.f32 v29, v24  }
0x35c: {  	[tilespmem:s30+$0x8080] =	vst v11;
	v31 =	vadd.f32 v31, v26;
	v28 =	vadd.f32 v28, v24  }
0x35d: {  	[tilespmem:s30+$0x8190] =	vst v9;
	v9 =	vbroadcast v39, $0xF;
	v8 =	vadd.f32 v10, v8;
	(v2sf) =	vpush v29, $0xF  }
0x35e: {  	[tilespmem:s30+$0x80A0] =	vst v0;
	v10 =	vadd.f32 s9, v12;
	v12 =	vadd.f32 s0, v14;
	v11 =	vbroadcast v28, $0xF  }
0x35f: {  	[tilespmem:s30+$0x81A0] =	vst v13;
	v13 =	vbroadcast v22, $0xF;
	v3 =	vadd.f32 v9, v3;
	v40 =	vadd.f32 v31, v24  }
0x360: {  	v8 =	vadd.f32 s0, v8;
	[tilespmem:s30+$0x81B0] =	vst v10;
	v10 =	vbroadcast v17, $0xF;
	v11 =	vadd.f32 v11, v23  }
0x361: {  	[tilespmem:s30+$0x81C0] =	vst v12;
	v4 =	vadd.f32 v13, v4;
	v3 =	vadd.f32 s0, v3;
	v16 =	vbroadcast v40, $0xF  }
0x362: {  	[tilespmem:s30+$0x81D0] =	vst v8;
	v8 =	vbroadcast v15, $0xF;
	v5 =	vadd.f32 v10, v5;
	v9 =	vadd.f32 s0, v11  }
0x363: {  	v4 =	vadd.f32 s0, v4;
	[tilespmem:s30+$0x80D0] =	vst v3;
	v14 =	vadd.f32 v16, v27;
	v11 =	vbroadcast v24, $0xF  }
0x364: {  	v1 =	vadd.f32 v8, v1;
	v5 =	vadd.f32 s0, v5;
	[tilespmem:s30+$0x81E0] =	vst v9;
	v9 =	vbroadcast v21, $0xF  }
0x365: {  	[tilespmem:s30+$0x80E0] =	vst v4;
	v12 =	vadd.f32 s0, v14;
	v6 =	vadd.f32 v11, v6  }
0x366: {  	v1 =	vadd.f32 s0, v1;
	[tilespmem:s30+$0x80F0] =	vst v5;
	v2 =	vadd.f32 v9, v2  }
0x367: {  	[tilespmem:s30+$0x81F0] =	vst v12;
	v3 =	vadd.f32 s0, v6  }
0x368: {  	[tilespmem:s30+$0x80B0] =	vst v1;
	v2 =	vadd.f32 s0, v2  }
0x369: {  	[tilespmem:s30+$0x8180] =	vst v3  }
0x36a: {  	s29 =	sadd.s32 s3, s29;
	p0 =	seq.s32 s24, $0xF;
	[tilespmem:s30+$0x80C0] =	vst v2  }
0x36b: {  	[hbm4b:s29+s10] =	stream.strided.scatter [tilespmem:s14], [sflag:$0x7], $0x4000, s11, s10, $0x38;
	[tilespmem:$0x10000] =	vst v63  }
0x36c: {  	s0 =	simm.s32 @!p0 $0x5;
	s30 =	spop (v2sf)  }
0x36d: {  	_ =	swait.ge @!p0 [sflag:s0], $0x4000  }
0x36e: {  	s1 =	simm.s32 @!p0 $0x100;
	s6 =	simm.s32 @!p0 $0x400;
	[sflag:s0] =	ssyncset.done @!p0 $0x0  }
0x36f: {  	s9 =	simm.s32 @!p0 $0x0;
	[sflag:s0] =	ssyncadd.s32 @!p0 $0xFFFFC000;
	s0 =	sadd.s32 @!p0 s25, s8  }
0x370: {  	[tilespmem:s9], [sflag:$0x1] =	stream.strided.gather @!p0 [hbm4b:s0+s1], $0x4000, s6, s1, $0x38;
	[tilespmem:$0x10000] =	vst v63  }
0x371: {  	_ =	swait.ge [sflag:s18], $0x4000  }
0x372: {  	[sflag:s18] =	ssyncset.done $0x0  }
0x373: {  	s25 =	simm.s32 $0x0;
	[sflag:s18] =	ssyncadd.s32 $0xFFFFC000  }
0x374: {  	v0 =	vld [tilespmem:s25+$0xC000]  }
0x375: {  	v1 =	vld [tilespmem:s25+$0xC010]  }
0x376: {  	v2 =	vld [tilespmem:s25+$0xC020]  }
0x377: {  	v3 =	vld [tilespmem:s25+$0xC030]  }
0x378: {  	v4 =	vld [tilespmem:s25+$0xC040]  }
0x379: {  	(xrf2) =	vadd.scan.msk.f32 $0xffff, v0;
	v0 =	vld [tilespmem:s25+$0xC050]  }
0x37a: {  	(xrf2) =	vadd.scan.msk.f32 $0xffff, v1;
	v1 =	vld [tilespmem:s25+$0xC060]  }
0x37b: {  	(xrf2) =	vadd.scan.msk.f32 $0xffff, v2;
	v2 =	vld [tilespmem:s25+$0xC070]  }
0x37c: {  	(xrf2) =	vadd.scan.msk.f32 $0xffff, v3;
	v3 =	vld [tilespmem:s25+$0xC100]  }
0x37d: {  	(xrf2) =	vadd.scan.msk.f32 $0xffff, v4;
	v4 =	vld [tilespmem:s25+$0xC110]  }
0x37e: {  	(xrf2) =	vadd.scan.msk.f32 $0xffff, v0;
	v0 =	vld [tilespmem:s25+$0xC120]  }
0x37f: {  	(xrf2) =	vadd.scan.msk.f32 $0xffff, v1;
	v1 =	vld [tilespmem:s25+$0xC130]  }
0x380: {  	(xrf2) =	vadd.scan.msk.f32 $0xffff, v2;
	v2 =	vld [tilespmem:s25+$0xC140]  }
0x381: {  	(xrf2) =	vadd.scan.msk.f32 $0xffff, v3;
	v3 =	vld [tilespmem:s25+$0xC150]  }
0x382: {  	(xrf2) =	vadd.scan.msk.f32 $0xffff, v4;
	v4 =	vld [tilespmem:s25+$0xC160]  }
0x383: {  	v5, _, _ =	vpop (xrf2);
	(xrf2) =	vadd.scan.msk.f32 $0xffff, v0;
	v0 =	vld [tilespmem:s25+$0xC170]  }
0x384: {  	v6, _, _ =	vpop (xrf2);
	(xrf2) =	vadd.scan.msk.f32 $0xffff, v1  }
0x385: {  	v1, _, _ =	vpop (xrf2);
	(xrf2) =	vadd.scan.msk.f32 $0xffff, v2  }
0x386: {  	v2, _, _ =	vpop (xrf2);
	(xrf2) =	vadd.scan.msk.f32 $0xffff, v3  }
0x387: {  	v3, _, _ =	vpop (xrf2);
	(xrf2) =	vadd.scan.msk.f32 $0xffff, v4  }
0x388: {  	v4, _, _ =	vpop (xrf2);
	(xrf2) =	vadd.scan.msk.f32 $0xffff, v0  }
0x389: {  	v0, _, _ =	vpop (xrf2)  }
0x38a: {  	s1 =	simm.f32 $0.0e+00;
	v8 =	vbroadcast v5, $0xF;
	v7, _, _ =	vpop (xrf2)  }
0x38b: {  	v13 =	vadd.f32 s1, v5;
	v5 =	vadd.f32 v6, v5;
	v9, _, _ =	vpop (xrf2)  }
0x38c: {  	v8 =	vadd.f32 v8, v6;
	v6 =	vadd.f32 v2, v1;
	v10, _, _ =	vpop (xrf2)  }
0x38d: {  	v59 =	vadd.f32 v1, v5;
	v11, _, _ =	vpop (xrf2)  }
0x38e: {  	v17 =	vadd.f32 v4, v3;
	v6 =	vadd.f32 v6, v5;
	v12, _, _ =	vpop (xrf2)  }
0x38f: {  	v8 =	vadd.f32 s1, v8;
	v18 =	vadd.f32 v7, v0;
	v14, _, _ =	vpop (xrf2)  }
0x390: {  	v44 =	vadd.f32 v0, v17;
	v56 =	vadd.f32 v6, v3;
	v15, _, _ =	vpop (xrf2)  }
0x391: {  	v19 =	vadd.f32 v10, v9;
	v18 =	vadd.f32 v18, v17;
	v16, _, _ =	vpop (xrf2)  }
0x392: {  	s28 =	simm.s32 $0x200;
	v17 =	vadd.f32 v17, v6;
	v20 =	vadd.f32 v12, v11;
	v41, _, _ =	vpop (xrf2)  }
0x393: {  	v46 =	vld [tilespmem:s28+$0xC000];
	v42 =	vadd.f32 v15, v14;
	v43 =	vadd.f32 v41, v16  }
0x394: {  	v24 =	vadd.f32 v44, v6;
	v33 =	vbroadcast v56, $0xF;
	v18 =	vadd.f32 v18, v6  }
0x395: {  	v48 =	vld [tilespmem:s28+$0xC010];
	v20 =	vadd.f32 v20, v19;
	v23 =	vadd.f32 v43, v42  }
0x396: {  	v50 =	vadd.f32 v11, v19;
	v4 =	vadd.f32 v33, v4  }
0x397: {  	v49 =	vld [tilespmem:s28+$0xC020];
	v17 =	vbroadcast v17, $0xF;
	v51 =	vadd.f32 v18, v9;
	v23 =	vadd.f32 v23, v20  }
0x398: {  	v52 =	vld [tilespmem:s28+$0xC030];
	(xrf2) =	vadd.scan.msk.f32 $0xffff, v46;
	v19 =	vadd.f32 v19, v18;
	v30 =	vadd.f32 v50, v18  }
0x399: {  	v53 =	vld [tilespmem:s28+$0xC040];
	v17 =	vadd.f32 v17, v0;
	v23 =	vadd.f32 v23, v18  }
0x39a: {  	v54 =	vld [tilespmem:s28+$0xC050];
	[tilespmem:s25+$0xC000] =	vst v13;
	(xrf2) =	vadd.scan.msk.f32 $0xffff, v48;
	v45 =	vadd.f32 v16, v42;
	v47 =	vadd.f32 v20, v14  }
0x39b: {  	v55 =	vld [tilespmem:s28+$0xC060];
	[tilespmem:s25+$0xC010] =	vst v8;
	v22 =	vadd.f32 v42, v20;
	(v2sf) =	vpush v23, $0xF  }
0x39c: {  	v57 =	vld [tilespmem:s28+$0xC070];
	(xrf2) =	vadd.scan.msk.f32 $0xffff, v49;
	v0 =	vbroadcast v5, $0xF;
	v25 =	vadd.f32 v45, v20;
	v20 =	vadd.f32 v20, v18  }
0x39d: {  	v58 =	vld [tilespmem:s28+$0xC100];
	(xrf2) =	vadd.scan.msk.f32 $0xffff, v52;
	v63 =	vadd.f32 s1, v4;
	v31 =	vbroadcast v51, $0xF;
	v19 =	vbroadcast v19, $0xF  }
0x39e: {  	v60 =	vld [tilespmem:s28+$0xC110];
	(xrf2) =	vadd.scan.msk.f32 $0xffff, v53;
	v27 =	vadd.f32 v47, v18;
	v22 =	vadd.f32 v22, v18;
	v20 =	vbroadcast v20, $0xF  }
0x39f: {  	v13 =	vld [tilespmem:s28+$0xC120];
	(xrf2) =	vadd.scan.msk.f32 $0xffff, v54;
	v11 =	vadd.f32 v19, v11;
	v19 =	vbroadcast v24, $0xF;
	v25 =	vadd.f32 v25, v18  }
0x3a0: {  	(xrf2) =	vadd.scan.msk.f32 $0xffff, v55;
	v18 =	vbroadcast v18, $0xF;
	v14 =	vadd.f32 v20, v14;
	v20 =	vbroadcast v59, $0xF  }
0x3a1: {  	v30 =	vbroadcast v30, $0xF;
	(xrf2) =	vadd.scan.msk.f32 $0xffff, v57;
	v10 =	vadd.f32 v31, v10;
	v5 =	vadd.f32 v19, v7  }
0x3a2: {  	(xrf2) =	vadd.scan.msk.f32 $0xffff, v58;
	v7, _, _ =	vpop (xrf2);
	v19 =	vadd.f32 v20, v2;
	v2 =	vbroadcast v6, $0xF;
	v6 =	vadd.f32 v18, v9;
	v18 =	vld [tilespmem:s28+$0xC130]  }
0x3a3: {  	v12 =	vadd.f32 v30, v12;
	(xrf2) =	vadd.scan.msk.f32 $0xffff, v60;
	v9 =	vadd.f32 s1, v10;
	v10 =	vbroadcast v7, $0xF  }
0x3a4: {  	v27 =	vbroadcast v27, $0xF;
	v11 =	vadd.f32 s1, v11;
	(xrf2) =	vadd.scan.msk.f32 $0xffff, v13;
	v8, _, _ =	vpop (xrf2);
	v61 =	vadd.f32 v2, v3  }
0x3a5: {  	v22 =	vbroadcast v22, $0xF;
	v3 =	vadd.f32 s1, v12;
	[tilespmem:s25+$0xC110] =	vst v9;
	v9 =	vadd.f32 v10, v8;
	v10 =	vld [tilespmem:s28+$0xC140]  }
0x3a6: {  	v25 =	vbroadcast v25, $0xF;
	v15 =	vadd.f32 v27, v15;
	v20 =	vadd.f32 v0, v1;
	v0, _, _ =	vpop (xrf2)  }
0x3a7: {  	v17 =	vadd.f32 s1, v17;
	[tilespmem:s25+$0xC050] =	vst v63;
	v16 =	vadd.f32 v22, v16;
	v1, _, _ =	vpop (xrf2);
	(xrf2) =	vadd.scan.msk.f32 $0xffff, v18  }
0x3a8: {  	v62 =	vld [tilespmem:s28+$0xC150];
	[tilespmem:s25+$0xC120] =	vst v11;
	v21 =	vadd.f32 v25, v41;
	v11 =	vadd.f32 s1, v15;
	v2, _, _ =	vpop (xrf2)  }
0x3a9: {  	v15 =	vadd.f32 s1, v16;
	v16 =	vadd.f32 s1, v5;
	[tilespmem:s25+$0xC130] =	vst v3;
	v3, _, _ =	vpop (xrf2)  }
0x3aa: {  	v21 =	vadd.f32 s1, v21;
	[tilespmem:s25+$0xC150] =	vst v11;
	v12 =	vadd.f32 s1, v14;
	v4, _, _ =	vpop (xrf2);
	(xrf2) =	vadd.scan.msk.f32 $0xffff, v10;
	s31 =	spop (v2sf)  }
0x3ab: {  	[tilespmem:s25+$0xC160] =	vst v15;
	v14 =	vadd.f32 s1, v6;
	v13 =	vadd.f32 s1, v19;
	v18 =	vld [tilespmem:s28+$0xC160];
	v5, _, _ =	vpop (xrf2);
	s6 =	sadd.f32 s31, s1  }
0x3ac: {  	s20 =	simm.s32 $0x1000;
	v15 =	vadd.f32 s1, v20;
	[tilespmem:s25+$0xC140] =	vst v12;
	v12 =	vadd.f32 s1, v61;
	v6, _, _ =	vpop (xrf2)  }
0x3ad: {  	s19 =	simm.s32 $0x0;
	s0 =	simm.s32 $0x200;
	[tilespmem:s25+$0xC170] =	vst v21;
	(xrf2) =	vadd.scan.msk.f32 $0xffff, v62;
	v10 =	vadd.f32 s6, v9;
	v9, _, _ =	vpop (xrf2);
	v11 =	vadd.f32 s6, v7;
	s9 =	smov.u32 s6  }
.LBB2_15:
0x3ae: {  	p0 =	sne.s32 s20, $0xF800;
	v19 =	vld [tilespmem:s0+$0xC170];
	v20, _, _ =	vpop (xrf2);
	[tilespmem:s19+$0xC060] =	vst v17  }
0x3af: {  	[tilespmem:s19+$0xC070] =	vst v16  }
0x3b0: {  	s21 =	sshra.s32 s20, $0x2;
	(xrf2) =	vadd.scan.msk.f32 $0xffff, v18;
	[tilespmem:s19+$0xC100] =	vst v14  }
0x3b1: {  	v14 =	vld [tilespmem:s21+$0xC000];
	v16, _, _ =	vpop (xrf2);
	[tilespmem:s19+$0xC030] =	vst v13  }
0x3b2: {  	[tilespmem:s19+$0xC040] =	vst v12  }
0x3b3: {  	(xrf2) =	vadd.scan.msk.f32 $0xffff, v19;
	[tilespmem:s19+$0xC020] =	vst v15;
	s19 =	smov.u32 s0;
	s0 =	smov.u32 s21  }
0x3b4: {  	v12 =	vld [tilespmem:s0+$0xC010];
	[tilespmem:s19+$0xC010] =	vst v10;
	v10, _, _ =	vpop (xrf2)  }
0x3b5: {  	[tilespmem:s19+$0xC000] =	vst v11  }
0x3b6: {  	(xrf2) =	vadd.scan.msk.f32 $0xffff, v14  }
0x3b7: {  	v11 =	vld [tilespmem:s0+$0xC020];
	v13, _, _ =	vpop (xrf2);
	_ =	sdelay $0x1  }
0x3b8: {  	(xrf2) =	vadd.scan.msk.f32 $0xffff, v12  }
0x3b9: {  	v12 =	vld [tilespmem:s0+$0xC030];
	v14, _, _ =	vpop (xrf2)  }
0x3ba: {  	v15 =	vadd.f32 v8, v7;
	v7 =	vadd.f32 v1, v0  }
0x3bb: {  	v8 =	vadd.f32 v5, v4;
	(xrf2) =	vadd.scan.msk.f32 $0xffff, v11;
	v11 =	vadd.f32 v3, v2  }
0x3bc: {  	v18 =	vadd.f32 v9, v6;
	v19 =	vadd.f32 v16, v20;
	v21 =	vbroadcast v15, $0xF;
	v17 =	vld [tilespmem:s0+$0xC040];
	v22, _, _ =	vpop (xrf2)  }
0x3bd: {  	v23 =	vadd.f32 v13, v10;
	v24 =	vadd.f32 v22, v14  }
0x3be: {  	v8 =	vadd.f32 v8, v11;
	(xrf2) =	vadd.scan.msk.f32 $0xffff, v12;
	v12 =	vadd.f32 v7, v15  }
0x3bf: {  	v19 =	vadd.f32 v19, v18;
	v25 =	vld [tilespmem:s0+$0xC050];
	v7, _, _ =	vpop (xrf2);
	v24 =	vadd.f32 v24, v23  }
0x3c0: {  	v27 =	vadd.f32 v14, v23;
	v26 =	vadd.f32 v4, v11;
	v28 =	vbroadcast v12, $0xF  }
0x3c1: {  	v29 =	vbroadcast v7, $0xF;
	(xrf2) =	vadd.scan.msk.f32 $0xffff, v17;
	v17 =	vadd.f32 v8, v12;
	v24 =	vadd.f32 v24, v19  }
0x3c2: {  	v31 =	vadd.f32 v19, v10;
	v23 =	vadd.f32 v23, v19;
	v30 =	vld [tilespmem:s0+$0xC060];
	v8, _, _ =	vpop (xrf2)  }
0x3c3: {  	v27 =	vadd.f32 v27, v19;
	v24 =	vadd.f32 v24, v17;
	v32 =	vbroadcast v17, $0xF  }
0x3c4: {  	v33 =	vadd.f32 v17, v6;
	(xrf2) =	vadd.scan.msk.f32 $0xffff, v25;
	v25 =	vadd.f32 v20, v18  }
0x3c5: {  	v18 =	vadd.f32 v18, v17;
	v34 =	vld [tilespmem:s0+$0xC070];
	v35, _, _ =	vpop (xrf2);
	(v2sf) =	vpush v24, $0xF  }
0x3c6: {  	v19 =	vadd.f32 v19, v17;
	v24 =	vadd.f32 v25, v17;
	v25 =	vbroadcast v33, $0xF  }
0x3c7: {  	v23 =	vadd.f32 v23, v17;
	v18 =	vbroadcast v18, $0xF;
	(xrf2) =	vadd.scan.msk.f32 $0xffff, v30;
	v30 =	vadd.f32 v31, v17  }
0x3c8: {  	v36 =	vadd.f32 v12, v2;
	v17 =	vadd.f32 v27, v17;
	v31 =	vld [tilespmem:s0+$0xC100];
	v33, _, _ =	vpop (xrf2);
	v24 =	vbroadcast v24, $0xF  }
0x3c9: {  	v11 =	vadd.f32 v11, v12;
	v12 =	vadd.f32 v26, v12;
	v19 =	vbroadcast v19, $0xF  }
0x3ca: {  	v15 =	vadd.f32 v0, v15;
	v23 =	vbroadcast v23, $0xF;
	v26 =	vbroadcast v30, $0xF;
	(xrf2) =	vadd.scan.msk.f32 $0xffff, v34  }
0x3cb: {  	v9 =	vadd.f32 v25, v9;
	v17 =	vbroadcast v17, $0xF;
	v34 =	vbroadcast v36, $0xF;
	v27 =	vld [tilespmem:s0+$0xC110];
	v30, _, _ =	vpop (xrf2)  }
0x3cc: {  	v11 =	vbroadcast v11, $0xF;
	v12 =	vbroadcast v12, $0xF;
	v18 =	vadd.f32 v18, v20  }
0x3cd: {  	v15 =	vbroadcast v15, $0xF;
	v10 =	vadd.f32 v19, v10;
	v16 =	vadd.f32 v24, v16;
	(xrf2) =	vadd.scan.msk.f32 $0xffff, v31  }
0x3ce: {  	v14 =	vadd.f32 v23, v14;
	v13 =	vadd.f32 v26, v13;
	v19 =	vld [tilespmem:s0+$0xC120];
	v20, _, _ =	vpop (xrf2)  }
0x3cf: {  	v17 =	vadd.f32 v17, v22;
	v23 =	vadd.f32 v34, v3;
	v3 =	vmov v20  }
0x3d0: {  	v11 =	vadd.f32 v11, v4;
	v12 =	vadd.f32 v12, v5;
	(xrf2) =	vadd.scan.msk.f32 $0xffff, v27  }
0x3d1: {  	v15 =	vadd.f32 v15, v1;
	v1 =	vmov v33;
	v22 =	vadd.f32 v32, v6;
	v20 =	vld [tilespmem:s0+$0xC130];
	v4, _, _ =	vpop (xrf2)  }
0x3d2: {  	v21 =	vadd.f32 v21, v0;
	v0 =	vmovc v35;
	v24 =	vadd.f32 v28, v2;
	v2 =	vmov v30  }
0x3d3: {  	v25 =	vadd.f32 v29, v8;
	v6 =	vadd.f32 s6, v9;
	(xrf2) =	vadd.scan.msk.f32 $0xffff, v19  }
0x3d4: {  	v18 =	vadd.f32 s6, v18;
	v16 =	vadd.f32 s6, v16;
	v9 =	vld [tilespmem:s0+$0xC140];
	v5, _, _ =	vpop (xrf2);
	s21 =	spop (v2sf)  }
0x3d5: {  	v10 =	vadd.f32 s9, v10;
	v19 =	vadd.f32 s9, v13;
	[tilespmem:s19+$0xC110] =	vst v6;
	s6 =	sadd.f32 s21, s6  }
0x3d6: {  	v26 =	vadd.f32 s9, v17;
	(xrf2) =	vadd.scan.msk.f32 $0xffff, v20;
	[tilespmem:s19+$0xC120] =	vst v18;
	v20 =	vadd.f32 s9, v14  }
0x3d7: {  	v17 =	vadd.f32 s9, v11;
	v23 =	vadd.f32 s9, v23;
	v27 =	vld [tilespmem:s0+$0xC150];
	v6, _, _ =	vpop (xrf2);
	[tilespmem:s19+$0xC130] =	vst v16  }
.Ltmp6:
0x3d8: {  	v14 =	vadd.f32 s9, v22;
	v16 =	vadd.f32 s9, v12;
	[tilespmem:s19+$0xC140] =	vst v10;
	(pc) =	sbr.rel @p0 .LBB2_15-.Ltmp6, $4  }
0x3d9: {  	v13 =	vadd.f32 s9, v15;
	v12 =	vadd.f32 s9, v24;
	(xrf2) =	vadd.scan.msk.f32 $0xffff, v9;
	[tilespmem:s19+$0xC150] =	vst v19  }
0x3da: {  	v15 =	vadd.f32 s9, v21;
	s9 =	smov.u32 s6;
	v10 =	vadd.f32 s6, v25;
	v18 =	vld [tilespmem:s0+$0xC160];
	v9, _, _ =	vpop (xrf2);
	[tilespmem:s19+$0xC160] =	vst v20  }
0x3db: {  	v11 =	vadd.f32 s6, v7;
	[tilespmem:s19+$0xC170] =	vst v26  }
0x3dc: {  	s20 =	sadd.s32 $0x800, s20;
	(xrf2) =	vadd.scan.msk.f32 $0xffff, v27;
	[tilespmem:s19+$0xC050] =	vst v23  }
0x3dd: {  	v7 =	vadd.f32 v8, v7;
	v8 =	vadd.f32 v1, v0  }
0x3de: {  	v21 =	vadd.f32 v3, v2;
	v22 =	vadd.f32 v5, v4  }
0x3df: {  	v24 =	vadd.f32 v9, v6  }
0x3e0: {  	(xrf2) =	vadd.scan.msk.f32 $0xffff, v18;
	v18, _, _ =	vpop (xrf2);
	v8 =	vadd.f32 v8, v7;
	v22 =	vadd.f32 v22, v21  }
0x3e1: {  	[tilespmem:s19+$0xC020] =	vst v15;
	v29 =	vadd.f32 v4, v21;
	v15 =	vadd.f32 v0, v7;
	v19, _, _ =	vpop (xrf2)  }
0x3e2: {  	v33 =	vadd.f32 v18, v24;
	v25 =	vadd.f32 v19, v18  }
0x3e3: {  	v7 =	vbroadcast v7, $0xF;
	v22 =	vadd.f32 v22, v8;
	v40 =	vadd.f32 v8, v2  }
0x3e4: {  	v21 =	vadd.f32 v21, v8;
	v41 =	vadd.f32 v29, v8  }
0x3e5: {  	v8 =	vbroadcast v8, $0xF;
	v0 =	vadd.f32 v7, v0;
	v25 =	vadd.f32 v25, v24  }
0x3e6: {  	[tilespmem:s19+$0xC060] =	vst v17;
	v37 =	vadd.f32 v22, v6;
	v17 =	vadd.f32 v24, v22  }
0x3e7: {  	[tilespmem:s19+$0xC070] =	vst v16;
	v20, _, _ =	vpop (xrf2);
	v38 =	vadd.f32 v33, v22;
	v2 =	vadd.f32 v8, v2  }
0x3e8: {  	v26 =	vld [tilespmem:s0+$0xC170];
	[tilespmem:s19+$0xC100] =	vst v14;
	v0 =	vadd.f32 s9, v0;
	v31 =	vadd.f32 v25, v20  }
0x3e9: {  	[tilespmem:s19+$0xC030] =	vst v13;
	v16 =	vadd.f32 v25, v22;
	v14 =	vbroadcast v37, $0xF;
	v13 =	vbroadcast v17, $0xF;
	v23, _, _ =	vpop (xrf2)  }
0x3ea: {  	[tilespmem:s19+$0xC040] =	vst v12;
	v12 =	vbroadcast v38, $0xF;
	v2 =	vadd.f32 s9, v2;
	v27 =	vadd.f32 v23, v20  }
0x3eb: {  	v31 =	vadd.f32 v31, v22;
	v9 =	vadd.f32 v14, v9  }
0x3ec: {  	v14 =	vbroadcast v16, $0xF;
	v13 =	vadd.f32 v13, v18;
	v12 =	vadd.f32 v12, v19  }
0x3ed: {  	(xrf2) =	vadd.scan.msk.f32 $0xffff, v26;
	v32 =	vadd.f32 v27, v25;
	v9 =	vadd.f32 s6, v9  }
0x3ee: {  	[tilespmem:s0+$0xC010] =	vst v10;
	v28, _, _ =	vpop (xrf2);
	v10 =	vbroadcast v31, $0xF;
	v14 =	vadd.f32 v14, v20;
	v13 =	vadd.f32 s6, v13  }
0x3ef: {  	[tilespmem:s0+$0xC000] =	vst v11;
	v12 =	vadd.f32 s6, v12;
	v30 =	vadd.f32 v28, v27  }
0x3f0: {  	[tilespmem:s0+$0xC020] =	vst v0;
	v39 =	vadd.f32 v32, v22;
	v10 =	vadd.f32 v10, v23  }
0x3f1: {  	v14 =	vadd.f32 s9, v14;
	[tilespmem:s0+$0xC120] =	vst v13;
	v13 =	vbroadcast v21, $0xF;
	v36 =	vadd.f32 v30, v25  }
0x3f2: {  	[tilespmem:s0+$0xC130] =	vst v12;
	v12 =	vbroadcast v41, $0xF;
	v11 =	vbroadcast v39, $0xF;
	v10 =	vadd.f32 s9, v10  }
0x3f3: {  	[tilespmem:s0+$0xC040] =	vst v2;
	v4 =	vadd.f32 v13, v4;
	v17 =	vadd.f32 v36, v22  }
0x3f4: {  	v5 =	vadd.f32 v12, v5;
	v11 =	vadd.f32 v11, v28;
	[tilespmem:s0+$0xC150] =	vst v10;
	v10 =	vbroadcast v15, $0xF  }
0x3f5: {  	[tilespmem:s0+$0xC110] =	vst v9;
	v4 =	vadd.f32 s9, v4;
	v16 =	vbroadcast v17, $0xF;
	v17 =	vbroadcast v40, $0xF  }
0x3f6: {  	[tilespmem:s0+$0xC140] =	vst v14;
	v5 =	vadd.f32 s9, v5;
	v1 =	vadd.f32 v10, v1  }
0x3f7: {  	v9, _, _ =	vpop (xrf2);
	v14 =	vbroadcast v22, $0xF;
	v11 =	vadd.f32 s9, v11;
	[tilespmem:s0+$0xC060] =	vst v4;
	v3 =	vadd.f32 v17, v3  }
0x3f8: {  	[tilespmem:s0+$0xC070] =	vst v5;
	v16 =	vadd.f32 v16, v9;
	v1 =	vadd.f32 s9, v1  }
0x3f9: {  	v6 =	vadd.f32 v14, v6;
	[tilespmem:s0+$0xC160] =	vst v11;
	v3 =	vadd.f32 s9, v3  }
0x3fa: {  	v13 =	vadd.f32 s9, v16;
	[tilespmem:s0+$0xC030] =	vst v1  }
0x3fb: {  	[tilespmem:s0+$0xC050] =	vst v3;
	v3 =	vadd.f32 s9, v6  }
0x3fc: {  	[tilespmem:s0+$0xC170] =	vst v13  }
0x3fd: {  	[tilespmem:s0+$0xC100] =	vst v3  }
0x3fe: {  	v0 =	vld [tilespmem:s25+$0xC080]  }
0x3ff: {  	v1 =	vld [tilespmem:s25+$0xC090]  }
0x400: {  	v2 =	vld [tilespmem:s25+$0xC0A0]  }
0x401: {  	v3 =	vld [tilespmem:s25+$0xC0B0]  }
0x402: {  	v4 =	vld [tilespmem:s25+$0xC0C0]  }
0x403: {  	(xrf2) =	vadd.scan.msk.f32 $0xffff, v0;
	v0 =	vld [tilespmem:s25+$0xC0D0]  }
0x404: {  	(xrf2) =	vadd.scan.msk.f32 $0xffff, v1;
	v1 =	vld [tilespmem:s25+$0xC0E0]  }
0x405: {  	(xrf2) =	vadd.scan.msk.f32 $0xffff, v2;
	v2 =	vld [tilespmem:s25+$0xC0F0]  }
0x406: {  	(xrf2) =	vadd.scan.msk.f32 $0xffff, v3;
	v3 =	vld [tilespmem:s25+$0xC180]  }
0x407: {  	(xrf2) =	vadd.scan.msk.f32 $0xffff, v4;
	v4 =	vld [tilespmem:s25+$0xC190]  }
0x408: {  	(xrf2) =	vadd.scan.msk.f32 $0xffff, v0;
	v0 =	vld [tilespmem:s25+$0xC1A0]  }
0x409: {  	(xrf2) =	vadd.scan.msk.f32 $0xffff, v1;
	v1 =	vld [tilespmem:s25+$0xC1B0]  }
0x40a: {  	(xrf2) =	vadd.scan.msk.f32 $0xffff, v2;
	v2 =	vld [tilespmem:s25+$0xC1C0]  }
0x40b: {  	(xrf2) =	vadd.scan.msk.f32 $0xffff, v3  }
0x40c: {  	v3 =	vld [tilespmem:s25+$0xC1D0];
	(xrf2) =	vadd.scan.msk.f32 $0xffff, v4  }
0x40d: {  	v4 =	vld [tilespmem:s25+$0xC1E0];
	v5, _, _ =	vpop (xrf2);
	(xrf2) =	vadd.scan.msk.f32 $0xffff, v0  }
0x40e: {  	v0 =	vld [tilespmem:s25+$0xC1F0];
	v6, _, _ =	vpop (xrf2);
	(xrf2) =	vadd.scan.msk.f32 $0xffff, v1  }
0x40f: {  	v1, _, _ =	vpop (xrf2);
	(xrf2) =	vadd.scan.msk.f32 $0xffff, v2;
	v2 =	vadd.f32 v9, v28;
	_ =	sdelay $0x1  }
0x410: {  	v7, _, _ =	vpop (xrf2);
	(xrf2) =	vadd.scan.msk.f32 $0xffff, v3;
	v2 =	vadd.f32 v2, v27  }
0x411: {  	v3, _, _ =	vpop (xrf2);
	(xrf2) =	vadd.scan.msk.f32 $0xffff, v4  }
0x412: {  	v4, _, _ =	vpop (xrf2);
	(xrf2) =	vadd.scan.msk.f32 $0xffff, v0;
	v2 =	vadd.f32 v2, v25  }
0x413: {  	v13 =	vadd.f32 s1, v5;
	v9 =	vbroadcast v5, $0xF;
	v0, _, _ =	vpop (xrf2)  }
0x414: {  	v5 =	vadd.f32 v6, v5;
	v8, _, _ =	vpop (xrf2);
	v2 =	vadd.f32 v2, v22  }
0x415: {  	v9 =	vadd.f32 v9, v6;
	v10, _, _ =	vpop (xrf2)  }
0x416: {  	v6 =	vadd.f32 v7, v1;
	v34 =	vadd.f32 v1, v5;
	v11, _, _ =	vpop (xrf2)  }
0x417: {  	v9 =	vadd.f32 s1, v9;
	v17 =	vadd.f32 v4, v3;
	v12, _, _ =	vpop (xrf2)  }
0x418: {  	v6 =	vadd.f32 v6, v5;
	(v2sf) =	vpush v2, $0xF;
	v2, _, _ =	vpop (xrf2)  }
0x419: {  	v18 =	vadd.f32 v8, v0;
	v45 =	vadd.f32 v0, v17;
	v14, _, _ =	vpop (xrf2)  }
0x41a: {  	v57 =	vadd.f32 v6, v3;
	v19 =	vadd.f32 v11, v10;
	v15, _, _ =	vpop (xrf2)  }
0x41b: {  	v18 =	vadd.f32 v18, v17;
	v17 =	vadd.f32 v17, v6;
	v16, _, _ =	vpop (xrf2)  }
0x41c: {  	v24 =	vadd.f32 v45, v6;
	v20 =	vadd.f32 v2, v12;
	v42, _, _ =	vpop (xrf2)  }
0x41d: {  	v47 =	vld [tilespmem:s28+$0xC080];
	v43 =	vadd.f32 v15, v14;
	v44 =	vadd.f32 v42, v16  }
0x41e: {  	v33 =	vbroadcast v57, $0xF;
	v18 =	vadd.f32 v18, v6;
	v51 =	vadd.f32 v12, v19  }
0x41f: {  	v49 =	vld [tilespmem:s28+$0xC090];
	v17 =	vbroadcast v17, $0xF;
	v20 =	vadd.f32 v20, v19;
	v23 =	vadd.f32 v44, v43  }
0x420: {  	v4 =	vadd.f32 v33, v4;
	v6 =	vbroadcast v6, $0xF;
	v52 =	vadd.f32 v18, v10  }
0x421: {  	v50 =	vld [tilespmem:s28+$0xC0A0];
	v30 =	vadd.f32 v51, v18;
	v23 =	vadd.f32 v23, v20  }
0x422: {  	v53 =	vld [tilespmem:s28+$0xC0B0];
	(xrf2) =	vadd.scan.msk.f32 $0xffff, v47;
	v17 =	vadd.f32 v17, v0;
	v61 =	vadd.f32 v6, v3  }
0x423: {  	v54 =	vld [tilespmem:s28+$0xC0C0];
	v19 =	vadd.f32 v19, v18;
	v23 =	vadd.f32 v23, v18  }
0x424: {  	v55 =	vld [tilespmem:s28+$0xC0D0];
	(xrf2) =	vadd.scan.msk.f32 $0xffff, v49;
	v46 =	vadd.f32 v16, v43;
	v48 =	vadd.f32 v20, v14  }
0x425: {  	v56 =	vld [tilespmem:s28+$0xC0E0];
	v31 =	vbroadcast v52, $0xF;
	v22 =	vadd.f32 v43, v20;
	(v2sf) =	vpush v23, $0xF  }
0x426: {  	v58 =	vld [tilespmem:s28+$0xC0F0];
	[tilespmem:s25+$0xC080] =	vst v13;
	(xrf2) =	vadd.scan.msk.f32 $0xffff, v50;
	v25 =	vadd.f32 v46, v20;
	v20 =	vadd.f32 v20, v18  }
0x427: {  	v59 =	vld [tilespmem:s28+$0xC180];
	(xrf2) =	vadd.scan.msk.f32 $0xffff, v53;
	v30 =	vbroadcast v30, $0xF;
	v19 =	vbroadcast v19, $0xF;
	v11 =	vadd.f32 v31, v11  }
0x428: {  	v60 =	vld [tilespmem:s28+$0xC190];
	(xrf2) =	vadd.scan.msk.f32 $0xffff, v54;
	v27 =	vadd.f32 v48, v18;
	v22 =	vadd.f32 v22, v18;
	v20 =	vbroadcast v20, $0xF  }
0x429: {  	v13 =	vld [tilespmem:s28+$0xC1A0];
	(xrf2) =	vadd.scan.msk.f32 $0xffff, v55;
	v12 =	vadd.f32 v19, v12;
	v19 =	vbroadcast v24, $0xF;
	v25 =	vadd.f32 v25, v18  }
0x42a: {  	(xrf2) =	vadd.scan.msk.f32 $0xffff, v56;
	v18 =	vbroadcast v18, $0xF;
	v14 =	vadd.f32 v20, v14;
	v20 =	vbroadcast v34, $0xF  }
0x42b: {  	v0 =	vbroadcast v5, $0xF;
	v2 =	vadd.f32 v30, v2;
	(xrf2) =	vadd.scan.msk.f32 $0xffff, v58;
	v5 =	vadd.f32 v19, v8  }
0x42c: {  	[tilespmem:s25+$0xC090] =	vst v9;
	(xrf2) =	vadd.scan.msk.f32 $0xffff, v59;
	v9 =	vadd.f32 v18, v10;
	v18 =	vld [tilespmem:s28+$0xC1B0];
	v19 =	vadd.f32 v20, v7;
	v7, _, _ =	vpop (xrf2)  }
0x42d: {  	v63 =	vadd.f32 s1, v4;
	(xrf2) =	vadd.scan.msk.f32 $0xffff, v60;
	v10 =	vadd.f32 s1, v11;
	v11 =	vbroadcast v7, $0xF  }
0x42e: {  	v3 =	vadd.f32 s1, v2;
	v27 =	vbroadcast v27, $0xF;
	v22 =	vbroadcast v22, $0xF;
	(xrf2) =	vadd.scan.msk.f32 $0xffff, v13;
	v8, _, _ =	vpop (xrf2)  }
0x42f: {  	v12 =	vadd.f32 s1, v12;
	v25 =	vbroadcast v25, $0xF;
	[tilespmem:s25+$0xC190] =	vst v10;
	v10 =	vadd.f32 v11, v8;
	v11 =	vld [tilespmem:s28+$0xC1C0]  }
0x430: {  	v15 =	vadd.f32 v27, v15;
	v20 =	vadd.f32 v0, v1;
	v0, _, _ =	vpop (xrf2)  }
0x431: {  	[tilespmem:s25+$0xC0D0] =	vst v63;
	v16 =	vadd.f32 v22, v16;
	v21 =	vadd.f32 v25, v42;
	v1, _, _ =	vpop (xrf2);
	(xrf2) =	vadd.scan.msk.f32 $0xffff, v18  }
0x432: {  	v62 =	vld [tilespmem:s28+$0xC1D0];
	[tilespmem:s25+$0xC1A0] =	vst v12;
	v12 =	vadd.f32 s1, v15;
	v6 =	vadd.f32 s1, v14;
	v2, _, _ =	vpop (xrf2)  }
0x433: {  	v17 =	vadd.f32 s1, v17;
	[tilespmem:s25+$0xC1B0] =	vst v3;
	s31 =	spop (v2sf);
	v15 =	vadd.f32 s1, v16;
	v3, _, _ =	vpop (xrf2)  }
0x434: {  	v16 =	vadd.f32 s1, v5;
	v21 =	vadd.f32 s1, v21;
	[tilespmem:s25+$0xC1D0] =	vst v12;
	v4, _, _ =	vpop (xrf2);
	(xrf2) =	vadd.scan.msk.f32 $0xffff, v11;
	s0 =	spop (v2sf)  }
0x435: {  	v14 =	vadd.f32 s1, v9;
	[tilespmem:s25+$0xC1E0] =	vst v15;
	v12 =	vadd.f32 s1, v61;
	v18 =	vld [tilespmem:s28+$0xC1E0];
	v5, _, _ =	vpop (xrf2);
	s9 =	sadd.f32 s0, s1  }
0x436: {  	[tilespmem:s25+$0xC1C0] =	vst v6;
	v13 =	vadd.f32 s1, v19;
	v15 =	vadd.f32 s1, v20;
	v6, _, _ =	vpop (xrf2)  }
0x437: {  	[tilespmem:s25+$0xC1F0] =	vst v21;
	v9, _, _ =	vpop (xrf2);
	(xrf2) =	vadd.scan.msk.f32 $0xffff, v62;
	s1 =	simm.s32 $0x1000;
	v10 =	vadd.f32 s9, v10;
	v11 =	vadd.f32 s9, v7;
	s0 =	smov.u32 s9  }
.LBB2_17:
0x438: {  	p0 =	sne.s32 s1, $0xF800;
	v19 =	vld [tilespmem:s28+$0xC1F0];
	v20, _, _ =	vpop (xrf2);
	[tilespmem:s25+$0xC0E0] =	vst v17  }
0x439: {  	[tilespmem:s25+$0xC0F0] =	vst v16  }
0x43a: {  	s6 =	sshra.s32 s1, $0x2;
	(xrf2) =	vadd.scan.msk.f32 $0xffff, v18;
	[tilespmem:s25+$0xC180] =	vst v14  }
0x43b: {  	v14 =	vld [tilespmem:s6+$0xC080];
	v16, _, _ =	vpop (xrf2);
	[tilespmem:s25+$0xC0B0] =	vst v13  }
0x43c: {  	[tilespmem:s25+$0xC0C0] =	vst v12  }
0x43d: {  	(xrf2) =	vadd.scan.msk.f32 $0xffff, v19;
	[tilespmem:s25+$0xC0A0] =	vst v15;
	s25 =	smov.u32 s28;
	s28 =	smov.u32 s6  }
0x43e: {  	v12 =	vld [tilespmem:s28+$0xC090];
	[tilespmem:s25+$0xC090] =	vst v10;
	v10, _, _ =	vpop (xrf2)  }
0x43f: {  	[tilespmem:s25+$0xC080] =	vst v11  }
0x440: {  	(xrf2) =	vadd.scan.msk.f32 $0xffff, v14  }
0x441: {  	v11 =	vld [tilespmem:s28+$0xC0A0];
	v13, _, _ =	vpop (xrf2);
	_ =	sdelay $0x1  }
0x442: {  	(xrf2) =	vadd.scan.msk.f32 $0xffff, v12  }
0x443: {  	v12 =	vld [tilespmem:s28+$0xC0B0];
	v14, _, _ =	vpop (xrf2)  }
0x444: {  	v15 =	vadd.f32 v8, v7;
	v7 =	vadd.f32 v1, v0  }
0x445: {  	v8 =	vadd.f32 v5, v4;
	(xrf2) =	vadd.scan.msk.f32 $0xffff, v11;
	v11 =	vadd.f32 v3, v2  }
0x446: {  	v18 =	vadd.f32 v9, v6;
	v19 =	vadd.f32 v16, v20;
	v21 =	vbroadcast v15, $0xF;
	v17 =	vld [tilespmem:s28+$0xC0C0];
	v22, _, _ =	vpop (xrf2)  }
0x447: {  	v23 =	vadd.f32 v13, v10;
	v24 =	vadd.f32 v22, v14  }
0x448: {  	v8 =	vadd.f32 v8, v11;
	(xrf2) =	vadd.scan.msk.f32 $0xffff, v12;
	v12 =	vadd.f32 v7, v15  }
0x449: {  	v19 =	vadd.f32 v19, v18;
	v25 =	vld [tilespmem:s28+$0xC0D0];
	v7, _, _ =	vpop (xrf2);
	v24 =	vadd.f32 v24, v23  }
0x44a: {  	v27 =	vadd.f32 v14, v23;
	v26 =	vadd.f32 v4, v11;
	v28 =	vbroadcast v12, $0xF  }
0x44b: {  	v29 =	vbroadcast v7, $0xF;
	(xrf2) =	vadd.scan.msk.f32 $0xffff, v17;
	v17 =	vadd.f32 v8, v12;
	v24 =	vadd.f32 v24, v19  }
0x44c: {  	v31 =	vadd.f32 v19, v10;
	v23 =	vadd.f32 v23, v19;
	v30 =	vld [tilespmem:s28+$0xC0E0];
	v8, _, _ =	vpop (xrf2)  }
0x44d: {  	v27 =	vadd.f32 v27, v19;
	v24 =	vadd.f32 v24, v17;
	v32 =	vbroadcast v17, $0xF  }
0x44e: {  	v33 =	vadd.f32 v17, v6;
	(xrf2) =	vadd.scan.msk.f32 $0xffff, v25;
	v25 =	vadd.f32 v20, v18  }
0x44f: {  	v18 =	vadd.f32 v18, v17;
	v34 =	vld [tilespmem:s28+$0xC0F0];
	v35, _, _ =	vpop (xrf2);
	(v2sf) =	vpush v24, $0xF  }
0x450: {  	v19 =	vadd.f32 v19, v17;
	v24 =	vadd.f32 v25, v17;
	v25 =	vbroadcast v33, $0xF  }
0x451: {  	v23 =	vadd.f32 v23, v17;
	v18 =	vbroadcast v18, $0xF;
	(xrf2) =	vadd.scan.msk.f32 $0xffff, v30;
	v30 =	vadd.f32 v31, v17  }
0x452: {  	v36 =	vadd.f32 v12, v2;
	v17 =	vadd.f32 v27, v17;
	v31 =	vld [tilespmem:s28+$0xC180];
	v33, _, _ =	vpop (xrf2);
	v24 =	vbroadcast v24, $0xF  }
0x453: {  	v11 =	vadd.f32 v11, v12;
	v12 =	vadd.f32 v26, v12;
	v19 =	vbroadcast v19, $0xF  }
0x454: {  	v15 =	vadd.f32 v0, v15;
	v23 =	vbroadcast v23, $0xF;
	v26 =	vbroadcast v30, $0xF;
	(xrf2) =	vadd.scan.msk.f32 $0xffff, v34  }
0x455: {  	v9 =	vadd.f32 v25, v9;
	v17 =	vbroadcast v17, $0xF;
	v34 =	vbroadcast v36, $0xF;
	v27 =	vld [tilespmem:s28+$0xC190];
	v30, _, _ =	vpop (xrf2)  }
0x456: {  	v11 =	vbroadcast v11, $0xF;
	v12 =	vbroadcast v12, $0xF;
	v18 =	vadd.f32 v18, v20  }
0x457: {  	v15 =	vbroadcast v15, $0xF;
	v10 =	vadd.f32 v19, v10;
	v16 =	vadd.f32 v24, v16;
	(xrf2) =	vadd.scan.msk.f32 $0xffff, v31  }
0x458: {  	v14 =	vadd.f32 v23, v14;
	v13 =	vadd.f32 v26, v13;
	v19 =	vld [tilespmem:s28+$0xC1A0];
	v20, _, _ =	vpop (xrf2)  }
0x459: {  	v17 =	vadd.f32 v17, v22;
	v23 =	vadd.f32 v34, v3;
	v3 =	vmov v20  }
0x45a: {  	v11 =	vadd.f32 v11, v4;
	v12 =	vadd.f32 v12, v5;
	(xrf2) =	vadd.scan.msk.f32 $0xffff, v27  }
0x45b: {  	v15 =	vadd.f32 v15, v1;
	v1 =	vmov v33;
	v22 =	vadd.f32 v32, v6;
	v20 =	vld [tilespmem:s28+$0xC1B0];
	v4, _, _ =	vpop (xrf2)  }
0x45c: {  	v21 =	vadd.f32 v21, v0;
	v0 =	vmovc v35;
	v24 =	vadd.f32 v28, v2;
	v2 =	vmov v30  }
0x45d: {  	v25 =	vadd.f32 v29, v8;
	v6 =	vadd.f32 s9, v9;
	(xrf2) =	vadd.scan.msk.f32 $0xffff, v19  }
0x45e: {  	v18 =	vadd.f32 s9, v18;
	v16 =	vadd.f32 s9, v16;
	v9 =	vld [tilespmem:s28+$0xC1C0];
	v5, _, _ =	vpop (xrf2);
	s6 =	spop (v2sf)  }
0x45f: {  	v10 =	vadd.f32 s0, v10;
	v19 =	vadd.f32 s0, v13;
	[tilespmem:s25+$0xC190] =	vst v6;
	s9 =	sadd.f32 s6, s9  }
0x460: {  	v26 =	vadd.f32 s0, v17;
	(xrf2) =	vadd.scan.msk.f32 $0xffff, v20;
	[tilespmem:s25+$0xC1A0] =	vst v18;
	v20 =	vadd.f32 s0, v14  }
0x461: {  	v17 =	vadd.f32 s0, v11;
	v23 =	vadd.f32 s0, v23;
	v27 =	vld [tilespmem:s28+$0xC1D0];
	v6, _, _ =	vpop (xrf2);
	[tilespmem:s25+$0xC1B0] =	vst v16  }
.Ltmp7:
0x462: {  	v14 =	vadd.f32 s0, v22;
	v16 =	vadd.f32 s0, v12;
	[tilespmem:s25+$0xC1C0] =	vst v10;
	(pc) =	sbr.rel @p0 .LBB2_17-.Ltmp7, $4  }
0x463: {  	v13 =	vadd.f32 s0, v15;
	v12 =	vadd.f32 s0, v24;
	(xrf2) =	vadd.scan.msk.f32 $0xffff, v9;
	[tilespmem:s25+$0xC1D0] =	vst v19  }
0x464: {  	v15 =	vadd.f32 s0, v21;
	s0 =	smov.u32 s9;
	v10 =	vadd.f32 s9, v25;
	v18 =	vld [tilespmem:s28+$0xC1E0];
	v9, _, _ =	vpop (xrf2);
	[tilespmem:s25+$0xC1E0] =	vst v20  }
0x465: {  	v11 =	vadd.f32 s9, v7;
	[tilespmem:s25+$0xC1F0] =	vst v26  }
0x466: {  	s1 =	sadd.s32 $0x800, s1;
	(xrf2) =	vadd.scan.msk.f32 $0xffff, v27;
	[tilespmem:s25+$0xC0D0] =	vst v23  }
0x467: {  	v19 =	vld [tilespmem:s28+$0xC1F0];
	_ =	sdelay $0x3  }
0x468: {  	v7 =	vadd.f32 v8, v7;
	v61 =	vadd.f32 v1, v0;
	(xrf2) =	vadd.scan.msk.f32 $0xffff, v18  }
0x469: {  	v23 =	vadd.f32 v3, v2;
	v24 =	vadd.f32 v5, v4;
	(xrf2) =	vadd.scan.msk.f32 $0xffff, v19  }
0x46a: {  	v25 =	vadd.f32 v9, v6  }
0x46b: {  	v59, _, _ =	vpop (xrf2);
	v8 =	vadd.f32 v61, v7;
	v24 =	vadd.f32 v24, v23  }
0x46c: {  	v30 =	vadd.f32 v4, v23;
	v33 =	vadd.f32 v59, v25;
	v60, _, _ =	vpop (xrf2)  }
0x46d: {  	v45 =	vadd.f32 v0, v7;
	v26 =	vadd.f32 v60, v59  }
0x46e: {  	v24 =	vadd.f32 v24, v8;
	v38 =	vadd.f32 v8, v2  }
0x46f: {  	v23 =	vadd.f32 v23, v8;
	v42 =	vadd.f32 v30, v8  }
0x470: {  	v8 =	vbroadcast v8, $0xF;
	v20, _, _ =	vpop (xrf2);
	v26 =	vadd.f32 v26, v25;
	v62 =	vadd.f32 v24, v6  }
0x471: {  	v63 =	vadd.f32 v25, v24;
	v34 =	vadd.f32 v33, v24;
	v49 =	vbroadcast v38, $0xF;
	v21, _, _ =	vpop (xrf2)  }
0x472: {  	v50 =	vbroadcast v23, $0xF;
	v61 =	vadd.f32 v8, v2;
	v32 =	vadd.f32 v26, v20;
	v22, _, _ =	vpop (xrf2)  }
0x473: {  	v51 =	vbroadcast v42, $0xF;
	v35 =	vadd.f32 v26, v24;
	v52 =	vadd.f32 v49, v3;
	v27, _, _ =	vpop (xrf2)  }
0x474: {  	[tilespmem:s25+$0xC0E0] =	vst v17;
	v7 =	vbroadcast v7, $0xF;
	v28 =	vadd.f32 v21, v20;
	v29 =	vadd.f32 v27, v22  }
0x475: {  	[tilespmem:s25+$0xC0F0] =	vst v16;
	v37 =	vbroadcast v62, $0xF;
	v55 =	vadd.f32 v50, v4;
	v58 =	vadd.f32 v51, v5  }
0x476: {  	[tilespmem:s25+$0xC180] =	vst v14;
	v39 =	vbroadcast v63, $0xF;
	v63 =	vadd.f32 v7, v0;
	v29 =	vadd.f32 v29, v28  }
0x477: {  	[tilespmem:s25+$0xC0B0] =	vst v13;
	v41 =	vbroadcast v34, $0xF;
	v2 =	vadd.f32 s0, v61;
	v36 =	vadd.f32 v32, v24  }
0x478: {  	[tilespmem:s25+$0xC0C0] =	vst v12;
	v43 =	vadd.f32 v37, v9;
	v29 =	vadd.f32 v29, v26  }
0x479: {  	[tilespmem:s25+$0xC0A0] =	vst v15;
	v54 =	vbroadcast v24, $0xF;
	v13 =	vadd.f32 v39, v59;
	v12 =	vadd.f32 v41, v60  }
0x47a: {  	[tilespmem:s28+$0xC090] =	vst v10;
	v3 =	vadd.f32 s0, v52;
	v29 =	vadd.f32 v29, v24  }
0x47b: {  	[tilespmem:s28+$0xC080] =	vst v11;
	v57 =	vbroadcast v45, $0xF;
	v59 =	vadd.f32 v54, v6;
	v4 =	vadd.f32 s0, v55  }
0x47c: {  	[tilespmem:s28+$0xC0C0] =	vst v2;
	v31 =	vadd.f32 v22, v28;
	(v2sf) =	vpush v29, $0xF  }
0x47d: {  	v60 =	vadd.f32 v57, v1;
	v5 =	vadd.f32 s0, v58;
	[tilespmem:s28+$0xC0D0] =	vst v3  }
0x47e: {  	v0 =	vadd.f32 s0, v63;
	[tilespmem:s28+$0xC0E0] =	vst v4;
	v31 =	vadd.f32 v31, v26  }
0x47f: {  	v9 =	vadd.f32 s9, v43;
	[tilespmem:s28+$0xC0F0] =	vst v5;
	v28 =	vadd.f32 v28, v26  }
0x480: {  	v44 =	vbroadcast v35, $0xF;
	v13 =	vadd.f32 s9, v13;
	[tilespmem:s28+$0xC0A0] =	vst v0;
	v40 =	vadd.f32 v31, v24  }
0x481: {  	v46 =	vbroadcast v36, $0xF;
	v12 =	vadd.f32 s9, v12;
	[tilespmem:s28+$0xC190] =	vst v9;
	v28 =	vadd.f32 v28, v24  }
0x482: {  	v14 =	vadd.f32 v44, v20;
	v62 =	vadd.f32 s0, v59;
	[tilespmem:s28+$0xC1A0] =	vst v13;
	v48 =	vbroadcast v40, $0xF  }
0x483: {  	v1 =	vadd.f32 s0, v60;
	v10 =	vadd.f32 v46, v21;
	[tilespmem:s28+$0xC1B0] =	vst v12;
	v47 =	vbroadcast v28, $0xF  }
0x484: {  	v14 =	vadd.f32 s0, v14;
	[tilespmem:s28+$0xC180] =	vst v62;
	v16 =	vadd.f32 v48, v27  }
0x485: {  	s24 =	sadd.s32 $0x1, s24;
	[tilespmem:s28+$0xC0B0] =	vst v1;
	v10 =	vadd.f32 s0, v10;
	v11 =	vadd.f32 v47, v22  }
0x486: {  	p0 =	sne.s32 s24, $0x10;
	[tilespmem:s28+$0xC1C0] =	vst v14;
	v56 =	vadd.f32 s0, v16  }
.Ltmp8:
0x487: {  	[tilespmem:s28+$0xC1D0] =	vst v10;
	v53 =	vadd.f32 s0, v11;
	(pc) =	sbr.rel @p0 .LBB2_2-.Ltmp8, $4  }
0x488: {  	[tilespmem:s28+$0xC1F0] =	vst v56  }
0x489: {  	s30 =	sadd.s32 s3, s26;
	[tilespmem:s28+$0xC1E0] =	vst v53  }
0x48a: {  	[hbm4b:s30+s10] =	stream.strided.scatter [tilespmem:s16], [sflag:$0x8], $0x4000, s11, s10, $0x38;
	[tilespmem:$0x10000] =	vst v63  }
0x48b: {  	s31 =	spop (v2sf)  }
0x48c: {  	s0 =	simm.s32 $0x5  }
0x48d: {  	_ =	swait.ge [sflag:s0], $0x4000  }
0x48e: {  	[sflag:s0] =	ssyncset.done $0x0  }
0x48f: {  	s29 =	simm.s32 $0x6;
	[sflag:s0] =	ssyncadd.s32 $0xFFFFC000  }
0x490: {  	_ =	swait.ge [sflag:s29], $0x4000  }
0x491: {  	[sflag:s29] =	ssyncset.done $0x0  }
0x492: {  	s30 =	simm.s32 $0x7;
	[sflag:s29] =	ssyncadd.s32 $0xFFFFC000  }
0x493: {  	_ =	swait.ge [sflag:s30], $0x4000  }
0x494: {  	[sflag:s30] =	ssyncset.done $0x0  }
0x495: {  	[sflag:s30] =	ssyncadd.s32 $0xFFFFC000  }
0x496: {  	_ =	swait.ge [sflag:s22], $0x4000  }
0x497: {  	s23 =	sadd.s32 $0x1, s23;
	s31 =	rddreg [dreg:$0x4]  }
0x498: {  	p0 =	sne.s32 s23, s31  }
.Ltmp9:
0x499: {  	_ = 	snop;
	(pc) =	sbr.rel @p0 .LBB2_1-.Ltmp9, $3  }
0x49a: {  	_ =	sdelay $0x1  }
0x49b: {  	[sflag:s22] =	ssyncset.done $0x0  }
0x49c: {  	[sflag:s22] =	ssyncadd.s32 $0xFFFFC000  }
0x49d: {  	_ =	sfence.sel $0x180000  }
0x49e: {  	[bflag:$0x0] =	sbarrier.arrive $0xFFFF  }
0x49f: {  	_ =	strace $0x90000047  }
0x4a0: {  	s0 =	stileid.u32;
	[bflag:$0x2] =	sbarrier.arrive $0xFFFF  }
0x4a1: {  	p0 =	sne.s32 s0, $0x0;
	s0 =	rddreg [dreg:$0x2]  }
0x4a2: {  	s0 =	sadd.s32 @!p0 $0x100000, s0  }
0x4a3: {  	[sflag:s0] =	ssyncadd.tile.s32 @!p0 $0x1;
	_ =	shalt  }
.Lfunc_end2:
_tile_overlayer_lowered:
.L_overlay_start_2:
0x4a4: {  	(tag) =	ssettag $0x2  }
0x4a5: {  	s0 =	rddreg [dreg:$0x0];
	s2 =	stileid.u32  }
0x4a6: {  	s1 =	rddreg [dreg:$0x1];
	p0 =	sne.s32 s2, $0x0  }
0x4a7: {  	s3 =	rddreg [dreg:$0x2];
	[bflag:$0x3] =	sbarrier.arrive $0xFFFF;
	s2 =	simm.s32 @!p0 $0x1C09  }
0x4a8: {  	[timem:s3], [sflag:s2] =	dma.local @!p0 [hbm:s0], s1  }
0x4a9: {  	s0 =	simm.s32 @!p0 $0x9  }
0x4aa: {  	_ =	swait.ge @!p0 [sflag:s0], s1  }
0x4ab: {  	s1 =	ssub.s32 @!p0 $0x0, s1;
	[sflag:s0] =	ssyncset.done @!p0 $0x0  }
0x4ac: {  	[sflag:s0] =	ssyncadd.s32 @!p0 s1  }
0x4ad: {  	[bflag:$0x3] =	sbarrier.arrive $0xFFFF  }
0x4ae: {  	_ =	shalt  }

</sc_bundles>
